<compile_context>
chip_gen: v7x
topology: tpu7x:2x2x1
jax: 0.10.2.dev20260603
libtpu: 0.0.44.dev20260713+nightly
codegen_flags: <defaults>
</compile_context>

<pallas_src>
import functools

import jax
import jax.numpy as jnp
import numpy as np
from jax import lax
from jax.experimental import pallas as pl
from jax.experimental.pallas import tpu as pltpu
from jax.experimental.pallas import tpu_sc as plsc

KS = 3
PAD = 1
C = 96
NTAP = 9
H = 222
HW = H * H
HP = 226
NROWS = HP * HP
RPAD = 51200
NFLAT = 224 * 224

NW = 32
P_TILE = 1568
NPIX = NW * P_TILE
PB = 8
NB = P_TILE // PB
TAPS4 = 4 * NTAP
BLK = PB * TAPS4
GCH = 128
NG = (BLK + GCH - 1) // GCH
NPIX2 = NPIX + 4 * PB

_mesh = plsc.VectorSubcoreMesh(core_axis_name="c", subcore_axis_name="s")


@functools.partial(
    pl.kernel,
    mesh=_mesh,
    out_type=jax.ShapeDtypeStruct((NPIX, C), jnp.float32),
    scratch_types=[
        pltpu.VMEM((BLK,), jnp.int32),
        pltpu.VMEM((BLK,), jnp.int32),
        pltpu.VMEM((BLK + 16,), jnp.float32),
        pltpu.VMEM((BLK + 16,), jnp.float32),
        pltpu.VMEM((BLK, 128), jnp.float32),
        pltpu.VMEM((BLK, 128), jnp.float32),
        pltpu.VMEM((PB, C), jnp.float32),
        pltpu.SemaphoreType.DMA,
        pltpu.SemaphoreType.DMA,
        pltpu.SemaphoreType.DMA,
        pltpu.SemaphoreType.DMA,
    ],
)
def _sc_gather_combine(table_hbm, idx_hbm, w_hbm, out_hbm,
                       idx_v0, idx_v1, w_v0, w_v1, rows_v0, rows_v1, out_v,
                       sem_l0, sem_l1, sem_g0, sem_g1):
    wid = lax.axis_index("s") * 2 + lax.axis_index("c")
    base_pix = wid * P_TILE
    idx_v = (idx_v0, idx_v1)
    w_v = (w_v0, w_v1)
    rows_v = (rows_v0, rows_v1)
    sem_l = (sem_l0, sem_l1)
    sem_g = (sem_g0, sem_g1)

    def load_copies(b, buf):
        off = (base_pix + b * PB) * TAPS4
        return (pltpu.make_async_copy(idx_hbm.at[pl.ds(off, BLK)],
                                      idx_v[buf], sem_l[buf]),
                pltpu.make_async_copy(w_hbm.at[pl.ds(off, BLK)],
                                     w_v[buf].at[pl.ds(0, BLK)], sem_l[buf]))

    def gather_copies(buf):
        out = []
        for k in range(NG):
            cnt = min(GCH, BLK - k * GCH)
            out.append(pltpu.make_async_copy(
                table_hbm.at[idx_v[buf].at[pl.ds(k * GCH, cnt)]],
                rows_v[buf].at[pl.ds(k * GCH, cnt)], sem_g[buf]))
        return out

    for c0 in load_copies(0, 0):
        c0.start()
    for c0 in load_copies(1, 1):
        c0.start()
    for c0 in load_copies(0, 0):
        c0.wait()
    for c0 in gather_copies(0):
        c0.start()

    def combine(buf, b):
        def pix_body(i, c2):
            base = i * TAPS4
            wvecs = tuple(w_v[buf][pl.ds(base + 16 * g, 16)] for g in range(3))
            acc = [jnp.zeros((16,), jnp.float32) for _ in range(C // 16)]
            for t in range(TAPS4):
                wv = lax.broadcast_in_dim(wvecs[t // 16][t % 16], (16,), ())
                for c in range(C // 16):
                    acc[c] = acc[c] + wv * rows_v[buf][base + t,
                                                       pl.ds(c * 16, 16)]
            for c in range(C // 16):
                out_v[i, pl.ds(c * 16, 16)] = acc[c]
            return c2
        lax.fori_loop(0, PB, pix_body, 0)
        pltpu.sync_copy(out_v, out_hbm.at[pl.ds(base_pix + b * PB, PB)])

    def pair(i, carry):
        for phase in range(2):
            b = 2 * i + phase
            nbuf = 1 - phase
            for c0 in load_copies(b + 1, nbuf):
                c0.wait()
            for c0 in gather_copies(phase):
                c0.wait()
            for c0 in gather_copies(nbuf):
                c0.start()
            combine(phase, b)
            for c0 in load_copies(b + 2, phase):
                c0.start()
        return carry

    lax.fori_loop(0, NB // 2, pair, 0)

    for c0 in gather_copies(0):
        c0.wait()
    for c0 in load_copies(NB + 1, 1):
        c0.wait()


def _offset_conv_body(x9_ref, w_ref, b_ref, o_ref):
    o_ref[...] = jnp.dot(w_ref[...], x9_ref[...],
                         preferred_element_type=jnp.float32) + b_ref[...]


def _offset_conv(x9, W9, b9):
    return pl.pallas_call(
        _offset_conv_body,
        grid=(NFLAT // 512,),
        in_specs=[pl.BlockSpec((9 * C, 512), lambda j: (0, j)),
                  pl.BlockSpec((32, 9 * C), lambda j: (0, 0)),
                  pl.BlockSpec((32, 1), lambda j: (0, 0))],
        out_specs=pl.BlockSpec((32, 512), lambda j: (0, j)),
        out_shape=jax.ShapeDtypeStruct((32, NFLAT), jnp.float32),
    )(x9, W9, b9)


def _table_body(x_ref, w_ref, o_ref):
    o_ref[0] = jnp.dot(x_ref[...], w_ref[0],
                       preferred_element_type=jnp.float32)


def _table_matmul(x_padT, Wn):
    return pl.pallas_call(
        _table_body,
        grid=(RPAD // 512, NTAP),
        in_specs=[pl.BlockSpec((512, C), lambda r, n: (r, 0)),
                  pl.BlockSpec((1, C, 128), lambda r, n: (n, 0, 0))],
        out_specs=pl.BlockSpec((1, 512, 128), lambda r, n: (n, r, 0)),
        out_shape=jax.ShapeDtypeStruct((NTAP, RPAD, 128), jnp.float32),
    )(x_padT, Wn)


HWP = 49664


def _iw_body(ox_ref, oy_ref, dd_ref, hh_ref, ww_ref, idx_ref, wts_ref):
    dd = dd_ref[...]
    px = ox_ref[...] + dd[:, 0:1] + hh_ref[...]
    py = oy_ref[...] + dd[:, 1:2] + ww_ref[...]

    def axis_terms(p):
        f = jnp.floor(p)
        q0 = jnp.clip(f, 0.0, HP - 1.0)
        q1 = jnp.clip(f + 1.0, 0.0, HP - 1.0)
        masked = jnp.logical_or(p < float(PAD), p > HP - 1.0 - PAD)
        pu = jnp.clip(jnp.where(masked, f, p), 0.0, HP - 1.0)
        return q0, q1, 1.0 + q0 - pu, 1.0 - (q1 - pu)

    qx0, qx1, wx0, wx1 = axis_terms(px)
    qy0, qy1, wy0, wy1 = axis_terms(py)
    nbase = dd[:, 2:3]
    for t, (qx, qy, wx, wy) in enumerate(
            [(qx0, qy0, wx0, wy0), (qx1, qy1, wx1, wy1),
             (qx0, qy1, wx0, wy1), (qx1, qy0, wx1, wy0)]):
        idx_ref[t] = (nbase + qx * float(HP) + qy).astype(jnp.int32)
        wts_ref[t] = wx * wy


def _iw_kernel(ox, oy, dd, hh, ww):
    return pl.pallas_call(
        _iw_body,
        grid=(HWP // 512,),
        in_specs=[pl.BlockSpec((NTAP, 512), lambda j: (0, j)),
                  pl.BlockSpec((NTAP, 512), lambda j: (0, j)),
                  pl.BlockSpec((NTAP, 4), lambda j: (0, 0)),
                  pl.BlockSpec((1, 512), lambda j: (0, j)),
                  pl.BlockSpec((1, 512), lambda j: (0, j))],
        out_specs=[pl.BlockSpec((4, NTAP, 512), lambda j: (0, 0, j)),
                   pl.BlockSpec((4, NTAP, 512), lambda j: (0, 0, j))],
        out_shape=[jax.ShapeDtypeStruct((4, NTAP, HWP), jnp.int32),
                   jax.ShapeDtypeStruct((4, NTAP, HWP), jnp.float32)],
    )(ox, oy, dd, hh, ww)


def _indices_and_weights(offset):
    ox = jnp.pad(offset[0::2].reshape(NTAP, HW), ((0, 0), (0, HWP - HW)))
    oy = jnp.pad(offset[1::2].reshape(NTAP, HW), ((0, 0), (0, HWP - HW)))
    j = np.arange(HWP)
    hh = jnp.asarray((np.minimum(j // H, H - 1) + 1).reshape(1, -1),
                     jnp.float32)
    ww = jnp.asarray((j % H + 1).reshape(1, -1), jnp.float32)
    dd = np.zeros((NTAP, 4), np.float32)
    dd[:, 0] = np.repeat(np.arange(-1, 2), 3)
    dd[:, 1] = np.tile(np.arange(-1, 2), 3)
    dd[:, 2] = np.arange(NTAP) * float(RPAD)
    idx4, wts4 = _iw_kernel(ox, oy, jnp.asarray(dd), hh, ww)
    idx = jnp.transpose(idx4[:, :, :HW], (2, 1, 0)).reshape(HW, TAPS4)
    wts = jnp.transpose(wts4[:, :, :HW], (2, 1, 0)).reshape(HW, TAPS4)
    return idx, wts


def kernel(x, W_off, b_off, W_d, b_d):
    x_flat = x[0].reshape(C, NFLAT)
    x_flat_p = jnp.pad(x_flat, ((0, 0), (0, 512)))
    shifts = [i * 224 + j for i in range(3) for j in range(3)]
    x9 = jnp.concatenate([x_flat_p[:, s:s + NFLAT] for s in shifts], axis=0)
    W9 = jnp.pad(jnp.transpose(W_off, (0, 2, 3, 1)).reshape(18, 9 * C),
                 ((0, 14), (0, 0)))
    b9 = jnp.pad(b_off, (0, 14)).reshape(32, 1)
    off_flat = _offset_conv(x9, W9, b9)
    offset = off_flat[:18].reshape(18, 224, 224)[:, :222, :222]

    idx, wts = _indices_and_weights(offset)
    idx = jnp.pad(idx, ((0, NPIX2 - HW), (0, 0))).reshape(-1)
    wts = jnp.pad(wts, ((0, NPIX2 - HW), (0, 0))).reshape(-1)

    x_pad = jnp.pad(x[0], ((0, 0), (PAD, PAD), (PAD, PAD)))
    x_padT = jnp.pad(x_pad.reshape(C, NROWS).T, ((0, RPAD - NROWS), (0, 0)))
    Wn = jnp.transpose(W_d.reshape(C, C, NTAP), (2, 1, 0))
    Wn = jnp.pad(Wn, ((0, 0), (0, 0), (0, 128 - C)))
    table = _table_matmul(x_padT, Wn).reshape(NTAP * RPAD, 128)

    out_rows = _sc_gather_combine(table, idx, wts)

    out = out_rows[:HW].T + b_d[:, None]
    return out.reshape(1, C, H, H)

# --- scband reference (transcript-rebuilt; emitter-appended) ---
"""Pipeline reference for scband-deformable-conv2d-55697135895128 (READ-ONLY COPY).

The authoritative reference and input builder live on the scoring server;
editing this copy changes nothing except your own understanding.
"""

import jax, jax.numpy as jnp
import numpy as np

KS = 3
PAD = 1
INC = 96
OUTC = 96
N = KS * KS


def conv2d(x, W, b, stride):
    out = jax.lax.conv_general_dilated(
        x, W, window_strides=(stride, stride), padding='VALID',
        dimension_numbers=('NCHW', 'OIHW', 'NCHW'))
    return out + b.reshape(1, -1, 1, 1)


def setup_inputs(seed: int = 0):
    key = jax.random.key(seed)
    k1, k2, k3, k4, k5 = jax.random.split(key, 5)
    x = jax.random.normal(k1, (1, INC, 224, 224), dtype=jnp.float32)
    W_off = jax.random.normal(k2, (2 * N, INC, KS, KS), dtype=jnp.float32) * 0.01
    b_off = jax.random.normal(k3, (2 * N,), dtype=jnp.float32) * 0.01
    W_d = jax.random.normal(k4, (OUTC, INC, KS, KS), dtype=jnp.float32) * 0.05
    b_d = jax.random.normal(k5, (OUTC,), dtype=jnp.float32) * 0.05
    return {"x": x, "W_off": W_off, "b_off": b_off, "W_d": W_d, "b_d": b_d}


def _get_p(offset):
    b, twoN, h, w = offset.shape
    n = twoN // 2
    rng = np.arange(-(KS - 1) // 2, (KS - 1) // 2 + 1)
    p_n_x, p_n_y = np.meshgrid(rng, rng, indexing='ij')
    p_n = np.concatenate((p_n_x.flatten(), p_n_y.flatten())).reshape(1, 2 * n, 1, 1)
    p_0_x, p_0_y = np.meshgrid(np.arange(1, h + 1), np.arange(1, w + 1), indexing='ij')
    p_0_x = np.tile(p_0_x.reshape(1, 1, h, w), (1, n, 1, 1))
    p_0_y = np.tile(p_0_y.reshape(1, 1, h, w), (1, n, 1, 1))
    p_0 = np.concatenate((p_0_x, p_0_y), axis=1)
    base = jnp.asarray(p_0 + p_n, dtype=offset.dtype)
    return base + offset


def _get_x_q(x_pad, q, n):
    b, c, hp, wp = x_pad.shape
    _, h, w, _ = q.shape
    x_flat = x_pad.reshape(b, c, -1)
    index = q[..., :n] * wp + q[..., n:]
    index = index.reshape(b, 1, h * w * n)
    index = jnp.broadcast_to(index, (b, c, h * w * n))
    return jnp.take_along_axis(x_flat, index, axis=-1).reshape(b, c, h, w, n)


def _reshape_x_offset(x_offset, ks):
    b, c, h, w, n = x_offset.shape
    parts = [x_offset[..., s:s + ks].reshape(b, c, h, w * ks) for s in range(0, n, ks)]
    out = jnp.concatenate(parts, axis=-1)
    return out.reshape(b, c, h * ks, w * ks)


def reference(x, W_off, b_off, W_d, b_d):
    n = N
    offset = conv2d(x, W_off, b_off, 1)
    idx = jnp.concatenate([jnp.arange(0, 2 * n, 2), jnp.arange(1, 2 * n + 1, 2)])
    offset = offset[:, idx]
    x_pad = jnp.pad(x, ((0, 0), (0, 0), (PAD, PAD), (PAD, PAD)))
    Hp, Wp = x_pad.shape[2], x_pad.shape[3]
    p = _get_p(offset)
    p = jnp.transpose(p, (0, 2, 3, 1))
    q_lt = jnp.floor(jax.lax.stop_gradient(p))
    q_rb = q_lt + 1
    q_lt = jnp.concatenate([jnp.clip(q_lt[..., :n], 0, Hp - 1), jnp.clip(q_lt[..., n:], 0, Wp - 1)], axis=-1).astype(jnp.int32)
    q_rb = jnp.concatenate([jnp.clip(q_rb[..., :n], 0, Hp - 1), jnp.clip(q_rb[..., n:], 0, Wp - 1)], axis=-1).astype(jnp.int32)
    q_lb = jnp.concatenate([q_lt[..., :n], q_rb[..., n:]], axis=-1)
    q_rt = jnp.concatenate([q_rb[..., :n], q_lt[..., n:]], axis=-1)
    mask = jnp.concatenate([
        jnp.logical_or(p[..., :n] < PAD, p[..., :n] > Hp - 1 - PAD),
        jnp.logical_or(p[..., n:] < PAD, p[..., n:] > Wp - 1 - PAD)], axis=-1)
    mask = jax.lax.stop_gradient(mask).astype(p.dtype)
    floor_p = p - (p - jnp.floor(p))
    p = p * (1 - mask) + floor_p * mask
    p = jnp.concatenate([jnp.clip(p[..., :n], 0, Hp - 1), jnp.clip(p[..., n:], 0, Wp - 1)], axis=-1)
    qf = lambda q: q.astype(p.dtype)
    g_lt = (1 + (qf(q_lt)[..., :n] - p[..., :n])) * (1 + (qf(q_lt)[..., n:] - p[..., n:]))
    g_rb = (1 - (qf(q_rb)[..., :n] - p[..., :n])) * (1 - (qf(q_rb)[..., n:] - p[..., n:]))
    g_lb = (1 + (qf(q_lb)[..., :n] - p[..., :n])) * (1 - (qf(q_lb)[..., n:] - p[..., n:]))
    g_rt = (1 - (qf(q_rt)[..., :n] - p[..., :n])) * (1 + (qf(q_rt)[..., n:] - p[..., n:]))
    x_q_lt = _get_x_q(x_pad, q_lt, n)
    x_q_rb = _get_x_q(x_pad, q_rb, n)
    x_q_lb = _get_x_q(x_pad, q_lb, n)
    x_q_rt = _get_x_q(x_pad, q_rt, n)
    x_offset = (g_lt[:, None] * x_q_lt + g_rb[:, None] * x_q_rb +
                g_lb[:, None] * x_q_lb + g_rt[:, None] * x_q_rt)
    x_offset = _reshape_x_offset(x_offset, KS)
    return conv2d(x_offset, W_d, b_d, KS)

if __name__ == "__main__":
    import jax
    _d = setup_inputs()
    print(jax.jit(kernel)(*tuple(_d.values())))

</pallas_src>

<mosaic_0001>
#map = affine_map<(d0, d1) -> (0, 0)>
#map1 = affine_map<(d0, d1) -> (0)>
module attributes {stable_mosaic.version = 14 : i64} {
  func.func @_sc_gather_combine(%arg0: i32, %arg1: i32, %arg2: memref<460800x128xf32, #tpu.memory_space<hbm>>, %arg3: memref<1807488xi32, #tpu.memory_space<hbm>>, %arg4: memref<1807488xf32, #tpu.memory_space<hbm>>, %arg5: memref<50176x96xf32, #tpu.memory_space<hbm>>, %arg6: memref<288xi32, #tpu.memory_space<vmem>>, %arg7: memref<288xi32, #tpu.memory_space<vmem>>, %arg8: memref<304xf32, #tpu.memory_space<vmem>>, %arg9: memref<304xf32, #tpu.memory_space<vmem>>, %arg10: memref<288x128xf32, #tpu.memory_space<vmem>>, %arg11: memref<288x128xf32, #tpu.memory_space<vmem>>, %arg12: memref<8x96xf32, #tpu.memory_space<vmem>>, %arg13: memref<!tpu.dma_semaphore, #tpu.memory_space<semaphore_mem>>, %arg14: memref<!tpu.dma_semaphore, #tpu.memory_space<semaphore_mem>>, %arg15: memref<!tpu.dma_semaphore, #tpu.memory_space<semaphore_mem>>, %arg16: memref<!tpu.dma_semaphore, #tpu.memory_space<semaphore_mem>>) attributes {dimension_semantics = [#tpu.dimension_semantics<core_parallel>, #tpu.dimension_semantics<subcore_parallel>], iteration_bounds = array<i64: 2, 16>, scalar_prefetch = 0 : i64, scratch_operands = 11 : i64, tpu.core_type = #tpu.core_type<sc_vector_subcore>, window_params = [{transform_indices = #map}, {transform_indices = #map1}, {transform_indices = #map1}, {transform_indices = #map}]} {
    %mul3A = arith.constant 2 : i32
    %mul3A_0 = arith.muli %arg1, %mul3A : i32
    %add3A = arith.addi %mul3A_0, %arg0 : i32
    %mul3A_1 = arith.constant 1568 : i32
    %mul3A_2 = arith.muli %add3A, %mul3A_1 : i32
    %add3A_3 = arith.constant 0 : i32
    %add3A_4 = arith.addi %mul3A_2, %add3A_3 : i32
    %mul3A_5 = arith.constant 36 : i32
    %mul3A_6 = arith.muli %add3A_4, %mul3A_5 : i32
    %dma_start3A = tpu.memref_slice %arg3[%mul3A_6] : memref<1807488xi32, #tpu.memory_space<hbm>> -> memref<288xi32, #tpu.memory_space<hbm>>
    %dma_start3A_7 = tpu.memref_slice %arg3[%mul3A_6] : memref<1807488xi32, #tpu.memory_space<hbm>> -> memref<288xi32, #tpu.memory_space<hbm>>
    tpu.enqueue_dma source(%dma_start3A_7 : memref<288xi32, #tpu.memory_space<hbm>>) target(%arg6 : memref<288xi32, #tpu.memory_space<vmem>>) target_semaphore(%arg13 : memref<!tpu.dma_semaphore, #tpu.memory_space<semaphore_mem>>)
    %dma_start3A_8 = arith.constant 0 : i32
    %dma_start3A_9 = tpu.memref_slice %arg8[%dma_start3A_8] : memref<304xf32, #tpu.memory_space<vmem>> -> memref<288xf32, #tpu.memory_space<vmem>>
    %dma_start3A_10 = tpu.memref_slice %arg4[%mul3A_6] : memref<1807488xf32, #tpu.memory_space<hbm>> -> memref<288xf32, #tpu.memory_space<hbm>>
    %dma_start3A_11 = arith.constant 0 : i32
    %dma_start3A_12 = tpu.memref_slice %arg8[%dma_start3A_11] : memref<304xf32, #tpu.memory_space<vmem>> -> memref<288xf32, #tpu.memory_space<vmem>>
    %dma_start3A_13 = tpu.memref_slice %arg4[%mul3A_6] : memref<1807488xf32, #tpu.memory_space<hbm>> -> memref<288xf32, #tpu.memory_space<hbm>>
    tpu.enqueue_dma source(%dma_start3A_13 : memref<288xf32, #tpu.memory_space<hbm>>) target(%dma_start3A_12 : memref<288xf32, #tpu.memory_space<vmem>>) target_semaphore(%arg13 : memref<!tpu.dma_semaphore, #tpu.memory_space<semaphore_mem>>)
    %add3A_14 = arith.constant 8 : i32
    %add3A_15 = arith.addi %mul3A_2, %add3A_14 : i32
    %mul3A_16 = arith.constant 36 : i32
    %mul3A_17 = arith.muli %add3A_15, %mul3A_16 : i32
    %dma_start3A_18 = tpu.memref_slice %arg3[%mul3A_17] : memref<1807488xi32, #tpu.memory_space<hbm>> -> memref<288xi32, #tpu.memory_space<hbm>>
    %dma_start3A_19 = tpu.memref_slice %arg3[%mul3A_17] : memref<1807488xi32, #tpu.memory_space<hbm>> -> memref<288xi32, #tpu.memory_space<hbm>>
    tpu.enqueue_dma source(%dma_start3A_19 : memref<288xi32, #tpu.memory_space<hbm>>) target(%arg7 : memref<288xi32, #tpu.memory_space<vmem>>) target_semaphore(%arg14 : memref<!tpu.dma_semaphore, #tpu.memory_space<semaphore_mem>>)
    %dma_start3A_20 = arith.constant 0 : i32
    %dma_start3A_21 = tpu.memref_slice %arg9[%dma_start3A_20] : memref<304xf32, #tpu.memory_space<vmem>> -> memref<288xf32, #tpu.memory_space<vmem>>
    %dma_start3A_22 = tpu.memref_slice %arg4[%mul3A_17] : memref<1807488xf32, #tpu.memory_space<hbm>> -> memref<288xf32, #tpu.memory_space<hbm>>
    %dma_start3A_23 = arith.constant 0 : i32
    %dma_start3A_24 = tpu.memref_slice %arg9[%dma_start3A_23] : memref<304xf32, #tpu.memory_space<vmem>> -> memref<288xf32, #tpu.memory_space<vmem>>
    %dma_start3A_25 = tpu.memref_slice %arg4[%mul3A_17] : memref<1807488xf32, #tpu.memory_space<hbm>> -> memref<288xf32, #tpu.memory_space<hbm>>
    tpu.enqueue_dma source(%dma_start3A_25 : memref<288xf32, #tpu.memory_space<hbm>>) target(%dma_start3A_24 : memref<288xf32, #tpu.memory_space<vmem>>) target_semaphore(%arg14 : memref<!tpu.dma_semaphore, #tpu.memory_space<semaphore_mem>>)
    %add3A_26 = arith.constant 0 : i32
    %add3A_27 = arith.addi %mul3A_2, %add3A_26 : i32
    %mul3A_28 = arith.constant 36 : i32
    %mul3A_29 = arith.muli %add3A_27, %mul3A_28 : i32
    %dma_wait3A = tpu.memref_slice %arg3[%mul3A_29] : memref<1807488xi32, #tpu.memory_space<hbm>> -> memref<288xi32, #tpu.memory_space<hbm>>
    %dma_wait3A_30 = tpu.memref_slice %arg3[%mul3A_29] : memref<1807488xi32, #tpu.memory_space<hbm>> -> memref<288xi32, #tpu.memory_space<hbm>>
    tpu.wait_dma2 semaphore(%arg13 : memref<!tpu.dma_semaphore, #tpu.memory_space<semaphore_mem>>) src(%dma_wait3A_30 : memref<288xi32, #tpu.memory_space<hbm>>) dst(%arg6 : memref<288xi32, #tpu.memory_space<vmem>>)
    %dma_wait3A_31 = arith.constant 0 : i32
    %dma_wait3A_32 = tpu.memref_slice %arg8[%dma_wait3A_31] : memref<304xf32, #tpu.memory_space<vmem>> -> memref<288xf32, #tpu.memory_space<vmem>>
    %dma_wait3A_33 = tpu.memref_slice %arg4[%mul3A_29] : memref<1807488xf32, #tpu.memory_space<hbm>> -> memref<288xf32, #tpu.memory_space<hbm>>
    %dma_wait3A_34 = arith.constant 0 : i32
    %dma_wait3A_35 = tpu.memref_slice %arg8[%dma_wait3A_34] : memref<304xf32, #tpu.memory_space<vmem>> -> memref<288xf32, #tpu.memory_space<vmem>>
    %dma_wait3A_36 = tpu.memref_slice %arg4[%mul3A_29] : memref<1807488xf32, #tpu.memory_space<hbm>> -> memref<288xf32, #tpu.memory_space<hbm>>
    tpu.wait_dma2 semaphore(%arg13 : memref<!tpu.dma_semaphore, #tpu.memory_space<semaphore_mem>>) src(%dma_wait3A_36 : memref<288xf32, #tpu.memory_space<hbm>>) dst(%dma_wait3A_35 : memref<288xf32, #tpu.memory_space<vmem>>)
    %dma_start3A_37 = arith.constant 0 : i32
    %dma_start3A_38 = arith.constant 0 : i32
    %dma_start3A_39 = tpu.memref_slice %arg10[%dma_start3A_37, %dma_start3A_38] : memref<288x128xf32, #tpu.memory_space<vmem>> -> memref<128x128xf32, #tpu.memory_space<vmem>>
    %dma_start3A_40 = arith.constant 0 : i32
    %dma_start3A_41 = tpu.memref_slice %arg6[%dma_start3A_40] : memref<288xi32, #tpu.memory_space<vmem>> -> memref<128xi32, #tpu.memory_space<vmem>>
    %dma_start3A_42 = arith.constant 0 : i32
    %dma_start3A_43 = arith.constant 0 : i32
    %dma_start3A_44 = tpu.memref_slice %arg2[%dma_start3A_42, %dma_start3A_43] : memref<460800x128xf32, #tpu.memory_space<hbm>> -> memref<460800x128xf32, #tpu.memory_space<hbm>>
    tpu.enqueue_indirect_dma source(%dma_start3A_44 : memref<460800x128xf32, #tpu.memory_space<hbm>>) target(%dma_start3A_39 : memref<128x128xf32, #tpu.memory_space<vmem>>) offsets(%dma_start3A_41 : memref<128xi32, #tpu.memory_space<vmem>>) semaphore(%arg15 : memref<!tpu.dma_semaphore, #tpu.memory_space<semaphore_mem>>)
    %dma_start3A_45 = arith.constant 128 : i32
    %dma_start3A_46 = arith.constant 0 : i32
    %dma_start3A_47 = tpu.memref_slice %arg10[%dma_start3A_45, %dma_start3A_46] : memref<288x128xf32, #tpu.memory_space<vmem>> -> memref<128x128xf32, #tpu.memory_space<vmem>>
    %dma_start3A_48 = arith.constant 128 : i32
    %dma_start3A_49 = tpu.memref_slice %arg6[%dma_start3A_48] : memref<288xi32, #tpu.memory_space<vmem>> -> memref<128xi32, #tpu.memory_space<vmem>>
    %dma_start3A_50 = arith.constant 0 : i32
    %dma_start3A_51 = arith.constant 0 : i32
    %dma_start3A_52 = tpu.memref_slice %arg2[%dma_start3A_50, %dma_start3A_51] : memref<460800x128xf32, #tpu.memory_space<hbm>> -> memref<460800x128xf32, #tpu.memory_space<hbm>>
    tpu.enqueue_indirect_dma source(%dma_start3A_52 : memref<460800x128xf32, #tpu.memory_space<hbm>>) target(%dma_start3A_47 : memref<128x128xf32, #tpu.memory_space<vmem>>) offsets(%dma_start3A_49 : memref<128xi32, #tpu.memory_space<vmem>>) semaphore(%arg15 : memref<!tpu.dma_semaphore, #tpu.memory_space<semaphore_mem>>)
    %dma_start3A_53 = arith.constant 256 : i32
    %dma_start3A_54 = arith.constant 0 : i32
    %dma_start3A_55 = tpu.memref_slice %arg10[%dma_start3A_53, %dma_start3A_54] : memref<288x128xf32, #tpu.memory_space<vmem>> -> memref<32x128xf32, #tpu.memory_space<vmem>>
    %dma_start3A_56 = arith.constant 256 : i32
    %dma_start3A_57 = tpu.memref_slice %arg6[%dma_start3A_56] : memref<288xi32, #tpu.memory_space<vmem>> -> memref<32xi32, #tpu.memory_space<vmem>>
    %dma_start3A_58 = arith.constant 0 : i32
    %dma_start3A_59 = arith.constant 0 : i32
    %dma_start3A_60 = tpu.memref_slice %arg2[%dma_start3A_58, %dma_start3A_59] : memref<460800x128xf32, #tpu.memory_space<hbm>> -> memref<460800x128xf32, #tpu.memory_space<hbm>>
    tpu.enqueue_indirect_dma source(%dma_start3A_60 : memref<460800x128xf32, #tpu.memory_space<hbm>>) target(%dma_start3A_55 : memref<32x128xf32, #tpu.memory_space<vmem>>) offsets(%dma_start3A_57 : memref<32xi32, #tpu.memory_space<vmem>>) semaphore(%arg15 : memref<!tpu.dma_semaphore, #tpu.memory_space<semaphore_mem>>)
    %scan3A = arith.constant 0 : i32
    %scan3A_61 = arith.constant 0 : i32
    %scan3A_62 = arith.constant 98 : i32
    %scan3A_63 = arith.addi %scan3A_61, %scan3A_62 : i32
    %scan3A_64 = arith.constant 1 : i32
    scf.for %scan3A_102 = %scan3A_61 to %scan3A_63 step %scan3A_64  : i32 {
      %mul3A_103 = arith.constant 2 : i32
      %mul3A_104 = arith.muli %mul3A_103, %scan3A_102 : i32
      %add3A_105 = arith.constant 0 : i32
      %add3A_106 = arith.addi %mul3A_104, %add3A_105 : i32
      %add3A_107 = arith.constant 1 : i32
      %add3A_108 = arith.addi %add3A_106, %add3A_107 : i32
      %mul3A_109 = arith.constant 8 : i32
      %mul3A_110 = arith.muli %add3A_108, %mul3A_109 : i32
      %add3A_111 = arith.addi %mul3A_2, %mul3A_110 : i32
      %mul3A_112 = arith.constant 36 : i32
      %mul3A_113 = arith.muli %add3A_111, %mul3A_112 : i32
      %dma_wait3A_114 = tpu.memref_slice %arg3[%mul3A_113] : memref<1807488xi32, #tpu.memory_space<hbm>> -> memref<288xi32, #tpu.memory_space<hbm>>
      %dma_wait3A_115 = tpu.memref_slice %arg3[%mul3A_113] : memref<1807488xi32, #tpu.memory_space<hbm>> -> memref<288xi32, #tpu.memory_space<hbm>>
      tpu.wait_dma2 semaphore(%arg14 : memref<!tpu.dma_semaphore, #tpu.memory_space<semaphore_mem>>) src(%dma_wait3A_115 : memref<288xi32, #tpu.memory_space<hbm>>) dst(%arg7 : memref<288xi32, #tpu.memory_space<vmem>>)
      %dma_wait3A_116 = arith.constant 0 : i32
      %dma_wait3A_117 = tpu.memref_slice %arg9[%dma_wait3A_116] : memref<304xf32, #tpu.memory_space<vmem>> -> memref<288xf32, #tpu.memory_space<vmem>>
      %dma_wait3A_118 = tpu.memref_slice %arg4[%mul3A_113] : memref<1807488xf32, #tpu.memory_space<hbm>> -> memref<288xf32, #tpu.memory_space<hbm>>
      %dma_wait3A_119 = arith.constant 0 : i32
      %dma_wait3A_120 = tpu.memref_slice %arg9[%dma_wait3A_119] : memref<304xf32, #tpu.memory_space<vmem>> -> memref<288xf32, #tpu.memory_space<vmem>>
      %dma_wait3A_121 = tpu.memref_slice %arg4[%mul3A_113] : memref<1807488xf32, #tpu.memory_space<hbm>> -> memref<288xf32, #tpu.memory_space<hbm>>
      tpu.wait_dma2 semaphore(%arg14 : memref<!tpu.dma_semaphore, #tpu.memory_space<semaphore_mem>>) src(%dma_wait3A_121 : memref<288xf32, #tpu.memory_space<hbm>>) dst(%dma_wait3A_120 : memref<288xf32, #tpu.memory_space<vmem>>)
      %dma_wait3A_122 = arith.constant 0 : i32
      %dma_wait3A_123 = arith.constant 0 : i32
      %dma_wait3A_124 = tpu.memref_slice %arg10[%dma_wait3A_122, %dma_wait3A_123] : memref<288x128xf32, #tpu.memory_space<vmem>> -> memref<128x128xf32, #tpu.memory_space<vmem>>
      %dma_wait3A_125 = arith.constant 0 : i32
      %dma_wait3A_126 = tpu.memref_slice %arg6[%dma_wait3A_125] : memref<288xi32, #tpu.memory_space<vmem>> -> memref<128xi32, #tpu.memory_space<vmem>>
      %dma_wait3A_127 = arith.constant 0 : i32
      %dma_wait3A_128 = arith.constant 0 : i32
      %dma_wait3A_129 = tpu.memref_slice %arg2[%dma_wait3A_127, %dma_wait3A_128] : memref<460800x128xf32, #tpu.memory_space<hbm>> -> memref<460800x128xf32, #tpu.memory_space<hbm>>
      tpu.wait_indirect_dma semaphore(%arg15 : memref<!tpu.dma_semaphore, #tpu.memory_space<semaphore_mem>>) src(%dma_wait3A_129 : memref<460800x128xf32, #tpu.memory_space<hbm>>) dst(%dma_wait3A_124 : memref<128x128xf32, #tpu.memory_space<vmem>>)
      %dma_wait3A_130 = arith.constant 128 : i32
      %dma_wait3A_131 = arith.constant 0 : i32
      %dma_wait3A_132 = tpu.memref_slice %arg10[%dma_wait3A_130, %dma_wait3A_131] : memref<288x128xf32, #tpu.memory_space<vmem>> -> memref<128x128xf32, #tpu.memory_space<vmem>>
      %dma_wait3A_133 = arith.constant 128 : i32
      %dma_wait3A_134 = tpu.memref_slice %arg6[%dma_wait3A_133] : memref<288xi32, #tpu.memory_space<vmem>> -> memref<128xi32, #tpu.memory_space<vmem>>
      %dma_wait3A_135 = arith.constant 0 : i32
      %dma_wait3A_136 = arith.constant 0 : i32
      %dma_wait3A_137 = tpu.memref_slice %arg2[%dma_wait3A_135, %dma_wait3A_136] : memref<460800x128xf32, #tpu.memory_space<hbm>> -> memref<460800x128xf32, #tpu.memory_space<hbm>>
      tpu.wait_indirect_dma semaphore(%arg15 : memref<!tpu.dma_semaphore, #tpu.memory_space<semaphore_mem>>) src(%dma_wait3A_137 : memref<460800x128xf32, #tpu.memory_space<hbm>>) dst(%dma_wait3A_132 : memref<128x128xf32, #tpu.memory_space<vmem>>)
      %dma_wait3A_138 = arith.constant 256 : i32
      %dma_wait3A_139 = arith.constant 0 : i32
      %dma_wait3A_140 = tpu.memref_slice %arg10[%dma_wait3A_138, %dma_wait3A_139] : memref<288x128xf32, #tpu.memory_space<vmem>> -> memref<32x128xf32, #tpu.memory_space<vmem>>
      %dma_wait3A_141 = arith.constant 256 : i32
      %dma_wait3A_142 = tpu.memref_slice %arg6[%dma_wait3A_141] : memref<288xi32, #tpu.memory_space<vmem>> -> memref<32xi32, #tpu.memory_space<vmem>>
      %dma_wait3A_143 = arith.constant 0 : i32
      %dma_wait3A_144 = arith.constant 0 : i32
      %dma_wait3A_145 = tpu.memref_slice %arg2[%dma_wait3A_143, %dma_wait3A_144] : memref<460800x128xf32, #tpu.memory_space<hbm>> -> memref<460800x128xf32, #tpu.memory_space<hbm>>
      tpu.wait_indirect_dma semaphore(%arg15 : memref<!tpu.dma_semaphore, #tpu.memory_space<semaphore_mem>>) src(%dma_wait3A_145 : memref<460800x128xf32, #tpu.memory_space<hbm>>) dst(%dma_wait3A_140 : memref<32x128xf32, #tpu.memory_space<vmem>>)
      %dma_start3A_146 = arith.constant 0 : i32
      %dma_start3A_147 = arith.constant 0 : i32
      %dma_start3A_148 = tpu.memref_slice %arg11[%dma_start3A_146, %dma_start3A_147] : memref<288x128xf32, #tpu.memory_space<vmem>> -> memref<128x128xf32, #tpu.memory_space<vmem>>
      %dma_start3A_149 = arith.constant 0 : i32
      %dma_start3A_150 = tpu.memref_slice %arg7[%dma_start3A_149] : memref<288xi32, #tpu.memory_space<vmem>> -> memref<128xi32, #tpu.memory_space<vmem>>
      %dma_start3A_151 = arith.constant 0 : i32
      %dma_start3A_152 = arith.constant 0 : i32
      %dma_start3A_153 = tpu.memref_slice %arg2[%dma_start3A_151, %dma_start3A_152] : memref<460800x128xf32, #tpu.memory_space<hbm>> -> memref<460800x128xf32, #tpu.memory_space<hbm>>
      tpu.enqueue_indirect_dma source(%dma_start3A_153 : memref<460800x128xf32, #tpu.memory_space<hbm>>) target(%dma_start3A_148 : memref<128x128xf32, #tpu.memory_space<vmem>>) offsets(%dma_start3A_150 : memref<128xi32, #tpu.memory_space<vmem>>) semaphore(%arg16 : memref<!tpu.dma_semaphore, #tpu.memory_space<semaphore_mem>>)
      %dma_start3A_154 = arith.constant 128 : i32
      %dma_start3A_155 = arith.constant 0 : i32
      %dma_start3A_156 = tpu.memref_slice %arg11[%dma_start3A_154, %dma_start3A_155] : memref<288x128xf32, #tpu.memory_space<vmem>> -> memref<128x128xf32, #tpu.memory_space<vmem>>
      %dma_start3A_157 = arith.constant 128 : i32
      %dma_start3A_158 = tpu.memref_slice %arg7[%dma_start3A_157] : memref<288xi32, #tpu.memory_space<vmem>> -> memref<128xi32, #tpu.memory_space<vmem>>
      %dma_start3A_159 = arith.constant 0 : i32
      %dma_start3A_160 = arith.constant 0 : i32
      %dma_start3A_161 = tpu.memref_slice %arg2[%dma_start3A_159, %dma_start3A_160] : memref<460800x128xf32, #tpu.memory_space<hbm>> -> memref<460800x128xf32, #tpu.memory_space<hbm>>
      tpu.enqueue_indirect_dma source(%dma_start3A_161 : memref<460800x128xf32, #tpu.memory_space<hbm>>) target(%dma_start3A_156 : memref<128x128xf32, #tpu.memory_space<vmem>>) offsets(%dma_start3A_158 : memref<128xi32, #tpu.memory_space<vmem>>) semaphore(%arg16 : memref<!tpu.dma_semaphore, #tpu.memory_space<semaphore_mem>>)
      %dma_start3A_162 = arith.constant 256 : i32
      %dma_start3A_163 = arith.constant 0 : i32
      %dma_start3A_164 = tpu.memref_slice %arg11[%dma_start3A_162, %dma_start3A_163] : memref<288x128xf32, #tpu.memory_space<vmem>> -> memref<32x128xf32, #tpu.memory_space<vmem>>
      %dma_start3A_165 = arith.constant 256 : i32
      %dma_start3A_166 = tpu.memref_slice %arg7[%dma_start3A_165] : memref<288xi32, #tpu.memory_space<vmem>> -> memref<32xi32, #tpu.memory_space<vmem>>
      %dma_start3A_167 = arith.constant 0 : i32
      %dma_start3A_168 = arith.constant 0 : i32
      %dma_start3A_169 = tpu.memref_slice %arg2[%dma_start3A_167, %dma_start3A_168] : memref<460800x128xf32, #tpu.memory_space<hbm>> -> memref<460800x128xf32, #tpu.memory_space<hbm>>
      tpu.enqueue_indirect_dma source(%dma_start3A_169 : memref<460800x128xf32, #tpu.memory_space<hbm>>) target(%dma_start3A_164 : memref<32x128xf32, #tpu.memory_space<vmem>>) offsets(%dma_start3A_166 : memref<32xi32, #tpu.memory_space<vmem>>) semaphore(%arg16 : memref<!tpu.dma_semaphore, #tpu.memory_space<semaphore_mem>>)
      %scan3A_170 = arith.constant 0 : i32
      %scan3A_171 = arith.constant 0 : i32
      %scan3A_172 = arith.constant 8 : i32
      %scan3A_173 = arith.addi %scan3A_171, %scan3A_172 : i32
      %scan3A_174 = arith.constant 1 : i32
      scf.for %scan3A_285 = %scan3A_171 to %scan3A_173 step %scan3A_174  : i32 {
        %mul3A_286 = arith.constant 36 : i32
        %mul3A_287 = arith.muli %scan3A_285, %mul3A_286 : i32
        %add3A_288 = arith.constant 0 : i32
        %add3A_289 = arith.addi %mul3A_287, %add3A_288 : i32
        %get3A = arith.index_cast %add3A_289 : i32 to index
        %get3A_290 = tpu.vector_load %arg8[%get3A] {strides = array<i32>} : memref<304xf32, #tpu.memory_space<vmem>>, vector<16xf32>,
        %get3A_291 = vector.shape_cast %get3A_290 : vector<16xf32> to vector<16xf32>
        %add3A_292 = arith.constant 16 : i32
        %add3A_293 = arith.addi %mul3A_287, %add3A_292 : i32
        %get3A_294 = arith.index_cast %add3A_293 : i32 to index
        %get3A_295 = tpu.vector_load %arg8[%get3A_294] {strides = array<i32>} : memref<304xf32, #tpu.memory_space<vmem>>, vector<16xf32>,
        %get3A_296 = vector.shape_cast %get3A_295 : vector<16xf32> to vector<16xf32>
        %add3A_297 = arith.constant 32 : i32
        %add3A_298 = arith.addi %mul3A_287, %add3A_297 : i32
        %get3A_299 = arith.index_cast %add3A_298 : i32 to index
        %get3A_300 = tpu.vector_load %arg8[%get3A_299] {strides = array<i32>} : memref<304xf32, #tpu.memory_space<vmem>>, vector<16xf32>,
        %get3A_301 = vector.shape_cast %get3A_300 : vector<16xf32> to vector<16xf32>
        %broadcast_in_dim3A = arith.constant 0.000000e+00 : f32
        %broadcast_in_dim3A_302 = vector.broadcast %broadcast_in_dim3A : f32 to vector<16xf32>
        %broadcast_in_dim3A_303 = arith.constant 0.000000e+00 : f32
        %broadcast_in_dim3A_304 = vector.broadcast %broadcast_in_dim3A_303 : f32 to vector<16xf32>
        %broadcast_in_dim3A_305 = arith.constant 0.000000e+00 : f32
        %broadcast_in_dim3A_306 = vector.broadcast %broadcast_in_dim3A_305 : f32 to vector<16xf32>
        %broadcast_in_dim3A_307 = arith.constant 0.000000e+00 : f32
        %broadcast_in_dim3A_308 = vector.broadcast %broadcast_in_dim3A_307 : f32 to vector<16xf32>
        %broadcast_in_dim3A_309 = arith.constant 0.000000e+00 : f32
        %broadcast_in_dim3A_310 = vector.broadcast %broadcast_in_dim3A_309 : f32 to vector<16xf32>
        %broadcast_in_dim3A_311 = arith.constant 0.000000e+00 : f32
        %broadcast_in_dim3A_312 = vector.broadcast %broadcast_in_dim3A_311 : f32 to vector<16xf32>
        %slice3A = vector.extract_strided_slice %get3A_291 {offsets = [0], sizes = [1], strides = [1]} : vector<16xf32> to vector<1xf32>
        %squeeze3A = vector.extract %slice3A[0] : f32 from vector<1xf32>
        %broadcast_in_dim3A_313 = vector.broadcast %squeeze3A : f32 to vector<16xf32>
        %add3A_314 = arith.constant 0 : i32
        %add3A_315 = arith.addi %mul3A_287, %add3A_314 : i32
        %get3A_316 = arith.index_cast %add3A_315 : i32 to index
        %get3A_317 = arith.constant 0 : index
        %get3A_318 = tpu.vector_load %arg10[%get3A_316, %get3A_317] {strides = array<i32>} : memref<288x128xf32, #tpu.memory_space<vmem>>, vector<1x16xf32>,
        %get3A_319 = vector.shape_cast %get3A_318 : vector<1x16xf32> to vector<16xf32>
        %mul3A_320 = arith.mulf %broadcast_in_dim3A_313, %get3A_319 : vector<16xf32>
        %add3A_321 = arith.addf %broadcast_in_dim3A_302, %mul3A_320 : vector<16xf32>
        %add3A_322 = arith.constant 0 : i32
        %add3A_323 = arith.addi %mul3A_287, %add3A_322 : i32
        %get3A_324 = arith.index_cast %add3A_323 : i32 to index
        %get3A_325 = arith.constant 16 : index
        %get3A_326 = tpu.vector_load %arg10[%get3A_324, %get3A_325] {strides = array<i32>} : memref<288x128xf32, #tpu.memory_space<vmem>>, vector<1x16xf32>,
        %get3A_327 = vector.shape_cast %get3A_326 : vector<1x16xf32> to vector<16xf32>
        %mul3A_328 = arith.mulf %broadcast_in_dim3A_313, %get3A_327 : vector<16xf32>
        %add3A_329 = arith.addf %broadcast_in_dim3A_304, %mul3A_328 : vector<16xf32>
        %add3A_330 = arith.constant 0 : i32
        %add3A_331 = arith.addi %mul3A_287, %add3A_330 : i32
        %get3A_332 = arith.index_cast %add3A_331 : i32 to index
        %get3A_333 = arith.constant 32 : index
        %get3A_334 = tpu.vector_load %arg10[%get3A_332, %get3A_333] {strides = array<i32>} : memref<288x128xf32, #tpu.memory_space<vmem>>, vector<1x16xf32>,
        %get3A_335 = vector.shape_cast %get3A_334 : vector<1x16xf32> to vector<16xf32>
        %mul3A_336 = arith.mulf %broadcast_in_dim3A_313, %get3A_335 : vector<16xf32>
        %add3A_337 = arith.addf %broadcast_in_dim3A_306, %mul3A_336 : vector<16xf32>
        %add3A_338 = arith.constant 0 : i32
        %add3A_339 = arith.addi %mul3A_287, %add3A_338 : i32
        %get3A_340 = arith.index_cast %add3A_339 : i32 to index
        %get3A_341 = arith.constant 48 : index
        %get3A_342 = tpu.vector_load %arg10[%get3A_340, %get3A_341] {strides = array<i32>} : memref<288x128xf32, #tpu.memory_space<vmem>>, vector<1x16xf32>,
        %get3A_343 = vector.shape_cast %get3A_342 : vector<1x16xf32> to vector<16xf32>
        %mul3A_344 = arith.mulf %broadcast_in_dim3A_313, %get3A_343 : vector<16xf32>
        %add3A_345 = arith.addf %broadcast_in_dim3A_308, %mul3A_344 : vector<16xf32>
        %add3A_346 = arith.constant 0 : i32
        %add3A_347 = arith.addi %mul3A_287, %add3A_346 : i32
        %get3A_348 = arith.index_cast %add3A_347 : i32 to index
        %get3A_349 = arith.constant 64 : index
        %get3A_350 = tpu.vector_load %arg10[%get3A_348, %get3A_349] {strides = array<i32>} : memref<288x128xf32, #tpu.memory_space<vmem>>, vector<1x16xf32>,
        %get3A_351 = vector.shape_cast %get3A_350 : vector<1x16xf32> to vector<16xf32>
        %mul3A_352 = arith.mulf %broadcast_in_dim3A_313, %get3A_351 : vector<16xf32>
        %add3A_353 = arith.addf %broadcast_in_dim3A_310, %mul3A_352 : vector<16xf32>
        %add3A_354 = arith.constant 0 : i32
        %add3A_355 = arith.addi %mul3A_287, %add3A_354 : i32
        %get3A_356 = arith.index_cast %add3A_355 : i32 to index
        %get3A_357 = arith.constant 80 : index
        %get3A_358 = tpu.vector_load %arg10[%get3A_356, %get3A_357] {strides = array<i32>} : memref<288x128xf32, #tpu.memory_space<vmem>>, vector<1x16xf32>,
        %get3A_359 = vector.shape_cast %get3A_358 : vector<1x16xf32> to vector<16xf32>
        %mul3A_360 = arith.mulf %broadcast_in_dim3A_313, %get3A_359 : vector<16xf32>
        %add3A_361 = arith.addf %broadcast_in_dim3A_312, %mul3A_360 : vector<16xf32>
        %slice3A_362 = vector.extract_strided_slice %get3A_291 {offsets = [1], sizes = [1], strides = [1]} : vector<16xf32> to vector<1xf32>
        %squeeze3A_363 = vector.extract %slice3A_362[0] : f32 from vector<1xf32>
        %broadcast_in_dim3A_364 = vector.broadcast %squeeze3A_363 : f32 to vector<16xf32>
        %add3A_365 = arith.constant 1 : i32
        %add3A_366 = arith.addi %mul3A_287, %add3A_365 : i32
        %get3A_367 = arith.index_cast %add3A_366 : i32 to index
        %get3A_368 = arith.constant 0 : index
        %get3A_369 = tpu.vector_load %arg10[%get3A_367, %get3A_368] {strides = array<i32>} : memref<288x128xf32, #tpu.memory_space<vmem>>, vector<1x16xf32>,
        %get3A_370 = vector.shape_cast %get3A_369 : vector<1x16xf32> to vector<16xf32>
        %mul3A_371 = arith.mulf %broadcast_in_dim3A_364, %get3A_370 : vector<16xf32>
        %add3A_372 = arith.addf %add3A_321, %mul3A_371 : vector<16xf32>
        %add3A_373 = arith.constant 1 : i32
        %add3A_374 = arith.addi %mul3A_287, %add3A_373 : i32
        %get3A_375 = arith.index_cast %add3A_374 : i32 to index
        %get3A_376 = arith.constant 16 : index
        %get3A_377 = tpu.vector_load %arg10[%get3A_375, %get3A_376] {strides = array<i32>} : memref<288x128xf32, #tpu.memory_space<vmem>>, vector<1x16xf32>,
        %get3A_378 = vector.shape_cast %get3A_377 : vector<1x16xf32> to vector<16xf32>
        %mul3A_379 = arith.mulf %broadcast_in_dim3A_364, %get3A_378 : vector<16xf32>
        %add3A_380 = arith.addf %add3A_329, %mul3A_379 : vector<16xf32>
        %add3A_381 = arith.constant 1 : i32
        %add3A_382 = arith.addi %mul3A_287, %add3A_381 : i32
        %get3A_383 = arith.index_cast %add3A_382 : i32 to index
        %get3A_384 = arith.constant 32 : index
        %get3A_385 = tpu.vector_load %arg10[%get3A_383, %get3A_384] {strides = array<i32>} : memref<288x128xf32, #tpu.memory_space<vmem>>, vector<1x16xf32>,
        %get3A_386 = vector.shape_cast %get3A_385 : vector<1x16xf32> to vector<16xf32>
        %mul3A_387 = arith.mulf %broadcast_in_dim3A_364, %get3A_386 : vector<16xf32>
        %add3A_388 = arith.addf %add3A_337, %mul3A_387 : vector<16xf32>
        %add3A_389 = arith.constant 1 : i32
        %add3A_390 = arith.addi %mul3A_287, %add3A_389 : i32
        %get3A_391 = arith.index_cast %add3A_390 : i32 to index
        %get3A_392 = arith.constant 48 : index
        %get3A_393 = tpu.vector_load %arg10[%get3A_391, %get3A_392] {strides = array<i32>} : memref<288x128xf32, #tpu.memory_space<vmem>>, vector<1x16xf32>,
        %get3A_394 = vector.shape_cast %get3A_393 : vector<1x16xf32> to vector<16xf32>
        %mul3A_395 = arith.mulf %broadcast_in_dim3A_364, %get3A_394 : vector<16xf32>
        %add3A_396 = arith.addf %add3A_345, %mul3A_395 : vector<16xf32>
        %add3A_397 = arith.constant 1 : i32
        %add3A_398 = arith.addi %mul3A_287, %add3A_397 : i32
        %get3A_399 = arith.index_cast %add3A_398 : i32 to index
        %get3A_400 = arith.constant 64 : index
        %get3A_401 = tpu.vector_load %arg10[%get3A_399, %get3A_400] {strides = array<i32>} : memref<288x128xf32, #tpu.memory_space<vmem>>, vector<1x16xf32>,
        %get3A_402 = vector.shape_cast %get3A_401 : vector<1x16xf32> to vector<16xf32>
        %mul3A_403 = arith.mulf %broadcast_in_dim3A_364, %get3A_402 : vector<16xf32>
        %add3A_404 = arith.addf %add3A_353, %mul3A_403 : vector<16xf32>
        %add3A_405 = arith.constant 1 : i32
        %add3A_406 = arith.addi %mul3A_287, %add3A_405 : i32
        %get3A_407 = arith.index_cast %add3A_406 : i32 to index
        %get3A_408 = arith.constant 80 : index
        %get3A_409 = tpu.vector_load %arg10[%get3A_407, %get3A_408] {strides = array<i32>} : memref<288x128xf32, #tpu.memory_space<vmem>>, vector<1x16xf32>,
        %get3A_410 = vector.shape_cast %get3A_409 : vector<1x16xf32> to vector<16xf32>
        %mul3A_411 = arith.mulf %broadcast_in_dim3A_364, %get3A_410 : vector<16xf32>
        %add3A_412 = arith.addf %add3A_361, %mul3A_411 : vector<16xf32>
        %slice3A_413 = vector.extract_strided_slice %get3A_291 {offsets = [2], sizes = [1], strides = [1]} : vector<16xf32> to vector<1xf32>
        %squeeze3A_414 = vector.extract %slice3A_413[0] : f32 from vector<1xf32>
        %broadcast_in_dim3A_415 = vector.broadcast %squeeze3A_414 : f32 to vector<16xf32>
        %add3A_416 = arith.constant 2 : i32
        %add3A_417 = arith.addi %mul3A_287, %add3A_416 : i32
        %get3A_418 = arith.index_cast %add3A_417 : i32 to index
        %get3A_419 = arith.constant 0 : index
        %get3A_420 = tpu.vector_load %arg10[%get3A_418, %get3A_419] {strides = array<i32>} : memref<288x128xf32, #tpu.memory_space<vmem>>, vector<1x16xf32>,
        %get3A_421 = vector.shape_cast %get3A_420 : vector<1x16xf32> to vector<16xf32>
        %mul3A_422 = arith.mulf %broadcast_in_dim3A_415, %get3A_421 : vector<16xf32>
        %add3A_423 = arith.addf %add3A_372, %mul3A_422 : vector<16xf32>
        %add3A_424 = arith.constant 2 : i32
        %add3A_425 = arith.addi %mul3A_287, %add3A_424 : i32
        %get3A_426 = arith.index_cast %add3A_425 : i32 to index
        %get3A_427 = arith.constant 16 : index
        %get3A_428 = tpu.vector_load %arg10[%get3A_426, %get3A_427] {strides = array<i32>} : memref<288x128xf32, #tpu.memory_space<vmem>>, vector<1x16xf32>,
        %get3A_429 = vector.shape_cast %get3A_428 : vector<1x16xf32> to vector<16xf32>
        %mul3A_430 = arith.mulf %broadcast_in_dim3A_415, %get3A_429 : vector<16xf32>
        %add3A_431 = arith.addf %add3A_380, %mul3A_430 : vector<16xf32>
        %add3A_432 = arith.constant 2 : i32
        %add3A_433 = arith.addi %mul3A_287, %add3A_432 : i32
        %get3A_434 = arith.index_cast %add3A_433 : i32 to index
        %get3A_435 = arith.constant 32 : index
        %get3A_436 = tpu.vector_load %arg10[%get3A_434, %get3A_435] {strides = array<i32>} : memref<288x128xf32, #tpu.memory_space<vmem>>, vector<1x16xf32>,
        %get3A_437 = vector.shape_cast %get3A_436 : vector<1x16xf32> to vector<16xf32>
        %mul3A_438 = arith.mulf %broadcast_in_dim3A_415, %get3A_437 : vector<16xf32>
        %add3A_439 = arith.addf %add3A_388, %mul3A_438 : vector<16xf32>
        %add3A_440 = arith.constant 2 : i32
        %add3A_441 = arith.addi %mul3A_287, %add3A_440 : i32
        %get3A_442 = arith.index_cast %add3A_441 : i32 to index
        %get3A_443 = arith.constant 48 : index
        %get3A_444 = tpu.vector_load %arg10[%get3A_442, %get3A_443] {strides = array<i32>} : memref<288x128xf32, #tpu.memory_space<vmem>>, vector<1x16xf32>,
        %get3A_445 = vector.shape_cast %get3A_444 : vector<1x16xf32> to vector<16xf32>
        %mul3A_446 = arith.mulf %broadcast_in_dim3A_415, %get3A_445 : vector<16xf32>
        %add3A_447 = arith.addf %add3A_396, %mul3A_446 : vector<16xf32>
        %add3A_448 = arith.constant 2 : i32
        %add3A_449 = arith.addi %mul3A_287, %add3A_448 : i32
        %get3A_450 = arith.index_cast %add3A_449 : i32 to index
        %get3A_451 = arith.constant 64 : index
        %get3A_452 = tpu.vector_load %arg10[%get3A_450, %get3A_451] {strides = array<i32>} : memref<288x128xf32, #tpu.memory_space<vmem>>, vector<1x16xf32>,
        %get3A_453 = vector.shape_cast %get3A_452 : vector<1x16xf32> to vector<16xf32>
        %mul3A_454 = arith.mulf %broadcast_in_dim3A_415, %get3A_453 : vector<16xf32>
        %add3A_455 = arith.addf %add3A_404, %mul3A_454 : vector<16xf32>
        %add3A_456 = arith.constant 2 : i32
        %add3A_457 = arith.addi %mul3A_287, %add3A_456 : i32
        %get3A_458 = arith.index_cast %add3A_457 : i32 to index
        %get3A_459 = arith.constant 80 : index
        %get3A_460 = tpu.vector_load %arg10[%get3A_458, %get3A_459] {strides = array<i32>} : memref<288x128xf32, #tpu.memory_space<vmem>>, vector<1x16xf32>,
        %get3A_461 = vector.shape_cast %get3A_460 : vector<1x16xf32> to vector<16xf32>
        %mul3A_462 = arith.mulf %broadcast_in_dim3A_415, %get3A_461 : vector<16xf32>
        %add3A_463 = arith.addf %add3A_412, %mul3A_462 : vector<16xf32>
        %slice3A_464 = vector.extract_strided_slice %get3A_291 {offsets = [3], sizes = [1], strides = [1]} : vector<16xf32> to vector<1xf32>
        %squeeze3A_465 = vector.extract %slice3A_464[0] : f32 from vector<1xf32>
        %broadcast_in_dim3A_466 = vector.broadcast %squeeze3A_465 : f32 to vector<16xf32>
        %add3A_467 = arith.constant 3 : i32
        %add3A_468 = arith.addi %mul3A_287, %add3A_467 : i32
        %get3A_469 = arith.index_cast %add3A_468 : i32 to index
        %get3A_470 = arith.constant 0 : index
        %get3A_471 = tpu.vector_load %arg10[%get3A_469, %get3A_470] {strides = array<i32>} : memref<288x128xf32, #tpu.memory_space<vmem>>, vector<1x16xf32>,
        %get3A_472 = vector.shape_cast %get3A_471 : vector<1x16xf32> to vector<16xf32>
        %mul3A_473 = arith.mulf %broadcast_in_dim3A_466, %get3A_472 : vector<16xf32>
        %add3A_474 = arith.addf %add3A_423, %mul3A_473 : vector<16xf32>
        %add3A_475 = arith.constant 3 : i32
        %add3A_476 = arith.addi %mul3A_287, %add3A_475 : i32
        %get3A_477 = arith.index_cast %add3A_476 : i32 to index
        %get3A_478 = arith.constant 16 : index
        %get3A_479 = tpu.vector_load %arg10[%get3A_477, %get3A_478] {strides = array<i32>} : memref<288x128xf32, #tpu.memory_space<vmem>>, vector<1x16xf32>,
        %get3A_480 = vector.shape_cast %get3A_479 : vector<1x16xf32> to vector<16xf32>
        %mul3A_481 = arith.mulf %broadcast_in_dim3A_466, %get3A_480 : vector<16xf32>
        %add3A_482 = arith.addf %add3A_431, %mul3A_481 : vector<16xf32>
        %add3A_483 = arith.constant 3 : i32
        %add3A_484 = arith.addi %mul3A_287, %add3A_483 : i32
        %get3A_485 = arith.index_cast %add3A_484 : i32 to index
        %get3A_486 = arith.constant 32 : index
        %get3A_487 = tpu.vector_load %arg10[%get3A_485, %get3A_486] {strides = array<i32>} : memref<288x128xf32, #tpu.memory_space<vmem>>, vector<1x16xf32>,
        %get3A_488 = vector.shape_cast %get3A_487 : vector<1x16xf32> to vector<16xf32>
        %mul3A_489 = arith.mulf %broadcast_in_dim3A_466, %get3A_488 : vector<16xf32>
        %add3A_490 = arith.addf %add3A_439, %mul3A_489 : vector<16xf32>
        %add3A_491 = arith.constant 3 : i32
        %add3A_492 = arith.addi %mul3A_287, %add3A_491 : i32
        %get3A_493 = arith.index_cast %add3A_492 : i32 to index
        %get3A_494 = arith.constant 48 : index
        %get3A_495 = tpu.vector_load %arg10[%get3A_493, %get3A_494] {strides = array<i32>} : memref<288x128xf32, #tpu.memory_space<vmem>>, vector<1x16xf32>,
        %get3A_496 = vector.shape_cast %get3A_495 : vector<1x16xf32> to vector<16xf32>
        %mul3A_497 = arith.mulf %broadcast_in_dim3A_466, %get3A_496 : vector<16xf32>
        %add3A_498 = arith.addf %add3A_447, %mul3A_497 : vector<16xf32>
        %add3A_499 = arith.constant 3 : i32
        %add3A_500 = arith.addi %mul3A_287, %add3A_499 : i32
        %get3A_501 = arith.index_cast %add3A_500 : i32 to index
        %get3A_502 = arith.constant 64 : index
        %get3A_503 = tpu.vector_load %arg10[%get3A_501, %get3A_502] {strides = array<i32>} : memref<288x128xf32, #tpu.memory_space<vmem>>, vector<1x16xf32>,
        %get3A_504 = vector.shape_cast %get3A_503 : vector<1x16xf32> to vector<16xf32>
        %mul3A_505 = arith.mulf %broadcast_in_dim3A_466, %get3A_504 : vector<16xf32>
        %add3A_506 = arith.addf %add3A_455, %mul3A_505 : vector<16xf32>
        %add3A_507 = arith.constant 3 : i32
        %add3A_508 = arith.addi %mul3A_287, %add3A_507 : i32
        %get3A_509 = arith.index_cast %add3A_508 : i32 to index
        %get3A_510 = arith.constant 80 : index
        %get3A_511 = tpu.vector_load %arg10[%get3A_509, %get3A_510] {strides = array<i32>} : memref<288x128xf32, #tpu.memory_space<vmem>>, vector<1x16xf32>,
        %get3A_512 = vector.shape_cast %get3A_511 : vector<1x16xf32> to vector<16xf32>
        %mul3A_513 = arith.mulf %broadcast_in_dim3A_466, %get3A_512 : vector<16xf32>
        %add3A_514 = arith.addf %add3A_463, %mul3A_513 : vector<16xf32>
        %slice3A_515 = vector.extract_strided_slice %get3A_291 {offsets = [4], sizes = [1], strides = [1]} : vector<16xf32> to vector<1xf32>
        %squeeze3A_516 = vector.extract %slice3A_515[0] : f32 from vector<1xf32>
        %broadcast_in_dim3A_517 = vector.broadcast %squeeze3A_516 : f32 to vector<16xf32>
        %add3A_518 = arith.constant 4 : i32
        %add3A_519 = arith.addi %mul3A_287, %add3A_518 : i32
        %get3A_520 = arith.index_cast %add3A_519 : i32 to index
        %get3A_521 = arith.constant 0 : index
        %get3A_522 = tpu.vector_load %arg10[%get3A_520, %get3A_521] {strides = array<i32>} : memref<288x128xf32, #tpu.memory_space<vmem>>, vector<1x16xf32>,
        %get3A_523 = vector.shape_cast %get3A_522 : vector<1x16xf32> to vector<16xf32>
        %mul3A_524 = arith.mulf %broadcast_in_dim3A_517, %get3A_523 : vector<16xf32>
        %add3A_525 = arith.addf %add3A_474, %mul3A_524 : vector<16xf32>
        %add3A_526 = arith.constant 4 : i32
        %add3A_527 = arith.addi %mul3A_287, %add3A_526 : i32
        %get3A_528 = arith.index_cast %add3A_527 : i32 to index
        %get3A_529 = arith.constant 16 : index
        %get3A_530 = tpu.vector_load %arg10[%get3A_528, %get3A_529] {strides = array<i32>} : memref<288x128xf32, #tpu.memory_space<vmem>>, vector<1x16xf32>,
        %get3A_531 = vector.shape_cast %get3A_530 : vector<1x16xf32> to vector<16xf32>
        %mul3A_532 = arith.mulf %broadcast_in_dim3A_517, %get3A_531 : vector<16xf32>
        %add3A_533 = arith.addf %add3A_482, %mul3A_532 : vector<16xf32>
        %add3A_534 = arith.constant 4 : i32
        %add3A_535 = arith.addi %mul3A_287, %add3A_534 : i32
        %get3A_536 = arith.index_cast %add3A_535 : i32 to index
        %get3A_537 = arith.constant 32 : index
        %get3A_538 = tpu.vector_load %arg10[%get3A_536, %get3A_537] {strides = array<i32>} : memref<288x128xf32, #tpu.memory_space<vmem>>, vector<1x16xf32>,
        %get3A_539 = vector.shape_cast %get3A_538 : vector<1x16xf32> to vector<16xf32>
        %mul3A_540 = arith.mulf %broadcast_in_dim3A_517, %get3A_539 : vector<16xf32>
        %add3A_541 = arith.addf %add3A_490, %mul3A_540 : vector<16xf32>
        %add3A_542 = arith.constant 4 : i32
        %add3A_543 = arith.addi %mul3A_287, %add3A_542 : i32
        %get3A_544 = arith.index_cast %add3A_543 : i32 to index
        %get3A_545 = arith.constant 48 : index
        %get3A_546 = tpu.vector_load %arg10[%get3A_544, %get3A_545] {strides = array<i32>} : memref<288x128xf32, #tpu.memory_space<vmem>>, vector<1x16xf32>,
        %get3A_547 = vector.shape_cast %get3A_546 : vector<1x16xf32> to vector<16xf32>
        %mul3A_548 = arith.mulf %broadcast_in_dim3A_517, %get3A_547 : vector<16xf32>
        %add3A_549 = arith.addf %add3A_498, %mul3A_548 : vector<16xf32>
        %add3A_550 = arith.constant 4 : i32
        %add3A_551 = arith.addi %mul3A_287, %add3A_550 : i32
        %get3A_552 = arith.index_cast %add3A_551 : i32 to index
        %get3A_553 = arith.constant 64 : index
        %get3A_554 = tpu.vector_load %arg10[%get3A_552, %get3A_553] {strides = array<i32>} : memref<288x128xf32, #tpu.memory_space<vmem>>, vector<1x16xf32>,
        %get3A_555 = vector.shape_cast %get3A_554 : vector<1x16xf32> to vector<16xf32>
        %mul3A_556 = arith.mulf %broadcast_in_dim3A_517, %get3A_555 : vector<16xf32>
        %add3A_557 = arith.addf %add3A_506, %mul3A_556 : vector<16xf32>
        %add3A_558 = arith.constant 4 : i32
        %add3A_559 = arith.addi %mul3A_287, %add3A_558 : i32
        %get3A_560 = arith.index_cast %add3A_559 : i32 to index
        %get3A_561 = arith.constant 80 : index
        %get3A_562 = tpu.vector_load %arg10[%get3A_560, %get3A_561] {strides = array<i32>} : memref<288x128xf32, #tpu.memory_space<vmem>>, vector<1x16xf32>,
        %get3A_563 = vector.shape_cast %get3A_562 : vector<1x16xf32> to vector<16xf32>
        %mul3A_564 = arith.mulf %broadcast_in_dim3A_517, %get3A_563 : vector<16xf32>
        %add3A_565 = arith.addf %add3A_514, %mul3A_564 : vector<16xf32>
        %slice3A_566 = vector.extract_strided_slice %get3A_291 {offsets = [5], sizes = [1], strides = [1]} : vector<16xf32> to vector<1xf32>
        %squeeze3A_567 = vector.extract %slice3A_566[0] : f32 from vector<1xf32>
        %broadcast_in_dim3A_568 = vector.broadcast %squeeze3A_567 : f32 to vector<16xf32>
        %add3A_569 = arith.constant 5 : i32
        %add3A_570 = arith.addi %mul3A_287, %add3A_569 : i32
        %get3A_571 = arith.index_cast %add3A_570 : i32 to index
        %get3A_572 = arith.constant 0 : index
        %get3A_573 = tpu.vector_load %arg10[%get3A_571, %get3A_572] {strides = array<i32>} : memref<288x128xf32, #tpu.memory_space<vmem>>, vector<1x16xf32>,
        %get3A_574 = vector.shape_cast %get3A_573 : vector<1x16xf32> to vector<16xf32>
        %mul3A_575 = arith.mulf %broadcast_in_dim3A_568, %get3A_574 : vector<16xf32>
        %add3A_576 = arith.addf %add3A_525, %mul3A_575 : vector<16xf32>
        %add3A_577 = arith.constant 5 : i32
        %add3A_578 = arith.addi %mul3A_287, %add3A_577 : i32
        %get3A_579 = arith.index_cast %add3A_578 : i32 to index
        %get3A_580 = arith.constant 16 : index
        %get3A_581 = tpu.vector_load %arg10[%get3A_579, %get3A_580] {strides = array<i32>} : memref<288x128xf32, #tpu.memory_space<vmem>>, vector<1x16xf32>,
        %get3A_582 = vector.shape_cast %get3A_581 : vector<1x16xf32> to vector<16xf32>
        %mul3A_583 = arith.mulf %broadcast_in_dim3A_568, %get3A_582 : vector<16xf32>
        %add3A_584 = arith.addf %add3A_533, %mul3A_583 : vector<16xf32>
        %add3A_585 = arith.constant 5 : i32
        %add3A_586 = arith.addi %mul3A_287, %add3A_585 : i32
        %get3A_587 = arith.index_cast %add3A_586 : i32 to index
        %get3A_588 = arith.constant 32 : index
        %get3A_589 = tpu.vector_load %arg10[%get3A_587, %get3A_588] {strides = array<i32>} : memref<288x128xf32, #tpu.memory_space<vmem>>, vector<1x16xf32>,
        %get3A_590 = vector.shape_cast %get3A_589 : vector<1x16xf32> to vector<16xf32>
        %mul3A_591 = arith.mulf %broadcast_in_dim3A_568, %get3A_590 : vector<16xf32>
        %add3A_592 = arith.addf %add3A_541, %mul3A_591 : vector<16xf32>
        %add3A_593 = arith.constant 5 : i32
        %add3A_594 = arith.addi %mul3A_287, %add3A_593 : i32
        %get3A_595 = arith.index_cast %add3A_594 : i32 to index
        %get3A_596 = arith.constant 48 : index
        %get3A_597 = tpu.vector_load %arg10[%get3A_595, %get3A_596] {strides = array<i32>} : memref<288x128xf32, #tpu.memory_space<vmem>>, vector<1x16xf32>,
        %get3A_598 = vector.shape_cast %get3A_597 : vector<1x16xf32> to vector<16xf32>
        %mul3A_599 = arith.mulf %broadcast_in_dim3A_568, %get3A_598 : vector<16xf32>
        %add3A_600 = arith.addf %add3A_549, %mul3A_599 : vector<16xf32>
        %add3A_601 = arith.constant 5 : i32
        %add3A_602 = arith.addi %mul3A_287, %add3A_601 : i32
        %get3A_603 = arith.index_cast %add3A_602 : i32 to index
        %get3A_604 = arith.constant 64 : index
        %get3A_605 = tpu.vector_load %arg10[%get3A_603, %get3A_604] {strides = array<i32>} : memref<288x128xf32, #tpu.memory_space<vmem>>, vector<1x16xf32>,
        %get3A_606 = vector.shape_cast %get3A_605 : vector<1x16xf32> to vector<16xf32>
        %mul3A_607 = arith.mulf %broadcast_in_dim3A_568, %get3A_606 : vector<16xf32>
        %add3A_608 = arith.addf %add3A_557, %mul3A_607 : vector<16xf32>
        %add3A_609 = arith.constant 5 : i32
        %add3A_610 = arith.addi %mul3A_287, %add3A_609 : i32
        %get3A_611 = arith.index_cast %add3A_610 : i32 to index
        %get3A_612 = arith.constant 80 : index
        %get3A_613 = tpu.vector_load %arg10[%get3A_611, %get3A_612] {strides = array<i32>} : memref<288x128xf32, #tpu.memory_space<vmem>>, vector<1x16xf32>,
        %get3A_614 = vector.shape_cast %get3A_613 : vector<1x16xf32> to vector<16xf32>
        %mul3A_615 = arith.mulf %broadcast_in_dim3A_568, %get3A_614 : vector<16xf32>
        %add3A_616 = arith.addf %add3A_565, %mul3A_615 : vector<16xf32>
        %slice3A_617 = vector.extract_strided_slice %get3A_291 {offsets = [6], sizes = [1], strides = [1]} : vector<16xf32> to vector<1xf32>
        %squeeze3A_618 = vector.extract %slice3A_617[0] : f32 from vector<1xf32>
        %broadcast_in_dim3A_619 = vector.broadcast %squeeze3A_618 : f32 to vector<16xf32>
        %add3A_620 = arith.constant 6 : i32
        %add3A_621 = arith.addi %mul3A_287, %add3A_620 : i32
        %get3A_622 = arith.index_cast %add3A_621 : i32 to index
        %get3A_623 = arith.constant 0 : index
        %get3A_624 = tpu.vector_load %arg10[%get3A_622, %get3A_623] {strides = array<i32>} : memref<288x128xf32, #tpu.memory_space<vmem>>, vector<1x16xf32>,
        %get3A_625 = vector.shape_cast %get3A_624 : vector<1x16xf32> to vector<16xf32>
        %mul3A_626 = arith.mulf %broadcast_in_dim3A_619, %get3A_625 : vector<16xf32>
        %add3A_627 = arith.addf %add3A_576, %mul3A_626 : vector<16xf32>
        %add3A_628 = arith.constant 6 : i32
        %add3A_629 = arith.addi %mul3A_287, %add3A_628 : i32
        %get3A_630 = arith.index_cast %add3A_629 : i32 to index
        %get3A_631 = arith.constant 16 : index
        %get3A_632 = tpu.vector_load %arg10[%get3A_630, %get3A_631] {strides = array<i32>} : memref<288x128xf32, #tpu.memory_space<vmem>>, vector<1x16xf32>,
        %get3A_633 = vector.shape_cast %get3A_632 : vector<1x16xf32> to vector<16xf32>
        %mul3A_634 = arith.mulf %broadcast_in_dim3A_619, %get3A_633 : vector<16xf32>
        %add3A_635 = arith.addf %add3A_584, %mul3A_634 : vector<16xf32>
        %add3A_636 = arith.constant 6 : i32
        %add3A_637 = arith.addi %mul3A_287, %add3A_636 : i32
        %get3A_638 = arith.index_cast %add3A_637 : i32 to index
        %get3A_639 = arith.constant 32 : index
        %get3A_640 = tpu.vector_load %arg10[%get3A_638, %get3A_639] {strides = array<i32>} : memref<288x128xf32, #tpu.memory_space<vmem>>, vector<1x16xf32>,
        %get3A_641 = vector.shape_cast %get3A_640 : vector<1x16xf32> to vector<16xf32>
        %mul3A_642 = arith.mulf %broadcast_in_dim3A_619, %get3A_641 : vector<16xf32>
        %add3A_643 = arith.addf %add3A_592, %mul3A_642 : vector<16xf32>
        %add3A_644 = arith.constant 6 : i32
        %add3A_645 = arith.addi %mul3A_287, %add3A_644 : i32
        %get3A_646 = arith.index_cast %add3A_645 : i32 to index
        %get3A_647 = arith.constant 48 : index
        %get3A_648 = tpu.vector_load %arg10[%get3A_646, %get3A_647] {strides = array<i32>} : memref<288x128xf32, #tpu.memory_space<vmem>>, vector<1x16xf32>,
        %get3A_649 = vector.shape_cast %get3A_648 : vector<1x16xf32> to vector<16xf32>
        %mul3A_650 = arith.mulf %broadcast_in_dim3A_619, %get3A_649 : vector<16xf32>
        %add3A_651 = arith.addf %add3A_600, %mul3A_650 : vector<16xf32>
        %add3A_652 = arith.constant 6 : i32
        %add3A_653 = arith.addi %mul3A_287, %add3A_652 : i32
        %get3A_654 = arith.index_cast %add3A_653 : i32 to index
        %get3A_655 = arith.constant 64 : index
        %get3A_656 = tpu.vector_load %arg10[%get3A_654, %get3A_655] {strides = array<i32>} : memref<288x128xf32, #tpu.memory_space<vmem>>, vector<1x16xf32>,
        %get3A_657 = vector.shape_cast %get3A_656 : vector<1x16xf32> to vector<16xf32>
        %mul3A_658 = arith.mulf %broadcast_in_dim3A_619, %get3A_657 : vector<16xf32>
        %add3A_659 = arith.addf %add3A_608, %mul3A_658 : vector<16xf32>
        %add3A_660 = arith.constant 6 : i32
        %add3A_661 = arith.addi %mul3A_287, %add3A_660 : i32
        %get3A_662 = arith.index_cast %add3A_661 : i32 to index
        %get3A_663 = arith.constant 80 : index
        %get3A_664 = tpu.vector_load %arg10[%get3A_662, %get3A_663] {strides = array<i32>} : memref<288x128xf32, #tpu.memory_space<vmem>>, vector<1x16xf32>,
        %get3A_665 = vector.shape_cast %get3A_664 : vector<1x16xf32> to vector<16xf32>
        %mul3A_666 = arith.mulf %broadcast_in_dim3A_619, %get3A_665 : vector<16xf32>
        %add3A_667 = arith.addf %add3A_616, %mul3A_666 : vector<16xf32>
        %slice3A_668 = vector.extract_strided_slice %get3A_291 {offsets = [7], sizes = [1], strides = [1]} : vector<16xf32> to vector<1xf32>
        %squeeze3A_669 = vector.extract %slice3A_668[0] : f32 from vector<1xf32>
        %broadcast_in_dim3A_670 = vector.broadcast %squeeze3A_669 : f32 to vector<16xf32>
        %add3A_671 = arith.constant 7 : i32
        %add3A_672 = arith.addi %mul3A_287, %add3A_671 : i32
        %get3A_673 = arith.index_cast %add3A_672 : i32 to index
        %get3A_674 = arith.constant 0 : index
        %get3A_675 = tpu.vector_load %arg10[%get3A_673, %get3A_674] {strides = array<i32>} : memref<288x128xf32, #tpu.memory_space<vmem>>, vector<1x16xf32>,
        %get3A_676 = vector.shape_cast %get3A_675 : vector<1x16xf32> to vector<16xf32>
        %mul3A_677 = arith.mulf %broadcast_in_dim3A_670, %get3A_676 : vector<16xf32>
        %add3A_678 = arith.addf %add3A_627, %mul3A_677 : vector<16xf32>
        %add3A_679 = arith.constant 7 : i32
        %add3A_680 = arith.addi %mul3A_287, %add3A_679 : i32
        %get3A_681 = arith.index_cast %add3A_680 : i32 to index
        %get3A_682 = arith.constant 16 : index
        %get3A_683 = tpu.vector_load %arg10[%get3A_681, %get3A_682] {strides = array<i32>} : memref<288x128xf32, #tpu.memory_space<vmem>>, vector<1x16xf32>,
        %get3A_684 = vector.shape_cast %get3A_683 : vector<1x16xf32> to vector<16xf32>
        %mul3A_685 = arith.mulf %broadcast_in_dim3A_670, %get3A_684 : vector<16xf32>
        %add3A_686 = arith.addf %add3A_635, %mul3A_685 : vector<16xf32>
        %add3A_687 = arith.constant 7 : i32
        %add3A_688 = arith.addi %mul3A_287, %add3A_687 : i32
        %get3A_689 = arith.index_cast %add3A_688 : i32 to index
        %get3A_690 = arith.constant 32 : index
        %get3A_691 = tpu.vector_load %arg10[%get3A_689, %get3A_690] {strides = array<i32>} : memref<288x128xf32, #tpu.memory_space<vmem>>, vector<1x16xf32>,
        %get3A_692 = vector.shape_cast %get3A_691 : vector<1x16xf32> to vector<16xf32>
        %mul3A_693 = arith.mulf %broadcast_in_dim3A_670, %get3A_692 : vector<16xf32>
        %add3A_694 = arith.addf %add3A_643, %mul3A_693 : vector<16xf32>
        %add3A_695 = arith.constant 7 : i32
        %add3A_696 = arith.addi %mul3A_287, %add3A_695 : i32
        %get3A_697 = arith.index_cast %add3A_696 : i32 to index
        %get3A_698 = arith.constant 48 : index
        %get3A_699 = tpu.vector_load %arg10[%get3A_697, %get3A_698] {strides = array<i32>} : memref<288x128xf32, #tpu.memory_space<vmem>>, vector<1x16xf32>,
        %get3A_700 = vector.shape_cast %get3A_699 : vector<1x16xf32> to vector<16xf32>
        %mul3A_701 = arith.mulf %broadcast_in_dim3A_670, %get3A_700 : vector<16xf32>
        %add3A_702 = arith.addf %add3A_651, %mul3A_701 : vector<16xf32>
        %add3A_703 = arith.constant 7 : i32
        %add3A_704 = arith.addi %mul3A_287, %add3A_703 : i32
        %get3A_705 = arith.index_cast %add3A_704 : i32 to index
        %get3A_706 = arith.constant 64 : index
        %get3A_707 = tpu.vector_load %arg10[%get3A_705, %get3A_706] {strides = array<i32>} : memref<288x128xf32, #tpu.memory_space<vmem>>, vector<1x16xf32>,
        %get3A_708 = vector.shape_cast %get3A_707 : vector<1x16xf32> to vector<16xf32>
        %mul3A_709 = arith.mulf %broadcast_in_dim3A_670, %get3A_708 : vector<16xf32>
        %add3A_710 = arith.addf %add3A_659, %mul3A_709 : vector<16xf32>
        %add3A_711 = arith.constant 7 : i32
        %add3A_712 = arith.addi %mul3A_287, %add3A_711 : i32
        %get3A_713 = arith.index_cast %add3A_712 : i32 to index
        %get3A_714 = arith.constant 80 : index
        %get3A_715 = tpu.vector_load %arg10[%get3A_713, %get3A_714] {strides = array<i32>} : memref<288x128xf32, #tpu.memory_space<vmem>>, vector<1x16xf32>,
        %get3A_716 = vector.shape_cast %get3A_715 : vector<1x16xf32> to vector<16xf32>
        %mul3A_717 = arith.mulf %broadcast_in_dim3A_670, %get3A_716 : vector<16xf32>
        %add3A_718 = arith.addf %add3A_667, %mul3A_717 : vector<16xf32>
        %slice3A_719 = vector.extract_strided_slice %get3A_291 {offsets = [8], sizes = [1], strides = [1]} : vector<16xf32> to vector<1xf32>
        %squeeze3A_720 = vector.extract %slice3A_719[0] : f32 from vector<1xf32>
        %broadcast_in_dim3A_721 = vector.broadcast %squeeze3A_720 : f32 to vector<16xf32>
        %add3A_722 = arith.constant 8 : i32
        %add3A_723 = arith.addi %mul3A_287, %add3A_722 : i32
        %get3A_724 = arith.index_cast %add3A_723 : i32 to index
        %get3A_725 = arith.constant 0 : index
        %get3A_726 = tpu.vector_load %arg10[%get3A_724, %get3A_725] {strides = array<i32>} : memref<288x128xf32, #tpu.memory_space<vmem>>, vector<1x16xf32>,
        %get3A_727 = vector.shape_cast %get3A_726 : vector<1x16xf32> to vector<16xf32>
        %mul3A_728 = arith.mulf %broadcast_in_dim3A_721, %get3A_727 : vector<16xf32>
        %add3A_729 = arith.addf %add3A_678, %mul3A_728 : vector<16xf32>
        %add3A_730 = arith.constant 8 : i32
        %add3A_731 = arith.addi %mul3A_287, %add3A_730 : i32
        %get3A_732 = arith.index_cast %add3A_731 : i32 to index
        %get3A_733 = arith.constant 16 : index
        %get3A_734 = tpu.vector_load %arg10[%get3A_732, %get3A_733] {strides = array<i32>} : memref<288x128xf32, #tpu.memory_space<vmem>>, vector<1x16xf32>,
        %get3A_735 = vector.shape_cast %get3A_734 : vector<1x16xf32> to vector<16xf32>
        %mul3A_736 = arith.mulf %broadcast_in_dim3A_721, %get3A_735 : vector<16xf32>
        %add3A_737 = arith.addf %add3A_686, %mul3A_736 : vector<16xf32>
        %add3A_738 = arith.constant 8 : i32
        %add3A_739 = arith.addi %mul3A_287, %add3A_738 : i32
        %get3A_740 = arith.index_cast %add3A_739 : i32 to index
        %get3A_741 = arith.constant 32 : index
        %get3A_742 = tpu.vector_load %arg10[%get3A_740, %get3A_741] {strides = array<i32>} : memref<288x128xf32, #tpu.memory_space<vmem>>, vector<1x16xf32>,
        %get3A_743 = vector.shape_cast %get3A_742 : vector<1x16xf32> to vector<16xf32>
        %mul3A_744 = arith.mulf %broadcast_in_dim3A_721, %get3A_743 : vector<16xf32>
        %add3A_745 = arith.addf %add3A_694, %mul3A_744 : vector<16xf32>
        %add3A_746 = arith.constant 8 : i32
        %add3A_747 = arith.addi %mul3A_287, %add3A_746 : i32
        %get3A_748 = arith.index_cast %add3A_747 : i32 to index
        %get3A_749 = arith.constant 48 : index
        %get3A_750 = tpu.vector_load %arg10[%get3A_748, %get3A_749] {strides = array<i32>} : memref<288x128xf32, #tpu.memory_space<vmem>>, vector<1x16xf32>,
        %get3A_751 = vector.shape_cast %get3A_750 : vector<1x16xf32> to vector<16xf32>
        %mul3A_752 = arith.mulf %broadcast_in_dim3A_721, %get3A_751 : vector<16xf32>
        %add3A_753 = arith.addf %add3A_702, %mul3A_752 : vector<16xf32>
        %add3A_754 = arith.constant 8 : i32
        %add3A_755 = arith.addi %mul3A_287, %add3A_754 : i32
        %get3A_756 = arith.index_cast %add3A_755 : i32 to index
        %get3A_757 = arith.constant 64 : index
        %get3A_758 = tpu.vector_load %arg10[%get3A_756, %get3A_757] {strides = array<i32>} : memref<288x128xf32, #tpu.memory_space<vmem>>, vector<1x16xf32>,
        %get3A_759 = vector.shape_cast %get3A_758 : vector<1x16xf32> to vector<16xf32>
        %mul3A_760 = arith.mulf %broadcast_in_dim3A_721, %get3A_759 : vector<16xf32>
        %add3A_761 = arith.addf %add3A_710, %mul3A_760 : vector<16xf32>
        %add3A_762 = arith.constant 8 : i32
        %add3A_763 = arith.addi %mul3A_287, %add3A_762 : i32
        %get3A_764 = arith.index_cast %add3A_763 : i32 to index
        %get3A_765 = arith.constant 80 : index
        %get3A_766 = tpu.vector_load %arg10[%get3A_764, %get3A_765] {strides = array<i32>} : memref<288x128xf32, #tpu.memory_space<vmem>>, vector<1x16xf32>,
        %get3A_767 = vector.shape_cast %get3A_766 : vector<1x16xf32> to vector<16xf32>
        %mul3A_768 = arith.mulf %broadcast_in_dim3A_721, %get3A_767 : vector<16xf32>
        %add3A_769 = arith.addf %add3A_718, %mul3A_768 : vector<16xf32>
        %slice3A_770 = vector.extract_strided_slice %get3A_291 {offsets = [9], sizes = [1], strides = [1]} : vector<16xf32> to vector<1xf32>
        %squeeze3A_771 = vector.extract %slice3A_770[0] : f32 from vector<1xf32>
        %broadcast_in_dim3A_772 = vector.broadcast %squeeze3A_771 : f32 to vector<16xf32>
        %add3A_773 = arith.constant 9 : i32
        %add3A_774 = arith.addi %mul3A_287, %add3A_773 : i32
        %get3A_775 = arith.index_cast %add3A_774 : i32 to index
        %get3A_776 = arith.constant 0 : index
        %get3A_777 = tpu.vector_load %arg10[%get3A_775, %get3A_776] {strides = array<i32>} : memref<288x128xf32, #tpu.memory_space<vmem>>, vector<1x16xf32>,
        %get3A_778 = vector.shape_cast %get3A_777 : vector<1x16xf32> to vector<16xf32>
        %mul3A_779 = arith.mulf %broadcast_in_dim3A_772, %get3A_778 : vector<16xf32>
        %add3A_780 = arith.addf %add3A_729, %mul3A_779 : vector<16xf32>
        %add3A_781 = arith.constant 9 : i32
        %add3A_782 = arith.addi %mul3A_287, %add3A_781 : i32
        %get3A_783 = arith.index_cast %add3A_782 : i32 to index
        %get3A_784 = arith.constant 16 : index
        %get3A_785 = tpu.vector_load %arg10[%get3A_783, %get3A_784] {strides = array<i32>} : memref<288x128xf32, #tpu.memory_space<vmem>>, vector<1x16xf32>,
        %get3A_786 = vector.shape_cast %get3A_785 : vector<1x16xf32> to vector<16xf32>
        %mul3A_787 = arith.mulf %broadcast_in_dim3A_772, %get3A_786 : vector<16xf32>
        %add3A_788 = arith.addf %add3A_737, %mul3A_787 : vector<16xf32>
        %add3A_789 = arith.constant 9 : i32
        %add3A_790 = arith.addi %mul3A_287, %add3A_789 : i32
        %get3A_791 = arith.index_cast %add3A_790 : i32 to index
        %get3A_792 = arith.constant 32 : index
        %get3A_793 = tpu.vector_load %arg10[%get3A_791, %get3A_792] {strides = array<i32>} : memref<288x128xf32, #tpu.memory_space<vmem>>, vector<1x16xf32>,
        %get3A_794 = vector.shape_cast %get3A_793 : vector<1x16xf32> to vector<16xf32>
        %mul3A_795 = arith.mulf %broadcast_in_dim3A_772, %get3A_794 : vector<16xf32>
        %add3A_796 = arith.addf %add3A_745, %mul3A_795 : vector<16xf32>
        %add3A_797 = arith.constant 9 : i32
        %add3A_798 = arith.addi %mul3A_287, %add3A_797 : i32
        %get3A_799 = arith.index_cast %add3A_798 : i32 to index
        %get3A_800 = arith.constant 48 : index
        %get3A_801 = tpu.vector_load %arg10[%get3A_799, %get3A_800] {strides = array<i32>} : memref<288x128xf32, #tpu.memory_space<vmem>>, vector<1x16xf32>,
        %get3A_802 = vector.shape_cast %get3A_801 : vector<1x16xf32> to vector<16xf32>
        %mul3A_803 = arith.mulf %broadcast_in_dim3A_772, %get3A_802 : vector<16xf32>
        %add3A_804 = arith.addf %add3A_753, %mul3A_803 : vector<16xf32>
        %add3A_805 = arith.constant 9 : i32
        %add3A_806 = arith.addi %mul3A_287, %add3A_805 : i32
        %get3A_807 = arith.index_cast %add3A_806 : i32 to index
        %get3A_808 = arith.constant 64 : index
        %get3A_809 = tpu.vector_load %arg10[%get3A_807, %get3A_808] {strides = array<i32>} : memref<288x128xf32, #tpu.memory_space<vmem>>, vector<1x16xf32>,
        %get3A_810 = vector.shape_cast %get3A_809 : vector<1x16xf32> to vector<16xf32>
        %mul3A_811 = arith.mulf %broadcast_in_dim3A_772, %get3A_810 : vector<16xf32>
        %add3A_812 = arith.addf %add3A_761, %mul3A_811 : vector<16xf32>
        %add3A_813 = arith.constant 9 : i32
        %add3A_814 = arith.addi %mul3A_287, %add3A_813 : i32
        %get3A_815 = arith.index_cast %add3A_814 : i32 to index
        %get3A_816 = arith.constant 80 : index
        %get3A_817 = tpu.vector_load %arg10[%get3A_815, %get3A_816] {strides = array<i32>} : memref<288x128xf32, #tpu.memory_space<vmem>>, vector<1x16xf32>,
        %get3A_818 = vector.shape_cast %get3A_817 : vector<1x16xf32> to vector<16xf32>
        %mul3A_819 = arith.mulf %broadcast_in_dim3A_772, %get3A_818 : vector<16xf32>
        %add3A_820 = arith.addf %add3A_769, %mul3A_819 : vector<16xf32>
        %slice3A_821 = vector.extract_strided_slice %get3A_291 {offsets = [10], sizes = [1], strides = [1]} : vector<16xf32> to vector<1xf32>
        %squeeze3A_822 = vector.extract %slice3A_821[0] : f32 from vector<1xf32>
        %broadcast_in_dim3A_823 = vector.broadcast %squeeze3A_822 : f32 to vector<16xf32>
        %add3A_824 = arith.constant 10 : i32
        %add3A_825 = arith.addi %mul3A_287, %add3A_824 : i32
        %get3A_826 = arith.index_cast %add3A_825 : i32 to index
        %get3A_827 = arith.constant 0 : index
        %get3A_828 = tpu.vector_load %arg10[%get3A_826, %get3A_827] {strides = array<i32>} : memref<288x128xf32, #tpu.memory_space<vmem>>, vector<1x16xf32>,
        %get3A_829 = vector.shape_cast %get3A_828 : vector<1x16xf32> to vector<16xf32>
        %mul3A_830 = arith.mulf %broadcast_in_dim3A_823, %get3A_829 : vector<16xf32>
        %add3A_831 = arith.addf %add3A_780, %mul3A_830 : vector<16xf32>
        %add3A_832 = arith.constant 10 : i32
        %add3A_833 = arith.addi %mul3A_287, %add3A_832 : i32
        %get3A_834 = arith.index_cast %add3A_833 : i32 to index
        %get3A_835 = arith.constant 16 : index
        %get3A_836 = tpu.vector_load %arg10[%get3A_834, %get3A_835] {strides = array<i32>} : memref<288x128xf32, #tpu.memory_space<vmem>>, vector<1x16xf32>,
        %get3A_837 = vector.shape_cast %get3A_836 : vector<1x16xf32> to vector<16xf32>
        %mul3A_838 = arith.mulf %broadcast_in_dim3A_823, %get3A_837 : vector<16xf32>
        %add3A_839 = arith.addf %add3A_788, %mul3A_838 : vector<16xf32>
        %add3A_840 = arith.constant 10 : i32
        %add3A_841 = arith.addi %mul3A_287, %add3A_840 : i32
        %get3A_842 = arith.index_cast %add3A_841 : i32 to index
        %get3A_843 = arith.constant 32 : index
        %get3A_844 = tpu.vector_load %arg10[%get3A_842, %get3A_843] {strides = array<i32>} : memref<288x128xf32, #tpu.memory_space<vmem>>, vector<1x16xf32>,
        %get3A_845 = vector.shape_cast %get3A_844 : vector<1x16xf32> to vector<16xf32>
        %mul3A_846 = arith.mulf %broadcast_in_dim3A_823, %get3A_845 : vector<16xf32>
        %add3A_847 = arith.addf %add3A_796, %mul3A_846 : vector<16xf32>
        %add3A_848 = arith.constant 10 : i32
        %add3A_849 = arith.addi %mul3A_287, %add3A_848 : i32
        %get3A_850 = arith.index_cast %add3A_849 : i32 to index
        %get3A_851 = arith.constant 48 : index
        %get3A_852 = tpu.vector_load %arg10[%get3A_850, %get3A_851] {strides = array<i32>} : memref<288x128xf32, #tpu.memory_space<vmem>>, vector<1x16xf32>,
        %get3A_853 = vector.shape_cast %get3A_852 : vector<1x16xf32> to vector<16xf32>
        %mul3A_854 = arith.mulf %broadcast_in_dim3A_823, %get3A_853 : vector<16xf32>
        %add3A_855 = arith.addf %add3A_804, %mul3A_854 : vector<16xf32>
        %add3A_856 = arith.constant 10 : i32
        %add3A_857 = arith.addi %mul3A_287, %add3A_856 : i32
        %get3A_858 = arith.index_cast %add3A_857 : i32 to index
        %get3A_859 = arith.constant 64 : index
        %get3A_860 = tpu.vector_load %arg10[%get3A_858, %get3A_859] {strides = array<i32>} : memref<288x128xf32, #tpu.memory_space<vmem>>, vector<1x16xf32>,
        %get3A_861 = vector.shape_cast %get3A_860 : vector<1x16xf32> to vector<16xf32>
        %mul3A_862 = arith.mulf %broadcast_in_dim3A_823, %get3A_861 : vector<16xf32>
        %add3A_863 = arith.addf %add3A_812, %mul3A_862 : vector<16xf32>
        %add3A_864 = arith.constant 10 : i32
        %add3A_865 = arith.addi %mul3A_287, %add3A_864 : i32
        %get3A_866 = arith.index_cast %add3A_865 : i32 to index
        %get3A_867 = arith.constant 80 : index
        %get3A_868 = tpu.vector_load %arg10[%get3A_866, %get3A_867] {strides = array<i32>} : memref<288x128xf32, #tpu.memory_space<vmem>>, vector<1x16xf32>,
        %get3A_869 = vector.shape_cast %get3A_868 : vector<1x16xf32> to vector<16xf32>
        %mul3A_870 = arith.mulf %broadcast_in_dim3A_823, %get3A_869 : vector<16xf32>
        %add3A_871 = arith.addf %add3A_820, %mul3A_870 : vector<16xf32>
        %slice3A_872 = vector.extract_strided_slice %get3A_291 {offsets = [11], sizes = [1], strides = [1]} : vector<16xf32> to vector<1xf32>
        %squeeze3A_873 = vector.extract %slice3A_872[0] : f32 from vector<1xf32>
        %broadcast_in_dim3A_874 = vector.broadcast %squeeze3A_873 : f32 to vector<16xf32>
        %add3A_875 = arith.constant 11 : i32
        %add3A_876 = arith.addi %mul3A_287, %add3A_875 : i32
        %get3A_877 = arith.index_cast %add3A_876 : i32 to index
        %get3A_878 = arith.constant 0 : index
        %get3A_879 = tpu.vector_load %arg10[%get3A_877, %get3A_878] {strides = array<i32>} : memref<288x128xf32, #tpu.memory_space<vmem>>, vector<1x16xf32>,
        %get3A_880 = vector.shape_cast %get3A_879 : vector<1x16xf32> to vector<16xf32>
        %mul3A_881 = arith.mulf %broadcast_in_dim3A_874, %get3A_880 : vector<16xf32>
        %add3A_882 = arith.addf %add3A_831, %mul3A_881 : vector<16xf32>
        %add3A_883 = arith.constant 11 : i32
        %add3A_884 = arith.addi %mul3A_287, %add3A_883 : i32
        %get3A_885 = arith.index_cast %add3A_884 : i32 to index
        %get3A_886 = arith.constant 16 : index
        %get3A_887 = tpu.vector_load %arg10[%get3A_885, %get3A_886] {strides = array<i32>} : memref<288x128xf32, #tpu.memory_space<vmem>>, vector<1x16xf32>,
        %get3A_888 = vector.shape_cast %get3A_887 : vector<1x16xf32> to vector<16xf32>
        %mul3A_889 = arith.mulf %broadcast_in_dim3A_874, %get3A_888 : vector<16xf32>
        %add3A_890 = arith.addf %add3A_839, %mul3A_889 : vector<16xf32>
        %add3A_891 = arith.constant 11 : i32
        %add3A_892 = arith.addi %mul3A_287, %add3A_891 : i32
        %get3A_893 = arith.index_cast %add3A_892 : i32 to index
        %get3A_894 = arith.constant 32 : index
        %get3A_895 = tpu.vector_load %arg10[%get3A_893, %get3A_894] {strides = array<i32>} : memref<288x128xf32, #tpu.memory_space<vmem>>, vector<1x16xf32>,
        %get3A_896 = vector.shape_cast %get3A_895 : vector<1x16xf32> to vector<16xf32>
        %mul3A_897 = arith.mulf %broadcast_in_dim3A_874, %get3A_896 : vector<16xf32>
        %add3A_898 = arith.addf %add3A_847, %mul3A_897 : vector<16xf32>
        %add3A_899 = arith.constant 11 : i32
        %add3A_900 = arith.addi %mul3A_287, %add3A_899 : i32
        %get3A_901 = arith.index_cast %add3A_900 : i32 to index
        %get3A_902 = arith.constant 48 : index
        %get3A_903 = tpu.vector_load %arg10[%get3A_901, %get3A_902] {strides = array<i32>} : memref<288x128xf32, #tpu.memory_space<vmem>>, vector<1x16xf32>,
        %get3A_904 = vector.shape_cast %get3A_903 : vector<1x16xf32> to vector<16xf32>
        %mul3A_905 = arith.mulf %broadcast_in_dim3A_874, %get3A_904 : vector<16xf32>
        %add3A_906 = arith.addf %add3A_855, %mul3A_905 : vector<16xf32>
        %add3A_907 = arith.constant 11 : i32
        %add3A_908 = arith.addi %mul3A_287, %add3A_907 : i32
        %get3A_909 = arith.index_cast %add3A_908 : i32 to index
        %get3A_910 = arith.constant 64 : index
        %get3A_911 = tpu.vector_load %arg10[%get3A_909, %get3A_910] {strides = array<i32>} : memref<288x128xf32, #tpu.memory_space<vmem>>, vector<1x16xf32>,
        %get3A_912 = vector.shape_cast %get3A_911 : vector<1x16xf32> to vector<16xf32>
        %mul3A_913 = arith.mulf %broadcast_in_dim3A_874, %get3A_912 : vector<16xf32>
        %add3A_914 = arith.addf %add3A_863, %mul3A_913 : vector<16xf32>
        %add3A_915 = arith.constant 11 : i32
        %add3A_916 = arith.addi %mul3A_287, %add3A_915 : i32
        %get3A_917 = arith.index_cast %add3A_916 : i32 to index
        %get3A_918 = arith.constant 80 : index
        %get3A_919 = tpu.vector_load %arg10[%get3A_917, %get3A_918] {strides = array<i32>} : memref<288x128xf32, #tpu.memory_space<vmem>>, vector<1x16xf32>,
        %get3A_920 = vector.shape_cast %get3A_919 : vector<1x16xf32> to vector<16xf32>
        %mul3A_921 = arith.mulf %broadcast_in_dim3A_874, %get3A_920 : vector<16xf32>
        %add3A_922 = arith.addf %add3A_871, %mul3A_921 : vector<16xf32>
        %slice3A_923 = vector.extract_strided_slice %get3A_291 {offsets = [12], sizes = [1], strides = [1]} : vector<16xf32> to vector<1xf32>
        %squeeze3A_924 = vector.extract %slice3A_923[0] : f32 from vector<1xf32>
        %broadcast_in_dim3A_925 = vector.broadcast %squeeze3A_924 : f32 to vector<16xf32>
        %add3A_926 = arith.constant 12 : i32
        %add3A_927 = arith.addi %mul3A_287, %add3A_926 : i32
        %get3A_928 = arith.index_cast %add3A_927 : i32 to index
        %get3A_929 = arith.constant 0 : index
        %get3A_930 = tpu.vector_load %arg10[%get3A_928, %get3A_929] {strides = array<i32>} : memref<288x128xf32, #tpu.memory_space<vmem>>, vector<1x16xf32>,
        %get3A_931 = vector.shape_cast %get3A_930 : vector<1x16xf32> to vector<16xf32>
        %mul3A_932 = arith.mulf %broadcast_in_dim3A_925, %get3A_931 : vector<16xf32>
        %add3A_933 = arith.addf %add3A_882, %mul3A_932 : vector<16xf32>
        %add3A_934 = arith.constant 12 : i32
        %add3A_935 = arith.addi %mul3A_287, %add3A_934 : i32
        %get3A_936 = arith.index_cast %add3A_935 : i32 to index
        %get3A_937 = arith.constant 16 : index
        %get3A_938 = tpu.vector_load %arg10[%get3A_936, %get3A_937] {strides = array<i32>} : memref<288x128xf32, #tpu.memory_space<vmem>>, vector<1x16xf32>,
        %get3A_939 = vector.shape_cast %get3A_938 : vector<1x16xf32> to vector<16xf32>
        %mul3A_940 = arith.mulf %broadcast_in_dim3A_925, %get3A_939 : vector<16xf32>
        %add3A_941 = arith.addf %add3A_890, %mul3A_940 : vector<16xf32>
        %add3A_942 = arith.constant 12 : i32
        %add3A_943 = arith.addi %mul3A_287, %add3A_942 : i32
        %get3A_944 = arith.index_cast %add3A_943 : i32 to index
        %get3A_945 = arith.constant 32 : index
        %get3A_946 = tpu.vector_load %arg10[%get3A_944, %get3A_945] {strides = array<i32>} : memref<288x128xf32, #tpu.memory_space<vmem>>, vector<1x16xf32>,
        %get3A_947 = vector.shape_cast %get3A_946 : vector<1x16xf32> to vector<16xf32>
        %mul3A_948 = arith.mulf %broadcast_in_dim3A_925, %get3A_947 : vector<16xf32>
        %add3A_949 = arith.addf %add3A_898, %mul3A_948 : vector<16xf32>
        %add3A_950 = arith.constant 12 : i32
        %add3A_951 = arith.addi %mul3A_287, %add3A_950 : i32
        %get3A_952 = arith.index_cast %add3A_951 : i32 to index
        %get3A_953 = arith.constant 48 : index
        %get3A_954 = tpu.vector_load %arg10[%get3A_952, %get3A_953] {strides = array<i32>} : memref<288x128xf32, #tpu.memory_space<vmem>>, vector<1x16xf32>,
        %get3A_955 = vector.shape_cast %get3A_954 : vector<1x16xf32> to vector<16xf32>
        %mul3A_956 = arith.mulf %broadcast_in_dim3A_925, %get3A_955 : vector<16xf32>
        %add3A_957 = arith.addf %add3A_906, %mul3A_956 : vector<16xf32>
        %add3A_958 = arith.constant 12 : i32
        %add3A_959 = arith.addi %mul3A_287, %add3A_958 : i32
        %get3A_960 = arith.index_cast %add3A_959 : i32 to index
        %get3A_961 = arith.constant 64 : index
        %get3A_962 = tpu.vector_load %arg10[%get3A_960, %get3A_961] {strides = array<i32>} : memref<288x128xf32, #tpu.memory_space<vmem>>, vector<1x16xf32>,
        %get3A_963 = vector.shape_cast %get3A_962 : vector<1x16xf32> to vector<16xf32>
        %mul3A_964 = arith.mulf %broadcast_in_dim3A_925, %get3A_963 : vector<16xf32>
        %add3A_965 = arith.addf %add3A_914, %mul3A_964 : vector<16xf32>
        %add3A_966 = arith.constant 12 : i32
        %add3A_967 = arith.addi %mul3A_287, %add3A_966 : i32
        %get3A_968 = arith.index_cast %add3A_967 : i32 to index
        %get3A_969 = arith.constant 80 : index
        %get3A_970 = tpu.vector_load %arg10[%get3A_968, %get3A_969] {strides = array<i32>} : memref<288x128xf32, #tpu.memory_space<vmem>>, vector<1x16xf32>,
        %get3A_971 = vector.shape_cast %get3A_970 : vector<1x16xf32> to vector<16xf32>
        %mul3A_972 = arith.mulf %broadcast_in_dim3A_925, %get3A_971 : vector<16xf32>
        %add3A_973 = arith.addf %add3A_922, %mul3A_972 : vector<16xf32>
        %slice3A_974 = vector.extract_strided_slice %get3A_291 {offsets = [13], sizes = [1], strides = [1]} : vector<16xf32> to vector<1xf32>
        %squeeze3A_975 = vector.extract %slice3A_974[0] : f32 from vector<1xf32>
        %broadcast_in_dim3A_976 = vector.broadcast %squeeze3A_975 : f32 to vector<16xf32>
        %add3A_977 = arith.constant 13 : i32
        %add3A_978 = arith.addi %mul3A_287, %add3A_977 : i32
        %get3A_979 = arith.index_cast %add3A_978 : i32 to index
        %get3A_980 = arith.constant 0 : index
        %get3A_981 = tpu.vector_load %arg10[%get3A_979, %get3A_980] {strides = array<i32>} : memref<288x128xf32, #tpu.memory_space<vmem>>, vector<1x16xf32>,
        %get3A_982 = vector.shape_cast %get3A_981 : vector<1x16xf32> to vector<16xf32>
        %mul3A_983 = arith.mulf %broadcast_in_dim3A_976, %get3A_982 : vector<16xf32>
        %add3A_984 = arith.addf %add3A_933, %mul3A_983 : vector<16xf32>
        %add3A_985 = arith.constant 13 : i32
        %add3A_986 = arith.addi %mul3A_287, %add3A_985 : i32
        %get3A_987 = arith.index_cast %add3A_986 : i32 to index
        %get3A_988 = arith.constant 16 : index
        %get3A_989 = tpu.vector_load %arg10[%get3A_987, %get3A_988] {strides = array<i32>} : memref<288x128xf32, #tpu.memory_space<vmem>>, vector<1x16xf32>,
        %get3A_990 = vector.shape_cast %get3A_989 : vector<1x16xf32> to vector<16xf32>
        %mul3A_991 = arith.mulf %broadcast_in_dim3A_976, %get3A_990 : vector<16xf32>
        %add3A_992 = arith.addf %add3A_941, %mul3A_991 : vector<16xf32>
        %add3A_993 = arith.constant 13 : i32
        %add3A_994 = arith.addi %mul3A_287, %add3A_993 : i32
        %get3A_995 = arith.index_cast %add3A_994 : i32 to index
        %get3A_996 = arith.constant 32 : index
        %get3A_997 = tpu.vector_load %arg10[%get3A_995, %get3A_996] {strides = array<i32>} : memref<288x128xf32, #tpu.memory_space<vmem>>, vector<1x16xf32>,
        %get3A_998 = vector.shape_cast %get3A_997 : vector<1x16xf32> to vector<16xf32>
        %mul3A_999 = arith.mulf %broadcast_in_dim3A_976, %get3A_998 : vector<16xf32>
        %add3A_1000 = arith.addf %add3A_949, %mul3A_999 : vector<16xf32>
        %add3A_1001 = arith.constant 13 : i32
        %add3A_1002 = arith.addi %mul3A_287, %add3A_1001 : i32
        %get3A_1003 = arith.index_cast %add3A_1002 : i32 to index
        %get3A_1004 = arith.constant 48 : index
        %get3A_1005 = tpu.vector_load %arg10[%get3A_1003, %get3A_1004] {strides = array<i32>} : memref<288x128xf32, #tpu.memory_space<vmem>>, vector<1x16xf32>,
        %get3A_1006 = vector.shape_cast %get3A_1005 : vector<1x16xf32> to vector<16xf32>
        %mul3A_1007 = arith.mulf %broadcast_in_dim3A_976, %get3A_1006 : vector<16xf32>
        %add3A_1008 = arith.addf %add3A_957, %mul3A_1007 : vector<16xf32>
        %add3A_1009 = arith.constant 13 : i32
        %add3A_1010 = arith.addi %mul3A_287, %add3A_1009 : i32
        %get3A_1011 = arith.index_cast %add3A_1010 : i32 to index
        %get3A_1012 = arith.constant 64 : index
        %get3A_1013 = tpu.vector_load %arg10[%get3A_1011, %get3A_1012] {strides = array<i32>} : memref<288x128xf32, #tpu.memory_space<vmem>>, vector<1x16xf32>,
        %get3A_1014 = vector.shape_cast %get3A_1013 : vector<1x16xf32> to vector<16xf32>
        %mul3A_1015 = arith.mulf %broadcast_in_dim3A_976, %get3A_1014 : vector<16xf32>
        %add3A_1016 = arith.addf %add3A_965, %mul3A_1015 : vector<16xf32>
        %add3A_1017 = arith.constant 13 : i32
        %add3A_1018 = arith.addi %mul3A_287, %add3A_1017 : i32
        %get3A_1019 = arith.index_cast %add3A_1018 : i32 to index
        %get3A_1020 = arith.constant 80 : index
        %get3A_1021 = tpu.vector_load %arg10[%get3A_1019, %get3A_1020] {strides = array<i32>} : memref<288x128xf32, #tpu.memory_space<vmem>>, vector<1x16xf32>,
        %get3A_1022 = vector.shape_cast %get3A_1021 : vector<1x16xf32> to vector<16xf32>
        %mul3A_1023 = arith.mulf %broadcast_in_dim3A_976, %get3A_1022 : vector<16xf32>
        %add3A_1024 = arith.addf %add3A_973, %mul3A_1023 : vector<16xf32>
        %slice3A_1025 = vector.extract_strided_slice %get3A_291 {offsets = [14], sizes = [1], strides = [1]} : vector<16xf32> to vector<1xf32>
        %squeeze3A_1026 = vector.extract %slice3A_1025[0] : f32 from vector<1xf32>
        %broadcast_in_dim3A_1027 = vector.broadcast %squeeze3A_1026 : f32 to vector<16xf32>
        %add3A_1028 = arith.constant 14 : i32
        %add3A_1029 = arith.addi %mul3A_287, %add3A_1028 : i32
        %get3A_1030 = arith.index_cast %add3A_1029 : i32 to index
        %get3A_1031 = arith.constant 0 : index
        %get3A_1032 = tpu.vector_load %arg10[%get3A_1030, %get3A_1031] {strides = array<i32>} : memref<288x128xf32, #tpu.memory_space<vmem>>, vector<1x16xf32>,
        %get3A_1033 = vector.shape_cast %get3A_1032 : vector<1x16xf32> to vector<16xf32>
        %mul3A_1034 = arith.mulf %broadcast_in_dim3A_1027, %get3A_1033 : vector<16xf32>
        %add3A_1035 = arith.addf %add3A_984, %mul3A_1034 : vector<16xf32>
        %add3A_1036 = arith.constant 14 : i32
        %add3A_1037 = arith.addi %mul3A_287, %add3A_1036 : i32
        %get3A_1038 = arith.index_cast %add3A_1037 : i32 to index
        %get3A_1039 = arith.constant 16 : index
        %get3A_1040 = tpu.vector_load %arg10[%get3A_1038, %get3A_1039] {strides = array<i32>} : memref<288x128xf32, #tpu.memory_space<vmem>>, vector<1x16xf32>,
        %get3A_1041 = vector.shape_cast %get3A_1040 : vector<1x16xf32> to vector<16xf32>
        %mul3A_1042 = arith.mulf %broadcast_in_dim3A_1027, %get3A_1041 : vector<16xf32>
        %add3A_1043 = arith.addf %add3A_992, %mul3A_1042 : vector<16xf32>
        %add3A_1044 = arith.constant 14 : i32
        %add3A_1045 = arith.addi %mul3A_287, %add3A_1044 : i32
        %get3A_1046 = arith.index_cast %add3A_1045 : i32 to index
        %get3A_1047 = arith.constant 32 : index
        %get3A_1048 = tpu.vector_load %arg10[%get3A_1046, %get3A_1047] {strides = array<i32>} : memref<288x128xf32, #tpu.memory_space<vmem>>, vector<1x16xf32>,
        %get3A_1049 = vector.shape_cast %get3A_1048 : vector<1x16xf32> to vector<16xf32>
        %mul3A_1050 = arith.mulf %broadcast_in_dim3A_1027, %get3A_1049 : vector<16xf32>
        %add3A_1051 = arith.addf %add3A_1000, %mul3A_1050 : vector<16xf32>
        %add3A_1052 = arith.constant 14 : i32
        %add3A_1053 = arith.addi %mul3A_287, %add3A_1052 : i32
        %get3A_1054 = arith.index_cast %add3A_1053 : i32 to index
        %get3A_1055 = arith.constant 48 : index
        %get3A_1056 = tpu.vector_load %arg10[%get3A_1054, %get3A_1055] {strides = array<i32>} : memref<288x128xf32, #tpu.memory_space<vmem>>, vector<1x16xf32>,
        %get3A_1057 = vector.shape_cast %get3A_1056 : vector<1x16xf32> to vector<16xf32>
        %mul3A_1058 = arith.mulf %broadcast_in_dim3A_1027, %get3A_1057 : vector<16xf32>
        %add3A_1059 = arith.addf %add3A_1008, %mul3A_1058 : vector<16xf32>
        %add3A_1060 = arith.constant 14 : i32
        %add3A_1061 = arith.addi %mul3A_287, %add3A_1060 : i32
        %get3A_1062 = arith.index_cast %add3A_1061 : i32 to index
        %get3A_1063 = arith.constant 64 : index
        %get3A_1064 = tpu.vector_load %arg10[%get3A_1062, %get3A_1063] {strides = array<i32>} : memref<288x128xf32, #tpu.memory_space<vmem>>, vector<1x16xf32>,
        %get3A_1065 = vector.shape_cast %get3A_1064 : vector<1x16xf32> to vector<16xf32>
        %mul3A_1066 = arith.mulf %broadcast_in_dim3A_1027, %get3A_1065 : vector<16xf32>
        %add3A_1067 = arith.addf %add3A_1016, %mul3A_1066 : vector<16xf32>
        %add3A_1068 = arith.constant 14 : i32
        %add3A_1069 = arith.addi %mul3A_287, %add3A_1068 : i32
        %get3A_1070 = arith.index_cast %add3A_1069 : i32 to index
        %get3A_1071 = arith.constant 80 : index
        %get3A_1072 = tpu.vector_load %arg10[%get3A_1070, %get3A_1071] {strides = array<i32>} : memref<288x128xf32, #tpu.memory_space<vmem>>, vector<1x16xf32>,
        %get3A_1073 = vector.shape_cast %get3A_1072 : vector<1x16xf32> to vector<16xf32>
        %mul3A_1074 = arith.mulf %broadcast_in_dim3A_1027, %get3A_1073 : vector<16xf32>
        %add3A_1075 = arith.addf %add3A_1024, %mul3A_1074 : vector<16xf32>
        %slice3A_1076 = vector.extract_strided_slice %get3A_291 {offsets = [15], sizes = [1], strides = [1]} : vector<16xf32> to vector<1xf32>
        %squeeze3A_1077 = vector.extract %slice3A_1076[0] : f32 from vector<1xf32>
        %broadcast_in_dim3A_1078 = vector.broadcast %squeeze3A_1077 : f32 to vector<16xf32>
        %add3A_1079 = arith.constant 15 : i32
        %add3A_1080 = arith.addi %mul3A_287, %add3A_1079 : i32
        %get3A_1081 = arith.index_cast %add3A_1080 : i32 to index
        %get3A_1082 = arith.constant 0 : index
        %get3A_1083 = tpu.vector_load %arg10[%get3A_1081, %get3A_1082] {strides = array<i32>} : memref<288x128xf32, #tpu.memory_space<vmem>>, vector<1x16xf32>,
        %get3A_1084 = vector.shape_cast %get3A_1083 : vector<1x16xf32> to vector<16xf32>
        %mul3A_1085 = arith.mulf %broadcast_in_dim3A_1078, %get3A_1084 : vector<16xf32>
        %add3A_1086 = arith.addf %add3A_1035, %mul3A_1085 : vector<16xf32>
        %add3A_1087 = arith.constant 15 : i32
        %add3A_1088 = arith.addi %mul3A_287, %add3A_1087 : i32
        %get3A_1089 = arith.index_cast %add3A_1088 : i32 to index
        %get3A_1090 = arith.constant 16 : index
        %get3A_1091 = tpu.vector_load %arg10[%get3A_1089, %get3A_1090] {strides = array<i32>} : memref<288x128xf32, #tpu.memory_space<vmem>>, vector<1x16xf32>,
        %get3A_1092 = vector.shape_cast %get3A_1091 : vector<1x16xf32> to vector<16xf32>
        %mul3A_1093 = arith.mulf %broadcast_in_dim3A_1078, %get3A_1092 : vector<16xf32>
        %add3A_1094 = arith.addf %add3A_1043, %mul3A_1093 : vector<16xf32>
        %add3A_1095 = arith.constant 15 : i32
        %add3A_1096 = arith.addi %mul3A_287, %add3A_1095 : i32
        %get3A_1097 = arith.index_cast %add3A_1096 : i32 to index
        %get3A_1098 = arith.constant 32 : index
        %get3A_1099 = tpu.vector_load %arg10[%get3A_1097, %get3A_1098] {strides = array<i32>} : memref<288x128xf32, #tpu.memory_space<vmem>>, vector<1x16xf32>,
        %get3A_1100 = vector.shape_cast %get3A_1099 : vector<1x16xf32> to vector<16xf32>
        %mul3A_1101 = arith.mulf %broadcast_in_dim3A_1078, %get3A_1100 : vector<16xf32>
        %add3A_1102 = arith.addf %add3A_1051, %mul3A_1101 : vector<16xf32>
        %add3A_1103 = arith.constant 15 : i32
        %add3A_1104 = arith.addi %mul3A_287, %add3A_1103 : i32
        %get3A_1105 = arith.index_cast %add3A_1104 : i32 to index
        %get3A_1106 = arith.constant 48 : index
        %get3A_1107 = tpu.vector_load %arg10[%get3A_1105, %get3A_1106] {strides = array<i32>} : memref<288x128xf32, #tpu.memory_space<vmem>>, vector<1x16xf32>,
        %get3A_1108 = vector.shape_cast %get3A_1107 : vector<1x16xf32> to vector<16xf32>
        %mul3A_1109 = arith.mulf %broadcast_in_dim3A_1078, %get3A_1108 : vector<16xf32>
        %add3A_1110 = arith.addf %add3A_1059, %mul3A_1109 : vector<16xf32>
        %add3A_1111 = arith.constant 15 : i32
        %add3A_1112 = arith.addi %mul3A_287, %add3A_1111 : i32
        %get3A_1113 = arith.index_cast %add3A_1112 : i32 to index
        %get3A_1114 = arith.constant 64 : index
        %get3A_1115 = tpu.vector_load %arg10[%get3A_1113, %get3A_1114] {strides = array<i32>} : memref<288x128xf32, #tpu.memory_space<vmem>>, vector<1x16xf32>,
        %get3A_1116 = vector.shape_cast %get3A_1115 : vector<1x16xf32> to vector<16xf32>
        %mul3A_1117 = arith.mulf %broadcast_in_dim3A_1078, %get3A_1116 : vector<16xf32>
        %add3A_1118 = arith.addf %add3A_1067, %mul3A_1117 : vector<16xf32>
        %add3A_1119 = arith.constant 15 : i32
        %add3A_1120 = arith.addi %mul3A_287, %add3A_1119 : i32
        %get3A_1121 = arith.index_cast %add3A_1120 : i32 to index
        %get3A_1122 = arith.constant 80 : index
        %get3A_1123 = tpu.vector_load %arg10[%get3A_1121, %get3A_1122] {strides = array<i32>} : memref<288x128xf32, #tpu.memory_space<vmem>>, vector<1x16xf32>,
        %get3A_1124 = vector.shape_cast %get3A_1123 : vector<1x16xf32> to vector<16xf32>
        %mul3A_1125 = arith.mulf %broadcast_in_dim3A_1078, %get3A_1124 : vector<16xf32>
        %add3A_1126 = arith.addf %add3A_1075, %mul3A_1125 : vector<16xf32>
        %slice3A_1127 = vector.extract_strided_slice %get3A_296 {offsets = [0], sizes = [1], strides = [1]} : vector<16xf32> to vector<1xf32>
        %squeeze3A_1128 = vector.extract %slice3A_1127[0] : f32 from vector<1xf32>
        %broadcast_in_dim3A_1129 = vector.broadcast %squeeze3A_1128 : f32 to vector<16xf32>
        %add3A_1130 = arith.constant 16 : i32
        %add3A_1131 = arith.addi %mul3A_287, %add3A_1130 : i32
        %get3A_1132 = arith.index_cast %add3A_1131 : i32 to index
        %get3A_1133 = arith.constant 0 : index
        %get3A_1134 = tpu.vector_load %arg10[%get3A_1132, %get3A_1133] {strides = array<i32>} : memref<288x128xf32, #tpu.memory_space<vmem>>, vector<1x16xf32>,
        %get3A_1135 = vector.shape_cast %get3A_1134 : vector<1x16xf32> to vector<16xf32>
        %mul3A_1136 = arith.mulf %broadcast_in_dim3A_1129, %get3A_1135 : vector<16xf32>
        %add3A_1137 = arith.addf %add3A_1086, %mul3A_1136 : vector<16xf32>
        %add3A_1138 = arith.constant 16 : i32
        %add3A_1139 = arith.addi %mul3A_287, %add3A_1138 : i32
        %get3A_1140 = arith.index_cast %add3A_1139 : i32 to index
        %get3A_1141 = arith.constant 16 : index
        %get3A_1142 = tpu.vector_load %arg10[%get3A_1140, %get3A_1141] {strides = array<i32>} : memref<288x128xf32, #tpu.memory_space<vmem>>, vector<1x16xf32>,
        %get3A_1143 = vector.shape_cast %get3A_1142 : vector<1x16xf32> to vector<16xf32>
        %mul3A_1144 = arith.mulf %broadcast_in_dim3A_1129, %get3A_1143 : vector<16xf32>
        %add3A_1145 = arith.addf %add3A_1094, %mul3A_1144 : vector<16xf32>
        %add3A_1146 = arith.constant 16 : i32
        %add3A_1147 = arith.addi %mul3A_287, %add3A_1146 : i32
        %get3A_1148 = arith.index_cast %add3A_1147 : i32 to index
        %get3A_1149 = arith.constant 32 : index
        %get3A_1150 = tpu.vector_load %arg10[%get3A_1148, %get3A_1149] {strides = array<i32>} : memref<288x128xf32, #tpu.memory_space<vmem>>, vector<1x16xf32>,
        %get3A_1151 = vector.shape_cast %get3A_1150 : vector<1x16xf32> to vector<16xf32>
        %mul3A_1152 = arith.mulf %broadcast_in_dim3A_1129, %get3A_1151 : vector<16xf32>
        %add3A_1153 = arith.addf %add3A_1102, %mul3A_1152 : vector<16xf32>
        %add3A_1154 = arith.constant 16 : i32
        %add3A_1155 = arith.addi %mul3A_287, %add3A_1154 : i32
        %get3A_1156 = arith.index_cast %add3A_1155 : i32 to index
        %get3A_1157 = arith.constant 48 : index
        %get3A_1158 = tpu.vector_load %arg10[%get3A_1156, %get3A_1157] {strides = array<i32>} : memref<288x128xf32, #tpu.memory_space<vmem>>, vector<1x16xf32>,
        %get3A_1159 = vector.shape_cast %get3A_1158 : vector<1x16xf32> to vector<16xf32>
        %mul3A_1160 = arith.mulf %broadcast_in_dim3A_1129, %get3A_1159 : vector<16xf32>
        %add3A_1161 = arith.addf %add3A_1110, %mul3A_1160 : vector<16xf32>
        %add3A_1162 = arith.constant 16 : i32
        %add3A_1163 = arith.addi %mul3A_287, %add3A_1162 : i32
        %get3A_1164 = arith.index_cast %add3A_1163 : i32 to index
        %get3A_1165 = arith.constant 64 : index
        %get3A_1166 = tpu.vector_load %arg10[%get3A_1164, %get3A_1165] {strides = array<i32>} : memref<288x128xf32, #tpu.memory_space<vmem>>, vector<1x16xf32>,
        %get3A_1167 = vector.shape_cast %get3A_1166 : vector<1x16xf32> to vector<16xf32>
        %mul3A_1168 = arith.mulf %broadcast_in_dim3A_1129, %get3A_1167 : vector<16xf32>
        %add3A_1169 = arith.addf %add3A_1118, %mul3A_1168 : vector<16xf32>
        %add3A_1170 = arith.constant 16 : i32
        %add3A_1171 = arith.addi %mul3A_287, %add3A_1170 : i32
        %get3A_1172 = arith.index_cast %add3A_1171 : i32 to index
        %get3A_1173 = arith.constant 80 : index
        %get3A_1174 = tpu.vector_load %arg10[%get3A_1172, %get3A_1173] {strides = array<i32>} : memref<288x128xf32, #tpu.memory_space<vmem>>, vector<1x16xf32>,
        %get3A_1175 = vector.shape_cast %get3A_1174 : vector<1x16xf32> to vector<16xf32>
        %mul3A_1176 = arith.mulf %broadcast_in_dim3A_1129, %get3A_1175 : vector<16xf32>
        %add3A_1177 = arith.addf %add3A_1126, %mul3A_1176 : vector<16xf32>
        %slice3A_1178 = vector.extract_strided_slice %get3A_296 {offsets = [1], sizes = [1], strides = [1]} : vector<16xf32> to vector<1xf32>
        %squeeze3A_1179 = vector.extract %slice3A_1178[0] : f32 from vector<1xf32>
        %broadcast_in_dim3A_1180 = vector.broadcast %squeeze3A_1179 : f32 to vector<16xf32>
        %add3A_1181 = arith.constant 17 : i32
        %add3A_1182 = arith.addi %mul3A_287, %add3A_1181 : i32
        %get3A_1183 = arith.index_cast %add3A_1182 : i32 to index
        %get3A_1184 = arith.constant 0 : index
        %get3A_1185 = tpu.vector_load %arg10[%get3A_1183, %get3A_1184] {strides = array<i32>} : memref<288x128xf32, #tpu.memory_space<vmem>>, vector<1x16xf32>,
        %get3A_1186 = vector.shape_cast %get3A_1185 : vector<1x16xf32> to vector<16xf32>
        %mul3A_1187 = arith.mulf %broadcast_in_dim3A_1180, %get3A_1186 : vector<16xf32>
        %add3A_1188 = arith.addf %add3A_1137, %mul3A_1187 : vector<16xf32>
        %add3A_1189 = arith.constant 17 : i32
        %add3A_1190 = arith.addi %mul3A_287, %add3A_1189 : i32
        %get3A_1191 = arith.index_cast %add3A_1190 : i32 to index
        %get3A_1192 = arith.constant 16 : index
        %get3A_1193 = tpu.vector_load %arg10[%get3A_1191, %get3A_1192] {strides = array<i32>} : memref<288x128xf32, #tpu.memory_space<vmem>>, vector<1x16xf32>,
        %get3A_1194 = vector.shape_cast %get3A_1193 : vector<1x16xf32> to vector<16xf32>
        %mul3A_1195 = arith.mulf %broadcast_in_dim3A_1180, %get3A_1194 : vector<16xf32>
        %add3A_1196 = arith.addf %add3A_1145, %mul3A_1195 : vector<16xf32>
        %add3A_1197 = arith.constant 17 : i32
        %add3A_1198 = arith.addi %mul3A_287, %add3A_1197 : i32
        %get3A_1199 = arith.index_cast %add3A_1198 : i32 to index
        %get3A_1200 = arith.constant 32 : index
        %get3A_1201 = tpu.vector_load %arg10[%get3A_1199, %get3A_1200] {strides = array<i32>} : memref<288x128xf32, #tpu.memory_space<vmem>>, vector<1x16xf32>,
        %get3A_1202 = vector.shape_cast %get3A_1201 : vector<1x16xf32> to vector<16xf32>
        %mul3A_1203 = arith.mulf %broadcast_in_dim3A_1180, %get3A_1202 : vector<16xf32>
        %add3A_1204 = arith.addf %add3A_1153, %mul3A_1203 : vector<16xf32>
        %add3A_1205 = arith.constant 17 : i32
        %add3A_1206 = arith.addi %mul3A_287, %add3A_1205 : i32
        %get3A_1207 = arith.index_cast %add3A_1206 : i32 to index
        %get3A_1208 = arith.constant 48 : index
        %get3A_1209 = tpu.vector_load %arg10[%get3A_1207, %get3A_1208] {strides = array<i32>} : memref<288x128xf32, #tpu.memory_space<vmem>>, vector<1x16xf32>,
        %get3A_1210 = vector.shape_cast %get3A_1209 : vector<1x16xf32> to vector<16xf32>
        %mul3A_1211 = arith.mulf %broadcast_in_dim3A_1180, %get3A_1210 : vector<16xf32>
        %add3A_1212 = arith.addf %add3A_1161, %mul3A_1211 : vector<16xf32>
        %add3A_1213 = arith.constant 17 : i32
        %add3A_1214 = arith.addi %mul3A_287, %add3A_1213 : i32
        %get3A_1215 = arith.index_cast %add3A_1214 : i32 to index
        %get3A_1216 = arith.constant 64 : index
        %get3A_1217 = tpu.vector_load %arg10[%get3A_1215, %get3A_1216] {strides = array<i32>} : memref<288x128xf32, #tpu.memory_space<vmem>>, vector<1x16xf32>,
        %get3A_1218 = vector.shape_cast %get3A_1217 : vector<1x16xf32> to vector<16xf32>
        %mul3A_1219 = arith.mulf %broadcast_in_dim3A_1180, %get3A_1218 : vector<16xf32>
        %add3A_1220 = arith.addf %add3A_1169, %mul3A_1219 : vector<16xf32>
        %add3A_1221 = arith.constant 17 : i32
        %add3A_1222 = arith.addi %mul3A_287, %add3A_1221 : i32
        %get3A_1223 = arith.index_cast %add3A_1222 : i32 to index
        %get3A_1224 = arith.constant 80 : index
        %get3A_1225 = tpu.vector_load %arg10[%get3A_1223, %get3A_1224] {strides = array<i32>} : memref<288x128xf32, #tpu.memory_space<vmem>>, vector<1x16xf32>,
        %get3A_1226 = vector.shape_cast %get3A_1225 : vector<1x16xf32> to vector<16xf32>
        %mul3A_1227 = arith.mulf %broadcast_in_dim3A_1180, %get3A_1226 : vector<16xf32>
        %add3A_1228 = arith.addf %add3A_1177, %mul3A_1227 : vector<16xf32>
        %slice3A_1229 = vector.extract_strided_slice %get3A_296 {offsets = [2], sizes = [1], strides = [1]} : vector<16xf32> to vector<1xf32>
        %squeeze3A_1230 = vector.extract %slice3A_1229[0] : f32 from vector<1xf32>
        %broadcast_in_dim3A_1231 = vector.broadcast %squeeze3A_1230 : f32 to vector<16xf32>
        %add3A_1232 = arith.constant 18 : i32
        %add3A_1233 = arith.addi %mul3A_287, %add3A_1232 : i32
        %get3A_1234 = arith.index_cast %add3A_1233 : i32 to index
        %get3A_1235 = arith.constant 0 : index
        %get3A_1236 = tpu.vector_load %arg10[%get3A_1234, %get3A_1235] {strides = array<i32>} : memref<288x128xf32, #tpu.memory_space<vmem>>, vector<1x16xf32>,
        %get3A_1237 = vector.shape_cast %get3A_1236 : vector<1x16xf32> to vector<16xf32>
        %mul3A_1238 = arith.mulf %broadcast_in_dim3A_1231, %get3A_1237 : vector<16xf32>
        %add3A_1239 = arith.addf %add3A_1188, %mul3A_1238 : vector<16xf32>
        %add3A_1240 = arith.constant 18 : i32
        %add3A_1241 = arith.addi %mul3A_287, %add3A_1240 : i32
        %get3A_1242 = arith.index_cast %add3A_1241 : i32 to index
        %get3A_1243 = arith.constant 16 : index
        %get3A_1244 = tpu.vector_load %arg10[%get3A_1242, %get3A_1243] {strides = array<i32>} : memref<288x128xf32, #tpu.memory_space<vmem>>, vector<1x16xf32>,
        %get3A_1245 = vector.shape_cast %get3A_1244 : vector<1x16xf32> to vector<16xf32>
        %mul3A_1246 = arith.mulf %broadcast_in_dim3A_1231, %get3A_1245 : vector<16xf32>
        %add3A_1247 = arith.addf %add3A_1196, %mul3A_1246 : vector<16xf32>
        %add3A_1248 = arith.constant 18 : i32
        %add3A_1249 = arith.addi %mul3A_287, %add3A_1248 : i32
        %get3A_1250 = arith.index_cast %add3A_1249 : i32 to index
        %get3A_1251 = arith.constant 32 : index
        %get3A_1252 = tpu.vector_load %arg10[%get3A_1250, %get3A_1251] {strides = array<i32>} : memref<288x128xf32, #tpu.memory_space<vmem>>, vector<1x16xf32>,
        %get3A_1253 = vector.shape_cast %get3A_1252 : vector<1x16xf32> to vector<16xf32>
        %mul3A_1254 = arith.mulf %broadcast_in_dim3A_1231, %get3A_1253 : vector<16xf32>
        %add3A_1255 = arith.addf %add3A_1204, %mul3A_1254 : vector<16xf32>
        %add3A_1256 = arith.constant 18 : i32
        %add3A_1257 = arith.addi %mul3A_287, %add3A_1256 : i32
        %get3A_1258 = arith.index_cast %add3A_1257 : i32 to index
        %get3A_1259 = arith.constant 48 : index
        %get3A_1260 = tpu.vector_load %arg10[%get3A_1258, %get3A_1259] {strides = array<i32>} : memref<288x128xf32, #tpu.memory_space<vmem>>, vector<1x16xf32>,
        %get3A_1261 = vector.shape_cast %get3A_1260 : vector<1x16xf32> to vector<16xf32>
        %mul3A_1262 = arith.mulf %broadcast_in_dim3A_1231, %get3A_1261 : vector<16xf32>
        %add3A_1263 = arith.addf %add3A_1212, %mul3A_1262 : vector<16xf32>
        %add3A_1264 = arith.constant 18 : i32
        %add3A_1265 = arith.addi %mul3A_287, %add3A_1264 : i32
        %get3A_1266 = arith.index_cast %add3A_1265 : i32 to index
        %get3A_1267 = arith.constant 64 : index
        %get3A_1268 = tpu.vector_load %arg10[%get3A_1266, %get3A_1267] {strides = array<i32>} : memref<288x128xf32, #tpu.memory_space<vmem>>, vector<1x16xf32>,
        %get3A_1269 = vector.shape_cast %get3A_1268 : vector<1x16xf32> to vector<16xf32>
        %mul3A_1270 = arith.mulf %broadcast_in_dim3A_1231, %get3A_1269 : vector<16xf32>
        %add3A_1271 = arith.addf %add3A_1220, %mul3A_1270 : vector<16xf32>
        %add3A_1272 = arith.constant 18 : i32
        %add3A_1273 = arith.addi %mul3A_287, %add3A_1272 : i32
        %get3A_1274 = arith.index_cast %add3A_1273 : i32 to index
        %get3A_1275 = arith.constant 80 : index
        %get3A_1276 = tpu.vector_load %arg10[%get3A_1274, %get3A_1275] {strides = array<i32>} : memref<288x128xf32, #tpu.memory_space<vmem>>, vector<1x16xf32>,
        %get3A_1277 = vector.shape_cast %get3A_1276 : vector<1x16xf32> to vector<16xf32>
        %mul3A_1278 = arith.mulf %broadcast_in_dim3A_1231, %get3A_1277 : vector<16xf32>
        %add3A_1279 = arith.addf %add3A_1228, %mul3A_1278 : vector<16xf32>
        %slice3A_1280 = vector.extract_strided_slice %get3A_296 {offsets = [3], sizes = [1], strides = [1]} : vector<16xf32> to vector<1xf32>
        %squeeze3A_1281 = vector.extract %slice3A_1280[0] : f32 from vector<1xf32>
        %broadcast_in_dim3A_1282 = vector.broadcast %squeeze3A_1281 : f32 to vector<16xf32>
        %add3A_1283 = arith.constant 19 : i32
        %add3A_1284 = arith.addi %mul3A_287, %add3A_1283 : i32
        %get3A_1285 = arith.index_cast %add3A_1284 : i32 to index
        %get3A_1286 = arith.constant 0 : index
        %get3A_1287 = tpu.vector_load %arg10[%get3A_1285, %get3A_1286] {strides = array<i32>} : memref<288x128xf32, #tpu.memory_space<vmem>>, vector<1x16xf32>,
        %get3A_1288 = vector.shape_cast %get3A_1287 : vector<1x16xf32> to vector<16xf32>
        %mul3A_1289 = arith.mulf %broadcast_in_dim3A_1282, %get3A_1288 : vector<16xf32>
        %add3A_1290 = arith.addf %add3A_1239, %mul3A_1289 : vector<16xf32>
        %add3A_1291 = arith.constant 19 : i32
        %add3A_1292 = arith.addi %mul3A_287, %add3A_1291 : i32
        %get3A_1293 = arith.index_cast %add3A_1292 : i32 to index
        %get3A_1294 = arith.constant 16 : index
        %get3A_1295 = tpu.vector_load %arg10[%get3A_1293, %get3A_1294] {strides = array<i32>} : memref<288x128xf32, #tpu.memory_space<vmem>>, vector<1x16xf32>,
        %get3A_1296 = vector.shape_cast %get3A_1295 : vector<1x16xf32> to vector<16xf32>
        %mul3A_1297 = arith.mulf %broadcast_in_dim3A_1282, %get3A_1296 : vector<16xf32>
        %add3A_1298 = arith.addf %add3A_1247, %mul3A_1297 : vector<16xf32>
        %add3A_1299 = arith.constant 19 : i32
        %add3A_1300 = arith.addi %mul3A_287, %add3A_1299 : i32
        %get3A_1301 = arith.index_cast %add3A_1300 : i32 to index
        %get3A_1302 = arith.constant 32 : index
        %get3A_1303 = tpu.vector_load %arg10[%get3A_1301, %get3A_1302] {strides = array<i32>} : memref<288x128xf32, #tpu.memory_space<vmem>>, vector<1x16xf32>,
        %get3A_1304 = vector.shape_cast %get3A_1303 : vector<1x16xf32> to vector<16xf32>
        %mul3A_1305 = arith.mulf %broadcast_in_dim3A_1282, %get3A_1304 : vector<16xf32>
        %add3A_1306 = arith.addf %add3A_1255, %mul3A_1305 : vector<16xf32>
        %add3A_1307 = arith.constant 19 : i32
        %add3A_1308 = arith.addi %mul3A_287, %add3A_1307 : i32
        %get3A_1309 = arith.index_cast %add3A_1308 : i32 to index
        %get3A_1310 = arith.constant 48 : index
        %get3A_1311 = tpu.vector_load %arg10[%get3A_1309, %get3A_1310] {strides = array<i32>} : memref<288x128xf32, #tpu.memory_space<vmem>>, vector<1x16xf32>,
        %get3A_1312 = vector.shape_cast %get3A_1311 : vector<1x16xf32> to vector<16xf32>
        %mul3A_1313 = arith.mulf %broadcast_in_dim3A_1282, %get3A_1312 : vector<16xf32>
        %add3A_1314 = arith.addf %add3A_1263, %mul3A_1313 : vector<16xf32>
        %add3A_1315 = arith.constant 19 : i32
        %add3A_1316 = arith.addi %mul3A_287, %add3A_1315 : i32
        %get3A_1317 = arith.index_cast %add3A_1316 : i32 to index
        %get3A_1318 = arith.constant 64 : index
        %get3A_1319 = tpu.vector_load %arg10[%get3A_1317, %get3A_1318] {strides = array<i32>} : memref<288x128xf32, #tpu.memory_space<vmem>>, vector<1x16xf32>,
        %get3A_1320 = vector.shape_cast %get3A_1319 : vector<1x16xf32> to vector<16xf32>
        %mul3A_1321 = arith.mulf %broadcast_in_dim3A_1282, %get3A_1320 : vector<16xf32>
        %add3A_1322 = arith.addf %add3A_1271, %mul3A_1321 : vector<16xf32>
        %add3A_1323 = arith.constant 19 : i32
        %add3A_1324 = arith.addi %mul3A_287, %add3A_1323 : i32
        %get3A_1325 = arith.index_cast %add3A_1324 : i32 to index
        %get3A_1326 = arith.constant 80 : index
        %get3A_1327 = tpu.vector_load %arg10[%get3A_1325, %get3A_1326] {strides = array<i32>} : memref<288x128xf32, #tpu.memory_space<vmem>>, vector<1x16xf32>,
        %get3A_1328 = vector.shape_cast %get3A_1327 : vector<1x16xf32> to vector<16xf32>
        %mul3A_1329 = arith.mulf %broadcast_in_dim3A_1282, %get3A_1328 : vector<16xf32>
        %add3A_1330 = arith.addf %add3A_1279, %mul3A_1329 : vector<16xf32>
        %slice3A_1331 = vector.extract_strided_slice %get3A_296 {offsets = [4], sizes = [1], strides = [1]} : vector<16xf32> to vector<1xf32>
        %squeeze3A_1332 = vector.extract %slice3A_1331[0] : f32 from vector<1xf32>
        %broadcast_in_dim3A_1333 = vector.broadcast %squeeze3A_1332 : f32 to vector<16xf32>
        %add3A_1334 = arith.constant 20 : i32
        %add3A_1335 = arith.addi %mul3A_287, %add3A_1334 : i32
        %get3A_1336 = arith.index_cast %add3A_1335 : i32 to index
        %get3A_1337 = arith.constant 0 : index
        %get3A_1338 = tpu.vector_load %arg10[%get3A_1336, %get3A_1337] {strides = array<i32>} : memref<288x128xf32, #tpu.memory_space<vmem>>, vector<1x16xf32>,
        %get3A_1339 = vector.shape_cast %get3A_1338 : vector<1x16xf32> to vector<16xf32>
        %mul3A_1340 = arith.mulf %broadcast_in_dim3A_1333, %get3A_1339 : vector<16xf32>
        %add3A_1341 = arith.addf %add3A_1290, %mul3A_1340 : vector<16xf32>
        %add3A_1342 = arith.constant 20 : i32
        %add3A_1343 = arith.addi %mul3A_287, %add3A_1342 : i32
        %get3A_1344 = arith.index_cast %add3A_1343 : i32 to index
        %get3A_1345 = arith.constant 16 : index
        %get3A_1346 = tpu.vector_load %arg10[%get3A_1344, %get3A_1345] {strides = array<i32>} : memref<288x128xf32, #tpu.memory_space<vmem>>, vector<1x16xf32>,
        %get3A_1347 = vector.shape_cast %get3A_1346 : vector<1x16xf32> to vector<16xf32>
        %mul3A_1348 = arith.mulf %broadcast_in_dim3A_1333, %get3A_1347 : vector<16xf32>
        %add3A_1349 = arith.addf %add3A_1298, %mul3A_1348 : vector<16xf32>
        %add3A_1350 = arith.constant 20 : i32
        %add3A_1351 = arith.addi %mul3A_287, %add3A_1350 : i32
        %get3A_1352 = arith.index_cast %add3A_1351 : i32 to index
        %get3A_1353 = arith.constant 32 : index
        %get3A_1354 = tpu.vector_load %arg10[%get3A_1352, %get3A_1353] {strides = array<i32>} : memref<288x128xf32, #tpu.memory_space<vmem>>, vector<1x16xf32>,
        %get3A_1355 = vector.shape_cast %get3A_1354 : vector<1x16xf32> to vector<16xf32>
        %mul3A_1356 = arith.mulf %broadcast_in_dim3A_1333, %get3A_1355 : vector<16xf32>
        %add3A_1357 = arith.addf %add3A_1306, %mul3A_1356 : vector<16xf32>
        %add3A_1358 = arith.constant 20 : i32
        %add3A_1359 = arith.addi %mul3A_287, %add3A_1358 : i32
        %get3A_1360 = arith.index_cast %add3A_1359 : i32 to index
        %get3A_1361 = arith.constant 48 : index
        %get3A_1362 = tpu.vector_load %arg10[%get3A_1360, %get3A_1361] {strides = array<i32>} : memref<288x128xf32, #tpu.memory_space<vmem>>, vector<1x16xf32>,
        %get3A_1363 = vector.shape_cast %get3A_1362 : vector<1x16xf32> to vector<16xf32>
        %mul3A_1364 = arith.mulf %broadcast_in_dim3A_1333, %get3A_1363 : vector<16xf32>
        %add3A_1365 = arith.addf %add3A_1314, %mul3A_1364 : vector<16xf32>
        %add3A_1366 = arith.constant 20 : i32
        %add3A_1367 = arith.addi %mul3A_287, %add3A_1366 : i32
        %get3A_1368 = arith.index_cast %add3A_1367 : i32 to index
        %get3A_1369 = arith.constant 64 : index
        %get3A_1370 = tpu.vector_load %arg10[%get3A_1368, %get3A_1369] {strides = array<i32>} : memref<288x128xf32, #tpu.memory_space<vmem>>, vector<1x16xf32>,
        %get3A_1371 = vector.shape_cast %get3A_1370 : vector<1x16xf32> to vector<16xf32>
        %mul3A_1372 = arith.mulf %broadcast_in_dim3A_1333, %get3A_1371 : vector<16xf32>
        %add3A_1373 = arith.addf %add3A_1322, %mul3A_1372 : vector<16xf32>
        %add3A_1374 = arith.constant 20 : i32
        %add3A_1375 = arith.addi %mul3A_287, %add3A_1374 : i32
        %get3A_1376 = arith.index_cast %add3A_1375 : i32 to index
        %get3A_1377 = arith.constant 80 : index
        %get3A_1378 = tpu.vector_load %arg10[%get3A_1376, %get3A_1377] {strides = array<i32>} : memref<288x128xf32, #tpu.memory_space<vmem>>, vector<1x16xf32>,
        %get3A_1379 = vector.shape_cast %get3A_1378 : vector<1x16xf32> to vector<16xf32>
        %mul3A_1380 = arith.mulf %broadcast_in_dim3A_1333, %get3A_1379 : vector<16xf32>
        %add3A_1381 = arith.addf %add3A_1330, %mul3A_1380 : vector<16xf32>
        %slice3A_1382 = vector.extract_strided_slice %get3A_296 {offsets = [5], sizes = [1], strides = [1]} : vector<16xf32> to vector<1xf32>
        %squeeze3A_1383 = vector.extract %slice3A_1382[0] : f32 from vector<1xf32>
        %broadcast_in_dim3A_1384 = vector.broadcast %squeeze3A_1383 : f32 to vector<16xf32>
        %add3A_1385 = arith.constant 21 : i32
        %add3A_1386 = arith.addi %mul3A_287, %add3A_1385 : i32
        %get3A_1387 = arith.index_cast %add3A_1386 : i32 to index
        %get3A_1388 = arith.constant 0 : index
        %get3A_1389 = tpu.vector_load %arg10[%get3A_1387, %get3A_1388] {strides = array<i32>} : memref<288x128xf32, #tpu.memory_space<vmem>>, vector<1x16xf32>,
        %get3A_1390 = vector.shape_cast %get3A_1389 : vector<1x16xf32> to vector<16xf32>
        %mul3A_1391 = arith.mulf %broadcast_in_dim3A_1384, %get3A_1390 : vector<16xf32>
        %add3A_1392 = arith.addf %add3A_1341, %mul3A_1391 : vector<16xf32>
        %add3A_1393 = arith.constant 21 : i32
        %add3A_1394 = arith.addi %mul3A_287, %add3A_1393 : i32
        %get3A_1395 = arith.index_cast %add3A_1394 : i32 to index
        %get3A_1396 = arith.constant 16 : index
        %get3A_1397 = tpu.vector_load %arg10[%get3A_1395, %get3A_1396] {strides = array<i32>} : memref<288x128xf32, #tpu.memory_space<vmem>>, vector<1x16xf32>,
        %get3A_1398 = vector.shape_cast %get3A_1397 : vector<1x16xf32> to vector<16xf32>
        %mul3A_1399 = arith.mulf %broadcast_in_dim3A_1384, %get3A_1398 : vector<16xf32>
        %add3A_1400 = arith.addf %add3A_1349, %mul3A_1399 : vector<16xf32>
        %add3A_1401 = arith.constant 21 : i32
        %add3A_1402 = arith.addi %mul3A_287, %add3A_1401 : i32
        %get3A_1403 = arith.index_cast %add3A_1402 : i32 to index
        %get3A_1404 = arith.constant 32 : index
        %get3A_1405 = tpu.vector_load %arg10[%get3A_1403, %get3A_1404] {strides = array<i32>} : memref<288x128xf32, #tpu.memory_space<vmem>>, vector<1x16xf32>,
        %get3A_1406 = vector.shape_cast %get3A_1405 : vector<1x16xf32> to vector<16xf32>
        %mul3A_1407 = arith.mulf %broadcast_in_dim3A_1384, %get3A_1406 : vector<16xf32>
        %add3A_1408 = arith.addf %add3A_1357, %mul3A_1407 : vector<16xf32>
        %add3A_1409 = arith.constant 21 : i32
        %add3A_1410 = arith.addi %mul3A_287, %add3A_1409 : i32
        %get3A_1411 = arith.index_cast %add3A_1410 : i32 to index
        %get3A_1412 = arith.constant 48 : index
        %get3A_1413 = tpu.vector_load %arg10[%get3A_1411, %get3A_1412] {strides = array<i32>} : memref<288x128xf32, #tpu.memory_space<vmem>>, vector<1x16xf32>,
        %get3A_1414 = vector.shape_cast %get3A_1413 : vector<1x16xf32> to vector<16xf32>
        %mul3A_1415 = arith.mulf %broadcast_in_dim3A_1384, %get3A_1414 : vector<16xf32>
        %add3A_1416 = arith.addf %add3A_1365, %mul3A_1415 : vector<16xf32>
        %add3A_1417 = arith.constant 21 : i32
        %add3A_1418 = arith.addi %mul3A_287, %add3A_1417 : i32
        %get3A_1419 = arith.index_cast %add3A_1418 : i32 to index
        %get3A_1420 = arith.constant 64 : index
        %get3A_1421 = tpu.vector_load %arg10[%get3A_1419, %get3A_1420] {strides = array<i32>} : memref<288x128xf32, #tpu.memory_space<vmem>>, vector<1x16xf32>,
        %get3A_1422 = vector.shape_cast %get3A_1421 : vector<1x16xf32> to vector<16xf32>
        %mul3A_1423 = arith.mulf %broadcast_in_dim3A_1384, %get3A_1422 : vector<16xf32>
        %add3A_1424 = arith.addf %add3A_1373, %mul3A_1423 : vector<16xf32>
        %add3A_1425 = arith.constant 21 : i32
        %add3A_1426 = arith.addi %mul3A_287, %add3A_1425 : i32
        %get3A_1427 = arith.index_cast %add3A_1426 : i32 to index
        %get3A_1428 = arith.constant 80 : index
        %get3A_1429 = tpu.vector_load %arg10[%get3A_1427, %get3A_1428] {strides = array<i32>} : memref<288x128xf32, #tpu.memory_space<vmem>>, vector<1x16xf32>,
        %get3A_1430 = vector.shape_cast %get3A_1429 : vector<1x16xf32> to vector<16xf32>
        %mul3A_1431 = arith.mulf %broadcast_in_dim3A_1384, %get3A_1430 : vector<16xf32>
        %add3A_1432 = arith.addf %add3A_1381, %mul3A_1431 : vector<16xf32>
        %slice3A_1433 = vector.extract_strided_slice %get3A_296 {offsets = [6], sizes = [1], strides = [1]} : vector<16xf32> to vector<1xf32>
        %squeeze3A_1434 = vector.extract %slice3A_1433[0] : f32 from vector<1xf32>
        %broadcast_in_dim3A_1435 = vector.broadcast %squeeze3A_1434 : f32 to vector<16xf32>
        %add3A_1436 = arith.constant 22 : i32
        %add3A_1437 = arith.addi %mul3A_287, %add3A_1436 : i32
        %get3A_1438 = arith.index_cast %add3A_1437 : i32 to index
        %get3A_1439 = arith.constant 0 : index
        %get3A_1440 = tpu.vector_load %arg10[%get3A_1438, %get3A_1439] {strides = array<i32>} : memref<288x128xf32, #tpu.memory_space<vmem>>, vector<1x16xf32>,
        %get3A_1441 = vector.shape_cast %get3A_1440 : vector<1x16xf32> to vector<16xf32>
        %mul3A_1442 = arith.mulf %broadcast_in_dim3A_1435, %get3A_1441 : vector<16xf32>
        %add3A_1443 = arith.addf %add3A_1392, %mul3A_1442 : vector<16xf32>
        %add3A_1444 = arith.constant 22 : i32
        %add3A_1445 = arith.addi %mul3A_287, %add3A_1444 : i32
        %get3A_1446 = arith.index_cast %add3A_1445 : i32 to index
        %get3A_1447 = arith.constant 16 : index
        %get3A_1448 = tpu.vector_load %arg10[%get3A_1446, %get3A_1447] {strides = array<i32>} : memref<288x128xf32, #tpu.memory_space<vmem>>, vector<1x16xf32>,
        %get3A_1449 = vector.shape_cast %get3A_1448 : vector<1x16xf32> to vector<16xf32>
        %mul3A_1450 = arith.mulf %broadcast_in_dim3A_1435, %get3A_1449 : vector<16xf32>
        %add3A_1451 = arith.addf %add3A_1400, %mul3A_1450 : vector<16xf32>
        %add3A_1452 = arith.constant 22 : i32
        %add3A_1453 = arith.addi %mul3A_287, %add3A_1452 : i32
        %get3A_1454 = arith.index_cast %add3A_1453 : i32 to index
        %get3A_1455 = arith.constant 32 : index
        %get3A_1456 = tpu.vector_load %arg10[%get3A_1454, %get3A_1455] {strides = array<i32>} : memref<288x128xf32, #tpu.memory_space<vmem>>, vector<1x16xf32>,
        %get3A_1457 = vector.shape_cast %get3A_1456 : vector<1x16xf32> to vector<16xf32>
        %mul3A_1458 = arith.mulf %broadcast_in_dim3A_1435, %get3A_1457 : vector<16xf32>
        %add3A_1459 = arith.addf %add3A_1408, %mul3A_1458 : vector<16xf32>
        %add3A_1460 = arith.constant 22 : i32
        %add3A_1461 = arith.addi %mul3A_287, %add3A_1460 : i32
        %get3A_1462 = arith.index_cast %add3A_1461 : i32 to index
        %get3A_1463 = arith.constant 48 : index
        %get3A_1464 = tpu.vector_load %arg10[%get3A_1462, %get3A_1463] {strides = array<i32>} : memref<288x128xf32, #tpu.memory_space<vmem>>, vector<1x16xf32>,
        %get3A_1465 = vector.shape_cast %get3A_1464 : vector<1x16xf32> to vector<16xf32>
        %mul3A_1466 = arith.mulf %broadcast_in_dim3A_1435, %get3A_1465 : vector<16xf32>
        %add3A_1467 = arith.addf %add3A_1416, %mul3A_1466 : vector<16xf32>
        %add3A_1468 = arith.constant 22 : i32
        %add3A_1469 = arith.addi %mul3A_287, %add3A_1468 : i32
        %get3A_1470 = arith.index_cast %add3A_1469 : i32 to index
        %get3A_1471 = arith.constant 64 : index
        %get3A_1472 = tpu.vector_load %arg10[%get3A_1470, %get3A_1471] {strides = array<i32>} : memref<288x128xf32, #tpu.memory_space<vmem>>, vector<1x16xf32>,
        %get3A_1473 = vector.shape_cast %get3A_1472 : vector<1x16xf32> to vector<16xf32>
        %mul3A_1474 = arith.mulf %broadcast_in_dim3A_1435, %get3A_1473 : vector<16xf32>
        %add3A_1475 = arith.addf %add3A_1424, %mul3A_1474 : vector<16xf32>
        %add3A_1476 = arith.constant 22 : i32
        %add3A_1477 = arith.addi %mul3A_287, %add3A_1476 : i32
        %get3A_1478 = arith.index_cast %add3A_1477 : i32 to index
        %get3A_1479 = arith.constant 80 : index
        %get3A_1480 = tpu.vector_load %arg10[%get3A_1478, %get3A_1479] {strides = array<i32>} : memref<288x128xf32, #tpu.memory_space<vmem>>, vector<1x16xf32>,
        %get3A_1481 = vector.shape_cast %get3A_1480 : vector<1x16xf32> to vector<16xf32>
        %mul3A_1482 = arith.mulf %broadcast_in_dim3A_1435, %get3A_1481 : vector<16xf32>
        %add3A_1483 = arith.addf %add3A_1432, %mul3A_1482 : vector<16xf32>
        %slice3A_1484 = vector.extract_strided_slice %get3A_296 {offsets = [7], sizes = [1], strides = [1]} : vector<16xf32> to vector<1xf32>
        %squeeze3A_1485 = vector.extract %slice3A_1484[0] : f32 from vector<1xf32>
        %broadcast_in_dim3A_1486 = vector.broadcast %squeeze3A_1485 : f32 to vector<16xf32>
        %add3A_1487 = arith.constant 23 : i32
        %add3A_1488 = arith.addi %mul3A_287, %add3A_1487 : i32
        %get3A_1489 = arith.index_cast %add3A_1488 : i32 to index
        %get3A_1490 = arith.constant 0 : index
        %get3A_1491 = tpu.vector_load %arg10[%get3A_1489, %get3A_1490] {strides = array<i32>} : memref<288x128xf32, #tpu.memory_space<vmem>>, vector<1x16xf32>,
        %get3A_1492 = vector.shape_cast %get3A_1491 : vector<1x16xf32> to vector<16xf32>
        %mul3A_1493 = arith.mulf %broadcast_in_dim3A_1486, %get3A_1492 : vector<16xf32>
        %add3A_1494 = arith.addf %add3A_1443, %mul3A_1493 : vector<16xf32>
        %add3A_1495 = arith.constant 23 : i32
        %add3A_1496 = arith.addi %mul3A_287, %add3A_1495 : i32
        %get3A_1497 = arith.index_cast %add3A_1496 : i32 to index
        %get3A_1498 = arith.constant 16 : index
        %get3A_1499 = tpu.vector_load %arg10[%get3A_1497, %get3A_1498] {strides = array<i32>} : memref<288x128xf32, #tpu.memory_space<vmem>>, vector<1x16xf32>,
        %get3A_1500 = vector.shape_cast %get3A_1499 : vector<1x16xf32> to vector<16xf32>
        %mul3A_1501 = arith.mulf %broadcast_in_dim3A_1486, %get3A_1500 : vector<16xf32>
        %add3A_1502 = arith.addf %add3A_1451, %mul3A_1501 : vector<16xf32>
        %add3A_1503 = arith.constant 23 : i32
        %add3A_1504 = arith.addi %mul3A_287, %add3A_1503 : i32
        %get3A_1505 = arith.index_cast %add3A_1504 : i32 to index
        %get3A_1506 = arith.constant 32 : index
        %get3A_1507 = tpu.vector_load %arg10[%get3A_1505, %get3A_1506] {strides = array<i32>} : memref<288x128xf32, #tpu.memory_space<vmem>>, vector<1x16xf32>,
        %get3A_1508 = vector.shape_cast %get3A_1507 : vector<1x16xf32> to vector<16xf32>
        %mul3A_1509 = arith.mulf %broadcast_in_dim3A_1486, %get3A_1508 : vector<16xf32>
        %add3A_1510 = arith.addf %add3A_1459, %mul3A_1509 : vector<16xf32>
        %add3A_1511 = arith.constant 23 : i32
        %add3A_1512 = arith.addi %mul3A_287, %add3A_1511 : i32
        %get3A_1513 = arith.index_cast %add3A_1512 : i32 to index
        %get3A_1514 = arith.constant 48 : index
        %get3A_1515 = tpu.vector_load %arg10[%get3A_1513, %get3A_1514] {strides = array<i32>} : memref<288x128xf32, #tpu.memory_space<vmem>>, vector<1x16xf32>,
        %get3A_1516 = vector.shape_cast %get3A_1515 : vector<1x16xf32> to vector<16xf32>
        %mul3A_1517 = arith.mulf %broadcast_in_dim3A_1486, %get3A_1516 : vector<16xf32>
        %add3A_1518 = arith.addf %add3A_1467, %mul3A_1517 : vector<16xf32>
        %add3A_1519 = arith.constant 23 : i32
        %add3A_1520 = arith.addi %mul3A_287, %add3A_1519 : i32
        %get3A_1521 = arith.index_cast %add3A_1520 : i32 to index
        %get3A_1522 = arith.constant 64 : index
        %get3A_1523 = tpu.vector_load %arg10[%get3A_1521, %get3A_1522] {strides = array<i32>} : memref<288x128xf32, #tpu.memory_space<vmem>>, vector<1x16xf32>,
        %get3A_1524 = vector.shape_cast %get3A_1523 : vector<1x16xf32> to vector<16xf32>
        %mul3A_1525 = arith.mulf %broadcast_in_dim3A_1486, %get3A_1524 : vector<16xf32>
        %add3A_1526 = arith.addf %add3A_1475, %mul3A_1525 : vector<16xf32>
        %add3A_1527 = arith.constant 23 : i32
        %add3A_1528 = arith.addi %mul3A_287, %add3A_1527 : i32
        %get3A_1529 = arith.index_cast %add3A_1528 : i32 to index
        %get3A_1530 = arith.constant 80 : index
        %get3A_1531 = tpu.vector_load %arg10[%get3A_1529, %get3A_1530] {strides = array<i32>} : memref<288x128xf32, #tpu.memory_space<vmem>>, vector<1x16xf32>,
        %get3A_1532 = vector.shape_cast %get3A_1531 : vector<1x16xf32> to vector<16xf32>
        %mul3A_1533 = arith.mulf %broadcast_in_dim3A_1486, %get3A_1532 : vector<16xf32>
        %add3A_1534 = arith.addf %add3A_1483, %mul3A_1533 : vector<16xf32>
        %slice3A_1535 = vector.extract_strided_slice %get3A_296 {offsets = [8], sizes = [1], strides = [1]} : vector<16xf32> to vector<1xf32>
        %squeeze3A_1536 = vector.extract %slice3A_1535[0] : f32 from vector<1xf32>
        %broadcast_in_dim3A_1537 = vector.broadcast %squeeze3A_1536 : f32 to vector<16xf32>
        %add3A_1538 = arith.constant 24 : i32
        %add3A_1539 = arith.addi %mul3A_287, %add3A_1538 : i32
        %get3A_1540 = arith.index_cast %add3A_1539 : i32 to index
        %get3A_1541 = arith.constant 0 : index
        %get3A_1542 = tpu.vector_load %arg10[%get3A_1540, %get3A_1541] {strides = array<i32>} : memref<288x128xf32, #tpu.memory_space<vmem>>, vector<1x16xf32>,
        %get3A_1543 = vector.shape_cast %get3A_1542 : vector<1x16xf32> to vector<16xf32>
        %mul3A_1544 = arith.mulf %broadcast_in_dim3A_1537, %get3A_1543 : vector<16xf32>
        %add3A_1545 = arith.addf %add3A_1494, %mul3A_1544 : vector<16xf32>
        %add3A_1546 = arith.constant 24 : i32
        %add3A_1547 = arith.addi %mul3A_287, %add3A_1546 : i32
        %get3A_1548 = arith.index_cast %add3A_1547 : i32 to index
        %get3A_1549 = arith.constant 16 : index
        %get3A_1550 = tpu.vector_load %arg10[%get3A_1548, %get3A_1549] {strides = array<i32>} : memref<288x128xf32, #tpu.memory_space<vmem>>, vector<1x16xf32>,
        %get3A_1551 = vector.shape_cast %get3A_1550 : vector<1x16xf32> to vector<16xf32>
        %mul3A_1552 = arith.mulf %broadcast_in_dim3A_1537, %get3A_1551 : vector<16xf32>
        %add3A_1553 = arith.addf %add3A_1502, %mul3A_1552 : vector<16xf32>
        %add3A_1554 = arith.constant 24 : i32
        %add3A_1555 = arith.addi %mul3A_287, %add3A_1554 : i32
        %get3A_1556 = arith.index_cast %add3A_1555 : i32 to index
        %get3A_1557 = arith.constant 32 : index
        %get3A_1558 = tpu.vector_load %arg10[%get3A_1556, %get3A_1557] {strides = array<i32>} : memref<288x128xf32, #tpu.memory_space<vmem>>, vector<1x16xf32>,
        %get3A_1559 = vector.shape_cast %get3A_1558 : vector<1x16xf32> to vector<16xf32>
        %mul3A_1560 = arith.mulf %broadcast_in_dim3A_1537, %get3A_1559 : vector<16xf32>
        %add3A_1561 = arith.addf %add3A_1510, %mul3A_1560 : vector<16xf32>
        %add3A_1562 = arith.constant 24 : i32
        %add3A_1563 = arith.addi %mul3A_287, %add3A_1562 : i32
        %get3A_1564 = arith.index_cast %add3A_1563 : i32 to index
        %get3A_1565 = arith.constant 48 : index
        %get3A_1566 = tpu.vector_load %arg10[%get3A_1564, %get3A_1565] {strides = array<i32>} : memref<288x128xf32, #tpu.memory_space<vmem>>, vector<1x16xf32>,
        %get3A_1567 = vector.shape_cast %get3A_1566 : vector<1x16xf32> to vector<16xf32>
        %mul3A_1568 = arith.mulf %broadcast_in_dim3A_1537, %get3A_1567 : vector<16xf32>
        %add3A_1569 = arith.addf %add3A_1518, %mul3A_1568 : vector<16xf32>
        %add3A_1570 = arith.constant 24 : i32
        %add3A_1571 = arith.addi %mul3A_287, %add3A_1570 : i32
        %get3A_1572 = arith.index_cast %add3A_1571 : i32 to index
        %get3A_1573 = arith.constant 64 : index
        %get3A_1574 = tpu.vector_load %arg10[%get3A_1572, %get3A_1573] {strides = array<i32>} : memref<288x128xf32, #tpu.memory_space<vmem>>, vector<1x16xf32>,
        %get3A_1575 = vector.shape_cast %get3A_1574 : vector<1x16xf32> to vector<16xf32>
        %mul3A_1576 = arith.mulf %broadcast_in_dim3A_1537, %get3A_1575 : vector<16xf32>
        %add3A_1577 = arith.addf %add3A_1526, %mul3A_1576 : vector<16xf32>
        %add3A_1578 = arith.constant 24 : i32
        %add3A_1579 = arith.addi %mul3A_287, %add3A_1578 : i32
        %get3A_1580 = arith.index_cast %add3A_1579 : i32 to index
        %get3A_1581 = arith.constant 80 : index
        %get3A_1582 = tpu.vector_load %arg10[%get3A_1580, %get3A_1581] {strides = array<i32>} : memref<288x128xf32, #tpu.memory_space<vmem>>, vector<1x16xf32>,
        %get3A_1583 = vector.shape_cast %get3A_1582 : vector<1x16xf32> to vector<16xf32>
        %mul3A_1584 = arith.mulf %broadcast_in_dim3A_1537, %get3A_1583 : vector<16xf32>
        %add3A_1585 = arith.addf %add3A_1534, %mul3A_1584 : vector<16xf32>
        %slice3A_1586 = vector.extract_strided_slice %get3A_296 {offsets = [9], sizes = [1], strides = [1]} : vector<16xf32> to vector<1xf32>
        %squeeze3A_1587 = vector.extract %slice3A_1586[0] : f32 from vector<1xf32>
        %broadcast_in_dim3A_1588 = vector.broadcast %squeeze3A_1587 : f32 to vector<16xf32>
        %add3A_1589 = arith.constant 25 : i32
        %add3A_1590 = arith.addi %mul3A_287, %add3A_1589 : i32
        %get3A_1591 = arith.index_cast %add3A_1590 : i32 to index
        %get3A_1592 = arith.constant 0 : index
        %get3A_1593 = tpu.vector_load %arg10[%get3A_1591, %get3A_1592] {strides = array<i32>} : memref<288x128xf32, #tpu.memory_space<vmem>>, vector<1x16xf32>,
        %get3A_1594 = vector.shape_cast %get3A_1593 : vector<1x16xf32> to vector<16xf32>
        %mul3A_1595 = arith.mulf %broadcast_in_dim3A_1588, %get3A_1594 : vector<16xf32>
        %add3A_1596 = arith.addf %add3A_1545, %mul3A_1595 : vector<16xf32>
        %add3A_1597 = arith.constant 25 : i32
        %add3A_1598 = arith.addi %mul3A_287, %add3A_1597 : i32
        %get3A_1599 = arith.index_cast %add3A_1598 : i32 to index
        %get3A_1600 = arith.constant 16 : index
        %get3A_1601 = tpu.vector_load %arg10[%get3A_1599, %get3A_1600] {strides = array<i32>} : memref<288x128xf32, #tpu.memory_space<vmem>>, vector<1x16xf32>,
        %get3A_1602 = vector.shape_cast %get3A_1601 : vector<1x16xf32> to vector<16xf32>
        %mul3A_1603 = arith.mulf %broadcast_in_dim3A_1588, %get3A_1602 : vector<16xf32>
        %add3A_1604 = arith.addf %add3A_1553, %mul3A_1603 : vector<16xf32>
        %add3A_1605 = arith.constant 25 : i32
        %add3A_1606 = arith.addi %mul3A_287, %add3A_1605 : i32
        %get3A_1607 = arith.index_cast %add3A_1606 : i32 to index
        %get3A_1608 = arith.constant 32 : index
        %get3A_1609 = tpu.vector_load %arg10[%get3A_1607, %get3A_1608] {strides = array<i32>} : memref<288x128xf32, #tpu.memory_space<vmem>>, vector<1x16xf32>,
        %get3A_1610 = vector.shape_cast %get3A_1609 : vector<1x16xf32> to vector<16xf32>
        %mul3A_1611 = arith.mulf %broadcast_in_dim3A_1588, %get3A_1610 : vector<16xf32>
        %add3A_1612 = arith.addf %add3A_1561, %mul3A_1611 : vector<16xf32>
        %add3A_1613 = arith.constant 25 : i32
        %add3A_1614 = arith.addi %mul3A_287, %add3A_1613 : i32
        %get3A_1615 = arith.index_cast %add3A_1614 : i32 to index
        %get3A_1616 = arith.constant 48 : index
        %get3A_1617 = tpu.vector_load %arg10[%get3A_1615, %get3A_1616] {strides = array<i32>} : memref<288x128xf32, #tpu.memory_space<vmem>>, vector<1x16xf32>,
        %get3A_1618 = vector.shape_cast %get3A_1617 : vector<1x16xf32> to vector<16xf32>
        %mul3A_1619 = arith.mulf %broadcast_in_dim3A_1588, %get3A_1618 : vector<16xf32>
        %add3A_1620 = arith.addf %add3A_1569, %mul3A_1619 : vector<16xf32>
        %add3A_1621 = arith.constant 25 : i32
        %add3A_1622 = arith.addi %mul3A_287, %add3A_1621 : i32
        %get3A_1623 = arith.index_cast %add3A_1622 : i32 to index
        %get3A_1624 = arith.constant 64 : index
        %get3A_1625 = tpu.vector_load %arg10[%get3A_1623, %get3A_1624] {strides = array<i32>} : memref<288x128xf32, #tpu.memory_space<vmem>>, vector<1x16xf32>,
        %get3A_1626 = vector.shape_cast %get3A_1625 : vector<1x16xf32> to vector<16xf32>
        %mul3A_1627 = arith.mulf %broadcast_in_dim3A_1588, %get3A_1626 : vector<16xf32>
        %add3A_1628 = arith.addf %add3A_1577, %mul3A_1627 : vector<16xf32>
        %add3A_1629 = arith.constant 25 : i32
        %add3A_1630 = arith.addi %mul3A_287, %add3A_1629 : i32
        %get3A_1631 = arith.index_cast %add3A_1630 : i32 to index
        %get3A_1632 = arith.constant 80 : index
        %get3A_1633 = tpu.vector_load %arg10[%get3A_1631, %get3A_1632] {strides = array<i32>} : memref<288x128xf32, #tpu.memory_space<vmem>>, vector<1x16xf32>,
        %get3A_1634 = vector.shape_cast %get3A_1633 : vector<1x16xf32> to vector<16xf32>
        %mul3A_1635 = arith.mulf %broadcast_in_dim3A_1588, %get3A_1634 : vector<16xf32>
        %add3A_1636 = arith.addf %add3A_1585, %mul3A_1635 : vector<16xf32>
        %slice3A_1637 = vector.extract_strided_slice %get3A_296 {offsets = [10], sizes = [1], strides = [1]} : vector<16xf32> to vector<1xf32>
        %squeeze3A_1638 = vector.extract %slice3A_1637[0] : f32 from vector<1xf32>
        %broadcast_in_dim3A_1639 = vector.broadcast %squeeze3A_1638 : f32 to vector<16xf32>
        %add3A_1640 = arith.constant 26 : i32
        %add3A_1641 = arith.addi %mul3A_287, %add3A_1640 : i32
        %get3A_1642 = arith.index_cast %add3A_1641 : i32 to index
        %get3A_1643 = arith.constant 0 : index
        %get3A_1644 = tpu.vector_load %arg10[%get3A_1642, %get3A_1643] {strides = array<i32>} : memref<288x128xf32, #tpu.memory_space<vmem>>, vector<1x16xf32>,
        %get3A_1645 = vector.shape_cast %get3A_1644 : vector<1x16xf32> to vector<16xf32>
        %mul3A_1646 = arith.mulf %broadcast_in_dim3A_1639, %get3A_1645 : vector<16xf32>
        %add3A_1647 = arith.addf %add3A_1596, %mul3A_1646 : vector<16xf32>
        %add3A_1648 = arith.constant 26 : i32
        %add3A_1649 = arith.addi %mul3A_287, %add3A_1648 : i32
        %get3A_1650 = arith.index_cast %add3A_1649 : i32 to index
        %get3A_1651 = arith.constant 16 : index
        %get3A_1652 = tpu.vector_load %arg10[%get3A_1650, %get3A_1651] {strides = array<i32>} : memref<288x128xf32, #tpu.memory_space<vmem>>, vector<1x16xf32>,
        %get3A_1653 = vector.shape_cast %get3A_1652 : vector<1x16xf32> to vector<16xf32>
        %mul3A_1654 = arith.mulf %broadcast_in_dim3A_1639, %get3A_1653 : vector<16xf32>
        %add3A_1655 = arith.addf %add3A_1604, %mul3A_1654 : vector<16xf32>
        %add3A_1656 = arith.constant 26 : i32
        %add3A_1657 = arith.addi %mul3A_287, %add3A_1656 : i32
        %get3A_1658 = arith.index_cast %add3A_1657 : i32 to index
        %get3A_1659 = arith.constant 32 : index
        %get3A_1660 = tpu.vector_load %arg10[%get3A_1658, %get3A_1659] {strides = array<i32>} : memref<288x128xf32, #tpu.memory_space<vmem>>, vector<1x16xf32>,
        %get3A_1661 = vector.shape_cast %get3A_1660 : vector<1x16xf32> to vector<16xf32>
        %mul3A_1662 = arith.mulf %broadcast_in_dim3A_1639, %get3A_1661 : vector<16xf32>
        %add3A_1663 = arith.addf %add3A_1612, %mul3A_1662 : vector<16xf32>
        %add3A_1664 = arith.constant 26 : i32
        %add3A_1665 = arith.addi %mul3A_287, %add3A_1664 : i32
        %get3A_1666 = arith.index_cast %add3A_1665 : i32 to index
        %get3A_1667 = arith.constant 48 : index
        %get3A_1668 = tpu.vector_load %arg10[%get3A_1666, %get3A_1667] {strides = array<i32>} : memref<288x128xf32, #tpu.memory_space<vmem>>, vector<1x16xf32>,
        %get3A_1669 = vector.shape_cast %get3A_1668 : vector<1x16xf32> to vector<16xf32>
        %mul3A_1670 = arith.mulf %broadcast_in_dim3A_1639, %get3A_1669 : vector<16xf32>
        %add3A_1671 = arith.addf %add3A_1620, %mul3A_1670 : vector<16xf32>
        %add3A_1672 = arith.constant 26 : i32
        %add3A_1673 = arith.addi %mul3A_287, %add3A_1672 : i32
        %get3A_1674 = arith.index_cast %add3A_1673 : i32 to index
        %get3A_1675 = arith.constant 64 : index
        %get3A_1676 = tpu.vector_load %arg10[%get3A_1674, %get3A_1675] {strides = array<i32>} : memref<288x128xf32, #tpu.memory_space<vmem>>, vector<1x16xf32>,
        %get3A_1677 = vector.shape_cast %get3A_1676 : vector<1x16xf32> to vector<16xf32>
        %mul3A_1678 = arith.mulf %broadcast_in_dim3A_1639, %get3A_1677 : vector<16xf32>
        %add3A_1679 = arith.addf %add3A_1628, %mul3A_1678 : vector<16xf32>
        %add3A_1680 = arith.constant 26 : i32
        %add3A_1681 = arith.addi %mul3A_287, %add3A_1680 : i32
        %get3A_1682 = arith.index_cast %add3A_1681 : i32 to index
        %get3A_1683 = arith.constant 80 : index
        %get3A_1684 = tpu.vector_load %arg10[%get3A_1682, %get3A_1683] {strides = array<i32>} : memref<288x128xf32, #tpu.memory_space<vmem>>, vector<1x16xf32>,
        %get3A_1685 = vector.shape_cast %get3A_1684 : vector<1x16xf32> to vector<16xf32>
        %mul3A_1686 = arith.mulf %broadcast_in_dim3A_1639, %get3A_1685 : vector<16xf32>
        %add3A_1687 = arith.addf %add3A_1636, %mul3A_1686 : vector<16xf32>
        %slice3A_1688 = vector.extract_strided_slice %get3A_296 {offsets = [11], sizes = [1], strides = [1]} : vector<16xf32> to vector<1xf32>
        %squeeze3A_1689 = vector.extract %slice3A_1688[0] : f32 from vector<1xf32>
        %broadcast_in_dim3A_1690 = vector.broadcast %squeeze3A_1689 : f32 to vector<16xf32>
        %add3A_1691 = arith.constant 27 : i32
        %add3A_1692 = arith.addi %mul3A_287, %add3A_1691 : i32
        %get3A_1693 = arith.index_cast %add3A_1692 : i32 to index
        %get3A_1694 = arith.constant 0 : index
        %get3A_1695 = tpu.vector_load %arg10[%get3A_1693, %get3A_1694] {strides = array<i32>} : memref<288x128xf32, #tpu.memory_space<vmem>>, vector<1x16xf32>,
        %get3A_1696 = vector.shape_cast %get3A_1695 : vector<1x16xf32> to vector<16xf32>
        %mul3A_1697 = arith.mulf %broadcast_in_dim3A_1690, %get3A_1696 : vector<16xf32>
        %add3A_1698 = arith.addf %add3A_1647, %mul3A_1697 : vector<16xf32>
        %add3A_1699 = arith.constant 27 : i32
        %add3A_1700 = arith.addi %mul3A_287, %add3A_1699 : i32
        %get3A_1701 = arith.index_cast %add3A_1700 : i32 to index
        %get3A_1702 = arith.constant 16 : index
        %get3A_1703 = tpu.vector_load %arg10[%get3A_1701, %get3A_1702] {strides = array<i32>} : memref<288x128xf32, #tpu.memory_space<vmem>>, vector<1x16xf32>,
        %get3A_1704 = vector.shape_cast %get3A_1703 : vector<1x16xf32> to vector<16xf32>
        %mul3A_1705 = arith.mulf %broadcast_in_dim3A_1690, %get3A_1704 : vector<16xf32>
        %add3A_1706 = arith.addf %add3A_1655, %mul3A_1705 : vector<16xf32>
        %add3A_1707 = arith.constant 27 : i32
        %add3A_1708 = arith.addi %mul3A_287, %add3A_1707 : i32
        %get3A_1709 = arith.index_cast %add3A_1708 : i32 to index
        %get3A_1710 = arith.constant 32 : index
        %get3A_1711 = tpu.vector_load %arg10[%get3A_1709, %get3A_1710] {strides = array<i32>} : memref<288x128xf32, #tpu.memory_space<vmem>>, vector<1x16xf32>,
        %get3A_1712 = vector.shape_cast %get3A_1711 : vector<1x16xf32> to vector<16xf32>
        %mul3A_1713 = arith.mulf %broadcast_in_dim3A_1690, %get3A_1712 : vector<16xf32>
        %add3A_1714 = arith.addf %add3A_1663, %mul3A_1713 : vector<16xf32>
        %add3A_1715 = arith.constant 27 : i32
        %add3A_1716 = arith.addi %mul3A_287, %add3A_1715 : i32
        %get3A_1717 = arith.index_cast %add3A_1716 : i32 to index
        %get3A_1718 = arith.constant 48 : index
        %get3A_1719 = tpu.vector_load %arg10[%get3A_1717, %get3A_1718] {strides = array<i32>} : memref<288x128xf32, #tpu.memory_space<vmem>>, vector<1x16xf32>,
        %get3A_1720 = vector.shape_cast %get3A_1719 : vector<1x16xf32> to vector<16xf32>
        %mul3A_1721 = arith.mulf %broadcast_in_dim3A_1690, %get3A_1720 : vector<16xf32>
        %add3A_1722 = arith.addf %add3A_1671, %mul3A_1721 : vector<16xf32>
        %add3A_1723 = arith.constant 27 : i32
        %add3A_1724 = arith.addi %mul3A_287, %add3A_1723 : i32
        %get3A_1725 = arith.index_cast %add3A_1724 : i32 to index
        %get3A_1726 = arith.constant 64 : index
        %get3A_1727 = tpu.vector_load %arg10[%get3A_1725, %get3A_1726] {strides = array<i32>} : memref<288x128xf32, #tpu.memory_space<vmem>>, vector<1x16xf32>,
        %get3A_1728 = vector.shape_cast %get3A_1727 : vector<1x16xf32> to vector<16xf32>
        %mul3A_1729 = arith.mulf %broadcast_in_dim3A_1690, %get3A_1728 : vector<16xf32>
        %add3A_1730 = arith.addf %add3A_1679, %mul3A_1729 : vector<16xf32>
        %add3A_1731 = arith.constant 27 : i32
        %add3A_1732 = arith.addi %mul3A_287, %add3A_1731 : i32
        %get3A_1733 = arith.index_cast %add3A_1732 : i32 to index
        %get3A_1734 = arith.constant 80 : index
        %get3A_1735 = tpu.vector_load %arg10[%get3A_1733, %get3A_1734] {strides = array<i32>} : memref<288x128xf32, #tpu.memory_space<vmem>>, vector<1x16xf32>,
        %get3A_1736 = vector.shape_cast %get3A_1735 : vector<1x16xf32> to vector<16xf32>
        %mul3A_1737 = arith.mulf %broadcast_in_dim3A_1690, %get3A_1736 : vector<16xf32>
        %add3A_1738 = arith.addf %add3A_1687, %mul3A_1737 : vector<16xf32>
        %slice3A_1739 = vector.extract_strided_slice %get3A_296 {offsets = [12], sizes = [1], strides = [1]} : vector<16xf32> to vector<1xf32>
        %squeeze3A_1740 = vector.extract %slice3A_1739[0] : f32 from vector<1xf32>
        %broadcast_in_dim3A_1741 = vector.broadcast %squeeze3A_1740 : f32 to vector<16xf32>
        %add3A_1742 = arith.constant 28 : i32
        %add3A_1743 = arith.addi %mul3A_287, %add3A_1742 : i32
        %get3A_1744 = arith.index_cast %add3A_1743 : i32 to index
        %get3A_1745 = arith.constant 0 : index
        %get3A_1746 = tpu.vector_load %arg10[%get3A_1744, %get3A_1745] {strides = array<i32>} : memref<288x128xf32, #tpu.memory_space<vmem>>, vector<1x16xf32>,
        %get3A_1747 = vector.shape_cast %get3A_1746 : vector<1x16xf32> to vector<16xf32>
        %mul3A_1748 = arith.mulf %broadcast_in_dim3A_1741, %get3A_1747 : vector<16xf32>
        %add3A_1749 = arith.addf %add3A_1698, %mul3A_1748 : vector<16xf32>
        %add3A_1750 = arith.constant 28 : i32
        %add3A_1751 = arith.addi %mul3A_287, %add3A_1750 : i32
        %get3A_1752 = arith.index_cast %add3A_1751 : i32 to index
        %get3A_1753 = arith.constant 16 : index
        %get3A_1754 = tpu.vector_load %arg10[%get3A_1752, %get3A_1753] {strides = array<i32>} : memref<288x128xf32, #tpu.memory_space<vmem>>, vector<1x16xf32>,
        %get3A_1755 = vector.shape_cast %get3A_1754 : vector<1x16xf32> to vector<16xf32>
        %mul3A_1756 = arith.mulf %broadcast_in_dim3A_1741, %get3A_1755 : vector<16xf32>
        %add3A_1757 = arith.addf %add3A_1706, %mul3A_1756 : vector<16xf32>
        %add3A_1758 = arith.constant 28 : i32
        %add3A_1759 = arith.addi %mul3A_287, %add3A_1758 : i32
        %get3A_1760 = arith.index_cast %add3A_1759 : i32 to index
        %get3A_1761 = arith.constant 32 : index
        %get3A_1762 = tpu.vector_load %arg10[%get3A_1760, %get3A_1761] {strides = array<i32>} : memref<288x128xf32, #tpu.memory_space<vmem>>, vector<1x16xf32>,
        %get3A_1763 = vector.shape_cast %get3A_1762 : vector<1x16xf32> to vector<16xf32>
        %mul3A_1764 = arith.mulf %broadcast_in_dim3A_1741, %get3A_1763 : vector<16xf32>
        %add3A_1765 = arith.addf %add3A_1714, %mul3A_1764 : vector<16xf32>
        %add3A_1766 = arith.constant 28 : i32
        %add3A_1767 = arith.addi %mul3A_287, %add3A_1766 : i32
        %get3A_1768 = arith.index_cast %add3A_1767 : i32 to index
        %get3A_1769 = arith.constant 48 : index
        %get3A_1770 = tpu.vector_load %arg10[%get3A_1768, %get3A_1769] {strides = array<i32>} : memref<288x128xf32, #tpu.memory_space<vmem>>, vector<1x16xf32>,
        %get3A_1771 = vector.shape_cast %get3A_1770 : vector<1x16xf32> to vector<16xf32>
        %mul3A_1772 = arith.mulf %broadcast_in_dim3A_1741, %get3A_1771 : vector<16xf32>
        %add3A_1773 = arith.addf %add3A_1722, %mul3A_1772 : vector<16xf32>
        %add3A_1774 = arith.constant 28 : i32
        %add3A_1775 = arith.addi %mul3A_287, %add3A_1774 : i32
        %get3A_1776 = arith.index_cast %add3A_1775 : i32 to index
        %get3A_1777 = arith.constant 64 : index
        %get3A_1778 = tpu.vector_load %arg10[%get3A_1776, %get3A_1777] {strides = array<i32>} : memref<288x128xf32, #tpu.memory_space<vmem>>, vector<1x16xf32>,
        %get3A_1779 = vector.shape_cast %get3A_1778 : vector<1x16xf32> to vector<16xf32>
        %mul3A_1780 = arith.mulf %broadcast_in_dim3A_1741, %get3A_1779 : vector<16xf32>
        %add3A_1781 = arith.addf %add3A_1730, %mul3A_1780 : vector<16xf32>
        %add3A_1782 = arith.constant 28 : i32
        %add3A_1783 = arith.addi %mul3A_287, %add3A_1782 : i32
        %get3A_1784 = arith.index_cast %add3A_1783 : i32 to index
        %get3A_1785 = arith.constant 80 : index
        %get3A_1786 = tpu.vector_load %arg10[%get3A_1784, %get3A_1785] {strides = array<i32>} : memref<288x128xf32, #tpu.memory_space<vmem>>, vector<1x16xf32>,
        %get3A_1787 = vector.shape_cast %get3A_1786 : vector<1x16xf32> to vector<16xf32>
        %mul3A_1788 = arith.mulf %broadcast_in_dim3A_1741, %get3A_1787 : vector<16xf32>
        %add3A_1789 = arith.addf %add3A_1738, %mul3A_1788 : vector<16xf32>
        %slice3A_1790 = vector.extract_strided_slice %get3A_296 {offsets = [13], sizes = [1], strides = [1]} : vector<16xf32> to vector<1xf32>
        %squeeze3A_1791 = vector.extract %slice3A_1790[0] : f32 from vector<1xf32>
        %broadcast_in_dim3A_1792 = vector.broadcast %squeeze3A_1791 : f32 to vector<16xf32>
        %add3A_1793 = arith.constant 29 : i32
        %add3A_1794 = arith.addi %mul3A_287, %add3A_1793 : i32
        %get3A_1795 = arith.index_cast %add3A_1794 : i32 to index
        %get3A_1796 = arith.constant 0 : index
        %get3A_1797 = tpu.vector_load %arg10[%get3A_1795, %get3A_1796] {strides = array<i32>} : memref<288x128xf32, #tpu.memory_space<vmem>>, vector<1x16xf32>,
        %get3A_1798 = vector.shape_cast %get3A_1797 : vector<1x16xf32> to vector<16xf32>
        %mul3A_1799 = arith.mulf %broadcast_in_dim3A_1792, %get3A_1798 : vector<16xf32>
        %add3A_1800 = arith.addf %add3A_1749, %mul3A_1799 : vector<16xf32>
        %add3A_1801 = arith.constant 29 : i32
        %add3A_1802 = arith.addi %mul3A_287, %add3A_1801 : i32
        %get3A_1803 = arith.index_cast %add3A_1802 : i32 to index
        %get3A_1804 = arith.constant 16 : index
        %get3A_1805 = tpu.vector_load %arg10[%get3A_1803, %get3A_1804] {strides = array<i32>} : memref<288x128xf32, #tpu.memory_space<vmem>>, vector<1x16xf32>,
        %get3A_1806 = vector.shape_cast %get3A_1805 : vector<1x16xf32> to vector<16xf32>
        %mul3A_1807 = arith.mulf %broadcast_in_dim3A_1792, %get3A_1806 : vector<16xf32>
        %add3A_1808 = arith.addf %add3A_1757, %mul3A_1807 : vector<16xf32>
        %add3A_1809 = arith.constant 29 : i32
        %add3A_1810 = arith.addi %mul3A_287, %add3A_1809 : i32
        %get3A_1811 = arith.index_cast %add3A_1810 : i32 to index
        %get3A_1812 = arith.constant 32 : index
        %get3A_1813 = tpu.vector_load %arg10[%get3A_1811, %get3A_1812] {strides = array<i32>} : memref<288x128xf32, #tpu.memory_space<vmem>>, vector<1x16xf32>,
        %get3A_1814 = vector.shape_cast %get3A_1813 : vector<1x16xf32> to vector<16xf32>
        %mul3A_1815 = arith.mulf %broadcast_in_dim3A_1792, %get3A_1814 : vector<16xf32>
        %add3A_1816 = arith.addf %add3A_1765, %mul3A_1815 : vector<16xf32>
        %add3A_1817 = arith.constant 29 : i32
        %add3A_1818 = arith.addi %mul3A_287, %add3A_1817 : i32
        %get3A_1819 = arith.index_cast %add3A_1818 : i32 to index
        %get3A_1820 = arith.constant 48 : index
        %get3A_1821 = tpu.vector_load %arg10[%get3A_1819, %get3A_1820] {strides = array<i32>} : memref<288x128xf32, #tpu.memory_space<vmem>>, vector<1x16xf32>,
        %get3A_1822 = vector.shape_cast %get3A_1821 : vector<1x16xf32> to vector<16xf32>
        %mul3A_1823 = arith.mulf %broadcast_in_dim3A_1792, %get3A_1822 : vector<16xf32>
        %add3A_1824 = arith.addf %add3A_1773, %mul3A_1823 : vector<16xf32>
        %add3A_1825 = arith.constant 29 : i32
        %add3A_1826 = arith.addi %mul3A_287, %add3A_1825 : i32
        %get3A_1827 = arith.index_cast %add3A_1826 : i32 to index
        %get3A_1828 = arith.constant 64 : index
        %get3A_1829 = tpu.vector_load %arg10[%get3A_1827, %get3A_1828] {strides = array<i32>} : memref<288x128xf32, #tpu.memory_space<vmem>>, vector<1x16xf32>,
        %get3A_1830 = vector.shape_cast %get3A_1829 : vector<1x16xf32> to vector<16xf32>
        %mul3A_1831 = arith.mulf %broadcast_in_dim3A_1792, %get3A_1830 : vector<16xf32>
        %add3A_1832 = arith.addf %add3A_1781, %mul3A_1831 : vector<16xf32>
        %add3A_1833 = arith.constant 29 : i32
        %add3A_1834 = arith.addi %mul3A_287, %add3A_1833 : i32
        %get3A_1835 = arith.index_cast %add3A_1834 : i32 to index
        %get3A_1836 = arith.constant 80 : index
        %get3A_1837 = tpu.vector_load %arg10[%get3A_1835, %get3A_1836] {strides = array<i32>} : memref<288x128xf32, #tpu.memory_space<vmem>>, vector<1x16xf32>,
        %get3A_1838 = vector.shape_cast %get3A_1837 : vector<1x16xf32> to vector<16xf32>
        %mul3A_1839 = arith.mulf %broadcast_in_dim3A_1792, %get3A_1838 : vector<16xf32>
        %add3A_1840 = arith.addf %add3A_1789, %mul3A_1839 : vector<16xf32>
        %slice3A_1841 = vector.extract_strided_slice %get3A_296 {offsets = [14], sizes = [1], strides = [1]} : vector<16xf32> to vector<1xf32>
        %squeeze3A_1842 = vector.extract %slice3A_1841[0] : f32 from vector<1xf32>
        %broadcast_in_dim3A_1843 = vector.broadcast %squeeze3A_1842 : f32 to vector<16xf32>
        %add3A_1844 = arith.constant 30 : i32
        %add3A_1845 = arith.addi %mul3A_287, %add3A_1844 : i32
        %get3A_1846 = arith.index_cast %add3A_1845 : i32 to index
        %get3A_1847 = arith.constant 0 : index
        %get3A_1848 = tpu.vector_load %arg10[%get3A_1846, %get3A_1847] {strides = array<i32>} : memref<288x128xf32, #tpu.memory_space<vmem>>, vector<1x16xf32>,
        %get3A_1849 = vector.shape_cast %get3A_1848 : vector<1x16xf32> to vector<16xf32>
        %mul3A_1850 = arith.mulf %broadcast_in_dim3A_1843, %get3A_1849 : vector<16xf32>
        %add3A_1851 = arith.addf %add3A_1800, %mul3A_1850 : vector<16xf32>
        %add3A_1852 = arith.constant 30 : i32
        %add3A_1853 = arith.addi %mul3A_287, %add3A_1852 : i32
        %get3A_1854 = arith.index_cast %add3A_1853 : i32 to index
        %get3A_1855 = arith.constant 16 : index
        %get3A_1856 = tpu.vector_load %arg10[%get3A_1854, %get3A_1855] {strides = array<i32>} : memref<288x128xf32, #tpu.memory_space<vmem>>, vector<1x16xf32>,
        %get3A_1857 = vector.shape_cast %get3A_1856 : vector<1x16xf32> to vector<16xf32>
        %mul3A_1858 = arith.mulf %broadcast_in_dim3A_1843, %get3A_1857 : vector<16xf32>
        %add3A_1859 = arith.addf %add3A_1808, %mul3A_1858 : vector<16xf32>
        %add3A_1860 = arith.constant 30 : i32
        %add3A_1861 = arith.addi %mul3A_287, %add3A_1860 : i32
        %get3A_1862 = arith.index_cast %add3A_1861 : i32 to index
        %get3A_1863 = arith.constant 32 : index
        %get3A_1864 = tpu.vector_load %arg10[%get3A_1862, %get3A_1863] {strides = array<i32>} : memref<288x128xf32, #tpu.memory_space<vmem>>, vector<1x16xf32>,
        %get3A_1865 = vector.shape_cast %get3A_1864 : vector<1x16xf32> to vector<16xf32>
        %mul3A_1866 = arith.mulf %broadcast_in_dim3A_1843, %get3A_1865 : vector<16xf32>
        %add3A_1867 = arith.addf %add3A_1816, %mul3A_1866 : vector<16xf32>
        %add3A_1868 = arith.constant 30 : i32
        %add3A_1869 = arith.addi %mul3A_287, %add3A_1868 : i32
        %get3A_1870 = arith.index_cast %add3A_1869 : i32 to index
        %get3A_1871 = arith.constant 48 : index
        %get3A_1872 = tpu.vector_load %arg10[%get3A_1870, %get3A_1871] {strides = array<i32>} : memref<288x128xf32, #tpu.memory_space<vmem>>, vector<1x16xf32>,
        %get3A_1873 = vector.shape_cast %get3A_1872 : vector<1x16xf32> to vector<16xf32>
        %mul3A_1874 = arith.mulf %broadcast_in_dim3A_1843, %get3A_1873 : vector<16xf32>
        %add3A_1875 = arith.addf %add3A_1824, %mul3A_1874 : vector<16xf32>
        %add3A_1876 = arith.constant 30 : i32
        %add3A_1877 = arith.addi %mul3A_287, %add3A_1876 : i32
        %get3A_1878 = arith.index_cast %add3A_1877 : i32 to index
        %get3A_1879 = arith.constant 64 : index
        %get3A_1880 = tpu.vector_load %arg10[%get3A_1878, %get3A_1879] {strides = array<i32>} : memref<288x128xf32, #tpu.memory_space<vmem>>, vector<1x16xf32>,
        %get3A_1881 = vector.shape_cast %get3A_1880 : vector<1x16xf32> to vector<16xf32>
        %mul3A_1882 = arith.mulf %broadcast_in_dim3A_1843, %get3A_1881 : vector<16xf32>
        %add3A_1883 = arith.addf %add3A_1832, %mul3A_1882 : vector<16xf32>
        %add3A_1884 = arith.constant 30 : i32
        %add3A_1885 = arith.addi %mul3A_287, %add3A_1884 : i32
        %get3A_1886 = arith.index_cast %add3A_1885 : i32 to index
        %get3A_1887 = arith.constant 80 : index
        %get3A_1888 = tpu.vector_load %arg10[%get3A_1886, %get3A_1887] {strides = array<i32>} : memref<288x128xf32, #tpu.memory_space<vmem>>, vector<1x16xf32>,
        %get3A_1889 = vector.shape_cast %get3A_1888 : vector<1x16xf32> to vector<16xf32>
        %mul3A_1890 = arith.mulf %broadcast_in_dim3A_1843, %get3A_1889 : vector<16xf32>
        %add3A_1891 = arith.addf %add3A_1840, %mul3A_1890 : vector<16xf32>
        %slice3A_1892 = vector.extract_strided_slice %get3A_296 {offsets = [15], sizes = [1], strides = [1]} : vector<16xf32> to vector<1xf32>
        %squeeze3A_1893 = vector.extract %slice3A_1892[0] : f32 from vector<1xf32>
        %broadcast_in_dim3A_1894 = vector.broadcast %squeeze3A_1893 : f32 to vector<16xf32>
        %add3A_1895 = arith.constant 31 : i32
        %add3A_1896 = arith.addi %mul3A_287, %add3A_1895 : i32
        %get3A_1897 = arith.index_cast %add3A_1896 : i32 to index
        %get3A_1898 = arith.constant 0 : index
        %get3A_1899 = tpu.vector_load %arg10[%get3A_1897, %get3A_1898] {strides = array<i32>} : memref<288x128xf32, #tpu.memory_space<vmem>>, vector<1x16xf32>,
        %get3A_1900 = vector.shape_cast %get3A_1899 : vector<1x16xf32> to vector<16xf32>
        %mul3A_1901 = arith.mulf %broadcast_in_dim3A_1894, %get3A_1900 : vector<16xf32>
        %add3A_1902 = arith.addf %add3A_1851, %mul3A_1901 : vector<16xf32>
        %add3A_1903 = arith.constant 31 : i32
        %add3A_1904 = arith.addi %mul3A_287, %add3A_1903 : i32
        %get3A_1905 = arith.index_cast %add3A_1904 : i32 to index
        %get3A_1906 = arith.constant 16 : index
        %get3A_1907 = tpu.vector_load %arg10[%get3A_1905, %get3A_1906] {strides = array<i32>} : memref<288x128xf32, #tpu.memory_space<vmem>>, vector<1x16xf32>,
        %get3A_1908 = vector.shape_cast %get3A_1907 : vector<1x16xf32> to vector<16xf32>
        %mul3A_1909 = arith.mulf %broadcast_in_dim3A_1894, %get3A_1908 : vector<16xf32>
        %add3A_1910 = arith.addf %add3A_1859, %mul3A_1909 : vector<16xf32>
        %add3A_1911 = arith.constant 31 : i32
        %add3A_1912 = arith.addi %mul3A_287, %add3A_1911 : i32
        %get3A_1913 = arith.index_cast %add3A_1912 : i32 to index
        %get3A_1914 = arith.constant 32 : index
        %get3A_1915 = tpu.vector_load %arg10[%get3A_1913, %get3A_1914] {strides = array<i32>} : memref<288x128xf32, #tpu.memory_space<vmem>>, vector<1x16xf32>,
        %get3A_1916 = vector.shape_cast %get3A_1915 : vector<1x16xf32> to vector<16xf32>
        %mul3A_1917 = arith.mulf %broadcast_in_dim3A_1894, %get3A_1916 : vector<16xf32>
        %add3A_1918 = arith.addf %add3A_1867, %mul3A_1917 : vector<16xf32>
        %add3A_1919 = arith.constant 31 : i32
        %add3A_1920 = arith.addi %mul3A_287, %add3A_1919 : i32
        %get3A_1921 = arith.index_cast %add3A_1920 : i32 to index
        %get3A_1922 = arith.constant 48 : index
        %get3A_1923 = tpu.vector_load %arg10[%get3A_1921, %get3A_1922] {strides = array<i32>} : memref<288x128xf32, #tpu.memory_space<vmem>>, vector<1x16xf32>,
        %get3A_1924 = vector.shape_cast %get3A_1923 : vector<1x16xf32> to vector<16xf32>
        %mul3A_1925 = arith.mulf %broadcast_in_dim3A_1894, %get3A_1924 : vector<16xf32>
        %add3A_1926 = arith.addf %add3A_1875, %mul3A_1925 : vector<16xf32>
        %add3A_1927 = arith.constant 31 : i32
        %add3A_1928 = arith.addi %mul3A_287, %add3A_1927 : i32
        %get3A_1929 = arith.index_cast %add3A_1928 : i32 to index
        %get3A_1930 = arith.constant 64 : index
        %get3A_1931 = tpu.vector_load %arg10[%get3A_1929, %get3A_1930] {strides = array<i32>} : memref<288x128xf32, #tpu.memory_space<vmem>>, vector<1x16xf32>,
        %get3A_1932 = vector.shape_cast %get3A_1931 : vector<1x16xf32> to vector<16xf32>
        %mul3A_1933 = arith.mulf %broadcast_in_dim3A_1894, %get3A_1932 : vector<16xf32>
        %add3A_1934 = arith.addf %add3A_1883, %mul3A_1933 : vector<16xf32>
        %add3A_1935 = arith.constant 31 : i32
        %add3A_1936 = arith.addi %mul3A_287, %add3A_1935 : i32
        %get3A_1937 = arith.index_cast %add3A_1936 : i32 to index
        %get3A_1938 = arith.constant 80 : index
        %get3A_1939 = tpu.vector_load %arg10[%get3A_1937, %get3A_1938] {strides = array<i32>} : memref<288x128xf32, #tpu.memory_space<vmem>>, vector<1x16xf32>,
        %get3A_1940 = vector.shape_cast %get3A_1939 : vector<1x16xf32> to vector<16xf32>
        %mul3A_1941 = arith.mulf %broadcast_in_dim3A_1894, %get3A_1940 : vector<16xf32>
        %add3A_1942 = arith.addf %add3A_1891, %mul3A_1941 : vector<16xf32>
        %slice3A_1943 = vector.extract_strided_slice %get3A_301 {offsets = [0], sizes = [1], strides = [1]} : vector<16xf32> to vector<1xf32>
        %squeeze3A_1944 = vector.extract %slice3A_1943[0] : f32 from vector<1xf32>
        %broadcast_in_dim3A_1945 = vector.broadcast %squeeze3A_1944 : f32 to vector<16xf32>
        %add3A_1946 = arith.constant 32 : i32
        %add3A_1947 = arith.addi %mul3A_287, %add3A_1946 : i32
        %get3A_1948 = arith.index_cast %add3A_1947 : i32 to index
        %get3A_1949 = arith.constant 0 : index
        %get3A_1950 = tpu.vector_load %arg10[%get3A_1948, %get3A_1949] {strides = array<i32>} : memref<288x128xf32, #tpu.memory_space<vmem>>, vector<1x16xf32>,
        %get3A_1951 = vector.shape_cast %get3A_1950 : vector<1x16xf32> to vector<16xf32>
        %mul3A_1952 = arith.mulf %broadcast_in_dim3A_1945, %get3A_1951 : vector<16xf32>
        %add3A_1953 = arith.addf %add3A_1902, %mul3A_1952 : vector<16xf32>
        %add3A_1954 = arith.constant 32 : i32
        %add3A_1955 = arith.addi %mul3A_287, %add3A_1954 : i32
        %get3A_1956 = arith.index_cast %add3A_1955 : i32 to index
        %get3A_1957 = arith.constant 16 : index
        %get3A_1958 = tpu.vector_load %arg10[%get3A_1956, %get3A_1957] {strides = array<i32>} : memref<288x128xf32, #tpu.memory_space<vmem>>, vector<1x16xf32>,
        %get3A_1959 = vector.shape_cast %get3A_1958 : vector<1x16xf32> to vector<16xf32>
        %mul3A_1960 = arith.mulf %broadcast_in_dim3A_1945, %get3A_1959 : vector<16xf32>
        %add3A_1961 = arith.addf %add3A_1910, %mul3A_1960 : vector<16xf32>
        %add3A_1962 = arith.constant 32 : i32
        %add3A_1963 = arith.addi %mul3A_287, %add3A_1962 : i32
        %get3A_1964 = arith.index_cast %add3A_1963 : i32 to index
        %get3A_1965 = arith.constant 32 : index
        %get3A_1966 = tpu.vector_load %arg10[%get3A_1964, %get3A_1965] {strides = array<i32>} : memref<288x128xf32, #tpu.memory_space<vmem>>, vector<1x16xf32>,
        %get3A_1967 = vector.shape_cast %get3A_1966 : vector<1x16xf32> to vector<16xf32>
        %mul3A_1968 = arith.mulf %broadcast_in_dim3A_1945, %get3A_1967 : vector<16xf32>
        %add3A_1969 = arith.addf %add3A_1918, %mul3A_1968 : vector<16xf32>
        %add3A_1970 = arith.constant 32 : i32
        %add3A_1971 = arith.addi %mul3A_287, %add3A_1970 : i32
        %get3A_1972 = arith.index_cast %add3A_1971 : i32 to index
        %get3A_1973 = arith.constant 48 : index
        %get3A_1974 = tpu.vector_load %arg10[%get3A_1972, %get3A_1973] {strides = array<i32>} : memref<288x128xf32, #tpu.memory_space<vmem>>, vector<1x16xf32>,
        %get3A_1975 = vector.shape_cast %get3A_1974 : vector<1x16xf32> to vector<16xf32>
        %mul3A_1976 = arith.mulf %broadcast_in_dim3A_1945, %get3A_1975 : vector<16xf32>
        %add3A_1977 = arith.addf %add3A_1926, %mul3A_1976 : vector<16xf32>
        %add3A_1978 = arith.constant 32 : i32
        %add3A_1979 = arith.addi %mul3A_287, %add3A_1978 : i32
        %get3A_1980 = arith.index_cast %add3A_1979 : i32 to index
        %get3A_1981 = arith.constant 64 : index
        %get3A_1982 = tpu.vector_load %arg10[%get3A_1980, %get3A_1981] {strides = array<i32>} : memref<288x128xf32, #tpu.memory_space<vmem>>, vector<1x16xf32>,
        %get3A_1983 = vector.shape_cast %get3A_1982 : vector<1x16xf32> to vector<16xf32>
        %mul3A_1984 = arith.mulf %broadcast_in_dim3A_1945, %get3A_1983 : vector<16xf32>
        %add3A_1985 = arith.addf %add3A_1934, %mul3A_1984 : vector<16xf32>
        %add3A_1986 = arith.constant 32 : i32
        %add3A_1987 = arith.addi %mul3A_287, %add3A_1986 : i32
        %get3A_1988 = arith.index_cast %add3A_1987 : i32 to index
        %get3A_1989 = arith.constant 80 : index
        %get3A_1990 = tpu.vector_load %arg10[%get3A_1988, %get3A_1989] {strides = array<i32>} : memref<288x128xf32, #tpu.memory_space<vmem>>, vector<1x16xf32>,
        %get3A_1991 = vector.shape_cast %get3A_1990 : vector<1x16xf32> to vector<16xf32>
        %mul3A_1992 = arith.mulf %broadcast_in_dim3A_1945, %get3A_1991 : vector<16xf32>
        %add3A_1993 = arith.addf %add3A_1942, %mul3A_1992 : vector<16xf32>
        %slice3A_1994 = vector.extract_strided_slice %get3A_301 {offsets = [1], sizes = [1], strides = [1]} : vector<16xf32> to vector<1xf32>
        %squeeze3A_1995 = vector.extract %slice3A_1994[0] : f32 from vector<1xf32>
        %broadcast_in_dim3A_1996 = vector.broadcast %squeeze3A_1995 : f32 to vector<16xf32>
        %add3A_1997 = arith.constant 33 : i32
        %add3A_1998 = arith.addi %mul3A_287, %add3A_1997 : i32
        %get3A_1999 = arith.index_cast %add3A_1998 : i32 to index
        %get3A_2000 = arith.constant 0 : index
        %get3A_2001 = tpu.vector_load %arg10[%get3A_1999, %get3A_2000] {strides = array<i32>} : memref<288x128xf32, #tpu.memory_space<vmem>>, vector<1x16xf32>,
        %get3A_2002 = vector.shape_cast %get3A_2001 : vector<1x16xf32> to vector<16xf32>
        %mul3A_2003 = arith.mulf %broadcast_in_dim3A_1996, %get3A_2002 : vector<16xf32>
        %add3A_2004 = arith.addf %add3A_1953, %mul3A_2003 : vector<16xf32>
        %add3A_2005 = arith.constant 33 : i32
        %add3A_2006 = arith.addi %mul3A_287, %add3A_2005 : i32
        %get3A_2007 = arith.index_cast %add3A_2006 : i32 to index
        %get3A_2008 = arith.constant 16 : index
        %get3A_2009 = tpu.vector_load %arg10[%get3A_2007, %get3A_2008] {strides = array<i32>} : memref<288x128xf32, #tpu.memory_space<vmem>>, vector<1x16xf32>,
        %get3A_2010 = vector.shape_cast %get3A_2009 : vector<1x16xf32> to vector<16xf32>
        %mul3A_2011 = arith.mulf %broadcast_in_dim3A_1996, %get3A_2010 : vector<16xf32>
        %add3A_2012 = arith.addf %add3A_1961, %mul3A_2011 : vector<16xf32>
        %add3A_2013 = arith.constant 33 : i32
        %add3A_2014 = arith.addi %mul3A_287, %add3A_2013 : i32
        %get3A_2015 = arith.index_cast %add3A_2014 : i32 to index
        %get3A_2016 = arith.constant 32 : index
        %get3A_2017 = tpu.vector_load %arg10[%get3A_2015, %get3A_2016] {strides = array<i32>} : memref<288x128xf32, #tpu.memory_space<vmem>>, vector<1x16xf32>,
        %get3A_2018 = vector.shape_cast %get3A_2017 : vector<1x16xf32> to vector<16xf32>
        %mul3A_2019 = arith.mulf %broadcast_in_dim3A_1996, %get3A_2018 : vector<16xf32>
        %add3A_2020 = arith.addf %add3A_1969, %mul3A_2019 : vector<16xf32>
        %add3A_2021 = arith.constant 33 : i32
        %add3A_2022 = arith.addi %mul3A_287, %add3A_2021 : i32
        %get3A_2023 = arith.index_cast %add3A_2022 : i32 to index
        %get3A_2024 = arith.constant 48 : index
        %get3A_2025 = tpu.vector_load %arg10[%get3A_2023, %get3A_2024] {strides = array<i32>} : memref<288x128xf32, #tpu.memory_space<vmem>>, vector<1x16xf32>,
        %get3A_2026 = vector.shape_cast %get3A_2025 : vector<1x16xf32> to vector<16xf32>
        %mul3A_2027 = arith.mulf %broadcast_in_dim3A_1996, %get3A_2026 : vector<16xf32>
        %add3A_2028 = arith.addf %add3A_1977, %mul3A_2027 : vector<16xf32>
        %add3A_2029 = arith.constant 33 : i32
        %add3A_2030 = arith.addi %mul3A_287, %add3A_2029 : i32
        %get3A_2031 = arith.index_cast %add3A_2030 : i32 to index
        %get3A_2032 = arith.constant 64 : index
        %get3A_2033 = tpu.vector_load %arg10[%get3A_2031, %get3A_2032] {strides = array<i32>} : memref<288x128xf32, #tpu.memory_space<vmem>>, vector<1x16xf32>,
        %get3A_2034 = vector.shape_cast %get3A_2033 : vector<1x16xf32> to vector<16xf32>
        %mul3A_2035 = arith.mulf %broadcast_in_dim3A_1996, %get3A_2034 : vector<16xf32>
        %add3A_2036 = arith.addf %add3A_1985, %mul3A_2035 : vector<16xf32>
        %add3A_2037 = arith.constant 33 : i32
        %add3A_2038 = arith.addi %mul3A_287, %add3A_2037 : i32
        %get3A_2039 = arith.index_cast %add3A_2038 : i32 to index
        %get3A_2040 = arith.constant 80 : index
        %get3A_2041 = tpu.vector_load %arg10[%get3A_2039, %get3A_2040] {strides = array<i32>} : memref<288x128xf32, #tpu.memory_space<vmem>>, vector<1x16xf32>,
        %get3A_2042 = vector.shape_cast %get3A_2041 : vector<1x16xf32> to vector<16xf32>
        %mul3A_2043 = arith.mulf %broadcast_in_dim3A_1996, %get3A_2042 : vector<16xf32>
        %add3A_2044 = arith.addf %add3A_1993, %mul3A_2043 : vector<16xf32>
        %slice3A_2045 = vector.extract_strided_slice %get3A_301 {offsets = [2], sizes = [1], strides = [1]} : vector<16xf32> to vector<1xf32>
        %squeeze3A_2046 = vector.extract %slice3A_2045[0] : f32 from vector<1xf32>
        %broadcast_in_dim3A_2047 = vector.broadcast %squeeze3A_2046 : f32 to vector<16xf32>
        %add3A_2048 = arith.constant 34 : i32
        %add3A_2049 = arith.addi %mul3A_287, %add3A_2048 : i32
        %get3A_2050 = arith.index_cast %add3A_2049 : i32 to index
        %get3A_2051 = arith.constant 0 : index
        %get3A_2052 = tpu.vector_load %arg10[%get3A_2050, %get3A_2051] {strides = array<i32>} : memref<288x128xf32, #tpu.memory_space<vmem>>, vector<1x16xf32>,
        %get3A_2053 = vector.shape_cast %get3A_2052 : vector<1x16xf32> to vector<16xf32>
        %mul3A_2054 = arith.mulf %broadcast_in_dim3A_2047, %get3A_2053 : vector<16xf32>
        %add3A_2055 = arith.addf %add3A_2004, %mul3A_2054 : vector<16xf32>
        %add3A_2056 = arith.constant 34 : i32
        %add3A_2057 = arith.addi %mul3A_287, %add3A_2056 : i32
        %get3A_2058 = arith.index_cast %add3A_2057 : i32 to index
        %get3A_2059 = arith.constant 16 : index
        %get3A_2060 = tpu.vector_load %arg10[%get3A_2058, %get3A_2059] {strides = array<i32>} : memref<288x128xf32, #tpu.memory_space<vmem>>, vector<1x16xf32>,
        %get3A_2061 = vector.shape_cast %get3A_2060 : vector<1x16xf32> to vector<16xf32>
        %mul3A_2062 = arith.mulf %broadcast_in_dim3A_2047, %get3A_2061 : vector<16xf32>
        %add3A_2063 = arith.addf %add3A_2012, %mul3A_2062 : vector<16xf32>
        %add3A_2064 = arith.constant 34 : i32
        %add3A_2065 = arith.addi %mul3A_287, %add3A_2064 : i32
        %get3A_2066 = arith.index_cast %add3A_2065 : i32 to index
        %get3A_2067 = arith.constant 32 : index
        %get3A_2068 = tpu.vector_load %arg10[%get3A_2066, %get3A_2067] {strides = array<i32>} : memref<288x128xf32, #tpu.memory_space<vmem>>, vector<1x16xf32>,
        %get3A_2069 = vector.shape_cast %get3A_2068 : vector<1x16xf32> to vector<16xf32>
        %mul3A_2070 = arith.mulf %broadcast_in_dim3A_2047, %get3A_2069 : vector<16xf32>
        %add3A_2071 = arith.addf %add3A_2020, %mul3A_2070 : vector<16xf32>
        %add3A_2072 = arith.constant 34 : i32
        %add3A_2073 = arith.addi %mul3A_287, %add3A_2072 : i32
        %get3A_2074 = arith.index_cast %add3A_2073 : i32 to index
        %get3A_2075 = arith.constant 48 : index
        %get3A_2076 = tpu.vector_load %arg10[%get3A_2074, %get3A_2075] {strides = array<i32>} : memref<288x128xf32, #tpu.memory_space<vmem>>, vector<1x16xf32>,
        %get3A_2077 = vector.shape_cast %get3A_2076 : vector<1x16xf32> to vector<16xf32>
        %mul3A_2078 = arith.mulf %broadcast_in_dim3A_2047, %get3A_2077 : vector<16xf32>
        %add3A_2079 = arith.addf %add3A_2028, %mul3A_2078 : vector<16xf32>
        %add3A_2080 = arith.constant 34 : i32
        %add3A_2081 = arith.addi %mul3A_287, %add3A_2080 : i32
        %get3A_2082 = arith.index_cast %add3A_2081 : i32 to index
        %get3A_2083 = arith.constant 64 : index
        %get3A_2084 = tpu.vector_load %arg10[%get3A_2082, %get3A_2083] {strides = array<i32>} : memref<288x128xf32, #tpu.memory_space<vmem>>, vector<1x16xf32>,
        %get3A_2085 = vector.shape_cast %get3A_2084 : vector<1x16xf32> to vector<16xf32>
        %mul3A_2086 = arith.mulf %broadcast_in_dim3A_2047, %get3A_2085 : vector<16xf32>
        %add3A_2087 = arith.addf %add3A_2036, %mul3A_2086 : vector<16xf32>
        %add3A_2088 = arith.constant 34 : i32
        %add3A_2089 = arith.addi %mul3A_287, %add3A_2088 : i32
        %get3A_2090 = arith.index_cast %add3A_2089 : i32 to index
        %get3A_2091 = arith.constant 80 : index
        %get3A_2092 = tpu.vector_load %arg10[%get3A_2090, %get3A_2091] {strides = array<i32>} : memref<288x128xf32, #tpu.memory_space<vmem>>, vector<1x16xf32>,
        %get3A_2093 = vector.shape_cast %get3A_2092 : vector<1x16xf32> to vector<16xf32>
        %mul3A_2094 = arith.mulf %broadcast_in_dim3A_2047, %get3A_2093 : vector<16xf32>
        %add3A_2095 = arith.addf %add3A_2044, %mul3A_2094 : vector<16xf32>
        %slice3A_2096 = vector.extract_strided_slice %get3A_301 {offsets = [3], sizes = [1], strides = [1]} : vector<16xf32> to vector<1xf32>
        %squeeze3A_2097 = vector.extract %slice3A_2096[0] : f32 from vector<1xf32>
        %broadcast_in_dim3A_2098 = vector.broadcast %squeeze3A_2097 : f32 to vector<16xf32>
        %add3A_2099 = arith.constant 35 : i32
        %add3A_2100 = arith.addi %mul3A_287, %add3A_2099 : i32
        %get3A_2101 = arith.index_cast %add3A_2100 : i32 to index
        %get3A_2102 = arith.constant 0 : index
        %get3A_2103 = tpu.vector_load %arg10[%get3A_2101, %get3A_2102] {strides = array<i32>} : memref<288x128xf32, #tpu.memory_space<vmem>>, vector<1x16xf32>,
        %get3A_2104 = vector.shape_cast %get3A_2103 : vector<1x16xf32> to vector<16xf32>
        %mul3A_2105 = arith.mulf %broadcast_in_dim3A_2098, %get3A_2104 : vector<16xf32>
        %add3A_2106 = arith.addf %add3A_2055, %mul3A_2105 : vector<16xf32>
        %add3A_2107 = arith.constant 35 : i32
        %add3A_2108 = arith.addi %mul3A_287, %add3A_2107 : i32
        %get3A_2109 = arith.index_cast %add3A_2108 : i32 to index
        %get3A_2110 = arith.constant 16 : index
        %get3A_2111 = tpu.vector_load %arg10[%get3A_2109, %get3A_2110] {strides = array<i32>} : memref<288x128xf32, #tpu.memory_space<vmem>>, vector<1x16xf32>,
        %get3A_2112 = vector.shape_cast %get3A_2111 : vector<1x16xf32> to vector<16xf32>
        %mul3A_2113 = arith.mulf %broadcast_in_dim3A_2098, %get3A_2112 : vector<16xf32>
        %add3A_2114 = arith.addf %add3A_2063, %mul3A_2113 : vector<16xf32>
        %add3A_2115 = arith.constant 35 : i32
        %add3A_2116 = arith.addi %mul3A_287, %add3A_2115 : i32
        %get3A_2117 = arith.index_cast %add3A_2116 : i32 to index
        %get3A_2118 = arith.constant 32 : index
        %get3A_2119 = tpu.vector_load %arg10[%get3A_2117, %get3A_2118] {strides = array<i32>} : memref<288x128xf32, #tpu.memory_space<vmem>>, vector<1x16xf32>,
        %get3A_2120 = vector.shape_cast %get3A_2119 : vector<1x16xf32> to vector<16xf32>
        %mul3A_2121 = arith.mulf %broadcast_in_dim3A_2098, %get3A_2120 : vector<16xf32>
        %add3A_2122 = arith.addf %add3A_2071, %mul3A_2121 : vector<16xf32>
        %add3A_2123 = arith.constant 35 : i32
        %add3A_2124 = arith.addi %mul3A_287, %add3A_2123 : i32
        %get3A_2125 = arith.index_cast %add3A_2124 : i32 to index
        %get3A_2126 = arith.constant 48 : index
        %get3A_2127 = tpu.vector_load %arg10[%get3A_2125, %get3A_2126] {strides = array<i32>} : memref<288x128xf32, #tpu.memory_space<vmem>>, vector<1x16xf32>,
        %get3A_2128 = vector.shape_cast %get3A_2127 : vector<1x16xf32> to vector<16xf32>
        %mul3A_2129 = arith.mulf %broadcast_in_dim3A_2098, %get3A_2128 : vector<16xf32>
        %add3A_2130 = arith.addf %add3A_2079, %mul3A_2129 : vector<16xf32>
        %add3A_2131 = arith.constant 35 : i32
        %add3A_2132 = arith.addi %mul3A_287, %add3A_2131 : i32
        %get3A_2133 = arith.index_cast %add3A_2132 : i32 to index
        %get3A_2134 = arith.constant 64 : index
        %get3A_2135 = tpu.vector_load %arg10[%get3A_2133, %get3A_2134] {strides = array<i32>} : memref<288x128xf32, #tpu.memory_space<vmem>>, vector<1x16xf32>,
        %get3A_2136 = vector.shape_cast %get3A_2135 : vector<1x16xf32> to vector<16xf32>
        %mul3A_2137 = arith.mulf %broadcast_in_dim3A_2098, %get3A_2136 : vector<16xf32>
        %add3A_2138 = arith.addf %add3A_2087, %mul3A_2137 : vector<16xf32>
        %add3A_2139 = arith.constant 35 : i32
        %add3A_2140 = arith.addi %mul3A_287, %add3A_2139 : i32
        %get3A_2141 = arith.index_cast %add3A_2140 : i32 to index
        %get3A_2142 = arith.constant 80 : index
        %get3A_2143 = tpu.vector_load %arg10[%get3A_2141, %get3A_2142] {strides = array<i32>} : memref<288x128xf32, #tpu.memory_space<vmem>>, vector<1x16xf32>,
        %get3A_2144 = vector.shape_cast %get3A_2143 : vector<1x16xf32> to vector<16xf32>
        %mul3A_2145 = arith.mulf %broadcast_in_dim3A_2098, %get3A_2144 : vector<16xf32>
        %add3A_2146 = arith.addf %add3A_2095, %mul3A_2145 : vector<16xf32>
        %swap3A = arith.index_cast %scan3A_285 : i32 to index
        %swap3A_2147 = arith.constant 0 : index
        %swap3A_2148 = tpu.vector_load %arg12[%swap3A, %swap3A_2147] {strides = array<i32>} : memref<8x96xf32, #tpu.memory_space<vmem>>, vector<1x16xf32>,
        %swap3A_2149 = vector.shape_cast %swap3A_2148 : vector<1x16xf32> to vector<16xf32>
        %swap3A_2150 = vector.shape_cast %add3A_2106 : vector<16xf32> to vector<1x16xf32>
        tpu.vector_store %arg12[%swap3A, %swap3A_2147], %swap3A_2150 {strides = array<i32>} : memref<8x96xf32, #tpu.memory_space<vmem>>, vector<1x16xf32>,
        %swap3A_2151 = arith.index_cast %scan3A_285 : i32 to index
        %swap3A_2152 = arith.constant 16 : index
        %swap3A_2153 = tpu.vector_load %arg12[%swap3A_2151, %swap3A_2152] {strides = array<i32>} : memref<8x96xf32, #tpu.memory_space<vmem>>, vector<1x16xf32>,
        %swap3A_2154 = vector.shape_cast %swap3A_2153 : vector<1x16xf32> to vector<16xf32>
        %swap3A_2155 = vector.shape_cast %add3A_2114 : vector<16xf32> to vector<1x16xf32>
        tpu.vector_store %arg12[%swap3A_2151, %swap3A_2152], %swap3A_2155 {strides = array<i32>} : memref<8x96xf32, #tpu.memory_space<vmem>>, vector<1x16xf32>,
        %swap3A_2156 = arith.index_cast %scan3A_285 : i32 to index
        %swap3A_2157 = arith.constant 32 : index
        %swap3A_2158 = tpu.vector_load %arg12[%swap3A_2156, %swap3A_2157] {strides = array<i32>} : memref<8x96xf32, #tpu.memory_space<vmem>>, vector<1x16xf32>,
        %swap3A_2159 = vector.shape_cast %swap3A_2158 : vector<1x16xf32> to vector<16xf32>
        %swap3A_2160 = vector.shape_cast %add3A_2122 : vector<16xf32> to vector<1x16xf32>
        tpu.vector_store %arg12[%swap3A_2156, %swap3A_2157], %swap3A_2160 {strides = array<i32>} : memref<8x96xf32, #tpu.memory_space<vmem>>, vector<1x16xf32>,
        %swap3A_2161 = arith.index_cast %scan3A_285 : i32 to index
        %swap3A_2162 = arith.constant 48 : index
        %swap3A_2163 = tpu.vector_load %arg12[%swap3A_2161, %swap3A_2162] {strides = array<i32>} : memref<8x96xf32, #tpu.memory_space<vmem>>, vector<1x16xf32>,
        %swap3A_2164 = vector.shape_cast %swap3A_2163 : vector<1x16xf32> to vector<16xf32>
        %swap3A_2165 = vector.shape_cast %add3A_2130 : vector<16xf32> to vector<1x16xf32>
        tpu.vector_store %arg12[%swap3A_2161, %swap3A_2162], %swap3A_2165 {strides = array<i32>} : memref<8x96xf32, #tpu.memory_space<vmem>>, vector<1x16xf32>,
        %swap3A_2166 = arith.index_cast %scan3A_285 : i32 to index
        %swap3A_2167 = arith.constant 64 : index
        %swap3A_2168 = tpu.vector_load %arg12[%swap3A_2166, %swap3A_2167] {strides = array<i32>} : memref<8x96xf32, #tpu.memory_space<vmem>>, vector<1x16xf32>,
        %swap3A_2169 = vector.shape_cast %swap3A_2168 : vector<1x16xf32> to vector<16xf32>
        %swap3A_2170 = vector.shape_cast %add3A_2138 : vector<16xf32> to vector<1x16xf32>
        tpu.vector_store %arg12[%swap3A_2166, %swap3A_2167], %swap3A_2170 {strides = array<i32>} : memref<8x96xf32, #tpu.memory_space<vmem>>, vector<1x16xf32>,
        %swap3A_2171 = arith.index_cast %scan3A_285 : i32 to index
        %swap3A_2172 = arith.constant 80 : index
        %swap3A_2173 = tpu.vector_load %arg12[%swap3A_2171, %swap3A_2172] {strides = array<i32>} : memref<8x96xf32, #tpu.memory_space<vmem>>, vector<1x16xf32>,
        %swap3A_2174 = vector.shape_cast %swap3A_2173 : vector<1x16xf32> to vector<16xf32>
        %swap3A_2175 = vector.shape_cast %add3A_2146 : vector<16xf32> to vector<1x16xf32>
        tpu.vector_store %arg12[%swap3A_2171, %swap3A_2172], %swap3A_2175 {strides = array<i32>} : memref<8x96xf32, #tpu.memory_space<vmem>>, vector<1x16xf32>,
      }
      %scan3A_175 = arith.constant 8 : i32
      %mul3A_176 = arith.constant 8 : i32
      %mul3A_177 = arith.muli %add3A_106, %mul3A_176 : i32
      %add3A_178 = arith.addi %mul3A_2, %mul3A_177 : i32
      "tpu.region"() ({
        %run_scoped3A = tpu.sem_alloc : memref<!tpu.dma_semaphore, #tpu.memory_space<semaphore_mem>>
        %dma_start3A_285 = arith.constant 0 : i32
        %dma_start3A_286 = tpu.memref_slice %arg5[%add3A_178, %dma_start3A_285] : memref<50176x96xf32, #tpu.memory_space<hbm>> -> memref<8x96xf32, #tpu.memory_space<hbm>>
        %dma_start3A_287 = arith.constant 0 : i32
        %dma_start3A_288 = tpu.memref_slice %arg5[%add3A_178, %dma_start3A_287] : memref<50176x96xf32, #tpu.memory_space<hbm>> -> memref<8x96xf32, #tpu.memory_space<hbm>>
        tpu.enqueue_dma source(%arg12 : memref<8x96xf32, #tpu.memory_space<vmem>>) target(%dma_start3A_288 : memref<8x96xf32, #tpu.memory_space<hbm>>) target_semaphore(%run_scoped3A : memref<!tpu.dma_semaphore, #tpu.memory_space<semaphore_mem>>)
        %dma_wait3A_289 = arith.constant 0 : i32
        %dma_wait3A_290 = tpu.memref_slice %arg5[%add3A_178, %dma_wait3A_289] : memref<50176x96xf32, #tpu.memory_space<hbm>> -> memref<8x96xf32, #tpu.memory_space<hbm>>
        %dma_wait3A_291 = arith.constant 0 : i32
        %dma_wait3A_292 = tpu.memref_slice %arg5[%add3A_178, %dma_wait3A_291] : memref<50176x96xf32, #tpu.memory_space<hbm>> -> memref<8x96xf32, #tpu.memory_space<hbm>>
        tpu.wait_dma2 semaphore(%run_scoped3A : memref<!tpu.dma_semaphore, #tpu.memory_space<semaphore_mem>>) src(%arg12 : memref<8x96xf32, #tpu.memory_space<vmem>>) dst(%dma_wait3A_292 : memref<8x96xf32, #tpu.memory_space<hbm>>)
        tpu.yield
      }) : () -> ()
      %add3A_179 = arith.constant 2 : i32
      %add3A_180 = arith.addi %add3A_106, %add3A_179 : i32
      %mul3A_181 = arith.constant 8 : i32
      %mul3A_182 = arith.muli %add3A_180, %mul3A_181 : i32
      %add3A_183 = arith.addi %mul3A_2, %mul3A_182 : i32
      %mul3A_184 = arith.constant 36 : i32
      %mul3A_185 = arith.muli %add3A_183, %mul3A_184 : i32
      %dma_start3A_186 = tpu.memref_slice %arg3[%mul3A_185] : memref<1807488xi32, #tpu.memory_space<hbm>> -> memref<288xi32, #tpu.memory_space<hbm>>
      %dma_start3A_187 = tpu.memref_slice %arg3[%mul3A_185] : memref<1807488xi32, #tpu.memory_space<hbm>> -> memref<288xi32, #tpu.memory_space<hbm>>
      tpu.enqueue_dma source(%dma_start3A_187 : memref<288xi32, #tpu.memory_space<hbm>>) target(%arg6 : memref<288xi32, #tpu.memory_space<vmem>>) target_semaphore(%arg13 : memref<!tpu.dma_semaphore, #tpu.memory_space<semaphore_mem>>)
      %dma_start3A_188 = arith.constant 0 : i32
      %dma_start3A_189 = tpu.memref_slice %arg8[%dma_start3A_188] : memref<304xf32, #tpu.memory_space<vmem>> -> memref<288xf32, #tpu.memory_space<vmem>>
      %dma_start3A_190 = tpu.memref_slice %arg4[%mul3A_185] : memref<1807488xf32, #tpu.memory_space<hbm>> -> memref<288xf32, #tpu.memory_space<hbm>>
      %dma_start3A_191 = arith.constant 0 : i32
      %dma_start3A_192 = tpu.memref_slice %arg8[%dma_start3A_191] : memref<304xf32, #tpu.memory_space<vmem>> -> memref<288xf32, #tpu.memory_space<vmem>>
      %dma_start3A_193 = tpu.memref_slice %arg4[%mul3A_185] : memref<1807488xf32, #tpu.memory_space<hbm>> -> memref<288xf32, #tpu.memory_space<hbm>>
      tpu.enqueue_dma source(%dma_start3A_193 : memref<288xf32, #tpu.memory_space<hbm>>) target(%dma_start3A_192 : memref<288xf32, #tpu.memory_space<vmem>>) target_semaphore(%arg13 : memref<!tpu.dma_semaphore, #tpu.memory_space<semaphore_mem>>)
      %mul3A_194 = arith.constant 2 : i32
      %mul3A_195 = arith.muli %mul3A_194, %scan3A_102 : i32
      %add3A_196 = arith.constant 1 : i32
      %add3A_197 = arith.addi %mul3A_195, %add3A_196 : i32
      %add3A_198 = arith.constant 1 : i32
      %add3A_199 = arith.addi %add3A_197, %add3A_198 : i32
      %mul3A_200 = arith.constant 8 : i32
      %mul3A_201 = arith.muli %add3A_199, %mul3A_200 : i32
      %add3A_202 = arith.addi %mul3A_2, %mul3A_201 : i32
      %mul3A_203 = arith.constant 36 : i32
      %mul3A_204 = arith.muli %add3A_202, %mul3A_203 : i32
      %dma_wait3A_205 = tpu.memref_slice %arg3[%mul3A_204] : memref<1807488xi32, #tpu.memory_space<hbm>> -> memref<288xi32, #tpu.memory_space<hbm>>
      %dma_wait3A_206 = tpu.memref_slice %arg3[%mul3A_204] : memref<1807488xi32, #tpu.memory_space<hbm>> -> memref<288xi32, #tpu.memory_space<hbm>>
      tpu.wait_dma2 semaphore(%arg13 : memref<!tpu.dma_semaphore, #tpu.memory_space<semaphore_mem>>) src(%dma_wait3A_206 : memref<288xi32, #tpu.memory_space<hbm>>) dst(%arg6 : memref<288xi32, #tpu.memory_space<vmem>>)
      %dma_wait3A_207 = arith.constant 0 : i32
      %dma_wait3A_208 = tpu.memref_slice %arg8[%dma_wait3A_207] : memref<304xf32, #tpu.memory_space<vmem>> -> memref<288xf32, #tpu.memory_space<vmem>>
      %dma_wait3A_209 = tpu.memref_slice %arg4[%mul3A_204] : memref<1807488xf32, #tpu.memory_space<hbm>> -> memref<288xf32, #tpu.memory_space<hbm>>
      %dma_wait3A_210 = arith.constant 0 : i32
      %dma_wait3A_211 = tpu.memref_slice %arg8[%dma_wait3A_210] : memref<304xf32, #tpu.memory_space<vmem>> -> memref<288xf32, #tpu.memory_space<vmem>>
      %dma_wait3A_212 = tpu.memref_slice %arg4[%mul3A_204] : memref<1807488xf32, #tpu.memory_space<hbm>> -> memref<288xf32, #tpu.memory_space<hbm>>
      tpu.wait_dma2 semaphore(%arg13 : memref<!tpu.dma_semaphore, #tpu.memory_space<semaphore_mem>>) src(%dma_wait3A_212 : memref<288xf32, #tpu.memory_space<hbm>>) dst(%dma_wait3A_211 : memref<288xf32, #tpu.memory_space<vmem>>)
      %dma_wait3A_213 = arith.constant 0 : i32
      %dma_wait3A_214 = arith.constant 0 : i32
      %dma_wait3A_215 = tpu.memref_slice %arg11[%dma_wait3A_213, %dma_wait3A_214] : memref<288x128xf32, #tpu.memory_space<vmem>> -> memref<128x128xf32, #tpu.memory_space<vmem>>
      %dma_wait3A_216 = arith.constant 0 : i32
      %dma_wait3A_217 = tpu.memref_slice %arg7[%dma_wait3A_216] : memref<288xi32, #tpu.memory_space<vmem>> -> memref<128xi32, #tpu.memory_space<vmem>>
      %dma_wait3A_218 = arith.constant 0 : i32
      %dma_wait3A_219 = arith.constant 0 : i32
      %dma_wait3A_220 = tpu.memref_slice %arg2[%dma_wait3A_218, %dma_wait3A_219] : memref<460800x128xf32, #tpu.memory_space<hbm>> -> memref<460800x128xf32, #tpu.memory_space<hbm>>
      tpu.wait_indirect_dma semaphore(%arg16 : memref<!tpu.dma_semaphore, #tpu.memory_space<semaphore_mem>>) src(%dma_wait3A_220 : memref<460800x128xf32, #tpu.memory_space<hbm>>) dst(%dma_wait3A_215 : memref<128x128xf32, #tpu.memory_space<vmem>>)
      %dma_wait3A_221 = arith.constant 128 : i32
      %dma_wait3A_222 = arith.constant 0 : i32
      %dma_wait3A_223 = tpu.memref_slice %arg11[%dma_wait3A_221, %dma_wait3A_222] : memref<288x128xf32, #tpu.memory_space<vmem>> -> memref<128x128xf32, #tpu.memory_space<vmem>>
      %dma_wait3A_224 = arith.constant 128 : i32
      %dma_wait3A_225 = tpu.memref_slice %arg7[%dma_wait3A_224] : memref<288xi32, #tpu.memory_space<vmem>> -> memref<128xi32, #tpu.memory_space<vmem>>
      %dma_wait3A_226 = arith.constant 0 : i32
      %dma_wait3A_227 = arith.constant 0 : i32
      %dma_wait3A_228 = tpu.memref_slice %arg2[%dma_wait3A_226, %dma_wait3A_227] : memref<460800x128xf32, #tpu.memory_space<hbm>> -> memref<460800x128xf32, #tpu.memory_space<hbm>>
      tpu.wait_indirect_dma semaphore(%arg16 : memref<!tpu.dma_semaphore, #tpu.memory_space<semaphore_mem>>) src(%dma_wait3A_228 : memref<460800x128xf32, #tpu.memory_space<hbm>>) dst(%dma_wait3A_223 : memref<128x128xf32, #tpu.memory_space<vmem>>)
      %dma_wait3A_229 = arith.constant 256 : i32
      %dma_wait3A_230 = arith.constant 0 : i32
      %dma_wait3A_231 = tpu.memref_slice %arg11[%dma_wait3A_229, %dma_wait3A_230] : memref<288x128xf32, #tpu.memory_space<vmem>> -> memref<32x128xf32, #tpu.memory_space<vmem>>
      %dma_wait3A_232 = arith.constant 256 : i32
      %dma_wait3A_233 = tpu.memref_slice %arg7[%dma_wait3A_232] : memref<288xi32, #tpu.memory_space<vmem>> -> memref<32xi32, #tpu.memory_space<vmem>>
      %dma_wait3A_234 = arith.constant 0 : i32
      %dma_wait3A_235 = arith.constant 0 : i32
      %dma_wait3A_236 = tpu.memref_slice %arg2[%dma_wait3A_234, %dma_wait3A_235] : memref<460800x128xf32, #tpu.memory_space<hbm>> -> memref<460800x128xf32, #tpu.memory_space<hbm>>
      tpu.wait_indirect_dma semaphore(%arg16 : memref<!tpu.dma_semaphore, #tpu.memory_space<semaphore_mem>>) src(%dma_wait3A_236 : memref<460800x128xf32, #tpu.memory_space<hbm>>) dst(%dma_wait3A_231 : memref<32x128xf32, #tpu.memory_space<vmem>>)
      %dma_start3A_237 = arith.constant 0 : i32
      %dma_start3A_238 = arith.constant 0 : i32
      %dma_start3A_239 = tpu.memref_slice %arg10[%dma_start3A_237, %dma_start3A_238] : memref<288x128xf32, #tpu.memory_space<vmem>> -> memref<128x128xf32, #tpu.memory_space<vmem>>
      %dma_start3A_240 = arith.constant 0 : i32
      %dma_start3A_241 = tpu.memref_slice %arg6[%dma_start3A_240] : memref<288xi32, #tpu.memory_space<vmem>> -> memref<128xi32, #tpu.memory_space<vmem>>
      %dma_start3A_242 = arith.constant 0 : i32
      %dma_start3A_243 = arith.constant 0 : i32
      %dma_start3A_244 = tpu.memref_slice %arg2[%dma_start3A_242, %dma_start3A_243] : memref<460800x128xf32, #tpu.memory_space<hbm>> -> memref<460800x128xf32, #tpu.memory_space<hbm>>
      tpu.enqueue_indirect_dma source(%dma_start3A_244 : memref<460800x128xf32, #tpu.memory_space<hbm>>) target(%dma_start3A_239 : memref<128x128xf32, #tpu.memory_space<vmem>>) offsets(%dma_start3A_241 : memref<128xi32, #tpu.memory_space<vmem>>) semaphore(%arg15 : memref<!tpu.dma_semaphore, #tpu.memory_space<semaphore_mem>>)
      %dma_start3A_245 = arith.constant 128 : i32
      %dma_start3A_246 = arith.constant 0 : i32
      %dma_start3A_247 = tpu.memref_slice %arg10[%dma_start3A_245, %dma_start3A_246] : memref<288x128xf32, #tpu.memory_space<vmem>> -> memref<128x128xf32, #tpu.memory_space<vmem>>
      %dma_start3A_248 = arith.constant 128 : i32
      %dma_start3A_249 = tpu.memref_slice %arg6[%dma_start3A_248] : memref<288xi32, #tpu.memory_space<vmem>> -> memref<128xi32, #tpu.memory_space<vmem>>
      %dma_start3A_250 = arith.constant 0 : i32
      %dma_start3A_251 = arith.constant 0 : i32
      %dma_start3A_252 = tpu.memref_slice %arg2[%dma_start3A_250, %dma_start3A_251] : memref<460800x128xf32, #tpu.memory_space<hbm>> -> memref<460800x128xf32, #tpu.memory_space<hbm>>
      tpu.enqueue_indirect_dma source(%dma_start3A_252 : memref<460800x128xf32, #tpu.memory_space<hbm>>) target(%dma_start3A_247 : memref<128x128xf32, #tpu.memory_space<vmem>>) offsets(%dma_start3A_249 : memref<128xi32, #tpu.memory_space<vmem>>) semaphore(%arg15 : memref<!tpu.dma_semaphore, #tpu.memory_space<semaphore_mem>>)
      %dma_start3A_253 = arith.constant 256 : i32
      %dma_start3A_254 = arith.constant 0 : i32
      %dma_start3A_255 = tpu.memref_slice %arg10[%dma_start3A_253, %dma_start3A_254] : memref<288x128xf32, #tpu.memory_space<vmem>> -> memref<32x128xf32, #tpu.memory_space<vmem>>
      %dma_start3A_256 = arith.constant 256 : i32
      %dma_start3A_257 = tpu.memref_slice %arg6[%dma_start3A_256] : memref<288xi32, #tpu.memory_space<vmem>> -> memref<32xi32, #tpu.memory_space<vmem>>
      %dma_start3A_258 = arith.constant 0 : i32
      %dma_start3A_259 = arith.constant 0 : i32
      %dma_start3A_260 = tpu.memref_slice %arg2[%dma_start3A_258, %dma_start3A_259] : memref<460800x128xf32, #tpu.memory_space<hbm>> -> memref<460800x128xf32, #tpu.memory_space<hbm>>
      tpu.enqueue_indirect_dma source(%dma_start3A_260 : memref<460800x128xf32, #tpu.memory_space<hbm>>) target(%dma_start3A_255 : memref<32x128xf32, #tpu.memory_space<vmem>>) offsets(%dma_start3A_257 : memref<32xi32, #tpu.memory_space<vmem>>) semaphore(%arg15 : memref<!tpu.dma_semaphore, #tpu.memory_space<semaphore_mem>>)
      %scan3A_261 = arith.constant 0 : i32
      %scan3A_262 = arith.constant 0 : i32
      %scan3A_263 = arith.constant 8 : i32
      %scan3A_264 = arith.addi %scan3A_262, %scan3A_263 : i32
      %scan3A_265 = arith.constant 1 : i32
      scf.for %scan3A_285 = %scan3A_262 to %scan3A_264 step %scan3A_265  : i32 {
        %mul3A_286 = arith.constant 36 : i32
        %mul3A_287 = arith.muli %scan3A_285, %mul3A_286 : i32
        %add3A_288 = arith.constant 0 : i32
        %add3A_289 = arith.addi %mul3A_287, %add3A_288 : i32
        %get3A = arith.index_cast %add3A_289 : i32 to index
        %get3A_290 = tpu.vector_load %arg9[%get3A] {strides = array<i32>} : memref<304xf32, #tpu.memory_space<vmem>>, vector<16xf32>,
        %get3A_291 = vector.shape_cast %get3A_290 : vector<16xf32> to vector<16xf32>
        %add3A_292 = arith.constant 16 : i32
        %add3A_293 = arith.addi %mul3A_287, %add3A_292 : i32
        %get3A_294 = arith.index_cast %add3A_293 : i32 to index
        %get3A_295 = tpu.vector_load %arg9[%get3A_294] {strides = array<i32>} : memref<304xf32, #tpu.memory_space<vmem>>, vector<16xf32>,
        %get3A_296 = vector.shape_cast %get3A_295 : vector<16xf32> to vector<16xf32>
        %add3A_297 = arith.constant 32 : i32
        %add3A_298 = arith.addi %mul3A_287, %add3A_297 : i32
        %get3A_299 = arith.index_cast %add3A_298 : i32 to index
        %get3A_300 = tpu.vector_load %arg9[%get3A_299] {strides = array<i32>} : memref<304xf32, #tpu.memory_space<vmem>>, vector<16xf32>,
        %get3A_301 = vector.shape_cast %get3A_300 : vector<16xf32> to vector<16xf32>
        %broadcast_in_dim3A = arith.constant 0.000000e+00 : f32
        %broadcast_in_dim3A_302 = vector.broadcast %broadcast_in_dim3A : f32 to vector<16xf32>
        %broadcast_in_dim3A_303 = arith.constant 0.000000e+00 : f32
        %broadcast_in_dim3A_304 = vector.broadcast %broadcast_in_dim3A_303 : f32 to vector<16xf32>
        %broadcast_in_dim3A_305 = arith.constant 0.000000e+00 : f32
        %broadcast_in_dim3A_306 = vector.broadcast %broadcast_in_dim3A_305 : f32 to vector<16xf32>
        %broadcast_in_dim3A_307 = arith.constant 0.000000e+00 : f32
        %broadcast_in_dim3A_308 = vector.broadcast %broadcast_in_dim3A_307 : f32 to vector<16xf32>
        %broadcast_in_dim3A_309 = arith.constant 0.000000e+00 : f32
        %broadcast_in_dim3A_310 = vector.broadcast %broadcast_in_dim3A_309 : f32 to vector<16xf32>
        %broadcast_in_dim3A_311 = arith.constant 0.000000e+00 : f32
        %broadcast_in_dim3A_312 = vector.broadcast %broadcast_in_dim3A_311 : f32 to vector<16xf32>
        %slice3A = vector.extract_strided_slice %get3A_291 {offsets = [0], sizes = [1], strides = [1]} : vector<16xf32> to vector<1xf32>
        %squeeze3A = vector.extract %slice3A[0] : f32 from vector<1xf32>
        %broadcast_in_dim3A_313 = vector.broadcast %squeeze3A : f32 to vector<16xf32>
        %add3A_314 = arith.constant 0 : i32
        %add3A_315 = arith.addi %mul3A_287, %add3A_314 : i32
        %get3A_316 = arith.index_cast %add3A_315 : i32 to index
        %get3A_317 = arith.constant 0 : index
        %get3A_318 = tpu.vector_load %arg11[%get3A_316, %get3A_317] {strides = array<i32>} : memref<288x128xf32, #tpu.memory_space<vmem>>, vector<1x16xf32>,
        %get3A_319 = vector.shape_cast %get3A_318 : vector<1x16xf32> to vector<16xf32>
        %mul3A_320 = arith.mulf %broadcast_in_dim3A_313, %get3A_319 : vector<16xf32>
        %add3A_321 = arith.addf %broadcast_in_dim3A_302, %mul3A_320 : vector<16xf32>
        %add3A_322 = arith.constant 0 : i32
        %add3A_323 = arith.addi %mul3A_287, %add3A_322 : i32
        %get3A_324 = arith.index_cast %add3A_323 : i32 to index
        %get3A_325 = arith.constant 16 : index
        %get3A_326 = tpu.vector_load %arg11[%get3A_324, %get3A_325] {strides = array<i32>} : memref<288x128xf32, #tpu.memory_space<vmem>>, vector<1x16xf32>,
        %get3A_327 = vector.shape_cast %get3A_326 : vector<1x16xf32> to vector<16xf32>
        %mul3A_328 = arith.mulf %broadcast_in_dim3A_313, %get3A_327 : vector<16xf32>
        %add3A_329 = arith.addf %broadcast_in_dim3A_304, %mul3A_328 : vector<16xf32>
        %add3A_330 = arith.constant 0 : i32
        %add3A_331 = arith.addi %mul3A_287, %add3A_330 : i32
        %get3A_332 = arith.index_cast %add3A_331 : i32 to index
        %get3A_333 = arith.constant 32 : index
        %get3A_334 = tpu.vector_load %arg11[%get3A_332, %get3A_333] {strides = array<i32>} : memref<288x128xf32, #tpu.memory_space<vmem>>, vector<1x16xf32>,
        %get3A_335 = vector.shape_cast %get3A_334 : vector<1x16xf32> to vector<16xf32>
        %mul3A_336 = arith.mulf %broadcast_in_dim3A_313, %get3A_335 : vector<16xf32>
        %add3A_337 = arith.addf %broadcast_in_dim3A_306, %mul3A_336 : vector<16xf32>
        %add3A_338 = arith.constant 0 : i32
        %add3A_339 = arith.addi %mul3A_287, %add3A_338 : i32
        %get3A_340 = arith.index_cast %add3A_339 : i32 to index
        %get3A_341 = arith.constant 48 : index
        %get3A_342 = tpu.vector_load %arg11[%get3A_340, %get3A_341] {strides = array<i32>} : memref<288x128xf32, #tpu.memory_space<vmem>>, vector<1x16xf32>,
        %get3A_343 = vector.shape_cast %get3A_342 : vector<1x16xf32> to vector<16xf32>
        %mul3A_344 = arith.mulf %broadcast_in_dim3A_313, %get3A_343 : vector<16xf32>
        %add3A_345 = arith.addf %broadcast_in_dim3A_308, %mul3A_344 : vector<16xf32>
        %add3A_346 = arith.constant 0 : i32
        %add3A_347 = arith.addi %mul3A_287, %add3A_346 : i32
        %get3A_348 = arith.index_cast %add3A_347 : i32 to index
        %get3A_349 = arith.constant 64 : index
        %get3A_350 = tpu.vector_load %arg11[%get3A_348, %get3A_349] {strides = array<i32>} : memref<288x128xf32, #tpu.memory_space<vmem>>, vector<1x16xf32>,
        %get3A_351 = vector.shape_cast %get3A_350 : vector<1x16xf32> to vector<16xf32>
        %mul3A_352 = arith.mulf %broadcast_in_dim3A_313, %get3A_351 : vector<16xf32>
        %add3A_353 = arith.addf %broadcast_in_dim3A_310, %mul3A_352 : vector<16xf32>
        %add3A_354 = arith.constant 0 : i32
        %add3A_355 = arith.addi %mul3A_287, %add3A_354 : i32
        %get3A_356 = arith.index_cast %add3A_355 : i32 to index
        %get3A_357 = arith.constant 80 : index
        %get3A_358 = tpu.vector_load %arg11[%get3A_356, %get3A_357] {strides = array<i32>} : memref<288x128xf32, #tpu.memory_space<vmem>>, vector<1x16xf32>,
        %get3A_359 = vector.shape_cast %get3A_358 : vector<1x16xf32> to vector<16xf32>
        %mul3A_360 = arith.mulf %broadcast_in_dim3A_313, %get3A_359 : vector<16xf32>
        %add3A_361 = arith.addf %broadcast_in_dim3A_312, %mul3A_360 : vector<16xf32>
        %slice3A_362 = vector.extract_strided_slice %get3A_291 {offsets = [1], sizes = [1], strides = [1]} : vector<16xf32> to vector<1xf32>
        %squeeze3A_363 = vector.extract %slice3A_362[0] : f32 from vector<1xf32>
        %broadcast_in_dim3A_364 = vector.broadcast %squeeze3A_363 : f32 to vector<16xf32>
        %add3A_365 = arith.constant 1 : i32
        %add3A_366 = arith.addi %mul3A_287, %add3A_365 : i32
        %get3A_367 = arith.index_cast %add3A_366 : i32 to index
        %get3A_368 = arith.constant 0 : index
        %get3A_369 = tpu.vector_load %arg11[%get3A_367, %get3A_368] {strides = array<i32>} : memref<288x128xf32, #tpu.memory_space<vmem>>, vector<1x16xf32>,
        %get3A_370 = vector.shape_cast %get3A_369 : vector<1x16xf32> to vector<16xf32>
        %mul3A_371 = arith.mulf %broadcast_in_dim3A_364, %get3A_370 : vector<16xf32>
        %add3A_372 = arith.addf %add3A_321, %mul3A_371 : vector<16xf32>
        %add3A_373 = arith.constant 1 : i32
        %add3A_374 = arith.addi %mul3A_287, %add3A_373 : i32
        %get3A_375 = arith.index_cast %add3A_374 : i32 to index
        %get3A_376 = arith.constant 16 : index
        %get3A_377 = tpu.vector_load %arg11[%get3A_375, %get3A_376] {strides = array<i32>} : memref<288x128xf32, #tpu.memory_space<vmem>>, vector<1x16xf32>,
        %get3A_378 = vector.shape_cast %get3A_377 : vector<1x16xf32> to vector<16xf32>
        %mul3A_379 = arith.mulf %broadcast_in_dim3A_364, %get3A_378 : vector<16xf32>
        %add3A_380 = arith.addf %add3A_329, %mul3A_379 : vector<16xf32>
        %add3A_381 = arith.constant 1 : i32
        %add3A_382 = arith.addi %mul3A_287, %add3A_381 : i32
        %get3A_383 = arith.index_cast %add3A_382 : i32 to index
        %get3A_384 = arith.constant 32 : index
        %get3A_385 = tpu.vector_load %arg11[%get3A_383, %get3A_384] {strides = array<i32>} : memref<288x128xf32, #tpu.memory_space<vmem>>, vector<1x16xf32>,
        %get3A_386 = vector.shape_cast %get3A_385 : vector<1x16xf32> to vector<16xf32>
        %mul3A_387 = arith.mulf %broadcast_in_dim3A_364, %get3A_386 : vector<16xf32>
        %add3A_388 = arith.addf %add3A_337, %mul3A_387 : vector<16xf32>
        %add3A_389 = arith.constant 1 : i32
        %add3A_390 = arith.addi %mul3A_287, %add3A_389 : i32
        %get3A_391 = arith.index_cast %add3A_390 : i32 to index
        %get3A_392 = arith.constant 48 : index
        %get3A_393 = tpu.vector_load %arg11[%get3A_391, %get3A_392] {strides = array<i32>} : memref<288x128xf32, #tpu.memory_space<vmem>>, vector<1x16xf32>,
        %get3A_394 = vector.shape_cast %get3A_393 : vector<1x16xf32> to vector<16xf32>
        %mul3A_395 = arith.mulf %broadcast_in_dim3A_364, %get3A_394 : vector<16xf32>
        %add3A_396 = arith.addf %add3A_345, %mul3A_395 : vector<16xf32>
        %add3A_397 = arith.constant 1 : i32
        %add3A_398 = arith.addi %mul3A_287, %add3A_397 : i32
        %get3A_399 = arith.index_cast %add3A_398 : i32 to index
        %get3A_400 = arith.constant 64 : index
        %get3A_401 = tpu.vector_load %arg11[%get3A_399, %get3A_400] {strides = array<i32>} : memref<288x128xf32, #tpu.memory_space<vmem>>, vector<1x16xf32>,
        %get3A_402 = vector.shape_cast %get3A_401 : vector<1x16xf32> to vector<16xf32>
        %mul3A_403 = arith.mulf %broadcast_in_dim3A_364, %get3A_402 : vector<16xf32>
        %add3A_404 = arith.addf %add3A_353, %mul3A_403 : vector<16xf32>
        %add3A_405 = arith.constant 1 : i32
        %add3A_406 = arith.addi %mul3A_287, %add3A_405 : i32
        %get3A_407 = arith.index_cast %add3A_406 : i32 to index
        %get3A_408 = arith.constant 80 : index
        %get3A_409 = tpu.vector_load %arg11[%get3A_407, %get3A_408] {strides = array<i32>} : memref<288x128xf32, #tpu.memory_space<vmem>>, vector<1x16xf32>,
        %get3A_410 = vector.shape_cast %get3A_409 : vector<1x16xf32> to vector<16xf32>
        %mul3A_411 = arith.mulf %broadcast_in_dim3A_364, %get3A_410 : vector<16xf32>
        %add3A_412 = arith.addf %add3A_361, %mul3A_411 : vector<16xf32>
        %slice3A_413 = vector.extract_strided_slice %get3A_291 {offsets = [2], sizes = [1], strides = [1]} : vector<16xf32> to vector<1xf32>
        %squeeze3A_414 = vector.extract %slice3A_413[0] : f32 from vector<1xf32>
        %broadcast_in_dim3A_415 = vector.broadcast %squeeze3A_414 : f32 to vector<16xf32>
        %add3A_416 = arith.constant 2 : i32
        %add3A_417 = arith.addi %mul3A_287, %add3A_416 : i32
        %get3A_418 = arith.index_cast %add3A_417 : i32 to index
        %get3A_419 = arith.constant 0 : index
        %get3A_420 = tpu.vector_load %arg11[%get3A_418, %get3A_419] {strides = array<i32>} : memref<288x128xf32, #tpu.memory_space<vmem>>, vector<1x16xf32>,
        %get3A_421 = vector.shape_cast %get3A_420 : vector<1x16xf32> to vector<16xf32>
        %mul3A_422 = arith.mulf %broadcast_in_dim3A_415, %get3A_421 : vector<16xf32>
        %add3A_423 = arith.addf %add3A_372, %mul3A_422 : vector<16xf32>
        %add3A_424 = arith.constant 2 : i32
        %add3A_425 = arith.addi %mul3A_287, %add3A_424 : i32
        %get3A_426 = arith.index_cast %add3A_425 : i32 to index
        %get3A_427 = arith.constant 16 : index
        %get3A_428 = tpu.vector_load %arg11[%get3A_426, %get3A_427] {strides = array<i32>} : memref<288x128xf32, #tpu.memory_space<vmem>>, vector<1x16xf32>,
        %get3A_429 = vector.shape_cast %get3A_428 : vector<1x16xf32> to vector<16xf32>
        %mul3A_430 = arith.mulf %broadcast_in_dim3A_415, %get3A_429 : vector<16xf32>
        %add3A_431 = arith.addf %add3A_380, %mul3A_430 : vector<16xf32>
        %add3A_432 = arith.constant 2 : i32
        %add3A_433 = arith.addi %mul3A_287, %add3A_432 : i32
        %get3A_434 = arith.index_cast %add3A_433 : i32 to index
        %get3A_435 = arith.constant 32 : index
        %get3A_436 = tpu.vector_load %arg11[%get3A_434, %get3A_435] {strides = array<i32>} : memref<288x128xf32, #tpu.memory_space<vmem>>, vector<1x16xf32>,
        %get3A_437 = vector.shape_cast %get3A_436 : vector<1x16xf32> to vector<16xf32>
        %mul3A_438 = arith.mulf %broadcast_in_dim3A_415, %get3A_437 : vector<16xf32>
        %add3A_439 = arith.addf %add3A_388, %mul3A_438 : vector<16xf32>
        %add3A_440 = arith.constant 2 : i32
        %add3A_441 = arith.addi %mul3A_287, %add3A_440 : i32
        %get3A_442 = arith.index_cast %add3A_441 : i32 to index
        %get3A_443 = arith.constant 48 : index
        %get3A_444 = tpu.vector_load %arg11[%get3A_442, %get3A_443] {strides = array<i32>} : memref<288x128xf32, #tpu.memory_space<vmem>>, vector<1x16xf32>,
        %get3A_445 = vector.shape_cast %get3A_444 : vector<1x16xf32> to vector<16xf32>
        %mul3A_446 = arith.mulf %broadcast_in_dim3A_415, %get3A_445 : vector<16xf32>
        %add3A_447 = arith.addf %add3A_396, %mul3A_446 : vector<16xf32>
        %add3A_448 = arith.constant 2 : i32
        %add3A_449 = arith.addi %mul3A_287, %add3A_448 : i32
        %get3A_450 = arith.index_cast %add3A_449 : i32 to index
        %get3A_451 = arith.constant 64 : index
        %get3A_452 = tpu.vector_load %arg11[%get3A_450, %get3A_451] {strides = array<i32>} : memref<288x128xf32, #tpu.memory_space<vmem>>, vector<1x16xf32>,
        %get3A_453 = vector.shape_cast %get3A_452 : vector<1x16xf32> to vector<16xf32>
        %mul3A_454 = arith.mulf %broadcast_in_dim3A_415, %get3A_453 : vector<16xf32>
        %add3A_455 = arith.addf %add3A_404, %mul3A_454 : vector<16xf32>
        %add3A_456 = arith.constant 2 : i32
        %add3A_457 = arith.addi %mul3A_287, %add3A_456 : i32
        %get3A_458 = arith.index_cast %add3A_457 : i32 to index
        %get3A_459 = arith.constant 80 : index
        %get3A_460 = tpu.vector_load %arg11[%get3A_458, %get3A_459] {strides = array<i32>} : memref<288x128xf32, #tpu.memory_space<vmem>>, vector<1x16xf32>,
        %get3A_461 = vector.shape_cast %get3A_460 : vector<1x16xf32> to vector<16xf32>
        %mul3A_462 = arith.mulf %broadcast_in_dim3A_415, %get3A_461 : vector<16xf32>
        %add3A_463 = arith.addf %add3A_412, %mul3A_462 : vector<16xf32>
        %slice3A_464 = vector.extract_strided_slice %get3A_291 {offsets = [3], sizes = [1], strides = [1]} : vector<16xf32> to vector<1xf32>
        %squeeze3A_465 = vector.extract %slice3A_464[0] : f32 from vector<1xf32>
        %broadcast_in_dim3A_466 = vector.broadcast %squeeze3A_465 : f32 to vector<16xf32>
        %add3A_467 = arith.constant 3 : i32
        %add3A_468 = arith.addi %mul3A_287, %add3A_467 : i32
        %get3A_469 = arith.index_cast %add3A_468 : i32 to index
        %get3A_470 = arith.constant 0 : index
        %get3A_471 = tpu.vector_load %arg11[%get3A_469, %get3A_470] {strides = array<i32>} : memref<288x128xf32, #tpu.memory_space<vmem>>, vector<1x16xf32>,
        %get3A_472 = vector.shape_cast %get3A_471 : vector<1x16xf32> to vector<16xf32>
        %mul3A_473 = arith.mulf %broadcast_in_dim3A_466, %get3A_472 : vector<16xf32>
        %add3A_474 = arith.addf %add3A_423, %mul3A_473 : vector<16xf32>
        %add3A_475 = arith.constant 3 : i32
        %add3A_476 = arith.addi %mul3A_287, %add3A_475 : i32
        %get3A_477 = arith.index_cast %add3A_476 : i32 to index
        %get3A_478 = arith.constant 16 : index
        %get3A_479 = tpu.vector_load %arg11[%get3A_477, %get3A_478] {strides = array<i32>} : memref<288x128xf32, #tpu.memory_space<vmem>>, vector<1x16xf32>,
        %get3A_480 = vector.shape_cast %get3A_479 : vector<1x16xf32> to vector<16xf32>
        %mul3A_481 = arith.mulf %broadcast_in_dim3A_466, %get3A_480 : vector<16xf32>
        %add3A_482 = arith.addf %add3A_431, %mul3A_481 : vector<16xf32>
        %add3A_483 = arith.constant 3 : i32
        %add3A_484 = arith.addi %mul3A_287, %add3A_483 : i32
        %get3A_485 = arith.index_cast %add3A_484 : i32 to index
        %get3A_486 = arith.constant 32 : index
        %get3A_487 = tpu.vector_load %arg11[%get3A_485, %get3A_486] {strides = array<i32>} : memref<288x128xf32, #tpu.memory_space<vmem>>, vector<1x16xf32>,
        %get3A_488 = vector.shape_cast %get3A_487 : vector<1x16xf32> to vector<16xf32>
        %mul3A_489 = arith.mulf %broadcast_in_dim3A_466, %get3A_488 : vector<16xf32>
        %add3A_490 = arith.addf %add3A_439, %mul3A_489 : vector<16xf32>
        %add3A_491 = arith.constant 3 : i32
        %add3A_492 = arith.addi %mul3A_287, %add3A_491 : i32
        %get3A_493 = arith.index_cast %add3A_492 : i32 to index
        %get3A_494 = arith.constant 48 : index
        %get3A_495 = tpu.vector_load %arg11[%get3A_493, %get3A_494] {strides = array<i32>} : memref<288x128xf32, #tpu.memory_space<vmem>>, vector<1x16xf32>,
        %get3A_496 = vector.shape_cast %get3A_495 : vector<1x16xf32> to vector<16xf32>
        %mul3A_497 = arith.mulf %broadcast_in_dim3A_466, %get3A_496 : vector<16xf32>
        %add3A_498 = arith.addf %add3A_447, %mul3A_497 : vector<16xf32>
        %add3A_499 = arith.constant 3 : i32
        %add3A_500 = arith.addi %mul3A_287, %add3A_499 : i32
        %get3A_501 = arith.index_cast %add3A_500 : i32 to index
        %get3A_502 = arith.constant 64 : index
        %get3A_503 = tpu.vector_load %arg11[%get3A_501, %get3A_502] {strides = array<i32>} : memref<288x128xf32, #tpu.memory_space<vmem>>, vector<1x16xf32>,
        %get3A_504 = vector.shape_cast %get3A_503 : vector<1x16xf32> to vector<16xf32>
        %mul3A_505 = arith.mulf %broadcast_in_dim3A_466, %get3A_504 : vector<16xf32>
        %add3A_506 = arith.addf %add3A_455, %mul3A_505 : vector<16xf32>
        %add3A_507 = arith.constant 3 : i32
        %add3A_508 = arith.addi %mul3A_287, %add3A_507 : i32
        %get3A_509 = arith.index_cast %add3A_508 : i32 to index
        %get3A_510 = arith.constant 80 : index
        %get3A_511 = tpu.vector_load %arg11[%get3A_509, %get3A_510] {strides = array<i32>} : memref<288x128xf32, #tpu.memory_space<vmem>>, vector<1x16xf32>,
        %get3A_512 = vector.shape_cast %get3A_511 : vector<1x16xf32> to vector<16xf32>
        %mul3A_513 = arith.mulf %broadcast_in_dim3A_466, %get3A_512 : vector<16xf32>
        %add3A_514 = arith.addf %add3A_463, %mul3A_513 : vector<16xf32>
        %slice3A_515 = vector.extract_strided_slice %get3A_291 {offsets = [4], sizes = [1], strides = [1]} : vector<16xf32> to vector<1xf32>
        %squeeze3A_516 = vector.extract %slice3A_515[0] : f32 from vector<1xf32>
        %broadcast_in_dim3A_517 = vector.broadcast %squeeze3A_516 : f32 to vector<16xf32>
        %add3A_518 = arith.constant 4 : i32
        %add3A_519 = arith.addi %mul3A_287, %add3A_518 : i32
        %get3A_520 = arith.index_cast %add3A_519 : i32 to index
        %get3A_521 = arith.constant 0 : index
        %get3A_522 = tpu.vector_load %arg11[%get3A_520, %get3A_521] {strides = array<i32>} : memref<288x128xf32, #tpu.memory_space<vmem>>, vector<1x16xf32>,
        %get3A_523 = vector.shape_cast %get3A_522 : vector<1x16xf32> to vector<16xf32>
        %mul3A_524 = arith.mulf %broadcast_in_dim3A_517, %get3A_523 : vector<16xf32>
        %add3A_525 = arith.addf %add3A_474, %mul3A_524 : vector<16xf32>
        %add3A_526 = arith.constant 4 : i32
        %add3A_527 = arith.addi %mul3A_287, %add3A_526 : i32
        %get3A_528 = arith.index_cast %add3A_527 : i32 to index
        %get3A_529 = arith.constant 16 : index
        %get3A_530 = tpu.vector_load %arg11[%get3A_528, %get3A_529] {strides = array<i32>} : memref<288x128xf32, #tpu.memory_space<vmem>>, vector<1x16xf32>,
        %get3A_531 = vector.shape_cast %get3A_530 : vector<1x16xf32> to vector<16xf32>
        %mul3A_532 = arith.mulf %broadcast_in_dim3A_517, %get3A_531 : vector<16xf32>
        %add3A_533 = arith.addf %add3A_482, %mul3A_532 : vector<16xf32>
        %add3A_534 = arith.constant 4 : i32
        %add3A_535 = arith.addi %mul3A_287, %add3A_534 : i32
        %get3A_536 = arith.index_cast %add3A_535 : i32 to index
        %get3A_537 = arith.constant 32 : index
        %get3A_538 = tpu.vector_load %arg11[%get3A_536, %get3A_537] {strides = array<i32>} : memref<288x128xf32, #tpu.memory_space<vmem>>, vector<1x16xf32>,
        %get3A_539 = vector.shape_cast %get3A_538 : vector<1x16xf32> to vector<16xf32>
        %mul3A_540 = arith.mulf %broadcast_in_dim3A_517, %get3A_539 : vector<16xf32>
        %add3A_541 = arith.addf %add3A_490, %mul3A_540 : vector<16xf32>
        %add3A_542 = arith.constant 4 : i32
        %add3A_543 = arith.addi %mul3A_287, %add3A_542 : i32
        %get3A_544 = arith.index_cast %add3A_543 : i32 to index
        %get3A_545 = arith.constant 48 : index
        %get3A_546 = tpu.vector_load %arg11[%get3A_544, %get3A_545] {strides = array<i32>} : memref<288x128xf32, #tpu.memory_space<vmem>>, vector<1x16xf32>,
        %get3A_547 = vector.shape_cast %get3A_546 : vector<1x16xf32> to vector<16xf32>
        %mul3A_548 = arith.mulf %broadcast_in_dim3A_517, %get3A_547 : vector<16xf32>
        %add3A_549 = arith.addf %add3A_498, %mul3A_548 : vector<16xf32>
        %add3A_550 = arith.constant 4 : i32
        %add3A_551 = arith.addi %mul3A_287, %add3A_550 : i32
        %get3A_552 = arith.index_cast %add3A_551 : i32 to index
        %get3A_553 = arith.constant 64 : index
        %get3A_554 = tpu.vector_load %arg11[%get3A_552, %get3A_553] {strides = array<i32>} : memref<288x128xf32, #tpu.memory_space<vmem>>, vector<1x16xf32>,
        %get3A_555 = vector.shape_cast %get3A_554 : vector<1x16xf32> to vector<16xf32>
        %mul3A_556 = arith.mulf %broadcast_in_dim3A_517, %get3A_555 : vector<16xf32>
        %add3A_557 = arith.addf %add3A_506, %mul3A_556 : vector<16xf32>
        %add3A_558 = arith.constant 4 : i32
        %add3A_559 = arith.addi %mul3A_287, %add3A_558 : i32
        %get3A_560 = arith.index_cast %add3A_559 : i32 to index
        %get3A_561 = arith.constant 80 : index
        %get3A_562 = tpu.vector_load %arg11[%get3A_560, %get3A_561] {strides = array<i32>} : memref<288x128xf32, #tpu.memory_space<vmem>>, vector<1x16xf32>,
        %get3A_563 = vector.shape_cast %get3A_562 : vector<1x16xf32> to vector<16xf32>
        %mul3A_564 = arith.mulf %broadcast_in_dim3A_517, %get3A_563 : vector<16xf32>
        %add3A_565 = arith.addf %add3A_514, %mul3A_564 : vector<16xf32>
        %slice3A_566 = vector.extract_strided_slice %get3A_291 {offsets = [5], sizes = [1], strides = [1]} : vector<16xf32> to vector<1xf32>
        %squeeze3A_567 = vector.extract %slice3A_566[0] : f32 from vector<1xf32>
        %broadcast_in_dim3A_568 = vector.broadcast %squeeze3A_567 : f32 to vector<16xf32>
        %add3A_569 = arith.constant 5 : i32
        %add3A_570 = arith.addi %mul3A_287, %add3A_569 : i32
        %get3A_571 = arith.index_cast %add3A_570 : i32 to index
        %get3A_572 = arith.constant 0 : index
        %get3A_573 = tpu.vector_load %arg11[%get3A_571, %get3A_572] {strides = array<i32>} : memref<288x128xf32, #tpu.memory_space<vmem>>, vector<1x16xf32>,
        %get3A_574 = vector.shape_cast %get3A_573 : vector<1x16xf32> to vector<16xf32>
        %mul3A_575 = arith.mulf %broadcast_in_dim3A_568, %get3A_574 : vector<16xf32>
        %add3A_576 = arith.addf %add3A_525, %mul3A_575 : vector<16xf32>
        %add3A_577 = arith.constant 5 : i32
        %add3A_578 = arith.addi %mul3A_287, %add3A_577 : i32
        %get3A_579 = arith.index_cast %add3A_578 : i32 to index
        %get3A_580 = arith.constant 16 : index
        %get3A_581 = tpu.vector_load %arg11[%get3A_579, %get3A_580] {strides = array<i32>} : memref<288x128xf32, #tpu.memory_space<vmem>>, vector<1x16xf32>,
        %get3A_582 = vector.shape_cast %get3A_581 : vector<1x16xf32> to vector<16xf32>
        %mul3A_583 = arith.mulf %broadcast_in_dim3A_568, %get3A_582 : vector<16xf32>
        %add3A_584 = arith.addf %add3A_533, %mul3A_583 : vector<16xf32>
        %add3A_585 = arith.constant 5 : i32
        %add3A_586 = arith.addi %mul3A_287, %add3A_585 : i32
        %get3A_587 = arith.index_cast %add3A_586 : i32 to index
        %get3A_588 = arith.constant 32 : index
        %get3A_589 = tpu.vector_load %arg11[%get3A_587, %get3A_588] {strides = array<i32>} : memref<288x128xf32, #tpu.memory_space<vmem>>, vector<1x16xf32>,
        %get3A_590 = vector.shape_cast %get3A_589 : vector<1x16xf32> to vector<16xf32>
        %mul3A_591 = arith.mulf %broadcast_in_dim3A_568, %get3A_590 : vector<16xf32>
        %add3A_592 = arith.addf %add3A_541, %mul3A_591 : vector<16xf32>
        %add3A_593 = arith.constant 5 : i32
        %add3A_594 = arith.addi %mul3A_287, %add3A_593 : i32
        %get3A_595 = arith.index_cast %add3A_594 : i32 to index
        %get3A_596 = arith.constant 48 : index
        %get3A_597 = tpu.vector_load %arg11[%get3A_595, %get3A_596] {strides = array<i32>} : memref<288x128xf32, #tpu.memory_space<vmem>>, vector<1x16xf32>,
        %get3A_598 = vector.shape_cast %get3A_597 : vector<1x16xf32> to vector<16xf32>
        %mul3A_599 = arith.mulf %broadcast_in_dim3A_568, %get3A_598 : vector<16xf32>
        %add3A_600 = arith.addf %add3A_549, %mul3A_599 : vector<16xf32>
        %add3A_601 = arith.constant 5 : i32
        %add3A_602 = arith.addi %mul3A_287, %add3A_601 : i32
        %get3A_603 = arith.index_cast %add3A_602 : i32 to index
        %get3A_604 = arith.constant 64 : index
        %get3A_605 = tpu.vector_load %arg11[%get3A_603, %get3A_604] {strides = array<i32>} : memref<288x128xf32, #tpu.memory_space<vmem>>, vector<1x16xf32>,
        %get3A_606 = vector.shape_cast %get3A_605 : vector<1x16xf32> to vector<16xf32>
        %mul3A_607 = arith.mulf %broadcast_in_dim3A_568, %get3A_606 : vector<16xf32>
        %add3A_608 = arith.addf %add3A_557, %mul3A_607 : vector<16xf32>
        %add3A_609 = arith.constant 5 : i32
        %add3A_610 = arith.addi %mul3A_287, %add3A_609 : i32
        %get3A_611 = arith.index_cast %add3A_610 : i32 to index
        %get3A_612 = arith.constant 80 : index
        %get3A_613 = tpu.vector_load %arg11[%get3A_611, %get3A_612] {strides = array<i32>} : memref<288x128xf32, #tpu.memory_space<vmem>>, vector<1x16xf32>,
        %get3A_614 = vector.shape_cast %get3A_613 : vector<1x16xf32> to vector<16xf32>
        %mul3A_615 = arith.mulf %broadcast_in_dim3A_568, %get3A_614 : vector<16xf32>
        %add3A_616 = arith.addf %add3A_565, %mul3A_615 : vector<16xf32>
        %slice3A_617 = vector.extract_strided_slice %get3A_291 {offsets = [6], sizes = [1], strides = [1]} : vector<16xf32> to vector<1xf32>
        %squeeze3A_618 = vector.extract %slice3A_617[0] : f32 from vector<1xf32>
        %broadcast_in_dim3A_619 = vector.broadcast %squeeze3A_618 : f32 to vector<16xf32>
        %add3A_620 = arith.constant 6 : i32
        %add3A_621 = arith.addi %mul3A_287, %add3A_620 : i32
        %get3A_622 = arith.index_cast %add3A_621 : i32 to index
        %get3A_623 = arith.constant 0 : index
        %get3A_624 = tpu.vector_load %arg11[%get3A_622, %get3A_623] {strides = array<i32>} : memref<288x128xf32, #tpu.memory_space<vmem>>, vector<1x16xf32>,
        %get3A_625 = vector.shape_cast %get3A_624 : vector<1x16xf32> to vector<16xf32>
        %mul3A_626 = arith.mulf %broadcast_in_dim3A_619, %get3A_625 : vector<16xf32>
        %add3A_627 = arith.addf %add3A_576, %mul3A_626 : vector<16xf32>
        %add3A_628 = arith.constant 6 : i32
        %add3A_629 = arith.addi %mul3A_287, %add3A_628 : i32
        %get3A_630 = arith.index_cast %add3A_629 : i32 to index
        %get3A_631 = arith.constant 16 : index
        %get3A_632 = tpu.vector_load %arg11[%get3A_630, %get3A_631] {strides = array<i32>} : memref<288x128xf32, #tpu.memory_space<vmem>>, vector<1x16xf32>,
        %get3A_633 = vector.shape_cast %get3A_632 : vector<1x16xf32> to vector<16xf32>
        %mul3A_634 = arith.mulf %broadcast_in_dim3A_619, %get3A_633 : vector<16xf32>
        %add3A_635 = arith.addf %add3A_584, %mul3A_634 : vector<16xf32>
        %add3A_636 = arith.constant 6 : i32
        %add3A_637 = arith.addi %mul3A_287, %add3A_636 : i32
        %get3A_638 = arith.index_cast %add3A_637 : i32 to index
        %get3A_639 = arith.constant 32 : index
        %get3A_640 = tpu.vector_load %arg11[%get3A_638, %get3A_639] {strides = array<i32>} : memref<288x128xf32, #tpu.memory_space<vmem>>, vector<1x16xf32>,
        %get3A_641 = vector.shape_cast %get3A_640 : vector<1x16xf32> to vector<16xf32>
        %mul3A_642 = arith.mulf %broadcast_in_dim3A_619, %get3A_641 : vector<16xf32>
        %add3A_643 = arith.addf %add3A_592, %mul3A_642 : vector<16xf32>
        %add3A_644 = arith.constant 6 : i32
        %add3A_645 = arith.addi %mul3A_287, %add3A_644 : i32
        %get3A_646 = arith.index_cast %add3A_645 : i32 to index
        %get3A_647 = arith.constant 48 : index
        %get3A_648 = tpu.vector_load %arg11[%get3A_646, %get3A_647] {strides = array<i32>} : memref<288x128xf32, #tpu.memory_space<vmem>>, vector<1x16xf32>,
        %get3A_649 = vector.shape_cast %get3A_648 : vector<1x16xf32> to vector<16xf32>
        %mul3A_650 = arith.mulf %broadcast_in_dim3A_619, %get3A_649 : vector<16xf32>
        %add3A_651 = arith.addf %add3A_600, %mul3A_650 : vector<16xf32>
        %add3A_652 = arith.constant 6 : i32
        %add3A_653 = arith.addi %mul3A_287, %add3A_652 : i32
        %get3A_654 = arith.index_cast %add3A_653 : i32 to index
        %get3A_655 = arith.constant 64 : index
        %get3A_656 = tpu.vector_load %arg11[%get3A_654, %get3A_655] {strides = array<i32>} : memref<288x128xf32, #tpu.memory_space<vmem>>, vector<1x16xf32>,
        %get3A_657 = vector.shape_cast %get3A_656 : vector<1x16xf32> to vector<16xf32>
        %mul3A_658 = arith.mulf %broadcast_in_dim3A_619, %get3A_657 : vector<16xf32>
        %add3A_659 = arith.addf %add3A_608, %mul3A_658 : vector<16xf32>
        %add3A_660 = arith.constant 6 : i32
        %add3A_661 = arith.addi %mul3A_287, %add3A_660 : i32
        %get3A_662 = arith.index_cast %add3A_661 : i32 to index
        %get3A_663 = arith.constant 80 : index
        %get3A_664 = tpu.vector_load %arg11[%get3A_662, %get3A_663] {strides = array<i32>} : memref<288x128xf32, #tpu.memory_space<vmem>>, vector<1x16xf32>,
        %get3A_665 = vector.shape_cast %get3A_664 : vector<1x16xf32> to vector<16xf32>
        %mul3A_666 = arith.mulf %broadcast_in_dim3A_619, %get3A_665 : vector<16xf32>
        %add3A_667 = arith.addf %add3A_616, %mul3A_666 : vector<16xf32>
        %slice3A_668 = vector.extract_strided_slice %get3A_291 {offsets = [7], sizes = [1], strides = [1]} : vector<16xf32> to vector<1xf32>
        %squeeze3A_669 = vector.extract %slice3A_668[0] : f32 from vector<1xf32>
        %broadcast_in_dim3A_670 = vector.broadcast %squeeze3A_669 : f32 to vector<16xf32>
        %add3A_671 = arith.constant 7 : i32
        %add3A_672 = arith.addi %mul3A_287, %add3A_671 : i32
        %get3A_673 = arith.index_cast %add3A_672 : i32 to index
        %get3A_674 = arith.constant 0 : index
        %get3A_675 = tpu.vector_load %arg11[%get3A_673, %get3A_674] {strides = array<i32>} : memref<288x128xf32, #tpu.memory_space<vmem>>, vector<1x16xf32>,
        %get3A_676 = vector.shape_cast %get3A_675 : vector<1x16xf32> to vector<16xf32>
        %mul3A_677 = arith.mulf %broadcast_in_dim3A_670, %get3A_676 : vector<16xf32>
        %add3A_678 = arith.addf %add3A_627, %mul3A_677 : vector<16xf32>
        %add3A_679 = arith.constant 7 : i32
        %add3A_680 = arith.addi %mul3A_287, %add3A_679 : i32
        %get3A_681 = arith.index_cast %add3A_680 : i32 to index
        %get3A_682 = arith.constant 16 : index
        %get3A_683 = tpu.vector_load %arg11[%get3A_681, %get3A_682] {strides = array<i32>} : memref<288x128xf32, #tpu.memory_space<vmem>>, vector<1x16xf32>,
        %get3A_684 = vector.shape_cast %get3A_683 : vector<1x16xf32> to vector<16xf32>
        %mul3A_685 = arith.mulf %broadcast_in_dim3A_670, %get3A_684 : vector<16xf32>
        %add3A_686 = arith.addf %add3A_635, %mul3A_685 : vector<16xf32>
        %add3A_687 = arith.constant 7 : i32
        %add3A_688 = arith.addi %mul3A_287, %add3A_687 : i32
        %get3A_689 = arith.index_cast %add3A_688 : i32 to index
        %get3A_690 = arith.constant 32 : index
        %get3A_691 = tpu.vector_load %arg11[%get3A_689, %get3A_690] {strides = array<i32>} : memref<288x128xf32, #tpu.memory_space<vmem>>, vector<1x16xf32>,
        %get3A_692 = vector.shape_cast %get3A_691 : vector<1x16xf32> to vector<16xf32>
        %mul3A_693 = arith.mulf %broadcast_in_dim3A_670, %get3A_692 : vector<16xf32>
        %add3A_694 = arith.addf %add3A_643, %mul3A_693 : vector<16xf32>
        %add3A_695 = arith.constant 7 : i32
        %add3A_696 = arith.addi %mul3A_287, %add3A_695 : i32
        %get3A_697 = arith.index_cast %add3A_696 : i32 to index
        %get3A_698 = arith.constant 48 : index
        %get3A_699 = tpu.vector_load %arg11[%get3A_697, %get3A_698] {strides = array<i32>} : memref<288x128xf32, #tpu.memory_space<vmem>>, vector<1x16xf32>,
        %get3A_700 = vector.shape_cast %get3A_699 : vector<1x16xf32> to vector<16xf32>
        %mul3A_701 = arith.mulf %broadcast_in_dim3A_670, %get3A_700 : vector<16xf32>
        %add3A_702 = arith.addf %add3A_651, %mul3A_701 : vector<16xf32>
        %add3A_703 = arith.constant 7 : i32
        %add3A_704 = arith.addi %mul3A_287, %add3A_703 : i32
        %get3A_705 = arith.index_cast %add3A_704 : i32 to index
        %get3A_706 = arith.constant 64 : index
        %get3A_707 = tpu.vector_load %arg11[%get3A_705, %get3A_706] {strides = array<i32>} : memref<288x128xf32, #tpu.memory_space<vmem>>, vector<1x16xf32>,
        %get3A_708 = vector.shape_cast %get3A_707 : vector<1x16xf32> to vector<16xf32>
        %mul3A_709 = arith.mulf %broadcast_in_dim3A_670, %get3A_708 : vector<16xf32>
        %add3A_710 = arith.addf %add3A_659, %mul3A_709 : vector<16xf32>
        %add3A_711 = arith.constant 7 : i32
        %add3A_712 = arith.addi %mul3A_287, %add3A_711 : i32
        %get3A_713 = arith.index_cast %add3A_712 : i32 to index
        %get3A_714 = arith.constant 80 : index
        %get3A_715 = tpu.vector_load %arg11[%get3A_713, %get3A_714] {strides = array<i32>} : memref<288x128xf32, #tpu.memory_space<vmem>>, vector<1x16xf32>,
        %get3A_716 = vector.shape_cast %get3A_715 : vector<1x16xf32> to vector<16xf32>
        %mul3A_717 = arith.mulf %broadcast_in_dim3A_670, %get3A_716 : vector<16xf32>
        %add3A_718 = arith.addf %add3A_667, %mul3A_717 : vector<16xf32>
        %slice3A_719 = vector.extract_strided_slice %get3A_291 {offsets = [8], sizes = [1], strides = [1]} : vector<16xf32> to vector<1xf32>
        %squeeze3A_720 = vector.extract %slice3A_719[0] : f32 from vector<1xf32>
        %broadcast_in_dim3A_721 = vector.broadcast %squeeze3A_720 : f32 to vector<16xf32>
        %add3A_722 = arith.constant 8 : i32
        %add3A_723 = arith.addi %mul3A_287, %add3A_722 : i32
        %get3A_724 = arith.index_cast %add3A_723 : i32 to index
        %get3A_725 = arith.constant 0 : index
        %get3A_726 = tpu.vector_load %arg11[%get3A_724, %get3A_725] {strides = array<i32>} : memref<288x128xf32, #tpu.memory_space<vmem>>, vector<1x16xf32>,
        %get3A_727 = vector.shape_cast %get3A_726 : vector<1x16xf32> to vector<16xf32>
        %mul3A_728 = arith.mulf %broadcast_in_dim3A_721, %get3A_727 : vector<16xf32>
        %add3A_729 = arith.addf %add3A_678, %mul3A_728 : vector<16xf32>
        %add3A_730 = arith.constant 8 : i32
        %add3A_731 = arith.addi %mul3A_287, %add3A_730 : i32
        %get3A_732 = arith.index_cast %add3A_731 : i32 to index
        %get3A_733 = arith.constant 16 : index
        %get3A_734 = tpu.vector_load %arg11[%get3A_732, %get3A_733] {strides = array<i32>} : memref<288x128xf32, #tpu.memory_space<vmem>>, vector<1x16xf32>,
        %get3A_735 = vector.shape_cast %get3A_734 : vector<1x16xf32> to vector<16xf32>
        %mul3A_736 = arith.mulf %broadcast_in_dim3A_721, %get3A_735 : vector<16xf32>
        %add3A_737 = arith.addf %add3A_686, %mul3A_736 : vector<16xf32>
        %add3A_738 = arith.constant 8 : i32
        %add3A_739 = arith.addi %mul3A_287, %add3A_738 : i32
        %get3A_740 = arith.index_cast %add3A_739 : i32 to index
        %get3A_741 = arith.constant 32 : index
        %get3A_742 = tpu.vector_load %arg11[%get3A_740, %get3A_741] {strides = array<i32>} : memref<288x128xf32, #tpu.memory_space<vmem>>, vector<1x16xf32>,
        %get3A_743 = vector.shape_cast %get3A_742 : vector<1x16xf32> to vector<16xf32>
        %mul3A_744 = arith.mulf %broadcast_in_dim3A_721, %get3A_743 : vector<16xf32>
        %add3A_745 = arith.addf %add3A_694, %mul3A_744 : vector<16xf32>
        %add3A_746 = arith.constant 8 : i32
        %add3A_747 = arith.addi %mul3A_287, %add3A_746 : i32
        %get3A_748 = arith.index_cast %add3A_747 : i32 to index
        %get3A_749 = arith.constant 48 : index
        %get3A_750 = tpu.vector_load %arg11[%get3A_748, %get3A_749] {strides = array<i32>} : memref<288x128xf32, #tpu.memory_space<vmem>>, vector<1x16xf32>,
        %get3A_751 = vector.shape_cast %get3A_750 : vector<1x16xf32> to vector<16xf32>
        %mul3A_752 = arith.mulf %broadcast_in_dim3A_721, %get3A_751 : vector<16xf32>
        %add3A_753 = arith.addf %add3A_702, %mul3A_752 : vector<16xf32>
        %add3A_754 = arith.constant 8 : i32
        %add3A_755 = arith.addi %mul3A_287, %add3A_754 : i32
        %get3A_756 = arith.index_cast %add3A_755 : i32 to index
        %get3A_757 = arith.constant 64 : index
        %get3A_758 = tpu.vector_load %arg11[%get3A_756, %get3A_757] {strides = array<i32>} : memref<288x128xf32, #tpu.memory_space<vmem>>, vector<1x16xf32>,
        %get3A_759 = vector.shape_cast %get3A_758 : vector<1x16xf32> to vector<16xf32>
        %mul3A_760 = arith.mulf %broadcast_in_dim3A_721, %get3A_759 : vector<16xf32>
        %add3A_761 = arith.addf %add3A_710, %mul3A_760 : vector<16xf32>
        %add3A_762 = arith.constant 8 : i32
        %add3A_763 = arith.addi %mul3A_287, %add3A_762 : i32
        %get3A_764 = arith.index_cast %add3A_763 : i32 to index
        %get3A_765 = arith.constant 80 : index
        %get3A_766 = tpu.vector_load %arg11[%get3A_764, %get3A_765] {strides = array<i32>} : memref<288x128xf32, #tpu.memory_space<vmem>>, vector<1x16xf32>,
        %get3A_767 = vector.shape_cast %get3A_766 : vector<1x16xf32> to vector<16xf32>
        %mul3A_768 = arith.mulf %broadcast_in_dim3A_721, %get3A_767 : vector<16xf32>
        %add3A_769 = arith.addf %add3A_718, %mul3A_768 : vector<16xf32>
        %slice3A_770 = vector.extract_strided_slice %get3A_291 {offsets = [9], sizes = [1], strides = [1]} : vector<16xf32> to vector<1xf32>
        %squeeze3A_771 = vector.extract %slice3A_770[0] : f32 from vector<1xf32>
        %broadcast_in_dim3A_772 = vector.broadcast %squeeze3A_771 : f32 to vector<16xf32>
        %add3A_773 = arith.constant 9 : i32
        %add3A_774 = arith.addi %mul3A_287, %add3A_773 : i32
        %get3A_775 = arith.index_cast %add3A_774 : i32 to index
        %get3A_776 = arith.constant 0 : index
        %get3A_777 = tpu.vector_load %arg11[%get3A_775, %get3A_776] {strides = array<i32>} : memref<288x128xf32, #tpu.memory_space<vmem>>, vector<1x16xf32>,
        %get3A_778 = vector.shape_cast %get3A_777 : vector<1x16xf32> to vector<16xf32>
        %mul3A_779 = arith.mulf %broadcast_in_dim3A_772, %get3A_778 : vector<16xf32>
        %add3A_780 = arith.addf %add3A_729, %mul3A_779 : vector<16xf32>
        %add3A_781 = arith.constant 9 : i32
        %add3A_782 = arith.addi %mul3A_287, %add3A_781 : i32
        %get3A_783 = arith.index_cast %add3A_782 : i32 to index
        %get3A_784 = arith.constant 16 : index
        %get3A_785 = tpu.vector_load %arg11[%get3A_783, %get3A_784] {strides = array<i32>} : memref<288x128xf32, #tpu.memory_space<vmem>>, vector<1x16xf32>,
        %get3A_786 = vector.shape_cast %get3A_785 : vector<1x16xf32> to vector<16xf32>
        %mul3A_787 = arith.mulf %broadcast_in_dim3A_772, %get3A_786 : vector<16xf32>
        %add3A_788 = arith.addf %add3A_737, %mul3A_787 : vector<16xf32>
        %add3A_789 = arith.constant 9 : i32
        %add3A_790 = arith.addi %mul3A_287, %add3A_789 : i32
        %get3A_791 = arith.index_cast %add3A_790 : i32 to index
        %get3A_792 = arith.constant 32 : index
        %get3A_793 = tpu.vector_load %arg11[%get3A_791, %get3A_792] {strides = array<i32>} : memref<288x128xf32, #tpu.memory_space<vmem>>, vector<1x16xf32>,
        %get3A_794 = vector.shape_cast %get3A_793 : vector<1x16xf32> to vector<16xf32>
        %mul3A_795 = arith.mulf %broadcast_in_dim3A_772, %get3A_794 : vector<16xf32>
        %add3A_796 = arith.addf %add3A_745, %mul3A_795 : vector<16xf32>
        %add3A_797 = arith.constant 9 : i32
        %add3A_798 = arith.addi %mul3A_287, %add3A_797 : i32
        %get3A_799 = arith.index_cast %add3A_798 : i32 to index
        %get3A_800 = arith.constant 48 : index
        %get3A_801 = tpu.vector_load %arg11[%get3A_799, %get3A_800] {strides = array<i32>} : memref<288x128xf32, #tpu.memory_space<vmem>>, vector<1x16xf32>,
        %get3A_802 = vector.shape_cast %get3A_801 : vector<1x16xf32> to vector<16xf32>
        %mul3A_803 = arith.mulf %broadcast_in_dim3A_772, %get3A_802 : vector<16xf32>
        %add3A_804 = arith.addf %add3A_753, %mul3A_803 : vector<16xf32>
        %add3A_805 = arith.constant 9 : i32
        %add3A_806 = arith.addi %mul3A_287, %add3A_805 : i32
        %get3A_807 = arith.index_cast %add3A_806 : i32 to index
        %get3A_808 = arith.constant 64 : index
        %get3A_809 = tpu.vector_load %arg11[%get3A_807, %get3A_808] {strides = array<i32>} : memref<288x128xf32, #tpu.memory_space<vmem>>, vector<1x16xf32>,
        %get3A_810 = vector.shape_cast %get3A_809 : vector<1x16xf32> to vector<16xf32>
        %mul3A_811 = arith.mulf %broadcast_in_dim3A_772, %get3A_810 : vector<16xf32>
        %add3A_812 = arith.addf %add3A_761, %mul3A_811 : vector<16xf32>
        %add3A_813 = arith.constant 9 : i32
        %add3A_814 = arith.addi %mul3A_287, %add3A_813 : i32
        %get3A_815 = arith.index_cast %add3A_814 : i32 to index
        %get3A_816 = arith.constant 80 : index
        %get3A_817 = tpu.vector_load %arg11[%get3A_815, %get3A_816] {strides = array<i32>} : memref<288x128xf32, #tpu.memory_space<vmem>>, vector<1x16xf32>,
        %get3A_818 = vector.shape_cast %get3A_817 : vector<1x16xf32> to vector<16xf32>
        %mul3A_819 = arith.mulf %broadcast_in_dim3A_772, %get3A_818 : vector<16xf32>
        %add3A_820 = arith.addf %add3A_769, %mul3A_819 : vector<16xf32>
        %slice3A_821 = vector.extract_strided_slice %get3A_291 {offsets = [10], sizes = [1], strides = [1]} : vector<16xf32> to vector<1xf32>
        %squeeze3A_822 = vector.extract %slice3A_821[0] : f32 from vector<1xf32>
        %broadcast_in_dim3A_823 = vector.broadcast %squeeze3A_822 : f32 to vector<16xf32>
        %add3A_824 = arith.constant 10 : i32
        %add3A_825 = arith.addi %mul3A_287, %add3A_824 : i32
        %get3A_826 = arith.index_cast %add3A_825 : i32 to index
        %get3A_827 = arith.constant 0 : index
        %get3A_828 = tpu.vector_load %arg11[%get3A_826, %get3A_827] {strides = array<i32>} : memref<288x128xf32, #tpu.memory_space<vmem>>, vector<1x16xf32>,
        %get3A_829 = vector.shape_cast %get3A_828 : vector<1x16xf32> to vector<16xf32>
        %mul3A_830 = arith.mulf %broadcast_in_dim3A_823, %get3A_829 : vector<16xf32>
        %add3A_831 = arith.addf %add3A_780, %mul3A_830 : vector<16xf32>
        %add3A_832 = arith.constant 10 : i32
        %add3A_833 = arith.addi %mul3A_287, %add3A_832 : i32
        %get3A_834 = arith.index_cast %add3A_833 : i32 to index
        %get3A_835 = arith.constant 16 : index
        %get3A_836 = tpu.vector_load %arg11[%get3A_834, %get3A_835] {strides = array<i32>} : memref<288x128xf32, #tpu.memory_space<vmem>>, vector<1x16xf32>,
        %get3A_837 = vector.shape_cast %get3A_836 : vector<1x16xf32> to vector<16xf32>
        %mul3A_838 = arith.mulf %broadcast_in_dim3A_823, %get3A_837 : vector<16xf32>
        %add3A_839 = arith.addf %add3A_788, %mul3A_838 : vector<16xf32>
        %add3A_840 = arith.constant 10 : i32
        %add3A_841 = arith.addi %mul3A_287, %add3A_840 : i32
        %get3A_842 = arith.index_cast %add3A_841 : i32 to index
        %get3A_843 = arith.constant 32 : index
        %get3A_844 = tpu.vector_load %arg11[%get3A_842, %get3A_843] {strides = array<i32>} : memref<288x128xf32, #tpu.memory_space<vmem>>, vector<1x16xf32>,
        %get3A_845 = vector.shape_cast %get3A_844 : vector<1x16xf32> to vector<16xf32>
        %mul3A_846 = arith.mulf %broadcast_in_dim3A_823, %get3A_845 : vector<16xf32>
        %add3A_847 = arith.addf %add3A_796, %mul3A_846 : vector<16xf32>
        %add3A_848 = arith.constant 10 : i32
        %add3A_849 = arith.addi %mul3A_287, %add3A_848 : i32
        %get3A_850 = arith.index_cast %add3A_849 : i32 to index
        %get3A_851 = arith.constant 48 : index
        %get3A_852 = tpu.vector_load %arg11[%get3A_850, %get3A_851] {strides = array<i32>} : memref<288x128xf32, #tpu.memory_space<vmem>>, vector<1x16xf32>,
        %get3A_853 = vector.shape_cast %get3A_852 : vector<1x16xf32> to vector<16xf32>
        %mul3A_854 = arith.mulf %broadcast_in_dim3A_823, %get3A_853 : vector<16xf32>
        %add3A_855 = arith.addf %add3A_804, %mul3A_854 : vector<16xf32>
        %add3A_856 = arith.constant 10 : i32
        %add3A_857 = arith.addi %mul3A_287, %add3A_856 : i32
        %get3A_858 = arith.index_cast %add3A_857 : i32 to index
        %get3A_859 = arith.constant 64 : index
        %get3A_860 = tpu.vector_load %arg11[%get3A_858, %get3A_859] {strides = array<i32>} : memref<288x128xf32, #tpu.memory_space<vmem>>, vector<1x16xf32>,
        %get3A_861 = vector.shape_cast %get3A_860 : vector<1x16xf32> to vector<16xf32>
        %mul3A_862 = arith.mulf %broadcast_in_dim3A_823, %get3A_861 : vector<16xf32>
        %add3A_863 = arith.addf %add3A_812, %mul3A_862 : vector<16xf32>
        %add3A_864 = arith.constant 10 : i32
        %add3A_865 = arith.addi %mul3A_287, %add3A_864 : i32
        %get3A_866 = arith.index_cast %add3A_865 : i32 to index
        %get3A_867 = arith.constant 80 : index
        %get3A_868 = tpu.vector_load %arg11[%get3A_866, %get3A_867] {strides = array<i32>} : memref<288x128xf32, #tpu.memory_space<vmem>>, vector<1x16xf32>,
        %get3A_869 = vector.shape_cast %get3A_868 : vector<1x16xf32> to vector<16xf32>
        %mul3A_870 = arith.mulf %broadcast_in_dim3A_823, %get3A_869 : vector<16xf32>
        %add3A_871 = arith.addf %add3A_820, %mul3A_870 : vector<16xf32>
        %slice3A_872 = vector.extract_strided_slice %get3A_291 {offsets = [11], sizes = [1], strides = [1]} : vector<16xf32> to vector<1xf32>
        %squeeze3A_873 = vector.extract %slice3A_872[0] : f32 from vector<1xf32>
        %broadcast_in_dim3A_874 = vector.broadcast %squeeze3A_873 : f32 to vector<16xf32>
        %add3A_875 = arith.constant 11 : i32
        %add3A_876 = arith.addi %mul3A_287, %add3A_875 : i32
        %get3A_877 = arith.index_cast %add3A_876 : i32 to index
        %get3A_878 = arith.constant 0 : index
        %get3A_879 = tpu.vector_load %arg11[%get3A_877, %get3A_878] {strides = array<i32>} : memref<288x128xf32, #tpu.memory_space<vmem>>, vector<1x16xf32>,
        %get3A_880 = vector.shape_cast %get3A_879 : vector<1x16xf32> to vector<16xf32>
        %mul3A_881 = arith.mulf %broadcast_in_dim3A_874, %get3A_880 : vector<16xf32>
        %add3A_882 = arith.addf %add3A_831, %mul3A_881 : vector<16xf32>
        %add3A_883 = arith.constant 11 : i32
        %add3A_884 = arith.addi %mul3A_287, %add3A_883 : i32
        %get3A_885 = arith.index_cast %add3A_884 : i32 to index
        %get3A_886 = arith.constant 16 : index
        %get3A_887 = tpu.vector_load %arg11[%get3A_885, %get3A_886] {strides = array<i32>} : memref<288x128xf32, #tpu.memory_space<vmem>>, vector<1x16xf32>,
        %get3A_888 = vector.shape_cast %get3A_887 : vector<1x16xf32> to vector<16xf32>
        %mul3A_889 = arith.mulf %broadcast_in_dim3A_874, %get3A_888 : vector<16xf32>
        %add3A_890 = arith.addf %add3A_839, %mul3A_889 : vector<16xf32>
        %add3A_891 = arith.constant 11 : i32
        %add3A_892 = arith.addi %mul3A_287, %add3A_891 : i32
        %get3A_893 = arith.index_cast %add3A_892 : i32 to index
        %get3A_894 = arith.constant 32 : index
        %get3A_895 = tpu.vector_load %arg11[%get3A_893, %get3A_894] {strides = array<i32>} : memref<288x128xf32, #tpu.memory_space<vmem>>, vector<1x16xf32>,
        %get3A_896 = vector.shape_cast %get3A_895 : vector<1x16xf32> to vector<16xf32>
        %mul3A_897 = arith.mulf %broadcast_in_dim3A_874, %get3A_896 : vector<16xf32>
        %add3A_898 = arith.addf %add3A_847, %mul3A_897 : vector<16xf32>
        %add3A_899 = arith.constant 11 : i32
        %add3A_900 = arith.addi %mul3A_287, %add3A_899 : i32
        %get3A_901 = arith.index_cast %add3A_900 : i32 to index
        %get3A_902 = arith.constant 48 : index
        %get3A_903 = tpu.vector_load %arg11[%get3A_901, %get3A_902] {strides = array<i32>} : memref<288x128xf32, #tpu.memory_space<vmem>>, vector<1x16xf32>,
        %get3A_904 = vector.shape_cast %get3A_903 : vector<1x16xf32> to vector<16xf32>
        %mul3A_905 = arith.mulf %broadcast_in_dim3A_874, %get3A_904 : vector<16xf32>
        %add3A_906 = arith.addf %add3A_855, %mul3A_905 : vector<16xf32>
        %add3A_907 = arith.constant 11 : i32
        %add3A_908 = arith.addi %mul3A_287, %add3A_907 : i32
        %get3A_909 = arith.index_cast %add3A_908 : i32 to index
        %get3A_910 = arith.constant 64 : index
        %get3A_911 = tpu.vector_load %arg11[%get3A_909, %get3A_910] {strides = array<i32>} : memref<288x128xf32, #tpu.memory_space<vmem>>, vector<1x16xf32>,
        %get3A_912 = vector.shape_cast %get3A_911 : vector<1x16xf32> to vector<16xf32>
        %mul3A_913 = arith.mulf %broadcast_in_dim3A_874, %get3A_912 : vector<16xf32>
        %add3A_914 = arith.addf %add3A_863, %mul3A_913 : vector<16xf32>
        %add3A_915 = arith.constant 11 : i32
        %add3A_916 = arith.addi %mul3A_287, %add3A_915 : i32
        %get3A_917 = arith.index_cast %add3A_916 : i32 to index
        %get3A_918 = arith.constant 80 : index
        %get3A_919 = tpu.vector_load %arg11[%get3A_917, %get3A_918] {strides = array<i32>} : memref<288x128xf32, #tpu.memory_space<vmem>>, vector<1x16xf32>,
        %get3A_920 = vector.shape_cast %get3A_919 : vector<1x16xf32> to vector<16xf32>
        %mul3A_921 = arith.mulf %broadcast_in_dim3A_874, %get3A_920 : vector<16xf32>
        %add3A_922 = arith.addf %add3A_871, %mul3A_921 : vector<16xf32>
        %slice3A_923 = vector.extract_strided_slice %get3A_291 {offsets = [12], sizes = [1], strides = [1]} : vector<16xf32> to vector<1xf32>
        %squeeze3A_924 = vector.extract %slice3A_923[0] : f32 from vector<1xf32>
        %broadcast_in_dim3A_925 = vector.broadcast %squeeze3A_924 : f32 to vector<16xf32>
        %add3A_926 = arith.constant 12 : i32
        %add3A_927 = arith.addi %mul3A_287, %add3A_926 : i32
        %get3A_928 = arith.index_cast %add3A_927 : i32 to index
        %get3A_929 = arith.constant 0 : index
        %get3A_930 = tpu.vector_load %arg11[%get3A_928, %get3A_929] {strides = array<i32>} : memref<288x128xf32, #tpu.memory_space<vmem>>, vector<1x16xf32>,
        %get3A_931 = vector.shape_cast %get3A_930 : vector<1x16xf32> to vector<16xf32>
        %mul3A_932 = arith.mulf %broadcast_in_dim3A_925, %get3A_931 : vector<16xf32>
        %add3A_933 = arith.addf %add3A_882, %mul3A_932 : vector<16xf32>
        %add3A_934 = arith.constant 12 : i32
        %add3A_935 = arith.addi %mul3A_287, %add3A_934 : i32
        %get3A_936 = arith.index_cast %add3A_935 : i32 to index
        %get3A_937 = arith.constant 16 : index
        %get3A_938 = tpu.vector_load %arg11[%get3A_936, %get3A_937] {strides = array<i32>} : memref<288x128xf32, #tpu.memory_space<vmem>>, vector<1x16xf32>,
        %get3A_939 = vector.shape_cast %get3A_938 : vector<1x16xf32> to vector<16xf32>
        %mul3A_940 = arith.mulf %broadcast_in_dim3A_925, %get3A_939 : vector<16xf32>
        %add3A_941 = arith.addf %add3A_890, %mul3A_940 : vector<16xf32>
        %add3A_942 = arith.constant 12 : i32
        %add3A_943 = arith.addi %mul3A_287, %add3A_942 : i32
        %get3A_944 = arith.index_cast %add3A_943 : i32 to index
        %get3A_945 = arith.constant 32 : index
        %get3A_946 = tpu.vector_load %arg11[%get3A_944, %get3A_945] {strides = array<i32>} : memref<288x128xf32, #tpu.memory_space<vmem>>, vector<1x16xf32>,
        %get3A_947 = vector.shape_cast %get3A_946 : vector<1x16xf32> to vector<16xf32>
        %mul3A_948 = arith.mulf %broadcast_in_dim3A_925, %get3A_947 : vector<16xf32>
        %add3A_949 = arith.addf %add3A_898, %mul3A_948 : vector<16xf32>
        %add3A_950 = arith.constant 12 : i32
        %add3A_951 = arith.addi %mul3A_287, %add3A_950 : i32
        %get3A_952 = arith.index_cast %add3A_951 : i32 to index
        %get3A_953 = arith.constant 48 : index
        %get3A_954 = tpu.vector_load %arg11[%get3A_952, %get3A_953] {strides = array<i32>} : memref<288x128xf32, #tpu.memory_space<vmem>>, vector<1x16xf32>,
        %get3A_955 = vector.shape_cast %get3A_954 : vector<1x16xf32> to vector<16xf32>
        %mul3A_956 = arith.mulf %broadcast_in_dim3A_925, %get3A_955 : vector<16xf32>
        %add3A_957 = arith.addf %add3A_906, %mul3A_956 : vector<16xf32>
        %add3A_958 = arith.constant 12 : i32
        %add3A_959 = arith.addi %mul3A_287, %add3A_958 : i32
        %get3A_960 = arith.index_cast %add3A_959 : i32 to index
        %get3A_961 = arith.constant 64 : index
        %get3A_962 = tpu.vector_load %arg11[%get3A_960, %get3A_961] {strides = array<i32>} : memref<288x128xf32, #tpu.memory_space<vmem>>, vector<1x16xf32>,
        %get3A_963 = vector.shape_cast %get3A_962 : vector<1x16xf32> to vector<16xf32>
        %mul3A_964 = arith.mulf %broadcast_in_dim3A_925, %get3A_963 : vector<16xf32>
        %add3A_965 = arith.addf %add3A_914, %mul3A_964 : vector<16xf32>
        %add3A_966 = arith.constant 12 : i32
        %add3A_967 = arith.addi %mul3A_287, %add3A_966 : i32
        %get3A_968 = arith.index_cast %add3A_967 : i32 to index
        %get3A_969 = arith.constant 80 : index
        %get3A_970 = tpu.vector_load %arg11[%get3A_968, %get3A_969] {strides = array<i32>} : memref<288x128xf32, #tpu.memory_space<vmem>>, vector<1x16xf32>,
        %get3A_971 = vector.shape_cast %get3A_970 : vector<1x16xf32> to vector<16xf32>
        %mul3A_972 = arith.mulf %broadcast_in_dim3A_925, %get3A_971 : vector<16xf32>
        %add3A_973 = arith.addf %add3A_922, %mul3A_972 : vector<16xf32>
        %slice3A_974 = vector.extract_strided_slice %get3A_291 {offsets = [13], sizes = [1], strides = [1]} : vector<16xf32> to vector<1xf32>
        %squeeze3A_975 = vector.extract %slice3A_974[0] : f32 from vector<1xf32>
        %broadcast_in_dim3A_976 = vector.broadcast %squeeze3A_975 : f32 to vector<16xf32>
        %add3A_977 = arith.constant 13 : i32
        %add3A_978 = arith.addi %mul3A_287, %add3A_977 : i32
        %get3A_979 = arith.index_cast %add3A_978 : i32 to index
        %get3A_980 = arith.constant 0 : index
        %get3A_981 = tpu.vector_load %arg11[%get3A_979, %get3A_980] {strides = array<i32>} : memref<288x128xf32, #tpu.memory_space<vmem>>, vector<1x16xf32>,
        %get3A_982 = vector.shape_cast %get3A_981 : vector<1x16xf32> to vector<16xf32>
        %mul3A_983 = arith.mulf %broadcast_in_dim3A_976, %get3A_982 : vector<16xf32>
        %add3A_984 = arith.addf %add3A_933, %mul3A_983 : vector<16xf32>
        %add3A_985 = arith.constant 13 : i32
        %add3A_986 = arith.addi %mul3A_287, %add3A_985 : i32
        %get3A_987 = arith.index_cast %add3A_986 : i32 to index
        %get3A_988 = arith.constant 16 : index
        %get3A_989 = tpu.vector_load %arg11[%get3A_987, %get3A_988] {strides = array<i32>} : memref<288x128xf32, #tpu.memory_space<vmem>>, vector<1x16xf32>,
        %get3A_990 = vector.shape_cast %get3A_989 : vector<1x16xf32> to vector<16xf32>
        %mul3A_991 = arith.mulf %broadcast_in_dim3A_976, %get3A_990 : vector<16xf32>
        %add3A_992 = arith.addf %add3A_941, %mul3A_991 : vector<16xf32>
        %add3A_993 = arith.constant 13 : i32
        %add3A_994 = arith.addi %mul3A_287, %add3A_993 : i32
        %get3A_995 = arith.index_cast %add3A_994 : i32 to index
        %get3A_996 = arith.constant 32 : index
        %get3A_997 = tpu.vector_load %arg11[%get3A_995, %get3A_996] {strides = array<i32>} : memref<288x128xf32, #tpu.memory_space<vmem>>, vector<1x16xf32>,
        %get3A_998 = vector.shape_cast %get3A_997 : vector<1x16xf32> to vector<16xf32>
        %mul3A_999 = arith.mulf %broadcast_in_dim3A_976, %get3A_998 : vector<16xf32>
        %add3A_1000 = arith.addf %add3A_949, %mul3A_999 : vector<16xf32>
        %add3A_1001 = arith.constant 13 : i32
        %add3A_1002 = arith.addi %mul3A_287, %add3A_1001 : i32
        %get3A_1003 = arith.index_cast %add3A_1002 : i32 to index
        %get3A_1004 = arith.constant 48 : index
        %get3A_1005 = tpu.vector_load %arg11[%get3A_1003, %get3A_1004] {strides = array<i32>} : memref<288x128xf32, #tpu.memory_space<vmem>>, vector<1x16xf32>,
        %get3A_1006 = vector.shape_cast %get3A_1005 : vector<1x16xf32> to vector<16xf32>
        %mul3A_1007 = arith.mulf %broadcast_in_dim3A_976, %get3A_1006 : vector<16xf32>
        %add3A_1008 = arith.addf %add3A_957, %mul3A_1007 : vector<16xf32>
        %add3A_1009 = arith.constant 13 : i32
        %add3A_1010 = arith.addi %mul3A_287, %add3A_1009 : i32
        %get3A_1011 = arith.index_cast %add3A_1010 : i32 to index
        %get3A_1012 = arith.constant 64 : index
        %get3A_1013 = tpu.vector_load %arg11[%get3A_1011, %get3A_1012] {strides = array<i32>} : memref<288x128xf32, #tpu.memory_space<vmem>>, vector<1x16xf32>,
        %get3A_1014 = vector.shape_cast %get3A_1013 : vector<1x16xf32> to vector<16xf32>
        %mul3A_1015 = arith.mulf %broadcast_in_dim3A_976, %get3A_1014 : vector<16xf32>
        %add3A_1016 = arith.addf %add3A_965, %mul3A_1015 : vector<16xf32>
        %add3A_1017 = arith.constant 13 : i32
        %add3A_1018 = arith.addi %mul3A_287, %add3A_1017 : i32
        %get3A_1019 = arith.index_cast %add3A_1018 : i32 to index
        %get3A_1020 = arith.constant 80 : index
        %get3A_1021 = tpu.vector_load %arg11[%get3A_1019, %get3A_1020] {strides = array<i32>} : memref<288x128xf32, #tpu.memory_space<vmem>>, vector<1x16xf32>,
        %get3A_1022 = vector.shape_cast %get3A_1021 : vector<1x16xf32> to vector<16xf32>
        %mul3A_1023 = arith.mulf %broadcast_in_dim3A_976, %get3A_1022 : vector<16xf32>
        %add3A_1024 = arith.addf %add3A_973, %mul3A_1023 : vector<16xf32>
        %slice3A_1025 = vector.extract_strided_slice %get3A_291 {offsets = [14], sizes = [1], strides = [1]} : vector<16xf32> to vector<1xf32>
        %squeeze3A_1026 = vector.extract %slice3A_1025[0] : f32 from vector<1xf32>
        %broadcast_in_dim3A_1027 = vector.broadcast %squeeze3A_1026 : f32 to vector<16xf32>
        %add3A_1028 = arith.constant 14 : i32
        %add3A_1029 = arith.addi %mul3A_287, %add3A_1028 : i32
        %get3A_1030 = arith.index_cast %add3A_1029 : i32 to index
        %get3A_1031 = arith.constant 0 : index
        %get3A_1032 = tpu.vector_load %arg11[%get3A_1030, %get3A_1031] {strides = array<i32>} : memref<288x128xf32, #tpu.memory_space<vmem>>, vector<1x16xf32>,
        %get3A_1033 = vector.shape_cast %get3A_1032 : vector<1x16xf32> to vector<16xf32>
        %mul3A_1034 = arith.mulf %broadcast_in_dim3A_1027, %get3A_1033 : vector<16xf32>
        %add3A_1035 = arith.addf %add3A_984, %mul3A_1034 : vector<16xf32>
        %add3A_1036 = arith.constant 14 : i32
        %add3A_1037 = arith.addi %mul3A_287, %add3A_1036 : i32
        %get3A_1038 = arith.index_cast %add3A_1037 : i32 to index
        %get3A_1039 = arith.constant 16 : index
        %get3A_1040 = tpu.vector_load %arg11[%get3A_1038, %get3A_1039] {strides = array<i32>} : memref<288x128xf32, #tpu.memory_space<vmem>>, vector<1x16xf32>,
        %get3A_1041 = vector.shape_cast %get3A_1040 : vector<1x16xf32> to vector<16xf32>
        %mul3A_1042 = arith.mulf %broadcast_in_dim3A_1027, %get3A_1041 : vector<16xf32>
        %add3A_1043 = arith.addf %add3A_992, %mul3A_1042 : vector<16xf32>
        %add3A_1044 = arith.constant 14 : i32
        %add3A_1045 = arith.addi %mul3A_287, %add3A_1044 : i32
        %get3A_1046 = arith.index_cast %add3A_1045 : i32 to index
        %get3A_1047 = arith.constant 32 : index
        %get3A_1048 = tpu.vector_load %arg11[%get3A_1046, %get3A_1047] {strides = array<i32>} : memref<288x128xf32, #tpu.memory_space<vmem>>, vector<1x16xf32>,
        %get3A_1049 = vector.shape_cast %get3A_1048 : vector<1x16xf32> to vector<16xf32>
        %mul3A_1050 = arith.mulf %broadcast_in_dim3A_1027, %get3A_1049 : vector<16xf32>
        %add3A_1051 = arith.addf %add3A_1000, %mul3A_1050 : vector<16xf32>
        %add3A_1052 = arith.constant 14 : i32
        %add3A_1053 = arith.addi %mul3A_287, %add3A_1052 : i32
        %get3A_1054 = arith.index_cast %add3A_1053 : i32 to index
        %get3A_1055 = arith.constant 48 : index
        %get3A_1056 = tpu.vector_load %arg11[%get3A_1054, %get3A_1055] {strides = array<i32>} : memref<288x128xf32, #tpu.memory_space<vmem>>, vector<1x16xf32>,
        %get3A_1057 = vector.shape_cast %get3A_1056 : vector<1x16xf32> to vector<16xf32>
        %mul3A_1058 = arith.mulf %broadcast_in_dim3A_1027, %get3A_1057 : vector<16xf32>
        %add3A_1059 = arith.addf %add3A_1008, %mul3A_1058 : vector<16xf32>
        %add3A_1060 = arith.constant 14 : i32
        %add3A_1061 = arith.addi %mul3A_287, %add3A_1060 : i32
        %get3A_1062 = arith.index_cast %add3A_1061 : i32 to index
        %get3A_1063 = arith.constant 64 : index
        %get3A_1064 = tpu.vector_load %arg11[%get3A_1062, %get3A_1063] {strides = array<i32>} : memref<288x128xf32, #tpu.memory_space<vmem>>, vector<1x16xf32>,
        %get3A_1065 = vector.shape_cast %get3A_1064 : vector<1x16xf32> to vector<16xf32>
        %mul3A_1066 = arith.mulf %broadcast_in_dim3A_1027, %get3A_1065 : vector<16xf32>
        %add3A_1067 = arith.addf %add3A_1016, %mul3A_1066 : vector<16xf32>
        %add3A_1068 = arith.constant 14 : i32
        %add3A_1069 = arith.addi %mul3A_287, %add3A_1068 : i32
        %get3A_1070 = arith.index_cast %add3A_1069 : i32 to index
        %get3A_1071 = arith.constant 80 : index
        %get3A_1072 = tpu.vector_load %arg11[%get3A_1070, %get3A_1071] {strides = array<i32>} : memref<288x128xf32, #tpu.memory_space<vmem>>, vector<1x16xf32>,
        %get3A_1073 = vector.shape_cast %get3A_1072 : vector<1x16xf32> to vector<16xf32>
        %mul3A_1074 = arith.mulf %broadcast_in_dim3A_1027, %get3A_1073 : vector<16xf32>
        %add3A_1075 = arith.addf %add3A_1024, %mul3A_1074 : vector<16xf32>
        %slice3A_1076 = vector.extract_strided_slice %get3A_291 {offsets = [15], sizes = [1], strides = [1]} : vector<16xf32> to vector<1xf32>
        %squeeze3A_1077 = vector.extract %slice3A_1076[0] : f32 from vector<1xf32>
        %broadcast_in_dim3A_1078 = vector.broadcast %squeeze3A_1077 : f32 to vector<16xf32>
        %add3A_1079 = arith.constant 15 : i32
        %add3A_1080 = arith.addi %mul3A_287, %add3A_1079 : i32
        %get3A_1081 = arith.index_cast %add3A_1080 : i32 to index
        %get3A_1082 = arith.constant 0 : index
        %get3A_1083 = tpu.vector_load %arg11[%get3A_1081, %get3A_1082] {strides = array<i32>} : memref<288x128xf32, #tpu.memory_space<vmem>>, vector<1x16xf32>,
        %get3A_1084 = vector.shape_cast %get3A_1083 : vector<1x16xf32> to vector<16xf32>
        %mul3A_1085 = arith.mulf %broadcast_in_dim3A_1078, %get3A_1084 : vector<16xf32>
        %add3A_1086 = arith.addf %add3A_1035, %mul3A_1085 : vector<16xf32>
        %add3A_1087 = arith.constant 15 : i32
        %add3A_1088 = arith.addi %mul3A_287, %add3A_1087 : i32
        %get3A_1089 = arith.index_cast %add3A_1088 : i32 to index
        %get3A_1090 = arith.constant 16 : index
        %get3A_1091 = tpu.vector_load %arg11[%get3A_1089, %get3A_1090] {strides = array<i32>} : memref<288x128xf32, #tpu.memory_space<vmem>>, vector<1x16xf32>,
        %get3A_1092 = vector.shape_cast %get3A_1091 : vector<1x16xf32> to vector<16xf32>
        %mul3A_1093 = arith.mulf %broadcast_in_dim3A_1078, %get3A_1092 : vector<16xf32>
        %add3A_1094 = arith.addf %add3A_1043, %mul3A_1093 : vector<16xf32>
        %add3A_1095 = arith.constant 15 : i32
        %add3A_1096 = arith.addi %mul3A_287, %add3A_1095 : i32
        %get3A_1097 = arith.index_cast %add3A_1096 : i32 to index
        %get3A_1098 = arith.constant 32 : index
        %get3A_1099 = tpu.vector_load %arg11[%get3A_1097, %get3A_1098] {strides = array<i32>} : memref<288x128xf32, #tpu.memory_space<vmem>>, vector<1x16xf32>,
        %get3A_1100 = vector.shape_cast %get3A_1099 : vector<1x16xf32> to vector<16xf32>
        %mul3A_1101 = arith.mulf %broadcast_in_dim3A_1078, %get3A_1100 : vector<16xf32>
        %add3A_1102 = arith.addf %add3A_1051, %mul3A_1101 : vector<16xf32>
        %add3A_1103 = arith.constant 15 : i32
        %add3A_1104 = arith.addi %mul3A_287, %add3A_1103 : i32
        %get3A_1105 = arith.index_cast %add3A_1104 : i32 to index
        %get3A_1106 = arith.constant 48 : index
        %get3A_1107 = tpu.vector_load %arg11[%get3A_1105, %get3A_1106] {strides = array<i32>} : memref<288x128xf32, #tpu.memory_space<vmem>>, vector<1x16xf32>,
        %get3A_1108 = vector.shape_cast %get3A_1107 : vector<1x16xf32> to vector<16xf32>
        %mul3A_1109 = arith.mulf %broadcast_in_dim3A_1078, %get3A_1108 : vector<16xf32>
        %add3A_1110 = arith.addf %add3A_1059, %mul3A_1109 : vector<16xf32>
        %add3A_1111 = arith.constant 15 : i32
        %add3A_1112 = arith.addi %mul3A_287, %add3A_1111 : i32
        %get3A_1113 = arith.index_cast %add3A_1112 : i32 to index
        %get3A_1114 = arith.constant 64 : index
        %get3A_1115 = tpu.vector_load %arg11[%get3A_1113, %get3A_1114] {strides = array<i32>} : memref<288x128xf32, #tpu.memory_space<vmem>>, vector<1x16xf32>,
        %get3A_1116 = vector.shape_cast %get3A_1115 : vector<1x16xf32> to vector<16xf32>
        %mul3A_1117 = arith.mulf %broadcast_in_dim3A_1078, %get3A_1116 : vector<16xf32>
        %add3A_1118 = arith.addf %add3A_1067, %mul3A_1117 : vector<16xf32>
        %add3A_1119 = arith.constant 15 : i32
        %add3A_1120 = arith.addi %mul3A_287, %add3A_1119 : i32
        %get3A_1121 = arith.index_cast %add3A_1120 : i32 to index
        %get3A_1122 = arith.constant 80 : index
        %get3A_1123 = tpu.vector_load %arg11[%get3A_1121, %get3A_1122] {strides = array<i32>} : memref<288x128xf32, #tpu.memory_space<vmem>>, vector<1x16xf32>,
        %get3A_1124 = vector.shape_cast %get3A_1123 : vector<1x16xf32> to vector<16xf32>
        %mul3A_1125 = arith.mulf %broadcast_in_dim3A_1078, %get3A_1124 : vector<16xf32>
        %add3A_1126 = arith.addf %add3A_1075, %mul3A_1125 : vector<16xf32>
        %slice3A_1127 = vector.extract_strided_slice %get3A_296 {offsets = [0], sizes = [1], strides = [1]} : vector<16xf32> to vector<1xf32>
        %squeeze3A_1128 = vector.extract %slice3A_1127[0] : f32 from vector<1xf32>
        %broadcast_in_dim3A_1129 = vector.broadcast %squeeze3A_1128 : f32 to vector<16xf32>
        %add3A_1130 = arith.constant 16 : i32
        %add3A_1131 = arith.addi %mul3A_287, %add3A_1130 : i32
        %get3A_1132 = arith.index_cast %add3A_1131 : i32 to index
        %get3A_1133 = arith.constant 0 : index
        %get3A_1134 = tpu.vector_load %arg11[%get3A_1132, %get3A_1133] {strides = array<i32>} : memref<288x128xf32, #tpu.memory_space<vmem>>, vector<1x16xf32>,
        %get3A_1135 = vector.shape_cast %get3A_1134 : vector<1x16xf32> to vector<16xf32>
        %mul3A_1136 = arith.mulf %broadcast_in_dim3A_1129, %get3A_1135 : vector<16xf32>
        %add3A_1137 = arith.addf %add3A_1086, %mul3A_1136 : vector<16xf32>
        %add3A_1138 = arith.constant 16 : i32
        %add3A_1139 = arith.addi %mul3A_287, %add3A_1138 : i32
        %get3A_1140 = arith.index_cast %add3A_1139 : i32 to index
        %get3A_1141 = arith.constant 16 : index
        %get3A_1142 = tpu.vector_load %arg11[%get3A_1140, %get3A_1141] {strides = array<i32>} : memref<288x128xf32, #tpu.memory_space<vmem>>, vector<1x16xf32>,
        %get3A_1143 = vector.shape_cast %get3A_1142 : vector<1x16xf32> to vector<16xf32>
        %mul3A_1144 = arith.mulf %broadcast_in_dim3A_1129, %get3A_1143 : vector<16xf32>
        %add3A_1145 = arith.addf %add3A_1094, %mul3A_1144 : vector<16xf32>
        %add3A_1146 = arith.constant 16 : i32
        %add3A_1147 = arith.addi %mul3A_287, %add3A_1146 : i32
        %get3A_1148 = arith.index_cast %add3A_1147 : i32 to index
        %get3A_1149 = arith.constant 32 : index
        %get3A_1150 = tpu.vector_load %arg11[%get3A_1148, %get3A_1149] {strides = array<i32>} : memref<288x128xf32, #tpu.memory_space<vmem>>, vector<1x16xf32>,
        %get3A_1151 = vector.shape_cast %get3A_1150 : vector<1x16xf32> to vector<16xf32>
        %mul3A_1152 = arith.mulf %broadcast_in_dim3A_1129, %get3A_1151 : vector<16xf32>
        %add3A_1153 = arith.addf %add3A_1102, %mul3A_1152 : vector<16xf32>
        %add3A_1154 = arith.constant 16 : i32
        %add3A_1155 = arith.addi %mul3A_287, %add3A_1154 : i32
        %get3A_1156 = arith.index_cast %add3A_1155 : i32 to index
        %get3A_1157 = arith.constant 48 : index
        %get3A_1158 = tpu.vector_load %arg11[%get3A_1156, %get3A_1157] {strides = array<i32>} : memref<288x128xf32, #tpu.memory_space<vmem>>, vector<1x16xf32>,
        %get3A_1159 = vector.shape_cast %get3A_1158 : vector<1x16xf32> to vector<16xf32>
        %mul3A_1160 = arith.mulf %broadcast_in_dim3A_1129, %get3A_1159 : vector<16xf32>
        %add3A_1161 = arith.addf %add3A_1110, %mul3A_1160 : vector<16xf32>
        %add3A_1162 = arith.constant 16 : i32
        %add3A_1163 = arith.addi %mul3A_287, %add3A_1162 : i32
        %get3A_1164 = arith.index_cast %add3A_1163 : i32 to index
        %get3A_1165 = arith.constant 64 : index
        %get3A_1166 = tpu.vector_load %arg11[%get3A_1164, %get3A_1165] {strides = array<i32>} : memref<288x128xf32, #tpu.memory_space<vmem>>, vector<1x16xf32>,
        %get3A_1167 = vector.shape_cast %get3A_1166 : vector<1x16xf32> to vector<16xf32>
        %mul3A_1168 = arith.mulf %broadcast_in_dim3A_1129, %get3A_1167 : vector<16xf32>
        %add3A_1169 = arith.addf %add3A_1118, %mul3A_1168 : vector<16xf32>
        %add3A_1170 = arith.constant 16 : i32
        %add3A_1171 = arith.addi %mul3A_287, %add3A_1170 : i32
        %get3A_1172 = arith.index_cast %add3A_1171 : i32 to index
        %get3A_1173 = arith.constant 80 : index
        %get3A_1174 = tpu.vector_load %arg11[%get3A_1172, %get3A_1173] {strides = array<i32>} : memref<288x128xf32, #tpu.memory_space<vmem>>, vector<1x16xf32>,
        %get3A_1175 = vector.shape_cast %get3A_1174 : vector<1x16xf32> to vector<16xf32>
        %mul3A_1176 = arith.mulf %broadcast_in_dim3A_1129, %get3A_1175 : vector<16xf32>
        %add3A_1177 = arith.addf %add3A_1126, %mul3A_1176 : vector<16xf32>
        %slice3A_1178 = vector.extract_strided_slice %get3A_296 {offsets = [1], sizes = [1], strides = [1]} : vector<16xf32> to vector<1xf32>
        %squeeze3A_1179 = vector.extract %slice3A_1178[0] : f32 from vector<1xf32>
        %broadcast_in_dim3A_1180 = vector.broadcast %squeeze3A_1179 : f32 to vector<16xf32>
        %add3A_1181 = arith.constant 17 : i32
        %add3A_1182 = arith.addi %mul3A_287, %add3A_1181 : i32
        %get3A_1183 = arith.index_cast %add3A_1182 : i32 to index
        %get3A_1184 = arith.constant 0 : index
        %get3A_1185 = tpu.vector_load %arg11[%get3A_1183, %get3A_1184] {strides = array<i32>} : memref<288x128xf32, #tpu.memory_space<vmem>>, vector<1x16xf32>,
        %get3A_1186 = vector.shape_cast %get3A_1185 : vector<1x16xf32> to vector<16xf32>
        %mul3A_1187 = arith.mulf %broadcast_in_dim3A_1180, %get3A_1186 : vector<16xf32>
        %add3A_1188 = arith.addf %add3A_1137, %mul3A_1187 : vector<16xf32>
        %add3A_1189 = arith.constant 17 : i32
        %add3A_1190 = arith.addi %mul3A_287, %add3A_1189 : i32
        %get3A_1191 = arith.index_cast %add3A_1190 : i32 to index
        %get3A_1192 = arith.constant 16 : index
        %get3A_1193 = tpu.vector_load %arg11[%get3A_1191, %get3A_1192] {strides = array<i32>} : memref<288x128xf32, #tpu.memory_space<vmem>>, vector<1x16xf32>,
        %get3A_1194 = vector.shape_cast %get3A_1193 : vector<1x16xf32> to vector<16xf32>
        %mul3A_1195 = arith.mulf %broadcast_in_dim3A_1180, %get3A_1194 : vector<16xf32>
        %add3A_1196 = arith.addf %add3A_1145, %mul3A_1195 : vector<16xf32>
        %add3A_1197 = arith.constant 17 : i32
        %add3A_1198 = arith.addi %mul3A_287, %add3A_1197 : i32
        %get3A_1199 = arith.index_cast %add3A_1198 : i32 to index
        %get3A_1200 = arith.constant 32 : index
        %get3A_1201 = tpu.vector_load %arg11[%get3A_1199, %get3A_1200] {strides = array<i32>} : memref<288x128xf32, #tpu.memory_space<vmem>>, vector<1x16xf32>,
        %get3A_1202 = vector.shape_cast %get3A_1201 : vector<1x16xf32> to vector<16xf32>
        %mul3A_1203 = arith.mulf %broadcast_in_dim3A_1180, %get3A_1202 : vector<16xf32>
        %add3A_1204 = arith.addf %add3A_1153, %mul3A_1203 : vector<16xf32>
        %add3A_1205 = arith.constant 17 : i32
        %add3A_1206 = arith.addi %mul3A_287, %add3A_1205 : i32
        %get3A_1207 = arith.index_cast %add3A_1206 : i32 to index
        %get3A_1208 = arith.constant 48 : index
        %get3A_1209 = tpu.vector_load %arg11[%get3A_1207, %get3A_1208] {strides = array<i32>} : memref<288x128xf32, #tpu.memory_space<vmem>>, vector<1x16xf32>,
        %get3A_1210 = vector.shape_cast %get3A_1209 : vector<1x16xf32> to vector<16xf32>
        %mul3A_1211 = arith.mulf %broadcast_in_dim3A_1180, %get3A_1210 : vector<16xf32>
        %add3A_1212 = arith.addf %add3A_1161, %mul3A_1211 : vector<16xf32>
        %add3A_1213 = arith.constant 17 : i32
        %add3A_1214 = arith.addi %mul3A_287, %add3A_1213 : i32
        %get3A_1215 = arith.index_cast %add3A_1214 : i32 to index
        %get3A_1216 = arith.constant 64 : index
        %get3A_1217 = tpu.vector_load %arg11[%get3A_1215, %get3A_1216] {strides = array<i32>} : memref<288x128xf32, #tpu.memory_space<vmem>>, vector<1x16xf32>,
        %get3A_1218 = vector.shape_cast %get3A_1217 : vector<1x16xf32> to vector<16xf32>
        %mul3A_1219 = arith.mulf %broadcast_in_dim3A_1180, %get3A_1218 : vector<16xf32>
        %add3A_1220 = arith.addf %add3A_1169, %mul3A_1219 : vector<16xf32>
        %add3A_1221 = arith.constant 17 : i32
        %add3A_1222 = arith.addi %mul3A_287, %add3A_1221 : i32
        %get3A_1223 = arith.index_cast %add3A_1222 : i32 to index
        %get3A_1224 = arith.constant 80 : index
        %get3A_1225 = tpu.vector_load %arg11[%get3A_1223, %get3A_1224] {strides = array<i32>} : memref<288x128xf32, #tpu.memory_space<vmem>>, vector<1x16xf32>,
        %get3A_1226 = vector.shape_cast %get3A_1225 : vector<1x16xf32> to vector<16xf32>
        %mul3A_1227 = arith.mulf %broadcast_in_dim3A_1180, %get3A_1226 : vector<16xf32>
        %add3A_1228 = arith.addf %add3A_1177, %mul3A_1227 : vector<16xf32>
        %slice3A_1229 = vector.extract_strided_slice %get3A_296 {offsets = [2], sizes = [1], strides = [1]} : vector<16xf32> to vector<1xf32>
        %squeeze3A_1230 = vector.extract %slice3A_1229[0] : f32 from vector<1xf32>
        %broadcast_in_dim3A_1231 = vector.broadcast %squeeze3A_1230 : f32 to vector<16xf32>
        %add3A_1232 = arith.constant 18 : i32
        %add3A_1233 = arith.addi %mul3A_287, %add3A_1232 : i32
        %get3A_1234 = arith.index_cast %add3A_1233 : i32 to index
        %get3A_1235 = arith.constant 0 : index
        %get3A_1236 = tpu.vector_load %arg11[%get3A_1234, %get3A_1235] {strides = array<i32>} : memref<288x128xf32, #tpu.memory_space<vmem>>, vector<1x16xf32>,
        %get3A_1237 = vector.shape_cast %get3A_1236 : vector<1x16xf32> to vector<16xf32>
        %mul3A_1238 = arith.mulf %broadcast_in_dim3A_1231, %get3A_1237 : vector<16xf32>
        %add3A_1239 = arith.addf %add3A_1188, %mul3A_1238 : vector<16xf32>
        %add3A_1240 = arith.constant 18 : i32
        %add3A_1241 = arith.addi %mul3A_287, %add3A_1240 : i32
        %get3A_1242 = arith.index_cast %add3A_1241 : i32 to index
        %get3A_1243 = arith.constant 16 : index
        %get3A_1244 = tpu.vector_load %arg11[%get3A_1242, %get3A_1243] {strides = array<i32>} : memref<288x128xf32, #tpu.memory_space<vmem>>, vector<1x16xf32>,
        %get3A_1245 = vector.shape_cast %get3A_1244 : vector<1x16xf32> to vector<16xf32>
        %mul3A_1246 = arith.mulf %broadcast_in_dim3A_1231, %get3A_1245 : vector<16xf32>
        %add3A_1247 = arith.addf %add3A_1196, %mul3A_1246 : vector<16xf32>
        %add3A_1248 = arith.constant 18 : i32
        %add3A_1249 = arith.addi %mul3A_287, %add3A_1248 : i32
        %get3A_1250 = arith.index_cast %add3A_1249 : i32 to index
        %get3A_1251 = arith.constant 32 : index
        %get3A_1252 = tpu.vector_load %arg11[%get3A_1250, %get3A_1251] {strides = array<i32>} : memref<288x128xf32, #tpu.memory_space<vmem>>, vector<1x16xf32>,
        %get3A_1253 = vector.shape_cast %get3A_1252 : vector<1x16xf32> to vector<16xf32>
        %mul3A_1254 = arith.mulf %broadcast_in_dim3A_1231, %get3A_1253 : vector<16xf32>
        %add3A_1255 = arith.addf %add3A_1204, %mul3A_1254 : vector<16xf32>
        %add3A_1256 = arith.constant 18 : i32
        %add3A_1257 = arith.addi %mul3A_287, %add3A_1256 : i32
        %get3A_1258 = arith.index_cast %add3A_1257 : i32 to index
        %get3A_1259 = arith.constant 48 : index
        %get3A_1260 = tpu.vector_load %arg11[%get3A_1258, %get3A_1259] {strides = array<i32>} : memref<288x128xf32, #tpu.memory_space<vmem>>, vector<1x16xf32>,
        %get3A_1261 = vector.shape_cast %get3A_1260 : vector<1x16xf32> to vector<16xf32>
        %mul3A_1262 = arith.mulf %broadcast_in_dim3A_1231, %get3A_1261 : vector<16xf32>
        %add3A_1263 = arith.addf %add3A_1212, %mul3A_1262 : vector<16xf32>
        %add3A_1264 = arith.constant 18 : i32
        %add3A_1265 = arith.addi %mul3A_287, %add3A_1264 : i32
        %get3A_1266 = arith.index_cast %add3A_1265 : i32 to index
        %get3A_1267 = arith.constant 64 : index
        %get3A_1268 = tpu.vector_load %arg11[%get3A_1266, %get3A_1267] {strides = array<i32>} : memref<288x128xf32, #tpu.memory_space<vmem>>, vector<1x16xf32>,
        %get3A_1269 = vector.shape_cast %get3A_1268 : vector<1x16xf32> to vector<16xf32>
        %mul3A_1270 = arith.mulf %broadcast_in_dim3A_1231, %get3A_1269 : vector<16xf32>
        %add3A_1271 = arith.addf %add3A_1220, %mul3A_1270 : vector<16xf32>
        %add3A_1272 = arith.constant 18 : i32
        %add3A_1273 = arith.addi %mul3A_287, %add3A_1272 : i32
        %get3A_1274 = arith.index_cast %add3A_1273 : i32 to index
        %get3A_1275 = arith.constant 80 : index
        %get3A_1276 = tpu.vector_load %arg11[%get3A_1274, %get3A_1275] {strides = array<i32>} : memref<288x128xf32, #tpu.memory_space<vmem>>, vector<1x16xf32>,
        %get3A_1277 = vector.shape_cast %get3A_1276 : vector<1x16xf32> to vector<16xf32>
        %mul3A_1278 = arith.mulf %broadcast_in_dim3A_1231, %get3A_1277 : vector<16xf32>
        %add3A_1279 = arith.addf %add3A_1228, %mul3A_1278 : vector<16xf32>
        %slice3A_1280 = vector.extract_strided_slice %get3A_296 {offsets = [3], sizes = [1], strides = [1]} : vector<16xf32> to vector<1xf32>
        %squeeze3A_1281 = vector.extract %slice3A_1280[0] : f32 from vector<1xf32>
        %broadcast_in_dim3A_1282 = vector.broadcast %squeeze3A_1281 : f32 to vector<16xf32>
        %add3A_1283 = arith.constant 19 : i32
        %add3A_1284 = arith.addi %mul3A_287, %add3A_1283 : i32
        %get3A_1285 = arith.index_cast %add3A_1284 : i32 to index
        %get3A_1286 = arith.constant 0 : index
        %get3A_1287 = tpu.vector_load %arg11[%get3A_1285, %get3A_1286] {strides = array<i32>} : memref<288x128xf32, #tpu.memory_space<vmem>>, vector<1x16xf32>,
        %get3A_1288 = vector.shape_cast %get3A_1287 : vector<1x16xf32> to vector<16xf32>
        %mul3A_1289 = arith.mulf %broadcast_in_dim3A_1282, %get3A_1288 : vector<16xf32>
        %add3A_1290 = arith.addf %add3A_1239, %mul3A_1289 : vector<16xf32>
        %add3A_1291 = arith.constant 19 : i32
        %add3A_1292 = arith.addi %mul3A_287, %add3A_1291 : i32
        %get3A_1293 = arith.index_cast %add3A_1292 : i32 to index
        %get3A_1294 = arith.constant 16 : index
        %get3A_1295 = tpu.vector_load %arg11[%get3A_1293, %get3A_1294] {strides = array<i32>} : memref<288x128xf32, #tpu.memory_space<vmem>>, vector<1x16xf32>,
        %get3A_1296 = vector.shape_cast %get3A_1295 : vector<1x16xf32> to vector<16xf32>
        %mul3A_1297 = arith.mulf %broadcast_in_dim3A_1282, %get3A_1296 : vector<16xf32>
        %add3A_1298 = arith.addf %add3A_1247, %mul3A_1297 : vector<16xf32>
        %add3A_1299 = arith.constant 19 : i32
        %add3A_1300 = arith.addi %mul3A_287, %add3A_1299 : i32
        %get3A_1301 = arith.index_cast %add3A_1300 : i32 to index
        %get3A_1302 = arith.constant 32 : index
        %get3A_1303 = tpu.vector_load %arg11[%get3A_1301, %get3A_1302] {strides = array<i32>} : memref<288x128xf32, #tpu.memory_space<vmem>>, vector<1x16xf32>,
        %get3A_1304 = vector.shape_cast %get3A_1303 : vector<1x16xf32> to vector<16xf32>
        %mul3A_1305 = arith.mulf %broadcast_in_dim3A_1282, %get3A_1304 : vector<16xf32>
        %add3A_1306 = arith.addf %add3A_1255, %mul3A_1305 : vector<16xf32>
        %add3A_1307 = arith.constant 19 : i32
        %add3A_1308 = arith.addi %mul3A_287, %add3A_1307 : i32
        %get3A_1309 = arith.index_cast %add3A_1308 : i32 to index
        %get3A_1310 = arith.constant 48 : index
        %get3A_1311 = tpu.vector_load %arg11[%get3A_1309, %get3A_1310] {strides = array<i32>} : memref<288x128xf32, #tpu.memory_space<vmem>>, vector<1x16xf32>,
        %get3A_1312 = vector.shape_cast %get3A_1311 : vector<1x16xf32> to vector<16xf32>
        %mul3A_1313 = arith.mulf %broadcast_in_dim3A_1282, %get3A_1312 : vector<16xf32>
        %add3A_1314 = arith.addf %add3A_1263, %mul3A_1313 : vector<16xf32>
        %add3A_1315 = arith.constant 19 : i32
        %add3A_1316 = arith.addi %mul3A_287, %add3A_1315 : i32
        %get3A_1317 = arith.index_cast %add3A_1316 : i32 to index
        %get3A_1318 = arith.constant 64 : index
        %get3A_1319 = tpu.vector_load %arg11[%get3A_1317, %get3A_1318] {strides = array<i32>} : memref<288x128xf32, #tpu.memory_space<vmem>>, vector<1x16xf32>,
        %get3A_1320 = vector.shape_cast %get3A_1319 : vector<1x16xf32> to vector<16xf32>
        %mul3A_1321 = arith.mulf %broadcast_in_dim3A_1282, %get3A_1320 : vector<16xf32>
        %add3A_1322 = arith.addf %add3A_1271, %mul3A_1321 : vector<16xf32>
        %add3A_1323 = arith.constant 19 : i32
        %add3A_1324 = arith.addi %mul3A_287, %add3A_1323 : i32
        %get3A_1325 = arith.index_cast %add3A_1324 : i32 to index
        %get3A_1326 = arith.constant 80 : index
        %get3A_1327 = tpu.vector_load %arg11[%get3A_1325, %get3A_1326] {strides = array<i32>} : memref<288x128xf32, #tpu.memory_space<vmem>>, vector<1x16xf32>,
        %get3A_1328 = vector.shape_cast %get3A_1327 : vector<1x16xf32> to vector<16xf32>
        %mul3A_1329 = arith.mulf %broadcast_in_dim3A_1282, %get3A_1328 : vector<16xf32>
        %add3A_1330 = arith.addf %add3A_1279, %mul3A_1329 : vector<16xf32>
        %slice3A_1331 = vector.extract_strided_slice %get3A_296 {offsets = [4], sizes = [1], strides = [1]} : vector<16xf32> to vector<1xf32>
        %squeeze3A_1332 = vector.extract %slice3A_1331[0] : f32 from vector<1xf32>
        %broadcast_in_dim3A_1333 = vector.broadcast %squeeze3A_1332 : f32 to vector<16xf32>
        %add3A_1334 = arith.constant 20 : i32
        %add3A_1335 = arith.addi %mul3A_287, %add3A_1334 : i32
        %get3A_1336 = arith.index_cast %add3A_1335 : i32 to index
        %get3A_1337 = arith.constant 0 : index
        %get3A_1338 = tpu.vector_load %arg11[%get3A_1336, %get3A_1337] {strides = array<i32>} : memref<288x128xf32, #tpu.memory_space<vmem>>, vector<1x16xf32>,
        %get3A_1339 = vector.shape_cast %get3A_1338 : vector<1x16xf32> to vector<16xf32>
        %mul3A_1340 = arith.mulf %broadcast_in_dim3A_1333, %get3A_1339 : vector<16xf32>
        %add3A_1341 = arith.addf %add3A_1290, %mul3A_1340 : vector<16xf32>
        %add3A_1342 = arith.constant 20 : i32
        %add3A_1343 = arith.addi %mul3A_287, %add3A_1342 : i32
        %get3A_1344 = arith.index_cast %add3A_1343 : i32 to index
        %get3A_1345 = arith.constant 16 : index
        %get3A_1346 = tpu.vector_load %arg11[%get3A_1344, %get3A_1345] {strides = array<i32>} : memref<288x128xf32, #tpu.memory_space<vmem>>, vector<1x16xf32>,
        %get3A_1347 = vector.shape_cast %get3A_1346 : vector<1x16xf32> to vector<16xf32>
        %mul3A_1348 = arith.mulf %broadcast_in_dim3A_1333, %get3A_1347 : vector<16xf32>
        %add3A_1349 = arith.addf %add3A_1298, %mul3A_1348 : vector<16xf32>
        %add3A_1350 = arith.constant 20 : i32
        %add3A_1351 = arith.addi %mul3A_287, %add3A_1350 : i32
        %get3A_1352 = arith.index_cast %add3A_1351 : i32 to index
        %get3A_1353 = arith.constant 32 : index
        %get3A_1354 = tpu.vector_load %arg11[%get3A_1352, %get3A_1353] {strides = array<i32>} : memref<288x128xf32, #tpu.memory_space<vmem>>, vector<1x16xf32>,
        %get3A_1355 = vector.shape_cast %get3A_1354 : vector<1x16xf32> to vector<16xf32>
        %mul3A_1356 = arith.mulf %broadcast_in_dim3A_1333, %get3A_1355 : vector<16xf32>
        %add3A_1357 = arith.addf %add3A_1306, %mul3A_1356 : vector<16xf32>
        %add3A_1358 = arith.constant 20 : i32
        %add3A_1359 = arith.addi %mul3A_287, %add3A_1358 : i32
        %get3A_1360 = arith.index_cast %add3A_1359 : i32 to index
        %get3A_1361 = arith.constant 48 : index
        %get3A_1362 = tpu.vector_load %arg11[%get3A_1360, %get3A_1361] {strides = array<i32>} : memref<288x128xf32, #tpu.memory_space<vmem>>, vector<1x16xf32>,
        %get3A_1363 = vector.shape_cast %get3A_1362 : vector<1x16xf32> to vector<16xf32>
        %mul3A_1364 = arith.mulf %broadcast_in_dim3A_1333, %get3A_1363 : vector<16xf32>
        %add3A_1365 = arith.addf %add3A_1314, %mul3A_1364 : vector<16xf32>
        %add3A_1366 = arith.constant 20 : i32
        %add3A_1367 = arith.addi %mul3A_287, %add3A_1366 : i32
        %get3A_1368 = arith.index_cast %add3A_1367 : i32 to index
        %get3A_1369 = arith.constant 64 : index
        %get3A_1370 = tpu.vector_load %arg11[%get3A_1368, %get3A_1369] {strides = array<i32>} : memref<288x128xf32, #tpu.memory_space<vmem>>, vector<1x16xf32>,
        %get3A_1371 = vector.shape_cast %get3A_1370 : vector<1x16xf32> to vector<16xf32>
        %mul3A_1372 = arith.mulf %broadcast_in_dim3A_1333, %get3A_1371 : vector<16xf32>
        %add3A_1373 = arith.addf %add3A_1322, %mul3A_1372 : vector<16xf32>
        %add3A_1374 = arith.constant 20 : i32
        %add3A_1375 = arith.addi %mul3A_287, %add3A_1374 : i32
        %get3A_1376 = arith.index_cast %add3A_1375 : i32 to index
        %get3A_1377 = arith.constant 80 : index
        %get3A_1378 = tpu.vector_load %arg11[%get3A_1376, %get3A_1377] {strides = array<i32>} : memref<288x128xf32, #tpu.memory_space<vmem>>, vector<1x16xf32>,
        %get3A_1379 = vector.shape_cast %get3A_1378 : vector<1x16xf32> to vector<16xf32>
        %mul3A_1380 = arith.mulf %broadcast_in_dim3A_1333, %get3A_1379 : vector<16xf32>
        %add3A_1381 = arith.addf %add3A_1330, %mul3A_1380 : vector<16xf32>
        %slice3A_1382 = vector.extract_strided_slice %get3A_296 {offsets = [5], sizes = [1], strides = [1]} : vector<16xf32> to vector<1xf32>
        %squeeze3A_1383 = vector.extract %slice3A_1382[0] : f32 from vector<1xf32>
        %broadcast_in_dim3A_1384 = vector.broadcast %squeeze3A_1383 : f32 to vector<16xf32>
        %add3A_1385 = arith.constant 21 : i32
        %add3A_1386 = arith.addi %mul3A_287, %add3A_1385 : i32
        %get3A_1387 = arith.index_cast %add3A_1386 : i32 to index
        %get3A_1388 = arith.constant 0 : index
        %get3A_1389 = tpu.vector_load %arg11[%get3A_1387, %get3A_1388] {strides = array<i32>} : memref<288x128xf32, #tpu.memory_space<vmem>>, vector<1x16xf32>,
        %get3A_1390 = vector.shape_cast %get3A_1389 : vector<1x16xf32> to vector<16xf32>
        %mul3A_1391 = arith.mulf %broadcast_in_dim3A_1384, %get3A_1390 : vector<16xf32>
        %add3A_1392 = arith.addf %add3A_1341, %mul3A_1391 : vector<16xf32>
        %add3A_1393 = arith.constant 21 : i32
        %add3A_1394 = arith.addi %mul3A_287, %add3A_1393 : i32
        %get3A_1395 = arith.index_cast %add3A_1394 : i32 to index
        %get3A_1396 = arith.constant 16 : index
        %get3A_1397 = tpu.vector_load %arg11[%get3A_1395, %get3A_1396] {strides = array<i32>} : memref<288x128xf32, #tpu.memory_space<vmem>>, vector<1x16xf32>,
        %get3A_1398 = vector.shape_cast %get3A_1397 : vector<1x16xf32> to vector<16xf32>
        %mul3A_1399 = arith.mulf %broadcast_in_dim3A_1384, %get3A_1398 : vector<16xf32>
        %add3A_1400 = arith.addf %add3A_1349, %mul3A_1399 : vector<16xf32>
        %add3A_1401 = arith.constant 21 : i32
        %add3A_1402 = arith.addi %mul3A_287, %add3A_1401 : i32
        %get3A_1403 = arith.index_cast %add3A_1402 : i32 to index
        %get3A_1404 = arith.constant 32 : index
        %get3A_1405 = tpu.vector_load %arg11[%get3A_1403, %get3A_1404] {strides = array<i32>} : memref<288x128xf32, #tpu.memory_space<vmem>>, vector<1x16xf32>,
        %get3A_1406 = vector.shape_cast %get3A_1405 : vector<1x16xf32> to vector<16xf32>
        %mul3A_1407 = arith.mulf %broadcast_in_dim3A_1384, %get3A_1406 : vector<16xf32>
        %add3A_1408 = arith.addf %add3A_1357, %mul3A_1407 : vector<16xf32>
        %add3A_1409 = arith.constant 21 : i32
        %add3A_1410 = arith.addi %mul3A_287, %add3A_1409 : i32
        %get3A_1411 = arith.index_cast %add3A_1410 : i32 to index
        %get3A_1412 = arith.constant 48 : index
        %get3A_1413 = tpu.vector_load %arg11[%get3A_1411, %get3A_1412] {strides = array<i32>} : memref<288x128xf32, #tpu.memory_space<vmem>>, vector<1x16xf32>,
        %get3A_1414 = vector.shape_cast %get3A_1413 : vector<1x16xf32> to vector<16xf32>
        %mul3A_1415 = arith.mulf %broadcast_in_dim3A_1384, %get3A_1414 : vector<16xf32>
        %add3A_1416 = arith.addf %add3A_1365, %mul3A_1415 : vector<16xf32>
        %add3A_1417 = arith.constant 21 : i32
        %add3A_1418 = arith.addi %mul3A_287, %add3A_1417 : i32
        %get3A_1419 = arith.index_cast %add3A_1418 : i32 to index
        %get3A_1420 = arith.constant 64 : index
        %get3A_1421 = tpu.vector_load %arg11[%get3A_1419, %get3A_1420] {strides = array<i32>} : memref<288x128xf32, #tpu.memory_space<vmem>>, vector<1x16xf32>,
        %get3A_1422 = vector.shape_cast %get3A_1421 : vector<1x16xf32> to vector<16xf32>
        %mul3A_1423 = arith.mulf %broadcast_in_dim3A_1384, %get3A_1422 : vector<16xf32>
        %add3A_1424 = arith.addf %add3A_1373, %mul3A_1423 : vector<16xf32>
        %add3A_1425 = arith.constant 21 : i32
        %add3A_1426 = arith.addi %mul3A_287, %add3A_1425 : i32
        %get3A_1427 = arith.index_cast %add3A_1426 : i32 to index
        %get3A_1428 = arith.constant 80 : index
        %get3A_1429 = tpu.vector_load %arg11[%get3A_1427, %get3A_1428] {strides = array<i32>} : memref<288x128xf32, #tpu.memory_space<vmem>>, vector<1x16xf32>,
        %get3A_1430 = vector.shape_cast %get3A_1429 : vector<1x16xf32> to vector<16xf32>
        %mul3A_1431 = arith.mulf %broadcast_in_dim3A_1384, %get3A_1430 : vector<16xf32>
        %add3A_1432 = arith.addf %add3A_1381, %mul3A_1431 : vector<16xf32>
        %slice3A_1433 = vector.extract_strided_slice %get3A_296 {offsets = [6], sizes = [1], strides = [1]} : vector<16xf32> to vector<1xf32>
        %squeeze3A_1434 = vector.extract %slice3A_1433[0] : f32 from vector<1xf32>
        %broadcast_in_dim3A_1435 = vector.broadcast %squeeze3A_1434 : f32 to vector<16xf32>
        %add3A_1436 = arith.constant 22 : i32
        %add3A_1437 = arith.addi %mul3A_287, %add3A_1436 : i32
        %get3A_1438 = arith.index_cast %add3A_1437 : i32 to index
        %get3A_1439 = arith.constant 0 : index
        %get3A_1440 = tpu.vector_load %arg11[%get3A_1438, %get3A_1439] {strides = array<i32>} : memref<288x128xf32, #tpu.memory_space<vmem>>, vector<1x16xf32>,
        %get3A_1441 = vector.shape_cast %get3A_1440 : vector<1x16xf32> to vector<16xf32>
        %mul3A_1442 = arith.mulf %broadcast_in_dim3A_1435, %get3A_1441 : vector<16xf32>
        %add3A_1443 = arith.addf %add3A_1392, %mul3A_1442 : vector<16xf32>
        %add3A_1444 = arith.constant 22 : i32
        %add3A_1445 = arith.addi %mul3A_287, %add3A_1444 : i32
        %get3A_1446 = arith.index_cast %add3A_1445 : i32 to index
        %get3A_1447 = arith.constant 16 : index
        %get3A_1448 = tpu.vector_load %arg11[%get3A_1446, %get3A_1447] {strides = array<i32>} : memref<288x128xf32, #tpu.memory_space<vmem>>, vector<1x16xf32>,
        %get3A_1449 = vector.shape_cast %get3A_1448 : vector<1x16xf32> to vector<16xf32>
        %mul3A_1450 = arith.mulf %broadcast_in_dim3A_1435, %get3A_1449 : vector<16xf32>
        %add3A_1451 = arith.addf %add3A_1400, %mul3A_1450 : vector<16xf32>
        %add3A_1452 = arith.constant 22 : i32
        %add3A_1453 = arith.addi %mul3A_287, %add3A_1452 : i32
        %get3A_1454 = arith.index_cast %add3A_1453 : i32 to index
        %get3A_1455 = arith.constant 32 : index
        %get3A_1456 = tpu.vector_load %arg11[%get3A_1454, %get3A_1455] {strides = array<i32>} : memref<288x128xf32, #tpu.memory_space<vmem>>, vector<1x16xf32>,
        %get3A_1457 = vector.shape_cast %get3A_1456 : vector<1x16xf32> to vector<16xf32>
        %mul3A_1458 = arith.mulf %broadcast_in_dim3A_1435, %get3A_1457 : vector<16xf32>
        %add3A_1459 = arith.addf %add3A_1408, %mul3A_1458 : vector<16xf32>
        %add3A_1460 = arith.constant 22 : i32
        %add3A_1461 = arith.addi %mul3A_287, %add3A_1460 : i32
        %get3A_1462 = arith.index_cast %add3A_1461 : i32 to index
        %get3A_1463 = arith.constant 48 : index
        %get3A_1464 = tpu.vector_load %arg11[%get3A_1462, %get3A_1463] {strides = array<i32>} : memref<288x128xf32, #tpu.memory_space<vmem>>, vector<1x16xf32>,
        %get3A_1465 = vector.shape_cast %get3A_1464 : vector<1x16xf32> to vector<16xf32>
        %mul3A_1466 = arith.mulf %broadcast_in_dim3A_1435, %get3A_1465 : vector<16xf32>
        %add3A_1467 = arith.addf %add3A_1416, %mul3A_1466 : vector<16xf32>
        %add3A_1468 = arith.constant 22 : i32
        %add3A_1469 = arith.addi %mul3A_287, %add3A_1468 : i32
        %get3A_1470 = arith.index_cast %add3A_1469 : i32 to index
        %get3A_1471 = arith.constant 64 : index
        %get3A_1472 = tpu.vector_load %arg11[%get3A_1470, %get3A_1471] {strides = array<i32>} : memref<288x128xf32, #tpu.memory_space<vmem>>, vector<1x16xf32>,
        %get3A_1473 = vector.shape_cast %get3A_1472 : vector<1x16xf32> to vector<16xf32>
        %mul3A_1474 = arith.mulf %broadcast_in_dim3A_1435, %get3A_1473 : vector<16xf32>
        %add3A_1475 = arith.addf %add3A_1424, %mul3A_1474 : vector<16xf32>
        %add3A_1476 = arith.constant 22 : i32
        %add3A_1477 = arith.addi %mul3A_287, %add3A_1476 : i32
        %get3A_1478 = arith.index_cast %add3A_1477 : i32 to index
        %get3A_1479 = arith.constant 80 : index
        %get3A_1480 = tpu.vector_load %arg11[%get3A_1478, %get3A_1479] {strides = array<i32>} : memref<288x128xf32, #tpu.memory_space<vmem>>, vector<1x16xf32>,
        %get3A_1481 = vector.shape_cast %get3A_1480 : vector<1x16xf32> to vector<16xf32>
        %mul3A_1482 = arith.mulf %broadcast_in_dim3A_1435, %get3A_1481 : vector<16xf32>
        %add3A_1483 = arith.addf %add3A_1432, %mul3A_1482 : vector<16xf32>
        %slice3A_1484 = vector.extract_strided_slice %get3A_296 {offsets = [7], sizes = [1], strides = [1]} : vector<16xf32> to vector<1xf32>
        %squeeze3A_1485 = vector.extract %slice3A_1484[0] : f32 from vector<1xf32>
        %broadcast_in_dim3A_1486 = vector.broadcast %squeeze3A_1485 : f32 to vector<16xf32>
        %add3A_1487 = arith.constant 23 : i32
        %add3A_1488 = arith.addi %mul3A_287, %add3A_1487 : i32
        %get3A_1489 = arith.index_cast %add3A_1488 : i32 to index
        %get3A_1490 = arith.constant 0 : index
        %get3A_1491 = tpu.vector_load %arg11[%get3A_1489, %get3A_1490] {strides = array<i32>} : memref<288x128xf32, #tpu.memory_space<vmem>>, vector<1x16xf32>,
        %get3A_1492 = vector.shape_cast %get3A_1491 : vector<1x16xf32> to vector<16xf32>
        %mul3A_1493 = arith.mulf %broadcast_in_dim3A_1486, %get3A_1492 : vector<16xf32>
        %add3A_1494 = arith.addf %add3A_1443, %mul3A_1493 : vector<16xf32>
        %add3A_1495 = arith.constant 23 : i32
        %add3A_1496 = arith.addi %mul3A_287, %add3A_1495 : i32
        %get3A_1497 = arith.index_cast %add3A_1496 : i32 to index
        %get3A_1498 = arith.constant 16 : index
        %get3A_1499 = tpu.vector_load %arg11[%get3A_1497, %get3A_1498] {strides = array<i32>} : memref<288x128xf32, #tpu.memory_space<vmem>>, vector<1x16xf32>,
        %get3A_1500 = vector.shape_cast %get3A_1499 : vector<1x16xf32> to vector<16xf32>
        %mul3A_1501 = arith.mulf %broadcast_in_dim3A_1486, %get3A_1500 : vector<16xf32>
        %add3A_1502 = arith.addf %add3A_1451, %mul3A_1501 : vector<16xf32>
        %add3A_1503 = arith.constant 23 : i32
        %add3A_1504 = arith.addi %mul3A_287, %add3A_1503 : i32
        %get3A_1505 = arith.index_cast %add3A_1504 : i32 to index
        %get3A_1506 = arith.constant 32 : index
        %get3A_1507 = tpu.vector_load %arg11[%get3A_1505, %get3A_1506] {strides = array<i32>} : memref<288x128xf32, #tpu.memory_space<vmem>>, vector<1x16xf32>,
        %get3A_1508 = vector.shape_cast %get3A_1507 : vector<1x16xf32> to vector<16xf32>
        %mul3A_1509 = arith.mulf %broadcast_in_dim3A_1486, %get3A_1508 : vector<16xf32>
        %add3A_1510 = arith.addf %add3A_1459, %mul3A_1509 : vector<16xf32>
        %add3A_1511 = arith.constant 23 : i32
        %add3A_1512 = arith.addi %mul3A_287, %add3A_1511 : i32
        %get3A_1513 = arith.index_cast %add3A_1512 : i32 to index
        %get3A_1514 = arith.constant 48 : index
        %get3A_1515 = tpu.vector_load %arg11[%get3A_1513, %get3A_1514] {strides = array<i32>} : memref<288x128xf32, #tpu.memory_space<vmem>>, vector<1x16xf32>,
        %get3A_1516 = vector.shape_cast %get3A_1515 : vector<1x16xf32> to vector<16xf32>
        %mul3A_1517 = arith.mulf %broadcast_in_dim3A_1486, %get3A_1516 : vector<16xf32>
        %add3A_1518 = arith.addf %add3A_1467, %mul3A_1517 : vector<16xf32>
        %add3A_1519 = arith.constant 23 : i32
        %add3A_1520 = arith.addi %mul3A_287, %add3A_1519 : i32
        %get3A_1521 = arith.index_cast %add3A_1520 : i32 to index
        %get3A_1522 = arith.constant 64 : index
        %get3A_1523 = tpu.vector_load %arg11[%get3A_1521, %get3A_1522] {strides = array<i32>} : memref<288x128xf32, #tpu.memory_space<vmem>>, vector<1x16xf32>,
        %get3A_1524 = vector.shape_cast %get3A_1523 : vector<1x16xf32> to vector<16xf32>
        %mul3A_1525 = arith.mulf %broadcast_in_dim3A_1486, %get3A_1524 : vector<16xf32>
        %add3A_1526 = arith.addf %add3A_1475, %mul3A_1525 : vector<16xf32>
        %add3A_1527 = arith.constant 23 : i32
        %add3A_1528 = arith.addi %mul3A_287, %add3A_1527 : i32
        %get3A_1529 = arith.index_cast %add3A_1528 : i32 to index
        %get3A_1530 = arith.constant 80 : index
        %get3A_1531 = tpu.vector_load %arg11[%get3A_1529, %get3A_1530] {strides = array<i32>} : memref<288x128xf32, #tpu.memory_space<vmem>>, vector<1x16xf32>,
        %get3A_1532 = vector.shape_cast %get3A_1531 : vector<1x16xf32> to vector<16xf32>
        %mul3A_1533 = arith.mulf %broadcast_in_dim3A_1486, %get3A_1532 : vector<16xf32>
        %add3A_1534 = arith.addf %add3A_1483, %mul3A_1533 : vector<16xf32>
        %slice3A_1535 = vector.extract_strided_slice %get3A_296 {offsets = [8], sizes = [1], strides = [1]} : vector<16xf32> to vector<1xf32>
        %squeeze3A_1536 = vector.extract %slice3A_1535[0] : f32 from vector<1xf32>
        %broadcast_in_dim3A_1537 = vector.broadcast %squeeze3A_1536 : f32 to vector<16xf32>
        %add3A_1538 = arith.constant 24 : i32
        %add3A_1539 = arith.addi %mul3A_287, %add3A_1538 : i32
        %get3A_1540 = arith.index_cast %add3A_1539 : i32 to index
        %get3A_1541 = arith.constant 0 : index
        %get3A_1542 = tpu.vector_load %arg11[%get3A_1540, %get3A_1541] {strides = array<i32>} : memref<288x128xf32, #tpu.memory_space<vmem>>, vector<1x16xf32>,
        %get3A_1543 = vector.shape_cast %get3A_1542 : vector<1x16xf32> to vector<16xf32>
        %mul3A_1544 = arith.mulf %broadcast_in_dim3A_1537, %get3A_1543 : vector<16xf32>
        %add3A_1545 = arith.addf %add3A_1494, %mul3A_1544 : vector<16xf32>
        %add3A_1546 = arith.constant 24 : i32
        %add3A_1547 = arith.addi %mul3A_287, %add3A_1546 : i32
        %get3A_1548 = arith.index_cast %add3A_1547 : i32 to index
        %get3A_1549 = arith.constant 16 : index
        %get3A_1550 = tpu.vector_load %arg11[%get3A_1548, %get3A_1549] {strides = array<i32>} : memref<288x128xf32, #tpu.memory_space<vmem>>, vector<1x16xf32>,
        %get3A_1551 = vector.shape_cast %get3A_1550 : vector<1x16xf32> to vector<16xf32>
        %mul3A_1552 = arith.mulf %broadcast_in_dim3A_1537, %get3A_1551 : vector<16xf32>
        %add3A_1553 = arith.addf %add3A_1502, %mul3A_1552 : vector<16xf32>
        %add3A_1554 = arith.constant 24 : i32
        %add3A_1555 = arith.addi %mul3A_287, %add3A_1554 : i32
        %get3A_1556 = arith.index_cast %add3A_1555 : i32 to index
        %get3A_1557 = arith.constant 32 : index
        %get3A_1558 = tpu.vector_load %arg11[%get3A_1556, %get3A_1557] {strides = array<i32>} : memref<288x128xf32, #tpu.memory_space<vmem>>, vector<1x16xf32>,
        %get3A_1559 = vector.shape_cast %get3A_1558 : vector<1x16xf32> to vector<16xf32>
        %mul3A_1560 = arith.mulf %broadcast_in_dim3A_1537, %get3A_1559 : vector<16xf32>
        %add3A_1561 = arith.addf %add3A_1510, %mul3A_1560 : vector<16xf32>
        %add3A_1562 = arith.constant 24 : i32
        %add3A_1563 = arith.addi %mul3A_287, %add3A_1562 : i32
        %get3A_1564 = arith.index_cast %add3A_1563 : i32 to index
        %get3A_1565 = arith.constant 48 : index
        %get3A_1566 = tpu.vector_load %arg11[%get3A_1564, %get3A_1565] {strides = array<i32>} : memref<288x128xf32, #tpu.memory_space<vmem>>, vector<1x16xf32>,
        %get3A_1567 = vector.shape_cast %get3A_1566 : vector<1x16xf32> to vector<16xf32>
        %mul3A_1568 = arith.mulf %broadcast_in_dim3A_1537, %get3A_1567 : vector<16xf32>
        %add3A_1569 = arith.addf %add3A_1518, %mul3A_1568 : vector<16xf32>
        %add3A_1570 = arith.constant 24 : i32
        %add3A_1571 = arith.addi %mul3A_287, %add3A_1570 : i32
        %get3A_1572 = arith.index_cast %add3A_1571 : i32 to index
        %get3A_1573 = arith.constant 64 : index
        %get3A_1574 = tpu.vector_load %arg11[%get3A_1572, %get3A_1573] {strides = array<i32>} : memref<288x128xf32, #tpu.memory_space<vmem>>, vector<1x16xf32>,
        %get3A_1575 = vector.shape_cast %get3A_1574 : vector<1x16xf32> to vector<16xf32>
        %mul3A_1576 = arith.mulf %broadcast_in_dim3A_1537, %get3A_1575 : vector<16xf32>
        %add3A_1577 = arith.addf %add3A_1526, %mul3A_1576 : vector<16xf32>
        %add3A_1578 = arith.constant 24 : i32
        %add3A_1579 = arith.addi %mul3A_287, %add3A_1578 : i32
        %get3A_1580 = arith.index_cast %add3A_1579 : i32 to index
        %get3A_1581 = arith.constant 80 : index
        %get3A_1582 = tpu.vector_load %arg11[%get3A_1580, %get3A_1581] {strides = array<i32>} : memref<288x128xf32, #tpu.memory_space<vmem>>, vector<1x16xf32>,
        %get3A_1583 = vector.shape_cast %get3A_1582 : vector<1x16xf32> to vector<16xf32>
        %mul3A_1584 = arith.mulf %broadcast_in_dim3A_1537, %get3A_1583 : vector<16xf32>
        %add3A_1585 = arith.addf %add3A_1534, %mul3A_1584 : vector<16xf32>
        %slice3A_1586 = vector.extract_strided_slice %get3A_296 {offsets = [9], sizes = [1], strides = [1]} : vector<16xf32> to vector<1xf32>
        %squeeze3A_1587 = vector.extract %slice3A_1586[0] : f32 from vector<1xf32>
        %broadcast_in_dim3A_1588 = vector.broadcast %squeeze3A_1587 : f32 to vector<16xf32>
        %add3A_1589 = arith.constant 25 : i32
        %add3A_1590 = arith.addi %mul3A_287, %add3A_1589 : i32
        %get3A_1591 = arith.index_cast %add3A_1590 : i32 to index
        %get3A_1592 = arith.constant 0 : index
        %get3A_1593 = tpu.vector_load %arg11[%get3A_1591, %get3A_1592] {strides = array<i32>} : memref<288x128xf32, #tpu.memory_space<vmem>>, vector<1x16xf32>,
        %get3A_1594 = vector.shape_cast %get3A_1593 : vector<1x16xf32> to vector<16xf32>
        %mul3A_1595 = arith.mulf %broadcast_in_dim3A_1588, %get3A_1594 : vector<16xf32>
        %add3A_1596 = arith.addf %add3A_1545, %mul3A_1595 : vector<16xf32>
        %add3A_1597 = arith.constant 25 : i32
        %add3A_1598 = arith.addi %mul3A_287, %add3A_1597 : i32
        %get3A_1599 = arith.index_cast %add3A_1598 : i32 to index
        %get3A_1600 = arith.constant 16 : index
        %get3A_1601 = tpu.vector_load %arg11[%get3A_1599, %get3A_1600] {strides = array<i32>} : memref<288x128xf32, #tpu.memory_space<vmem>>, vector<1x16xf32>,
        %get3A_1602 = vector.shape_cast %get3A_1601 : vector<1x16xf32> to vector<16xf32>
        %mul3A_1603 = arith.mulf %broadcast_in_dim3A_1588, %get3A_1602 : vector<16xf32>
        %add3A_1604 = arith.addf %add3A_1553, %mul3A_1603 : vector<16xf32>
        %add3A_1605 = arith.constant 25 : i32
        %add3A_1606 = arith.addi %mul3A_287, %add3A_1605 : i32
        %get3A_1607 = arith.index_cast %add3A_1606 : i32 to index
        %get3A_1608 = arith.constant 32 : index
        %get3A_1609 = tpu.vector_load %arg11[%get3A_1607, %get3A_1608] {strides = array<i32>} : memref<288x128xf32, #tpu.memory_space<vmem>>, vector<1x16xf32>,
        %get3A_1610 = vector.shape_cast %get3A_1609 : vector<1x16xf32> to vector<16xf32>
        %mul3A_1611 = arith.mulf %broadcast_in_dim3A_1588, %get3A_1610 : vector<16xf32>
        %add3A_1612 = arith.addf %add3A_1561, %mul3A_1611 : vector<16xf32>
        %add3A_1613 = arith.constant 25 : i32
        %add3A_1614 = arith.addi %mul3A_287, %add3A_1613 : i32
        %get3A_1615 = arith.index_cast %add3A_1614 : i32 to index
        %get3A_1616 = arith.constant 48 : index
        %get3A_1617 = tpu.vector_load %arg11[%get3A_1615, %get3A_1616] {strides = array<i32>} : memref<288x128xf32, #tpu.memory_space<vmem>>, vector<1x16xf32>,
        %get3A_1618 = vector.shape_cast %get3A_1617 : vector<1x16xf32> to vector<16xf32>
        %mul3A_1619 = arith.mulf %broadcast_in_dim3A_1588, %get3A_1618 : vector<16xf32>
        %add3A_1620 = arith.addf %add3A_1569, %mul3A_1619 : vector<16xf32>
        %add3A_1621 = arith.constant 25 : i32
        %add3A_1622 = arith.addi %mul3A_287, %add3A_1621 : i32
        %get3A_1623 = arith.index_cast %add3A_1622 : i32 to index
        %get3A_1624 = arith.constant 64 : index
        %get3A_1625 = tpu.vector_load %arg11[%get3A_1623, %get3A_1624] {strides = array<i32>} : memref<288x128xf32, #tpu.memory_space<vmem>>, vector<1x16xf32>,
        %get3A_1626 = vector.shape_cast %get3A_1625 : vector<1x16xf32> to vector<16xf32>
        %mul3A_1627 = arith.mulf %broadcast_in_dim3A_1588, %get3A_1626 : vector<16xf32>
        %add3A_1628 = arith.addf %add3A_1577, %mul3A_1627 : vector<16xf32>
        %add3A_1629 = arith.constant 25 : i32
        %add3A_1630 = arith.addi %mul3A_287, %add3A_1629 : i32
        %get3A_1631 = arith.index_cast %add3A_1630 : i32 to index
        %get3A_1632 = arith.constant 80 : index
        %get3A_1633 = tpu.vector_load %arg11[%get3A_1631, %get3A_1632] {strides = array<i32>} : memref<288x128xf32, #tpu.memory_space<vmem>>, vector<1x16xf32>,
        %get3A_1634 = vector.shape_cast %get3A_1633 : vector<1x16xf32> to vector<16xf32>
        %mul3A_1635 = arith.mulf %broadcast_in_dim3A_1588, %get3A_1634 : vector<16xf32>
        %add3A_1636 = arith.addf %add3A_1585, %mul3A_1635 : vector<16xf32>
        %slice3A_1637 = vector.extract_strided_slice %get3A_296 {offsets = [10], sizes = [1], strides = [1]} : vector<16xf32> to vector<1xf32>
        %squeeze3A_1638 = vector.extract %slice3A_1637[0] : f32 from vector<1xf32>
        %broadcast_in_dim3A_1639 = vector.broadcast %squeeze3A_1638 : f32 to vector<16xf32>
        %add3A_1640 = arith.constant 26 : i32
        %add3A_1641 = arith.addi %mul3A_287, %add3A_1640 : i32
        %get3A_1642 = arith.index_cast %add3A_1641 : i32 to index
        %get3A_1643 = arith.constant 0 : index
        %get3A_1644 = tpu.vector_load %arg11[%get3A_1642, %get3A_1643] {strides = array<i32>} : memref<288x128xf32, #tpu.memory_space<vmem>>, vector<1x16xf32>,
        %get3A_1645 = vector.shape_cast %get3A_1644 : vector<1x16xf32> to vector<16xf32>
        %mul3A_1646 = arith.mulf %broadcast_in_dim3A_1639, %get3A_1645 : vector<16xf32>
        %add3A_1647 = arith.addf %add3A_1596, %mul3A_1646 : vector<16xf32>
        %add3A_1648 = arith.constant 26 : i32
        %add3A_1649 = arith.addi %mul3A_287, %add3A_1648 : i32
        %get3A_1650 = arith.index_cast %add3A_1649 : i32 to index
        %get3A_1651 = arith.constant 16 : index
        %get3A_1652 = tpu.vector_load %arg11[%get3A_1650, %get3A_1651] {strides = array<i32>} : memref<288x128xf32, #tpu.memory_space<vmem>>, vector<1x16xf32>,
        %get3A_1653 = vector.shape_cast %get3A_1652 : vector<1x16xf32> to vector<16xf32>
        %mul3A_1654 = arith.mulf %broadcast_in_dim3A_1639, %get3A_1653 : vector<16xf32>
        %add3A_1655 = arith.addf %add3A_1604, %mul3A_1654 : vector<16xf32>
        %add3A_1656 = arith.constant 26 : i32
        %add3A_1657 = arith.addi %mul3A_287, %add3A_1656 : i32
        %get3A_1658 = arith.index_cast %add3A_1657 : i32 to index
        %get3A_1659 = arith.constant 32 : index
        %get3A_1660 = tpu.vector_load %arg11[%get3A_1658, %get3A_1659] {strides = array<i32>} : memref<288x128xf32, #tpu.memory_space<vmem>>, vector<1x16xf32>,
        %get3A_1661 = vector.shape_cast %get3A_1660 : vector<1x16xf32> to vector<16xf32>
        %mul3A_1662 = arith.mulf %broadcast_in_dim3A_1639, %get3A_1661 : vector<16xf32>
        %add3A_1663 = arith.addf %add3A_1612, %mul3A_1662 : vector<16xf32>
        %add3A_1664 = arith.constant 26 : i32
        %add3A_1665 = arith.addi %mul3A_287, %add3A_1664 : i32
        %get3A_1666 = arith.index_cast %add3A_1665 : i32 to index
        %get3A_1667 = arith.constant 48 : index
        %get3A_1668 = tpu.vector_load %arg11[%get3A_1666, %get3A_1667] {strides = array<i32>} : memref<288x128xf32, #tpu.memory_space<vmem>>, vector<1x16xf32>,
        %get3A_1669 = vector.shape_cast %get3A_1668 : vector<1x16xf32> to vector<16xf32>
        %mul3A_1670 = arith.mulf %broadcast_in_dim3A_1639, %get3A_1669 : vector<16xf32>
        %add3A_1671 = arith.addf %add3A_1620, %mul3A_1670 : vector<16xf32>
        %add3A_1672 = arith.constant 26 : i32
        %add3A_1673 = arith.addi %mul3A_287, %add3A_1672 : i32
        %get3A_1674 = arith.index_cast %add3A_1673 : i32 to index
        %get3A_1675 = arith.constant 64 : index
        %get3A_1676 = tpu.vector_load %arg11[%get3A_1674, %get3A_1675] {strides = array<i32>} : memref<288x128xf32, #tpu.memory_space<vmem>>, vector<1x16xf32>,
        %get3A_1677 = vector.shape_cast %get3A_1676 : vector<1x16xf32> to vector<16xf32>
        %mul3A_1678 = arith.mulf %broadcast_in_dim3A_1639, %get3A_1677 : vector<16xf32>
        %add3A_1679 = arith.addf %add3A_1628, %mul3A_1678 : vector<16xf32>
        %add3A_1680 = arith.constant 26 : i32
        %add3A_1681 = arith.addi %mul3A_287, %add3A_1680 : i32
        %get3A_1682 = arith.index_cast %add3A_1681 : i32 to index
        %get3A_1683 = arith.constant 80 : index
        %get3A_1684 = tpu.vector_load %arg11[%get3A_1682, %get3A_1683] {strides = array<i32>} : memref<288x128xf32, #tpu.memory_space<vmem>>, vector<1x16xf32>,
        %get3A_1685 = vector.shape_cast %get3A_1684 : vector<1x16xf32> to vector<16xf32>
        %mul3A_1686 = arith.mulf %broadcast_in_dim3A_1639, %get3A_1685 : vector<16xf32>
        %add3A_1687 = arith.addf %add3A_1636, %mul3A_1686 : vector<16xf32>
        %slice3A_1688 = vector.extract_strided_slice %get3A_296 {offsets = [11], sizes = [1], strides = [1]} : vector<16xf32> to vector<1xf32>
        %squeeze3A_1689 = vector.extract %slice3A_1688[0] : f32 from vector<1xf32>
        %broadcast_in_dim3A_1690 = vector.broadcast %squeeze3A_1689 : f32 to vector<16xf32>
        %add3A_1691 = arith.constant 27 : i32
        %add3A_1692 = arith.addi %mul3A_287, %add3A_1691 : i32
        %get3A_1693 = arith.index_cast %add3A_1692 : i32 to index
        %get3A_1694 = arith.constant 0 : index
        %get3A_1695 = tpu.vector_load %arg11[%get3A_1693, %get3A_1694] {strides = array<i32>} : memref<288x128xf32, #tpu.memory_space<vmem>>, vector<1x16xf32>,
        %get3A_1696 = vector.shape_cast %get3A_1695 : vector<1x16xf32> to vector<16xf32>
        %mul3A_1697 = arith.mulf %broadcast_in_dim3A_1690, %get3A_1696 : vector<16xf32>
        %add3A_1698 = arith.addf %add3A_1647, %mul3A_1697 : vector<16xf32>
        %add3A_1699 = arith.constant 27 : i32
        %add3A_1700 = arith.addi %mul3A_287, %add3A_1699 : i32
        %get3A_1701 = arith.index_cast %add3A_1700 : i32 to index
        %get3A_1702 = arith.constant 16 : index
        %get3A_1703 = tpu.vector_load %arg11[%get3A_1701, %get3A_1702] {strides = array<i32>} : memref<288x128xf32, #tpu.memory_space<vmem>>, vector<1x16xf32>,
        %get3A_1704 = vector.shape_cast %get3A_1703 : vector<1x16xf32> to vector<16xf32>
        %mul3A_1705 = arith.mulf %broadcast_in_dim3A_1690, %get3A_1704 : vector<16xf32>
        %add3A_1706 = arith.addf %add3A_1655, %mul3A_1705 : vector<16xf32>
        %add3A_1707 = arith.constant 27 : i32
        %add3A_1708 = arith.addi %mul3A_287, %add3A_1707 : i32
        %get3A_1709 = arith.index_cast %add3A_1708 : i32 to index
        %get3A_1710 = arith.constant 32 : index
        %get3A_1711 = tpu.vector_load %arg11[%get3A_1709, %get3A_1710] {strides = array<i32>} : memref<288x128xf32, #tpu.memory_space<vmem>>, vector<1x16xf32>,
        %get3A_1712 = vector.shape_cast %get3A_1711 : vector<1x16xf32> to vector<16xf32>
        %mul3A_1713 = arith.mulf %broadcast_in_dim3A_1690, %get3A_1712 : vector<16xf32>
        %add3A_1714 = arith.addf %add3A_1663, %mul3A_1713 : vector<16xf32>
        %add3A_1715 = arith.constant 27 : i32
        %add3A_1716 = arith.addi %mul3A_287, %add3A_1715 : i32
        %get3A_1717 = arith.index_cast %add3A_1716 : i32 to index
        %get3A_1718 = arith.constant 48 : index
        %get3A_1719 = tpu.vector_load %arg11[%get3A_1717, %get3A_1718] {strides = array<i32>} : memref<288x128xf32, #tpu.memory_space<vmem>>, vector<1x16xf32>,
        %get3A_1720 = vector.shape_cast %get3A_1719 : vector<1x16xf32> to vector<16xf32>
        %mul3A_1721 = arith.mulf %broadcast_in_dim3A_1690, %get3A_1720 : vector<16xf32>
        %add3A_1722 = arith.addf %add3A_1671, %mul3A_1721 : vector<16xf32>
        %add3A_1723 = arith.constant 27 : i32
        %add3A_1724 = arith.addi %mul3A_287, %add3A_1723 : i32
        %get3A_1725 = arith.index_cast %add3A_1724 : i32 to index
        %get3A_1726 = arith.constant 64 : index
        %get3A_1727 = tpu.vector_load %arg11[%get3A_1725, %get3A_1726] {strides = array<i32>} : memref<288x128xf32, #tpu.memory_space<vmem>>, vector<1x16xf32>,
        %get3A_1728 = vector.shape_cast %get3A_1727 : vector<1x16xf32> to vector<16xf32>
        %mul3A_1729 = arith.mulf %broadcast_in_dim3A_1690, %get3A_1728 : vector<16xf32>
        %add3A_1730 = arith.addf %add3A_1679, %mul3A_1729 : vector<16xf32>
        %add3A_1731 = arith.constant 27 : i32
        %add3A_1732 = arith.addi %mul3A_287, %add3A_1731 : i32
        %get3A_1733 = arith.index_cast %add3A_1732 : i32 to index
        %get3A_1734 = arith.constant 80 : index
        %get3A_1735 = tpu.vector_load %arg11[%get3A_1733, %get3A_1734] {strides = array<i32>} : memref<288x128xf32, #tpu.memory_space<vmem>>, vector<1x16xf32>,
        %get3A_1736 = vector.shape_cast %get3A_1735 : vector<1x16xf32> to vector<16xf32>
        %mul3A_1737 = arith.mulf %broadcast_in_dim3A_1690, %get3A_1736 : vector<16xf32>
        %add3A_1738 = arith.addf %add3A_1687, %mul3A_1737 : vector<16xf32>
        %slice3A_1739 = vector.extract_strided_slice %get3A_296 {offsets = [12], sizes = [1], strides = [1]} : vector<16xf32> to vector<1xf32>
        %squeeze3A_1740 = vector.extract %slice3A_1739[0] : f32 from vector<1xf32>
        %broadcast_in_dim3A_1741 = vector.broadcast %squeeze3A_1740 : f32 to vector<16xf32>
        %add3A_1742 = arith.constant 28 : i32
        %add3A_1743 = arith.addi %mul3A_287, %add3A_1742 : i32
        %get3A_1744 = arith.index_cast %add3A_1743 : i32 to index
        %get3A_1745 = arith.constant 0 : index
        %get3A_1746 = tpu.vector_load %arg11[%get3A_1744, %get3A_1745] {strides = array<i32>} : memref<288x128xf32, #tpu.memory_space<vmem>>, vector<1x16xf32>,
        %get3A_1747 = vector.shape_cast %get3A_1746 : vector<1x16xf32> to vector<16xf32>
        %mul3A_1748 = arith.mulf %broadcast_in_dim3A_1741, %get3A_1747 : vector<16xf32>
        %add3A_1749 = arith.addf %add3A_1698, %mul3A_1748 : vector<16xf32>
        %add3A_1750 = arith.constant 28 : i32
        %add3A_1751 = arith.addi %mul3A_287, %add3A_1750 : i32
        %get3A_1752 = arith.index_cast %add3A_1751 : i32 to index
        %get3A_1753 = arith.constant 16 : index
        %get3A_1754 = tpu.vector_load %arg11[%get3A_1752, %get3A_1753] {strides = array<i32>} : memref<288x128xf32, #tpu.memory_space<vmem>>, vector<1x16xf32>,
        %get3A_1755 = vector.shape_cast %get3A_1754 : vector<1x16xf32> to vector<16xf32>
        %mul3A_1756 = arith.mulf %broadcast_in_dim3A_1741, %get3A_1755 : vector<16xf32>
        %add3A_1757 = arith.addf %add3A_1706, %mul3A_1756 : vector<16xf32>
        %add3A_1758 = arith.constant 28 : i32
        %add3A_1759 = arith.addi %mul3A_287, %add3A_1758 : i32
        %get3A_1760 = arith.index_cast %add3A_1759 : i32 to index
        %get3A_1761 = arith.constant 32 : index
        %get3A_1762 = tpu.vector_load %arg11[%get3A_1760, %get3A_1761] {strides = array<i32>} : memref<288x128xf32, #tpu.memory_space<vmem>>, vector<1x16xf32>,
        %get3A_1763 = vector.shape_cast %get3A_1762 : vector<1x16xf32> to vector<16xf32>
        %mul3A_1764 = arith.mulf %broadcast_in_dim3A_1741, %get3A_1763 : vector<16xf32>
        %add3A_1765 = arith.addf %add3A_1714, %mul3A_1764 : vector<16xf32>
        %add3A_1766 = arith.constant 28 : i32
        %add3A_1767 = arith.addi %mul3A_287, %add3A_1766 : i32
        %get3A_1768 = arith.index_cast %add3A_1767 : i32 to index
        %get3A_1769 = arith.constant 48 : index
        %get3A_1770 = tpu.vector_load %arg11[%get3A_1768, %get3A_1769] {strides = array<i32>} : memref<288x128xf32, #tpu.memory_space<vmem>>, vector<1x16xf32>,
        %get3A_1771 = vector.shape_cast %get3A_1770 : vector<1x16xf32> to vector<16xf32>
        %mul3A_1772 = arith.mulf %broadcast_in_dim3A_1741, %get3A_1771 : vector<16xf32>
        %add3A_1773 = arith.addf %add3A_1722, %mul3A_1772 : vector<16xf32>
        %add3A_1774 = arith.constant 28 : i32
        %add3A_1775 = arith.addi %mul3A_287, %add3A_1774 : i32
        %get3A_1776 = arith.index_cast %add3A_1775 : i32 to index
        %get3A_1777 = arith.constant 64 : index
        %get3A_1778 = tpu.vector_load %arg11[%get3A_1776, %get3A_1777] {strides = array<i32>} : memref<288x128xf32, #tpu.memory_space<vmem>>, vector<1x16xf32>,
        %get3A_1779 = vector.shape_cast %get3A_1778 : vector<1x16xf32> to vector<16xf32>
        %mul3A_1780 = arith.mulf %broadcast_in_dim3A_1741, %get3A_1779 : vector<16xf32>
        %add3A_1781 = arith.addf %add3A_1730, %mul3A_1780 : vector<16xf32>
        %add3A_1782 = arith.constant 28 : i32
        %add3A_1783 = arith.addi %mul3A_287, %add3A_1782 : i32
        %get3A_1784 = arith.index_cast %add3A_1783 : i32 to index
        %get3A_1785 = arith.constant 80 : index
        %get3A_1786 = tpu.vector_load %arg11[%get3A_1784, %get3A_1785] {strides = array<i32>} : memref<288x128xf32, #tpu.memory_space<vmem>>, vector<1x16xf32>,
        %get3A_1787 = vector.shape_cast %get3A_1786 : vector<1x16xf32> to vector<16xf32>
        %mul3A_1788 = arith.mulf %broadcast_in_dim3A_1741, %get3A_1787 : vector<16xf32>
        %add3A_1789 = arith.addf %add3A_1738, %mul3A_1788 : vector<16xf32>
        %slice3A_1790 = vector.extract_strided_slice %get3A_296 {offsets = [13], sizes = [1], strides = [1]} : vector<16xf32> to vector<1xf32>
        %squeeze3A_1791 = vector.extract %slice3A_1790[0] : f32 from vector<1xf32>
        %broadcast_in_dim3A_1792 = vector.broadcast %squeeze3A_1791 : f32 to vector<16xf32>
        %add3A_1793 = arith.constant 29 : i32
        %add3A_1794 = arith.addi %mul3A_287, %add3A_1793 : i32
        %get3A_1795 = arith.index_cast %add3A_1794 : i32 to index
        %get3A_1796 = arith.constant 0 : index
        %get3A_1797 = tpu.vector_load %arg11[%get3A_1795, %get3A_1796] {strides = array<i32>} : memref<288x128xf32, #tpu.memory_space<vmem>>, vector<1x16xf32>,
        %get3A_1798 = vector.shape_cast %get3A_1797 : vector<1x16xf32> to vector<16xf32>
        %mul3A_1799 = arith.mulf %broadcast_in_dim3A_1792, %get3A_1798 : vector<16xf32>
        %add3A_1800 = arith.addf %add3A_1749, %mul3A_1799 : vector<16xf32>
        %add3A_1801 = arith.constant 29 : i32
        %add3A_1802 = arith.addi %mul3A_287, %add3A_1801 : i32
        %get3A_1803 = arith.index_cast %add3A_1802 : i32 to index
        %get3A_1804 = arith.constant 16 : index
        %get3A_1805 = tpu.vector_load %arg11[%get3A_1803, %get3A_1804] {strides = array<i32>} : memref<288x128xf32, #tpu.memory_space<vmem>>, vector<1x16xf32>,
        %get3A_1806 = vector.shape_cast %get3A_1805 : vector<1x16xf32> to vector<16xf32>
        %mul3A_1807 = arith.mulf %broadcast_in_dim3A_1792, %get3A_1806 : vector<16xf32>
        %add3A_1808 = arith.addf %add3A_1757, %mul3A_1807 : vector<16xf32>
        %add3A_1809 = arith.constant 29 : i32
        %add3A_1810 = arith.addi %mul3A_287, %add3A_1809 : i32
        %get3A_1811 = arith.index_cast %add3A_1810 : i32 to index
        %get3A_1812 = arith.constant 32 : index
        %get3A_1813 = tpu.vector_load %arg11[%get3A_1811, %get3A_1812] {strides = array<i32>} : memref<288x128xf32, #tpu.memory_space<vmem>>, vector<1x16xf32>,
        %get3A_1814 = vector.shape_cast %get3A_1813 : vector<1x16xf32> to vector<16xf32>
        %mul3A_1815 = arith.mulf %broadcast_in_dim3A_1792, %get3A_1814 : vector<16xf32>
        %add3A_1816 = arith.addf %add3A_1765, %mul3A_1815 : vector<16xf32>
        %add3A_1817 = arith.constant 29 : i32
        %add3A_1818 = arith.addi %mul3A_287, %add3A_1817 : i32
        %get3A_1819 = arith.index_cast %add3A_1818 : i32 to index
        %get3A_1820 = arith.constant 48 : index
        %get3A_1821 = tpu.vector_load %arg11[%get3A_1819, %get3A_1820] {strides = array<i32>} : memref<288x128xf32, #tpu.memory_space<vmem>>, vector<1x16xf32>,
        %get3A_1822 = vector.shape_cast %get3A_1821 : vector<1x16xf32> to vector<16xf32>
        %mul3A_1823 = arith.mulf %broadcast_in_dim3A_1792, %get3A_1822 : vector<16xf32>
        %add3A_1824 = arith.addf %add3A_1773, %mul3A_1823 : vector<16xf32>
        %add3A_1825 = arith.constant 29 : i32
        %add3A_1826 = arith.addi %mul3A_287, %add3A_1825 : i32
        %get3A_1827 = arith.index_cast %add3A_1826 : i32 to index
        %get3A_1828 = arith.constant 64 : index
        %get3A_1829 = tpu.vector_load %arg11[%get3A_1827, %get3A_1828] {strides = array<i32>} : memref<288x128xf32, #tpu.memory_space<vmem>>, vector<1x16xf32>,
        %get3A_1830 = vector.shape_cast %get3A_1829 : vector<1x16xf32> to vector<16xf32>
        %mul3A_1831 = arith.mulf %broadcast_in_dim3A_1792, %get3A_1830 : vector<16xf32>
        %add3A_1832 = arith.addf %add3A_1781, %mul3A_1831 : vector<16xf32>
        %add3A_1833 = arith.constant 29 : i32
        %add3A_1834 = arith.addi %mul3A_287, %add3A_1833 : i32
        %get3A_1835 = arith.index_cast %add3A_1834 : i32 to index
        %get3A_1836 = arith.constant 80 : index
        %get3A_1837 = tpu.vector_load %arg11[%get3A_1835, %get3A_1836] {strides = array<i32>} : memref<288x128xf32, #tpu.memory_space<vmem>>, vector<1x16xf32>,
        %get3A_1838 = vector.shape_cast %get3A_1837 : vector<1x16xf32> to vector<16xf32>
        %mul3A_1839 = arith.mulf %broadcast_in_dim3A_1792, %get3A_1838 : vector<16xf32>
        %add3A_1840 = arith.addf %add3A_1789, %mul3A_1839 : vector<16xf32>
        %slice3A_1841 = vector.extract_strided_slice %get3A_296 {offsets = [14], sizes = [1], strides = [1]} : vector<16xf32> to vector<1xf32>
        %squeeze3A_1842 = vector.extract %slice3A_1841[0] : f32 from vector<1xf32>
        %broadcast_in_dim3A_1843 = vector.broadcast %squeeze3A_1842 : f32 to vector<16xf32>
        %add3A_1844 = arith.constant 30 : i32
        %add3A_1845 = arith.addi %mul3A_287, %add3A_1844 : i32
        %get3A_1846 = arith.index_cast %add3A_1845 : i32 to index
        %get3A_1847 = arith.constant 0 : index
        %get3A_1848 = tpu.vector_load %arg11[%get3A_1846, %get3A_1847] {strides = array<i32>} : memref<288x128xf32, #tpu.memory_space<vmem>>, vector<1x16xf32>,
        %get3A_1849 = vector.shape_cast %get3A_1848 : vector<1x16xf32> to vector<16xf32>
        %mul3A_1850 = arith.mulf %broadcast_in_dim3A_1843, %get3A_1849 : vector<16xf32>
        %add3A_1851 = arith.addf %add3A_1800, %mul3A_1850 : vector<16xf32>
        %add3A_1852 = arith.constant 30 : i32
        %add3A_1853 = arith.addi %mul3A_287, %add3A_1852 : i32
        %get3A_1854 = arith.index_cast %add3A_1853 : i32 to index
        %get3A_1855 = arith.constant 16 : index
        %get3A_1856 = tpu.vector_load %arg11[%get3A_1854, %get3A_1855] {strides = array<i32>} : memref<288x128xf32, #tpu.memory_space<vmem>>, vector<1x16xf32>,
        %get3A_1857 = vector.shape_cast %get3A_1856 : vector<1x16xf32> to vector<16xf32>
        %mul3A_1858 = arith.mulf %broadcast_in_dim3A_1843, %get3A_1857 : vector<16xf32>
        %add3A_1859 = arith.addf %add3A_1808, %mul3A_1858 : vector<16xf32>
        %add3A_1860 = arith.constant 30 : i32
        %add3A_1861 = arith.addi %mul3A_287, %add3A_1860 : i32
        %get3A_1862 = arith.index_cast %add3A_1861 : i32 to index
        %get3A_1863 = arith.constant 32 : index
        %get3A_1864 = tpu.vector_load %arg11[%get3A_1862, %get3A_1863] {strides = array<i32>} : memref<288x128xf32, #tpu.memory_space<vmem>>, vector<1x16xf32>,
        %get3A_1865 = vector.shape_cast %get3A_1864 : vector<1x16xf32> to vector<16xf32>
        %mul3A_1866 = arith.mulf %broadcast_in_dim3A_1843, %get3A_1865 : vector<16xf32>
        %add3A_1867 = arith.addf %add3A_1816, %mul3A_1866 : vector<16xf32>
        %add3A_1868 = arith.constant 30 : i32
        %add3A_1869 = arith.addi %mul3A_287, %add3A_1868 : i32
        %get3A_1870 = arith.index_cast %add3A_1869 : i32 to index
        %get3A_1871 = arith.constant 48 : index
        %get3A_1872 = tpu.vector_load %arg11[%get3A_1870, %get3A_1871] {strides = array<i32>} : memref<288x128xf32, #tpu.memory_space<vmem>>, vector<1x16xf32>,
        %get3A_1873 = vector.shape_cast %get3A_1872 : vector<1x16xf32> to vector<16xf32>
        %mul3A_1874 = arith.mulf %broadcast_in_dim3A_1843, %get3A_1873 : vector<16xf32>
        %add3A_1875 = arith.addf %add3A_1824, %mul3A_1874 : vector<16xf32>
        %add3A_1876 = arith.constant 30 : i32
        %add3A_1877 = arith.addi %mul3A_287, %add3A_1876 : i32
        %get3A_1878 = arith.index_cast %add3A_1877 : i32 to index
        %get3A_1879 = arith.constant 64 : index
        %get3A_1880 = tpu.vector_load %arg11[%get3A_1878, %get3A_1879] {strides = array<i32>} : memref<288x128xf32, #tpu.memory_space<vmem>>, vector<1x16xf32>,
        %get3A_1881 = vector.shape_cast %get3A_1880 : vector<1x16xf32> to vector<16xf32>
        %mul3A_1882 = arith.mulf %broadcast_in_dim3A_1843, %get3A_1881 : vector<16xf32>
        %add3A_1883 = arith.addf %add3A_1832, %mul3A_1882 : vector<16xf32>
        %add3A_1884 = arith.constant 30 : i32
        %add3A_1885 = arith.addi %mul3A_287, %add3A_1884 : i32
        %get3A_1886 = arith.index_cast %add3A_1885 : i32 to index
        %get3A_1887 = arith.constant 80 : index
        %get3A_1888 = tpu.vector_load %arg11[%get3A_1886, %get3A_1887] {strides = array<i32>} : memref<288x128xf32, #tpu.memory_space<vmem>>, vector<1x16xf32>,
        %get3A_1889 = vector.shape_cast %get3A_1888 : vector<1x16xf32> to vector<16xf32>
        %mul3A_1890 = arith.mulf %broadcast_in_dim3A_1843, %get3A_1889 : vector<16xf32>
        %add3A_1891 = arith.addf %add3A_1840, %mul3A_1890 : vector<16xf32>
        %slice3A_1892 = vector.extract_strided_slice %get3A_296 {offsets = [15], sizes = [1], strides = [1]} : vector<16xf32> to vector<1xf32>
        %squeeze3A_1893 = vector.extract %slice3A_1892[0] : f32 from vector<1xf32>
        %broadcast_in_dim3A_1894 = vector.broadcast %squeeze3A_1893 : f32 to vector<16xf32>
        %add3A_1895 = arith.constant 31 : i32
        %add3A_1896 = arith.addi %mul3A_287, %add3A_1895 : i32
        %get3A_1897 = arith.index_cast %add3A_1896 : i32 to index
        %get3A_1898 = arith.constant 0 : index
        %get3A_1899 = tpu.vector_load %arg11[%get3A_1897, %get3A_1898] {strides = array<i32>} : memref<288x128xf32, #tpu.memory_space<vmem>>, vector<1x16xf32>,
        %get3A_1900 = vector.shape_cast %get3A_1899 : vector<1x16xf32> to vector<16xf32>
        %mul3A_1901 = arith.mulf %broadcast_in_dim3A_1894, %get3A_1900 : vector<16xf32>
        %add3A_1902 = arith.addf %add3A_1851, %mul3A_1901 : vector<16xf32>
        %add3A_1903 = arith.constant 31 : i32
        %add3A_1904 = arith.addi %mul3A_287, %add3A_1903 : i32
        %get3A_1905 = arith.index_cast %add3A_1904 : i32 to index
        %get3A_1906 = arith.constant 16 : index
        %get3A_1907 = tpu.vector_load %arg11[%get3A_1905, %get3A_1906] {strides = array<i32>} : memref<288x128xf32, #tpu.memory_space<vmem>>, vector<1x16xf32>,
        %get3A_1908 = vector.shape_cast %get3A_1907 : vector<1x16xf32> to vector<16xf32>
        %mul3A_1909 = arith.mulf %broadcast_in_dim3A_1894, %get3A_1908 : vector<16xf32>
        %add3A_1910 = arith.addf %add3A_1859, %mul3A_1909 : vector<16xf32>
        %add3A_1911 = arith.constant 31 : i32
        %add3A_1912 = arith.addi %mul3A_287, %add3A_1911 : i32
        %get3A_1913 = arith.index_cast %add3A_1912 : i32 to index
        %get3A_1914 = arith.constant 32 : index
        %get3A_1915 = tpu.vector_load %arg11[%get3A_1913, %get3A_1914] {strides = array<i32>} : memref<288x128xf32, #tpu.memory_space<vmem>>, vector<1x16xf32>,
        %get3A_1916 = vector.shape_cast %get3A_1915 : vector<1x16xf32> to vector<16xf32>
        %mul3A_1917 = arith.mulf %broadcast_in_dim3A_1894, %get3A_1916 : vector<16xf32>
        %add3A_1918 = arith.addf %add3A_1867, %mul3A_1917 : vector<16xf32>
        %add3A_1919 = arith.constant 31 : i32
        %add3A_1920 = arith.addi %mul3A_287, %add3A_1919 : i32
        %get3A_1921 = arith.index_cast %add3A_1920 : i32 to index
        %get3A_1922 = arith.constant 48 : index
        %get3A_1923 = tpu.vector_load %arg11[%get3A_1921, %get3A_1922] {strides = array<i32>} : memref<288x128xf32, #tpu.memory_space<vmem>>, vector<1x16xf32>,
        %get3A_1924 = vector.shape_cast %get3A_1923 : vector<1x16xf32> to vector<16xf32>
        %mul3A_1925 = arith.mulf %broadcast_in_dim3A_1894, %get3A_1924 : vector<16xf32>
        %add3A_1926 = arith.addf %add3A_1875, %mul3A_1925 : vector<16xf32>
        %add3A_1927 = arith.constant 31 : i32
        %add3A_1928 = arith.addi %mul3A_287, %add3A_1927 : i32
        %get3A_1929 = arith.index_cast %add3A_1928 : i32 to index
        %get3A_1930 = arith.constant 64 : index
        %get3A_1931 = tpu.vector_load %arg11[%get3A_1929, %get3A_1930] {strides = array<i32>} : memref<288x128xf32, #tpu.memory_space<vmem>>, vector<1x16xf32>,
        %get3A_1932 = vector.shape_cast %get3A_1931 : vector<1x16xf32> to vector<16xf32>
        %mul3A_1933 = arith.mulf %broadcast_in_dim3A_1894, %get3A_1932 : vector<16xf32>
        %add3A_1934 = arith.addf %add3A_1883, %mul3A_1933 : vector<16xf32>
        %add3A_1935 = arith.constant 31 : i32
        %add3A_1936 = arith.addi %mul3A_287, %add3A_1935 : i32
        %get3A_1937 = arith.index_cast %add3A_1936 : i32 to index
        %get3A_1938 = arith.constant 80 : index
        %get3A_1939 = tpu.vector_load %arg11[%get3A_1937, %get3A_1938] {strides = array<i32>} : memref<288x128xf32, #tpu.memory_space<vmem>>, vector<1x16xf32>,
        %get3A_1940 = vector.shape_cast %get3A_1939 : vector<1x16xf32> to vector<16xf32>
        %mul3A_1941 = arith.mulf %broadcast_in_dim3A_1894, %get3A_1940 : vector<16xf32>
        %add3A_1942 = arith.addf %add3A_1891, %mul3A_1941 : vector<16xf32>
        %slice3A_1943 = vector.extract_strided_slice %get3A_301 {offsets = [0], sizes = [1], strides = [1]} : vector<16xf32> to vector<1xf32>
        %squeeze3A_1944 = vector.extract %slice3A_1943[0] : f32 from vector<1xf32>
        %broadcast_in_dim3A_1945 = vector.broadcast %squeeze3A_1944 : f32 to vector<16xf32>
        %add3A_1946 = arith.constant 32 : i32
        %add3A_1947 = arith.addi %mul3A_287, %add3A_1946 : i32
        %get3A_1948 = arith.index_cast %add3A_1947 : i32 to index
        %get3A_1949 = arith.constant 0 : index
        %get3A_1950 = tpu.vector_load %arg11[%get3A_1948, %get3A_1949] {strides = array<i32>} : memref<288x128xf32, #tpu.memory_space<vmem>>, vector<1x16xf32>,
        %get3A_1951 = vector.shape_cast %get3A_1950 : vector<1x16xf32> to vector<16xf32>
        %mul3A_1952 = arith.mulf %broadcast_in_dim3A_1945, %get3A_1951 : vector<16xf32>
        %add3A_1953 = arith.addf %add3A_1902, %mul3A_1952 : vector<16xf32>
        %add3A_1954 = arith.constant 32 : i32
        %add3A_1955 = arith.addi %mul3A_287, %add3A_1954 : i32
        %get3A_1956 = arith.index_cast %add3A_1955 : i32 to index
        %get3A_1957 = arith.constant 16 : index
        %get3A_1958 = tpu.vector_load %arg11[%get3A_1956, %get3A_1957] {strides = array<i32>} : memref<288x128xf32, #tpu.memory_space<vmem>>, vector<1x16xf32>,
        %get3A_1959 = vector.shape_cast %get3A_1958 : vector<1x16xf32> to vector<16xf32>
        %mul3A_1960 = arith.mulf %broadcast_in_dim3A_1945, %get3A_1959 : vector<16xf32>
        %add3A_1961 = arith.addf %add3A_1910, %mul3A_1960 : vector<16xf32>
        %add3A_1962 = arith.constant 32 : i32
        %add3A_1963 = arith.addi %mul3A_287, %add3A_1962 : i32
        %get3A_1964 = arith.index_cast %add3A_1963 : i32 to index
        %get3A_1965 = arith.constant 32 : index
        %get3A_1966 = tpu.vector_load %arg11[%get3A_1964, %get3A_1965] {strides = array<i32>} : memref<288x128xf32, #tpu.memory_space<vmem>>, vector<1x16xf32>,
        %get3A_1967 = vector.shape_cast %get3A_1966 : vector<1x16xf32> to vector<16xf32>
        %mul3A_1968 = arith.mulf %broadcast_in_dim3A_1945, %get3A_1967 : vector<16xf32>
        %add3A_1969 = arith.addf %add3A_1918, %mul3A_1968 : vector<16xf32>
        %add3A_1970 = arith.constant 32 : i32
        %add3A_1971 = arith.addi %mul3A_287, %add3A_1970 : i32
        %get3A_1972 = arith.index_cast %add3A_1971 : i32 to index
        %get3A_1973 = arith.constant 48 : index
        %get3A_1974 = tpu.vector_load %arg11[%get3A_1972, %get3A_1973] {strides = array<i32>} : memref<288x128xf32, #tpu.memory_space<vmem>>, vector<1x16xf32>,
        %get3A_1975 = vector.shape_cast %get3A_1974 : vector<1x16xf32> to vector<16xf32>
        %mul3A_1976 = arith.mulf %broadcast_in_dim3A_1945, %get3A_1975 : vector<16xf32>
        %add3A_1977 = arith.addf %add3A_1926, %mul3A_1976 : vector<16xf32>
        %add3A_1978 = arith.constant 32 : i32
        %add3A_1979 = arith.addi %mul3A_287, %add3A_1978 : i32
        %get3A_1980 = arith.index_cast %add3A_1979 : i32 to index
        %get3A_1981 = arith.constant 64 : index
        %get3A_1982 = tpu.vector_load %arg11[%get3A_1980, %get3A_1981] {strides = array<i32>} : memref<288x128xf32, #tpu.memory_space<vmem>>, vector<1x16xf32>,
        %get3A_1983 = vector.shape_cast %get3A_1982 : vector<1x16xf32> to vector<16xf32>
        %mul3A_1984 = arith.mulf %broadcast_in_dim3A_1945, %get3A_1983 : vector<16xf32>
        %add3A_1985 = arith.addf %add3A_1934, %mul3A_1984 : vector<16xf32>
        %add3A_1986 = arith.constant 32 : i32
        %add3A_1987 = arith.addi %mul3A_287, %add3A_1986 : i32
        %get3A_1988 = arith.index_cast %add3A_1987 : i32 to index
        %get3A_1989 = arith.constant 80 : index
        %get3A_1990 = tpu.vector_load %arg11[%get3A_1988, %get3A_1989] {strides = array<i32>} : memref<288x128xf32, #tpu.memory_space<vmem>>, vector<1x16xf32>,
        %get3A_1991 = vector.shape_cast %get3A_1990 : vector<1x16xf32> to vector<16xf32>
        %mul3A_1992 = arith.mulf %broadcast_in_dim3A_1945, %get3A_1991 : vector<16xf32>
        %add3A_1993 = arith.addf %add3A_1942, %mul3A_1992 : vector<16xf32>
        %slice3A_1994 = vector.extract_strided_slice %get3A_301 {offsets = [1], sizes = [1], strides = [1]} : vector<16xf32> to vector<1xf32>
        %squeeze3A_1995 = vector.extract %slice3A_1994[0] : f32 from vector<1xf32>
        %broadcast_in_dim3A_1996 = vector.broadcast %squeeze3A_1995 : f32 to vector<16xf32>
        %add3A_1997 = arith.constant 33 : i32
        %add3A_1998 = arith.addi %mul3A_287, %add3A_1997 : i32
        %get3A_1999 = arith.index_cast %add3A_1998 : i32 to index
        %get3A_2000 = arith.constant 0 : index
        %get3A_2001 = tpu.vector_load %arg11[%get3A_1999, %get3A_2000] {strides = array<i32>} : memref<288x128xf32, #tpu.memory_space<vmem>>, vector<1x16xf32>,
        %get3A_2002 = vector.shape_cast %get3A_2001 : vector<1x16xf32> to vector<16xf32>
        %mul3A_2003 = arith.mulf %broadcast_in_dim3A_1996, %get3A_2002 : vector<16xf32>
        %add3A_2004 = arith.addf %add3A_1953, %mul3A_2003 : vector<16xf32>
        %add3A_2005 = arith.constant 33 : i32
        %add3A_2006 = arith.addi %mul3A_287, %add3A_2005 : i32
        %get3A_2007 = arith.index_cast %add3A_2006 : i32 to index
        %get3A_2008 = arith.constant 16 : index
        %get3A_2009 = tpu.vector_load %arg11[%get3A_2007, %get3A_2008] {strides = array<i32>} : memref<288x128xf32, #tpu.memory_space<vmem>>, vector<1x16xf32>,
        %get3A_2010 = vector.shape_cast %get3A_2009 : vector<1x16xf32> to vector<16xf32>
        %mul3A_2011 = arith.mulf %broadcast_in_dim3A_1996, %get3A_2010 : vector<16xf32>
        %add3A_2012 = arith.addf %add3A_1961, %mul3A_2011 : vector<16xf32>
        %add3A_2013 = arith.constant 33 : i32
        %add3A_2014 = arith.addi %mul3A_287, %add3A_2013 : i32
        %get3A_2015 = arith.index_cast %add3A_2014 : i32 to index
        %get3A_2016 = arith.constant 32 : index
        %get3A_2017 = tpu.vector_load %arg11[%get3A_2015, %get3A_2016] {strides = array<i32>} : memref<288x128xf32, #tpu.memory_space<vmem>>, vector<1x16xf32>,
        %get3A_2018 = vector.shape_cast %get3A_2017 : vector<1x16xf32> to vector<16xf32>
        %mul3A_2019 = arith.mulf %broadcast_in_dim3A_1996, %get3A_2018 : vector<16xf32>
        %add3A_2020 = arith.addf %add3A_1969, %mul3A_2019 : vector<16xf32>
        %add3A_2021 = arith.constant 33 : i32
        %add3A_2022 = arith.addi %mul3A_287, %add3A_2021 : i32
        %get3A_2023 = arith.index_cast %add3A_2022 : i32 to index
        %get3A_2024 = arith.constant 48 : index
        %get3A_2025 = tpu.vector_load %arg11[%get3A_2023, %get3A_2024] {strides = array<i32>} : memref<288x128xf32, #tpu.memory_space<vmem>>, vector<1x16xf32>,
        %get3A_2026 = vector.shape_cast %get3A_2025 : vector<1x16xf32> to vector<16xf32>
        %mul3A_2027 = arith.mulf %broadcast_in_dim3A_1996, %get3A_2026 : vector<16xf32>
        %add3A_2028 = arith.addf %add3A_1977, %mul3A_2027 : vector<16xf32>
        %add3A_2029 = arith.constant 33 : i32
        %add3A_2030 = arith.addi %mul3A_287, %add3A_2029 : i32
        %get3A_2031 = arith.index_cast %add3A_2030 : i32 to index
        %get3A_2032 = arith.constant 64 : index
        %get3A_2033 = tpu.vector_load %arg11[%get3A_2031, %get3A_2032] {strides = array<i32>} : memref<288x128xf32, #tpu.memory_space<vmem>>, vector<1x16xf32>,
        %get3A_2034 = vector.shape_cast %get3A_2033 : vector<1x16xf32> to vector<16xf32>
        %mul3A_2035 = arith.mulf %broadcast_in_dim3A_1996, %get3A_2034 : vector<16xf32>
        %add3A_2036 = arith.addf %add3A_1985, %mul3A_2035 : vector<16xf32>
        %add3A_2037 = arith.constant 33 : i32
        %add3A_2038 = arith.addi %mul3A_287, %add3A_2037 : i32
        %get3A_2039 = arith.index_cast %add3A_2038 : i32 to index
        %get3A_2040 = arith.constant 80 : index
        %get3A_2041 = tpu.vector_load %arg11[%get3A_2039, %get3A_2040] {strides = array<i32>} : memref<288x128xf32, #tpu.memory_space<vmem>>, vector<1x16xf32>,
        %get3A_2042 = vector.shape_cast %get3A_2041 : vector<1x16xf32> to vector<16xf32>
        %mul3A_2043 = arith.mulf %broadcast_in_dim3A_1996, %get3A_2042 : vector<16xf32>
        %add3A_2044 = arith.addf %add3A_1993, %mul3A_2043 : vector<16xf32>
        %slice3A_2045 = vector.extract_strided_slice %get3A_301 {offsets = [2], sizes = [1], strides = [1]} : vector<16xf32> to vector<1xf32>
        %squeeze3A_2046 = vector.extract %slice3A_2045[0] : f32 from vector<1xf32>
        %broadcast_in_dim3A_2047 = vector.broadcast %squeeze3A_2046 : f32 to vector<16xf32>
        %add3A_2048 = arith.constant 34 : i32
        %add3A_2049 = arith.addi %mul3A_287, %add3A_2048 : i32
        %get3A_2050 = arith.index_cast %add3A_2049 : i32 to index
        %get3A_2051 = arith.constant 0 : index
        %get3A_2052 = tpu.vector_load %arg11[%get3A_2050, %get3A_2051] {strides = array<i32>} : memref<288x128xf32, #tpu.memory_space<vmem>>, vector<1x16xf32>,
        %get3A_2053 = vector.shape_cast %get3A_2052 : vector<1x16xf32> to vector<16xf32>
        %mul3A_2054 = arith.mulf %broadcast_in_dim3A_2047, %get3A_2053 : vector<16xf32>
        %add3A_2055 = arith.addf %add3A_2004, %mul3A_2054 : vector<16xf32>
        %add3A_2056 = arith.constant 34 : i32
        %add3A_2057 = arith.addi %mul3A_287, %add3A_2056 : i32
        %get3A_2058 = arith.index_cast %add3A_2057 : i32 to index
        %get3A_2059 = arith.constant 16 : index
        %get3A_2060 = tpu.vector_load %arg11[%get3A_2058, %get3A_2059] {strides = array<i32>} : memref<288x128xf32, #tpu.memory_space<vmem>>, vector<1x16xf32>,
        %get3A_2061 = vector.shape_cast %get3A_2060 : vector<1x16xf32> to vector<16xf32>
        %mul3A_2062 = arith.mulf %broadcast_in_dim3A_2047, %get3A_2061 : vector<16xf32>
        %add3A_2063 = arith.addf %add3A_2012, %mul3A_2062 : vector<16xf32>
        %add3A_2064 = arith.constant 34 : i32
        %add3A_2065 = arith.addi %mul3A_287, %add3A_2064 : i32
        %get3A_2066 = arith.index_cast %add3A_2065 : i32 to index
        %get3A_2067 = arith.constant 32 : index
        %get3A_2068 = tpu.vector_load %arg11[%get3A_2066, %get3A_2067] {strides = array<i32>} : memref<288x128xf32, #tpu.memory_space<vmem>>, vector<1x16xf32>,
        %get3A_2069 = vector.shape_cast %get3A_2068 : vector<1x16xf32> to vector<16xf32>
        %mul3A_2070 = arith.mulf %broadcast_in_dim3A_2047, %get3A_2069 : vector<16xf32>
        %add3A_2071 = arith.addf %add3A_2020, %mul3A_2070 : vector<16xf32>
        %add3A_2072 = arith.constant 34 : i32
        %add3A_2073 = arith.addi %mul3A_287, %add3A_2072 : i32
        %get3A_2074 = arith.index_cast %add3A_2073 : i32 to index
        %get3A_2075 = arith.constant 48 : index
        %get3A_2076 = tpu.vector_load %arg11[%get3A_2074, %get3A_2075] {strides = array<i32>} : memref<288x128xf32, #tpu.memory_space<vmem>>, vector<1x16xf32>,
        %get3A_2077 = vector.shape_cast %get3A_2076 : vector<1x16xf32> to vector<16xf32>
        %mul3A_2078 = arith.mulf %broadcast_in_dim3A_2047, %get3A_2077 : vector<16xf32>
        %add3A_2079 = arith.addf %add3A_2028, %mul3A_2078 : vector<16xf32>
        %add3A_2080 = arith.constant 34 : i32
        %add3A_2081 = arith.addi %mul3A_287, %add3A_2080 : i32
        %get3A_2082 = arith.index_cast %add3A_2081 : i32 to index
        %get3A_2083 = arith.constant 64 : index
        %get3A_2084 = tpu.vector_load %arg11[%get3A_2082, %get3A_2083] {strides = array<i32>} : memref<288x128xf32, #tpu.memory_space<vmem>>, vector<1x16xf32>,
        %get3A_2085 = vector.shape_cast %get3A_2084 : vector<1x16xf32> to vector<16xf32>
        %mul3A_2086 = arith.mulf %broadcast_in_dim3A_2047, %get3A_2085 : vector<16xf32>
        %add3A_2087 = arith.addf %add3A_2036, %mul3A_2086 : vector<16xf32>
        %add3A_2088 = arith.constant 34 : i32
        %add3A_2089 = arith.addi %mul3A_287, %add3A_2088 : i32
        %get3A_2090 = arith.index_cast %add3A_2089 : i32 to index
        %get3A_2091 = arith.constant 80 : index
        %get3A_2092 = tpu.vector_load %arg11[%get3A_2090, %get3A_2091] {strides = array<i32>} : memref<288x128xf32, #tpu.memory_space<vmem>>, vector<1x16xf32>,
        %get3A_2093 = vector.shape_cast %get3A_2092 : vector<1x16xf32> to vector<16xf32>
        %mul3A_2094 = arith.mulf %broadcast_in_dim3A_2047, %get3A_2093 : vector<16xf32>
        %add3A_2095 = arith.addf %add3A_2044, %mul3A_2094 : vector<16xf32>
        %slice3A_2096 = vector.extract_strided_slice %get3A_301 {offsets = [3], sizes = [1], strides = [1]} : vector<16xf32> to vector<1xf32>
        %squeeze3A_2097 = vector.extract %slice3A_2096[0] : f32 from vector<1xf32>
        %broadcast_in_dim3A_2098 = vector.broadcast %squeeze3A_2097 : f32 to vector<16xf32>
        %add3A_2099 = arith.constant 35 : i32
        %add3A_2100 = arith.addi %mul3A_287, %add3A_2099 : i32
        %get3A_2101 = arith.index_cast %add3A_2100 : i32 to index
        %get3A_2102 = arith.constant 0 : index
        %get3A_2103 = tpu.vector_load %arg11[%get3A_2101, %get3A_2102] {strides = array<i32>} : memref<288x128xf32, #tpu.memory_space<vmem>>, vector<1x16xf32>,
        %get3A_2104 = vector.shape_cast %get3A_2103 : vector<1x16xf32> to vector<16xf32>
        %mul3A_2105 = arith.mulf %broadcast_in_dim3A_2098, %get3A_2104 : vector<16xf32>
        %add3A_2106 = arith.addf %add3A_2055, %mul3A_2105 : vector<16xf32>
        %add3A_2107 = arith.constant 35 : i32
        %add3A_2108 = arith.addi %mul3A_287, %add3A_2107 : i32
        %get3A_2109 = arith.index_cast %add3A_2108 : i32 to index
        %get3A_2110 = arith.constant 16 : index
        %get3A_2111 = tpu.vector_load %arg11[%get3A_2109, %get3A_2110] {strides = array<i32>} : memref<288x128xf32, #tpu.memory_space<vmem>>, vector<1x16xf32>,
        %get3A_2112 = vector.shape_cast %get3A_2111 : vector<1x16xf32> to vector<16xf32>
        %mul3A_2113 = arith.mulf %broadcast_in_dim3A_2098, %get3A_2112 : vector<16xf32>
        %add3A_2114 = arith.addf %add3A_2063, %mul3A_2113 : vector<16xf32>
        %add3A_2115 = arith.constant 35 : i32
        %add3A_2116 = arith.addi %mul3A_287, %add3A_2115 : i32
        %get3A_2117 = arith.index_cast %add3A_2116 : i32 to index
        %get3A_2118 = arith.constant 32 : index
        %get3A_2119 = tpu.vector_load %arg11[%get3A_2117, %get3A_2118] {strides = array<i32>} : memref<288x128xf32, #tpu.memory_space<vmem>>, vector<1x16xf32>,
        %get3A_2120 = vector.shape_cast %get3A_2119 : vector<1x16xf32> to vector<16xf32>
        %mul3A_2121 = arith.mulf %broadcast_in_dim3A_2098, %get3A_2120 : vector<16xf32>
        %add3A_2122 = arith.addf %add3A_2071, %mul3A_2121 : vector<16xf32>
        %add3A_2123 = arith.constant 35 : i32
        %add3A_2124 = arith.addi %mul3A_287, %add3A_2123 : i32
        %get3A_2125 = arith.index_cast %add3A_2124 : i32 to index
        %get3A_2126 = arith.constant 48 : index
        %get3A_2127 = tpu.vector_load %arg11[%get3A_2125, %get3A_2126] {strides = array<i32>} : memref<288x128xf32, #tpu.memory_space<vmem>>, vector<1x16xf32>,
        %get3A_2128 = vector.shape_cast %get3A_2127 : vector<1x16xf32> to vector<16xf32>
        %mul3A_2129 = arith.mulf %broadcast_in_dim3A_2098, %get3A_2128 : vector<16xf32>
        %add3A_2130 = arith.addf %add3A_2079, %mul3A_2129 : vector<16xf32>
        %add3A_2131 = arith.constant 35 : i32
        %add3A_2132 = arith.addi %mul3A_287, %add3A_2131 : i32
        %get3A_2133 = arith.index_cast %add3A_2132 : i32 to index
        %get3A_2134 = arith.constant 64 : index
        %get3A_2135 = tpu.vector_load %arg11[%get3A_2133, %get3A_2134] {strides = array<i32>} : memref<288x128xf32, #tpu.memory_space<vmem>>, vector<1x16xf32>,
        %get3A_2136 = vector.shape_cast %get3A_2135 : vector<1x16xf32> to vector<16xf32>
        %mul3A_2137 = arith.mulf %broadcast_in_dim3A_2098, %get3A_2136 : vector<16xf32>
        %add3A_2138 = arith.addf %add3A_2087, %mul3A_2137 : vector<16xf32>
        %add3A_2139 = arith.constant 35 : i32
        %add3A_2140 = arith.addi %mul3A_287, %add3A_2139 : i32
        %get3A_2141 = arith.index_cast %add3A_2140 : i32 to index
        %get3A_2142 = arith.constant 80 : index
        %get3A_2143 = tpu.vector_load %arg11[%get3A_2141, %get3A_2142] {strides = array<i32>} : memref<288x128xf32, #tpu.memory_space<vmem>>, vector<1x16xf32>,
        %get3A_2144 = vector.shape_cast %get3A_2143 : vector<1x16xf32> to vector<16xf32>
        %mul3A_2145 = arith.mulf %broadcast_in_dim3A_2098, %get3A_2144 : vector<16xf32>
        %add3A_2146 = arith.addf %add3A_2095, %mul3A_2145 : vector<16xf32>
        %swap3A = arith.index_cast %scan3A_285 : i32 to index
        %swap3A_2147 = arith.constant 0 : index
        %swap3A_2148 = tpu.vector_load %arg12[%swap3A, %swap3A_2147] {strides = array<i32>} : memref<8x96xf32, #tpu.memory_space<vmem>>, vector<1x16xf32>,
        %swap3A_2149 = vector.shape_cast %swap3A_2148 : vector<1x16xf32> to vector<16xf32>
        %swap3A_2150 = vector.shape_cast %add3A_2106 : vector<16xf32> to vector<1x16xf32>
        tpu.vector_store %arg12[%swap3A, %swap3A_2147], %swap3A_2150 {strides = array<i32>} : memref<8x96xf32, #tpu.memory_space<vmem>>, vector<1x16xf32>,
        %swap3A_2151 = arith.index_cast %scan3A_285 : i32 to index
        %swap3A_2152 = arith.constant 16 : index
        %swap3A_2153 = tpu.vector_load %arg12[%swap3A_2151, %swap3A_2152] {strides = array<i32>} : memref<8x96xf32, #tpu.memory_space<vmem>>, vector<1x16xf32>,
        %swap3A_2154 = vector.shape_cast %swap3A_2153 : vector<1x16xf32> to vector<16xf32>
        %swap3A_2155 = vector.shape_cast %add3A_2114 : vector<16xf32> to vector<1x16xf32>
        tpu.vector_store %arg12[%swap3A_2151, %swap3A_2152], %swap3A_2155 {strides = array<i32>} : memref<8x96xf32, #tpu.memory_space<vmem>>, vector<1x16xf32>,
        %swap3A_2156 = arith.index_cast %scan3A_285 : i32 to index
        %swap3A_2157 = arith.constant 32 : index
        %swap3A_2158 = tpu.vector_load %arg12[%swap3A_2156, %swap3A_2157] {strides = array<i32>} : memref<8x96xf32, #tpu.memory_space<vmem>>, vector<1x16xf32>,
        %swap3A_2159 = vector.shape_cast %swap3A_2158 : vector<1x16xf32> to vector<16xf32>
        %swap3A_2160 = vector.shape_cast %add3A_2122 : vector<16xf32> to vector<1x16xf32>
        tpu.vector_store %arg12[%swap3A_2156, %swap3A_2157], %swap3A_2160 {strides = array<i32>} : memref<8x96xf32, #tpu.memory_space<vmem>>, vector<1x16xf32>,
        %swap3A_2161 = arith.index_cast %scan3A_285 : i32 to index
        %swap3A_2162 = arith.constant 48 : index
        %swap3A_2163 = tpu.vector_load %arg12[%swap3A_2161, %swap3A_2162] {strides = array<i32>} : memref<8x96xf32, #tpu.memory_space<vmem>>, vector<1x16xf32>,
        %swap3A_2164 = vector.shape_cast %swap3A_2163 : vector<1x16xf32> to vector<16xf32>
        %swap3A_2165 = vector.shape_cast %add3A_2130 : vector<16xf32> to vector<1x16xf32>
        tpu.vector_store %arg12[%swap3A_2161, %swap3A_2162], %swap3A_2165 {strides = array<i32>} : memref<8x96xf32, #tpu.memory_space<vmem>>, vector<1x16xf32>,
        %swap3A_2166 = arith.index_cast %scan3A_285 : i32 to index
        %swap3A_2167 = arith.constant 64 : index
        %swap3A_2168 = tpu.vector_load %arg12[%swap3A_2166, %swap3A_2167] {strides = array<i32>} : memref<8x96xf32, #tpu.memory_space<vmem>>, vector<1x16xf32>,
        %swap3A_2169 = vector.shape_cast %swap3A_2168 : vector<1x16xf32> to vector<16xf32>
        %swap3A_2170 = vector.shape_cast %add3A_2138 : vector<16xf32> to vector<1x16xf32>
        tpu.vector_store %arg12[%swap3A_2166, %swap3A_2167], %swap3A_2170 {strides = array<i32>} : memref<8x96xf32, #tpu.memory_space<vmem>>, vector<1x16xf32>,
        %swap3A_2171 = arith.index_cast %scan3A_285 : i32 to index
        %swap3A_2172 = arith.constant 80 : index
        %swap3A_2173 = tpu.vector_load %arg12[%swap3A_2171, %swap3A_2172] {strides = array<i32>} : memref<8x96xf32, #tpu.memory_space<vmem>>, vector<1x16xf32>,
        %swap3A_2174 = vector.shape_cast %swap3A_2173 : vector<1x16xf32> to vector<16xf32>
        %swap3A_2175 = vector.shape_cast %add3A_2146 : vector<16xf32> to vector<1x16xf32>
        tpu.vector_store %arg12[%swap3A_2171, %swap3A_2172], %swap3A_2175 {strides = array<i32>} : memref<8x96xf32, #tpu.memory_space<vmem>>, vector<1x16xf32>,
      }
      %scan3A_266 = arith.constant 8 : i32
      %mul3A_267 = arith.constant 8 : i32
      %mul3A_268 = arith.muli %add3A_197, %mul3A_267 : i32
      %add3A_269 = arith.addi %mul3A_2, %mul3A_268 : i32
      "tpu.region"() ({
        %run_scoped3A = tpu.sem_alloc : memref<!tpu.dma_semaphore, #tpu.memory_space<semaphore_mem>>
        %dma_start3A_285 = arith.constant 0 : i32
        %dma_start3A_286 = tpu.memref_slice %arg5[%add3A_269, %dma_start3A_285] : memref<50176x96xf32, #tpu.memory_space<hbm>> -> memref<8x96xf32, #tpu.memory_space<hbm>>
        %dma_start3A_287 = arith.constant 0 : i32
        %dma_start3A_288 = tpu.memref_slice %arg5[%add3A_269, %dma_start3A_287] : memref<50176x96xf32, #tpu.memory_space<hbm>> -> memref<8x96xf32, #tpu.memory_space<hbm>>
        tpu.enqueue_dma source(%arg12 : memref<8x96xf32, #tpu.memory_space<vmem>>) target(%dma_start3A_288 : memref<8x96xf32, #tpu.memory_space<hbm>>) target_semaphore(%run_scoped3A : memref<!tpu.dma_semaphore, #tpu.memory_space<semaphore_mem>>)
        %dma_wait3A_289 = arith.constant 0 : i32
        %dma_wait3A_290 = tpu.memref_slice %arg5[%add3A_269, %dma_wait3A_289] : memref<50176x96xf32, #tpu.memory_space<hbm>> -> memref<8x96xf32, #tpu.memory_space<hbm>>
        %dma_wait3A_291 = arith.constant 0 : i32
        %dma_wait3A_292 = tpu.memref_slice %arg5[%add3A_269, %dma_wait3A_291] : memref<50176x96xf32, #tpu.memory_space<hbm>> -> memref<8x96xf32, #tpu.memory_space<hbm>>
        tpu.wait_dma2 semaphore(%run_scoped3A : memref<!tpu.dma_semaphore, #tpu.memory_space<semaphore_mem>>) src(%arg12 : memref<8x96xf32, #tpu.memory_space<vmem>>) dst(%dma_wait3A_292 : memref<8x96xf32, #tpu.memory_space<hbm>>)
        tpu.yield
      }) : () -> ()
      %add3A_270 = arith.constant 2 : i32
      %add3A_271 = arith.addi %add3A_197, %add3A_270 : i32
      %mul3A_272 = arith.constant 8 : i32
      %mul3A_273 = arith.muli %add3A_271, %mul3A_272 : i32
      %add3A_274 = arith.addi %mul3A_2, %mul3A_273 : i32
      %mul3A_275 = arith.constant 36 : i32
      %mul3A_276 = arith.muli %add3A_274, %mul3A_275 : i32
      %dma_start3A_277 = tpu.memref_slice %arg3[%mul3A_276] : memref<1807488xi32, #tpu.memory_space<hbm>> -> memref<288xi32, #tpu.memory_space<hbm>>
      %dma_start3A_278 = tpu.memref_slice %arg3[%mul3A_276] : memref<1807488xi32, #tpu.memory_space<hbm>> -> memref<288xi32, #tpu.memory_space<hbm>>
      tpu.enqueue_dma source(%dma_start3A_278 : memref<288xi32, #tpu.memory_space<hbm>>) target(%arg7 : memref<288xi32, #tpu.memory_space<vmem>>) target_semaphore(%arg14 : memref<!tpu.dma_semaphore, #tpu.memory_space<semaphore_mem>>)
      %dma_start3A_279 = arith.constant 0 : i32
      %dma_start3A_280 = tpu.memref_slice %arg9[%dma_start3A_279] : memref<304xf32, #tpu.memory_space<vmem>> -> memref<288xf32, #tpu.memory_space<vmem>>
      %dma_start3A_281 = tpu.memref_slice %arg4[%mul3A_276] : memref<1807488xf32, #tpu.memory_space<hbm>> -> memref<288xf32, #tpu.memory_space<hbm>>
      %dma_start3A_282 = arith.constant 0 : i32
      %dma_start3A_283 = tpu.memref_slice %arg9[%dma_start3A_282] : memref<304xf32, #tpu.memory_space<vmem>> -> memref<288xf32, #tpu.memory_space<vmem>>
      %dma_start3A_284 = tpu.memref_slice %arg4[%mul3A_276] : memref<1807488xf32, #tpu.memory_space<hbm>> -> memref<288xf32, #tpu.memory_space<hbm>>
      tpu.enqueue_dma source(%dma_start3A_284 : memref<288xf32, #tpu.memory_space<hbm>>) target(%dma_start3A_283 : memref<288xf32, #tpu.memory_space<vmem>>) target_semaphore(%arg14 : memref<!tpu.dma_semaphore, #tpu.memory_space<semaphore_mem>>)
    }
    %scan3A_65 = arith.constant 98 : i32
    %dma_wait3A_66 = arith.constant 0 : i32
    %dma_wait3A_67 = arith.constant 0 : i32
    %dma_wait3A_68 = tpu.memref_slice %arg10[%dma_wait3A_66, %dma_wait3A_67] : memref<288x128xf32, #tpu.memory_space<vmem>> -> memref<128x128xf32, #tpu.memory_space<vmem>>
    %dma_wait3A_69 = arith.constant 0 : i32
    %dma_wait3A_70 = tpu.memref_slice %arg6[%dma_wait3A_69] : memref<288xi32, #tpu.memory_space<vmem>> -> memref<128xi32, #tpu.memory_space<vmem>>
    %dma_wait3A_71 = arith.constant 0 : i32
    %dma_wait3A_72 = arith.constant 0 : i32
    %dma_wait3A_73 = tpu.memref_slice %arg2[%dma_wait3A_71, %dma_wait3A_72] : memref<460800x128xf32, #tpu.memory_space<hbm>> -> memref<460800x128xf32, #tpu.memory_space<hbm>>
    tpu.wait_indirect_dma semaphore(%arg15 : memref<!tpu.dma_semaphore, #tpu.memory_space<semaphore_mem>>) src(%dma_wait3A_73 : memref<460800x128xf32, #tpu.memory_space<hbm>>) dst(%dma_wait3A_68 : memref<128x128xf32, #tpu.memory_space<vmem>>)
    %dma_wait3A_74 = arith.constant 128 : i32
    %dma_wait3A_75 = arith.constant 0 : i32
    %dma_wait3A_76 = tpu.memref_slice %arg10[%dma_wait3A_74, %dma_wait3A_75] : memref<288x128xf32, #tpu.memory_space<vmem>> -> memref<128x128xf32, #tpu.memory_space<vmem>>
    %dma_wait3A_77 = arith.constant 128 : i32
    %dma_wait3A_78 = tpu.memref_slice %arg6[%dma_wait3A_77] : memref<288xi32, #tpu.memory_space<vmem>> -> memref<128xi32, #tpu.memory_space<vmem>>
    %dma_wait3A_79 = arith.constant 0 : i32
    %dma_wait3A_80 = arith.constant 0 : i32
    %dma_wait3A_81 = tpu.memref_slice %arg2[%dma_wait3A_79, %dma_wait3A_80] : memref<460800x128xf32, #tpu.memory_space<hbm>> -> memref<460800x128xf32, #tpu.memory_space<hbm>>
    tpu.wait_indirect_dma semaphore(%arg15 : memref<!tpu.dma_semaphore, #tpu.memory_space<semaphore_mem>>) src(%dma_wait3A_81 : memref<460800x128xf32, #tpu.memory_space<hbm>>) dst(%dma_wait3A_76 : memref<128x128xf32, #tpu.memory_space<vmem>>)
    %dma_wait3A_82 = arith.constant 256 : i32
    %dma_wait3A_83 = arith.constant 0 : i32
    %dma_wait3A_84 = tpu.memref_slice %arg10[%dma_wait3A_82, %dma_wait3A_83] : memref<288x128xf32, #tpu.memory_space<vmem>> -> memref<32x128xf32, #tpu.memory_space<vmem>>
    %dma_wait3A_85 = arith.constant 256 : i32
    %dma_wait3A_86 = tpu.memref_slice %arg6[%dma_wait3A_85] : memref<288xi32, #tpu.memory_space<vmem>> -> memref<32xi32, #tpu.memory_space<vmem>>
    %dma_wait3A_87 = arith.constant 0 : i32
    %dma_wait3A_88 = arith.constant 0 : i32
    %dma_wait3A_89 = tpu.memref_slice %arg2[%dma_wait3A_87, %dma_wait3A_88] : memref<460800x128xf32, #tpu.memory_space<hbm>> -> memref<460800x128xf32, #tpu.memory_space<hbm>>
    tpu.wait_indirect_dma semaphore(%arg15 : memref<!tpu.dma_semaphore, #tpu.memory_space<semaphore_mem>>) src(%dma_wait3A_89 : memref<460800x128xf32, #tpu.memory_space<hbm>>) dst(%dma_wait3A_84 : memref<32x128xf32, #tpu.memory_space<vmem>>)
    %add3A_90 = arith.constant 1576 : i32
    %add3A_91 = arith.addi %mul3A_2, %add3A_90 : i32
    %mul3A_92 = arith.constant 36 : i32
    %mul3A_93 = arith.muli %add3A_91, %mul3A_92 : i32
    %dma_wait3A_94 = tpu.memref_slice %arg3[%mul3A_93] : memref<1807488xi32, #tpu.memory_space<hbm>> -> memref<288xi32, #tpu.memory_space<hbm>>
    %dma_wait3A_95 = tpu.memref_slice %arg3[%mul3A_93] : memref<1807488xi32, #tpu.memory_space<hbm>> -> memref<288xi32, #tpu.memory_space<hbm>>
    tpu.wait_dma2 semaphore(%arg14 : memref<!tpu.dma_semaphore, #tpu.memory_space<semaphore_mem>>) src(%dma_wait3A_95 : memref<288xi32, #tpu.memory_space<hbm>>) dst(%arg7 : memref<288xi32, #tpu.memory_space<vmem>>)
    %dma_wait3A_96 = arith.constant 0 : i32
    %dma_wait3A_97 = tpu.memref_slice %arg9[%dma_wait3A_96] : memref<304xf32, #tpu.memory_space<vmem>> -> memref<288xf32, #tpu.memory_space<vmem>>
    %dma_wait3A_98 = tpu.memref_slice %arg4[%mul3A_93] : memref<1807488xf32, #tpu.memory_space<hbm>> -> memref<288xf32, #tpu.memory_space<hbm>>
    %dma_wait3A_99 = arith.constant 0 : i32
    %dma_wait3A_100 = tpu.memref_slice %arg9[%dma_wait3A_99] : memref<304xf32, #tpu.memory_space<vmem>> -> memref<288xf32, #tpu.memory_space<vmem>>
    %dma_wait3A_101 = tpu.memref_slice %arg4[%mul3A_93] : memref<1807488xf32, #tpu.memory_space<hbm>> -> memref<288xf32, #tpu.memory_space<hbm>>
    tpu.wait_dma2 semaphore(%arg14 : memref<!tpu.dma_semaphore, #tpu.memory_space<semaphore_mem>>) src(%dma_wait3A_101 : memref<288xf32, #tpu.memory_space<hbm>>) dst(%dma_wait3A_100 : memref<288xf32, #tpu.memory_space<vmem>>)
    return
  }
}

module attributes {stable_mosaic.version = 14 : i64} {
  func.func @_offset_conv_body(%arg0: i32, %arg1: memref<864x512xf32, #tpu.memory_space<vmem>>, %arg2: memref<32x864xf32, #tpu.memory_space<vmem>>, %arg3: memref<32x1xf32, #tpu.memory_space<vmem>>, %arg4: memref<32x512xf32, #tpu.memory_space<vmem>>) attributes {dimension_semantics = [#tpu.dimension_semantics<arbitrary>], iteration_bounds = array<i64: 98>, scalar_prefetch = 0 : i64, scratch_operands = 0 : i64, tpu.core_type = #tpu.core_type<tc>, window_params = [{transform_indices = @transform_0, window_bounds = array<i64: 864, 512>}, {pipeline_mode = #tpu.pipeline_mode<synchronous>, transform_indices = @transform_1, window_bounds = array<i64: 32, 864>}, {pipeline_mode = #tpu.pipeline_mode<synchronous>, transform_indices = @transform_2, window_bounds = array<i64: 32, 1>}, {transform_indices = @transform_3, window_bounds = array<i64: 32, 512>}]} {
    %get3A = arith.constant 0 : index
    %get3A_0 = arith.constant 0 : index
    %get3A_1 = vector.load %arg2[%get3A, %get3A_0] : memref<32x864xf32, #tpu.memory_space<vmem>>, vector<32x864xf32>
    %get3A_2 = arith.constant 0 : index
    %get3A_3 = arith.constant 0 : index
    %get3A_4 = vector.load %arg1[%get3A_2, %get3A_3] : memref<864x512xf32, #tpu.memory_space<vmem>>, vector<864x512xf32>
    %dot_general3A = arith.constant dense<0.000000e+00> : vector<32x512xf32>
    %dot_general3A_5 = tpu.matmul %get3A_1, %get3A_4, %dot_general3A {dimension_numbers = #tpu.dot_dimension_numbers<[1], [0], [0], [1], [0, 0, 1, 1], [], []>, transpose_lhs_hint = false} : vector<32x864xf32>, vector<864x512xf32>, vector<32x512xf32> -> vector<32x512xf32>
    %get3A_6 = arith.constant 0 : index
    %get3A_7 = arith.constant 0 : index
    %get3A_8 = vector.load %arg3[%get3A_6, %get3A_7] : memref<32x1xf32, #tpu.memory_space<vmem>>, vector<32x1xf32>
    %add3A = vector.broadcast %get3A_8 : vector<32x1xf32> to vector<32x512xf32>
    %add3A_9 = arith.addf %dot_general3A_5, %add3A : vector<32x512xf32>
    %swap3A = arith.constant 0 : index
    %swap3A_10 = arith.constant 0 : index
    %swap3A_11 = vector.load %arg4[%swap3A, %swap3A_10] : memref<32x512xf32, #tpu.memory_space<vmem>>, vector<32x512xf32>
    tpu.vector_store %arg4[%swap3A, %swap3A_10], %add3A_9 {strides = array<i32>} : memref<32x512xf32, #tpu.memory_space<vmem>>, vector<32x512xf32>,
    return
  }
  func.func @transform_0(%arg0: i32) -> (i32, i32) {
    %c0_i32 = arith.constant 0 : i32
    %c0_i32_0 = arith.constant 0 : i32
    return %c0_i32, %arg0 : i32, i32
  }
  func.func @transform_1(%arg0: i32) -> (i32, i32) {
    %c0_i32 = arith.constant 0 : i32
    %c0_i32_0 = arith.constant 0 : i32
    %c0_i32_1 = arith.constant 0 : i32
    return %c0_i32, %c0_i32_0 : i32, i32
  }
  func.func @transform_2(%arg0: i32) -> (i32, i32) {
    %c0_i32 = arith.constant 0 : i32
    %c0_i32_0 = arith.constant 0 : i32
    %c0_i32_1 = arith.constant 0 : i32
    return %c0_i32, %c0_i32_0 : i32, i32
  }
  func.func @transform_3(%arg0: i32) -> (i32, i32) {
    %c0_i32 = arith.constant 0 : i32
    %c0_i32_0 = arith.constant 0 : i32
    return %c0_i32, %arg0 : i32, i32
  }
}

module attributes {stable_mosaic.version = 14 : i64} {
  func.func @_iw_body(%arg0: i32, %arg1: memref<9x512xf32, #tpu.memory_space<vmem>>, %arg2: memref<9x512xf32, #tpu.memory_space<vmem>>, %arg3: memref<9x4xf32, #tpu.memory_space<vmem>>, %arg4: memref<1x512xf32, #tpu.memory_space<vmem>>, %arg5: memref<1x512xf32, #tpu.memory_space<vmem>>, %arg6: memref<4x9x512xi32, #tpu.memory_space<vmem>>, %arg7: memref<4x9x512xf32, #tpu.memory_space<vmem>>) attributes {dimension_semantics = [#tpu.dimension_semantics<arbitrary>], iteration_bounds = array<i64: 97>, scalar_prefetch = 0 : i64, scratch_operands = 0 : i64, tpu.core_type = #tpu.core_type<tc>, window_params = [{transform_indices = @transform_0, window_bounds = array<i64: 9, 512>}, {transform_indices = @transform_1, window_bounds = array<i64: 9, 512>}, {pipeline_mode = #tpu.pipeline_mode<synchronous>, transform_indices = @transform_2, window_bounds = array<i64: 9, 4>}, {transform_indices = @transform_3, window_bounds = array<i64: 1, 512>}, {transform_indices = @transform_4, window_bounds = array<i64: 1, 512>}, {transform_indices = @transform_5, window_bounds = array<i64: 4, 9, 512>}, {transform_indices = @transform_6, window_bounds = array<i64: 4, 9, 512>}]} {
    %get3A = arith.constant 0 : index
    %get3A_0 = arith.constant 0 : index
    %get3A_1 = vector.load %arg3[%get3A, %get3A_0] : memref<9x4xf32, #tpu.memory_space<vmem>>, vector<9x4xf32>
    %get3A_2 = arith.constant 0 : index
    %get3A_3 = arith.constant 0 : index
    %get3A_4 = vector.load %arg1[%get3A_2, %get3A_3] : memref<9x512xf32, #tpu.memory_space<vmem>>, vector<9x512xf32>
    %slice3A = vector.extract_strided_slice %get3A_1 {offsets = [0, 0], sizes = [9, 1], strides = [1, 1]} : vector<9x4xf32> to vector<9x1xf32>
    %add3A = vector.broadcast %slice3A : vector<9x1xf32> to vector<9x512xf32>
    %add3A_5 = arith.addf %get3A_4, %add3A : vector<9x512xf32>
    %get3A_6 = arith.constant 0 : index
    %get3A_7 = arith.constant 0 : index
    %get3A_8 = vector.load %arg4[%get3A_6, %get3A_7] : memref<1x512xf32, #tpu.memory_space<vmem>>, vector<1x512xf32>
    %add3A_9 = vector.broadcast %get3A_8 : vector<1x512xf32> to vector<9x512xf32>
    %add3A_10 = arith.addf %add3A_5, %add3A_9 : vector<9x512xf32>
    %get3A_11 = arith.constant 0 : index
    %get3A_12 = arith.constant 0 : index
    %get3A_13 = vector.load %arg2[%get3A_11, %get3A_12] : memref<9x512xf32, #tpu.memory_space<vmem>>, vector<9x512xf32>
    %slice3A_14 = vector.extract_strided_slice %get3A_1 {offsets = [0, 1], sizes = [9, 1], strides = [1, 1]} : vector<9x4xf32> to vector<9x1xf32>
    %add3A_15 = vector.broadcast %slice3A_14 : vector<9x1xf32> to vector<9x512xf32>
    %add3A_16 = arith.addf %get3A_13, %add3A_15 : vector<9x512xf32>
    %get3A_17 = arith.constant 0 : index
    %get3A_18 = arith.constant 0 : index
    %get3A_19 = vector.load %arg5[%get3A_17, %get3A_18] : memref<1x512xf32, #tpu.memory_space<vmem>>, vector<1x512xf32>
    %add3A_20 = vector.broadcast %get3A_19 : vector<1x512xf32> to vector<9x512xf32>
    %add3A_21 = arith.addf %add3A_16, %add3A_20 : vector<9x512xf32>
    %floor3A = math.floor %add3A_10 : vector<9x512xf32>
    %jit3A = arith.constant 0.000000e+00 : f32
    %jit3A_22 = arith.constant 2.250000e+02 : f32
    %max3A = vector.broadcast %jit3A : f32 to vector<9x512xf32>
    %max3A_23 = arith.maximumf %max3A, %floor3A : vector<9x512xf32>
    %min3A = vector.broadcast %jit3A_22 : f32 to vector<9x512xf32>
    %min3A_24 = arith.minimumf %min3A, %max3A_23 : vector<9x512xf32>
    %add3A_25 = arith.constant 1.000000e+00 : f32
    %add3A_26 = vector.broadcast %add3A_25 : f32 to vector<9x512xf32>
    %add3A_27 = arith.addf %floor3A, %add3A_26 : vector<9x512xf32>
    %jit3A_28 = arith.constant 0.000000e+00 : f32
    %jit3A_29 = arith.constant 2.250000e+02 : f32
    %max3A_30 = vector.broadcast %jit3A_28 : f32 to vector<9x512xf32>
    %max3A_31 = arith.maximumf %max3A_30, %add3A_27 : vector<9x512xf32>
    %min3A_32 = vector.broadcast %jit3A_29 : f32 to vector<9x512xf32>
    %min3A_33 = arith.minimumf %min3A_32, %max3A_31 : vector<9x512xf32>
    %lt3A = arith.constant 1.000000e+00 : f32
    %lt3A_34 = vector.broadcast %lt3A : f32 to vector<9x512xf32>
    %lt3A_35 = arith.cmpf olt, %add3A_10, %lt3A_34 : vector<9x512xf32>
    %gt3A = arith.constant 2.240000e+02 : f32
    %gt3A_36 = vector.broadcast %gt3A : f32 to vector<9x512xf32>
    %gt3A_37 = arith.cmpf ogt, %add3A_10, %gt3A_36 : vector<9x512xf32>
    %or3A = arith.ori %lt3A_35, %gt3A_37 : vector<9x512xi1>
    %select_n3A = arith.select %or3A, %floor3A, %add3A_10 : vector<9x512xi1>, vector<9x512xf32>
    %jit3A_38 = arith.constant 0.000000e+00 : f32
    %jit3A_39 = arith.constant 2.250000e+02 : f32
    %max3A_40 = vector.broadcast %jit3A_38 : f32 to vector<9x512xf32>
    %max3A_41 = arith.maximumf %max3A_40, %select_n3A : vector<9x512xf32>
    %min3A_42 = vector.broadcast %jit3A_39 : f32 to vector<9x512xf32>
    %min3A_43 = arith.minimumf %min3A_42, %max3A_41 : vector<9x512xf32>
    %add3A_44 = arith.constant 1.000000e+00 : f32
    %add3A_45 = vector.broadcast %add3A_44 : f32 to vector<9x512xf32>
    %add3A_46 = arith.addf %add3A_45, %min3A_24 : vector<9x512xf32>
    %sub3A = arith.subf %add3A_46, %min3A_43 : vector<9x512xf32>
    %sub3A_47 = arith.subf %min3A_33, %min3A_43 : vector<9x512xf32>
    %sub3A_48 = arith.constant 1.000000e+00 : f32
    %sub3A_49 = vector.broadcast %sub3A_48 : f32 to vector<9x512xf32>
    %sub3A_50 = arith.subf %sub3A_49, %sub3A_47 : vector<9x512xf32>
    %floor3A_51 = math.floor %add3A_21 : vector<9x512xf32>
    %jit3A_52 = arith.constant 0.000000e+00 : f32
    %jit3A_53 = arith.constant 2.250000e+02 : f32
    %max3A_54 = vector.broadcast %jit3A_52 : f32 to vector<9x512xf32>
    %max3A_55 = arith.maximumf %max3A_54, %floor3A_51 : vector<9x512xf32>
    %min3A_56 = vector.broadcast %jit3A_53 : f32 to vector<9x512xf32>
    %min3A_57 = arith.minimumf %min3A_56, %max3A_55 : vector<9x512xf32>
    %add3A_58 = arith.constant 1.000000e+00 : f32
    %add3A_59 = vector.broadcast %add3A_58 : f32 to vector<9x512xf32>
    %add3A_60 = arith.addf %floor3A_51, %add3A_59 : vector<9x512xf32>
    %jit3A_61 = arith.constant 0.000000e+00 : f32
    %jit3A_62 = arith.constant 2.250000e+02 : f32
    %max3A_63 = vector.broadcast %jit3A_61 : f32 to vector<9x512xf32>
    %max3A_64 = arith.maximumf %max3A_63, %add3A_60 : vector<9x512xf32>
    %min3A_65 = vector.broadcast %jit3A_62 : f32 to vector<9x512xf32>
    %min3A_66 = arith.minimumf %min3A_65, %max3A_64 : vector<9x512xf32>
    %lt3A_67 = arith.constant 1.000000e+00 : f32
    %lt3A_68 = vector.broadcast %lt3A_67 : f32 to vector<9x512xf32>
    %lt3A_69 = arith.cmpf olt, %add3A_21, %lt3A_68 : vector<9x512xf32>
    %gt3A_70 = arith.constant 2.240000e+02 : f32
    %gt3A_71 = vector.broadcast %gt3A_70 : f32 to vector<9x512xf32>
    %gt3A_72 = arith.cmpf ogt, %add3A_21, %gt3A_71 : vector<9x512xf32>
    %or3A_73 = arith.ori %lt3A_69, %gt3A_72 : vector<9x512xi1>
    %select_n3A_74 = arith.select %or3A_73, %floor3A_51, %add3A_21 : vector<9x512xi1>, vector<9x512xf32>
    %jit3A_75 = arith.constant 0.000000e+00 : f32
    %jit3A_76 = arith.constant 2.250000e+02 : f32
    %max3A_77 = vector.broadcast %jit3A_75 : f32 to vector<9x512xf32>
    %max3A_78 = arith.maximumf %max3A_77, %select_n3A_74 : vector<9x512xf32>
    %min3A_79 = vector.broadcast %jit3A_76 : f32 to vector<9x512xf32>
    %min3A_80 = arith.minimumf %min3A_79, %max3A_78 : vector<9x512xf32>
    %add3A_81 = arith.constant 1.000000e+00 : f32
    %add3A_82 = vector.broadcast %add3A_81 : f32 to vector<9x512xf32>
    %add3A_83 = arith.addf %add3A_82, %min3A_57 : vector<9x512xf32>
    %sub3A_84 = arith.subf %add3A_83, %min3A_80 : vector<9x512xf32>
    %sub3A_85 = arith.subf %min3A_66, %min3A_80 : vector<9x512xf32>
    %sub3A_86 = arith.constant 1.000000e+00 : f32
    %sub3A_87 = vector.broadcast %sub3A_86 : f32 to vector<9x512xf32>
    %sub3A_88 = arith.subf %sub3A_87, %sub3A_85 : vector<9x512xf32>
    %slice3A_89 = vector.extract_strided_slice %get3A_1 {offsets = [0, 2], sizes = [9, 1], strides = [1, 1]} : vector<9x4xf32> to vector<9x1xf32>
    %mul3A = arith.constant 2.260000e+02 : f32
    %mul3A_90 = vector.broadcast %mul3A : f32 to vector<9x512xf32>
    %mul3A_91 = arith.mulf %min3A_24, %mul3A_90 : vector<9x512xf32>
    %add3A_92 = vector.broadcast %slice3A_89 : vector<9x1xf32> to vector<9x512xf32>
    %add3A_93 = arith.addf %add3A_92, %mul3A_91 : vector<9x512xf32>
    %add3A_94 = arith.addf %add3A_93, %min3A_57 : vector<9x512xf32>
    %convert_element_type3A = arith.fptosi %add3A_94 : vector<9x512xf32> to vector<9x512xi32>
    %swap3A = arith.constant 0 : index
    %swap3A_95 = arith.constant 0 : index
    %swap3A_96 = arith.constant 0 : index
    %swap3A_97 = vector.load %arg6[%swap3A, %swap3A_95, %swap3A_96] : memref<4x9x512xi32, #tpu.memory_space<vmem>>, vector<1x9x512xi32>
    %swap3A_98 = vector.shape_cast %swap3A_97 : vector<1x9x512xi32> to vector<9x512xi32>
    %swap3A_99 = vector.shape_cast %convert_element_type3A : vector<9x512xi32> to vector<1x9x512xi32>
    tpu.vector_store %arg6[%swap3A, %swap3A_95, %swap3A_96], %swap3A_99 {strides = array<i32>} : memref<4x9x512xi32, #tpu.memory_space<vmem>>, vector<1x9x512xi32>,
    %mul3A_100 = arith.mulf %sub3A, %sub3A_84 : vector<9x512xf32>
    %swap3A_101 = arith.constant 0 : index
    %swap3A_102 = arith.constant 0 : index
    %swap3A_103 = arith.constant 0 : index
    %swap3A_104 = vector.load %arg7[%swap3A_101, %swap3A_102, %swap3A_103] : memref<4x9x512xf32, #tpu.memory_space<vmem>>, vector<1x9x512xf32>
    %swap3A_105 = vector.shape_cast %swap3A_104 : vector<1x9x512xf32> to vector<9x512xf32>
    %swap3A_106 = vector.shape_cast %mul3A_100 : vector<9x512xf32> to vector<1x9x512xf32>
    tpu.vector_store %arg7[%swap3A_101, %swap3A_102, %swap3A_103], %swap3A_106 {strides = array<i32>} : memref<4x9x512xf32, #tpu.memory_space<vmem>>, vector<1x9x512xf32>,
    %mul3A_107 = arith.constant 2.260000e+02 : f32
    %mul3A_108 = vector.broadcast %mul3A_107 : f32 to vector<9x512xf32>
    %mul3A_109 = arith.mulf %min3A_33, %mul3A_108 : vector<9x512xf32>
    %add3A_110 = vector.broadcast %slice3A_89 : vector<9x1xf32> to vector<9x512xf32>
    %add3A_111 = arith.addf %add3A_110, %mul3A_109 : vector<9x512xf32>
    %add3A_112 = arith.addf %add3A_111, %min3A_66 : vector<9x512xf32>
    %convert_element_type3A_113 = arith.fptosi %add3A_112 : vector<9x512xf32> to vector<9x512xi32>
    %swap3A_114 = arith.constant 1 : index
    %swap3A_115 = arith.constant 0 : index
    %swap3A_116 = arith.constant 0 : index
    %swap3A_117 = vector.load %arg6[%swap3A_114, %swap3A_115, %swap3A_116] : memref<4x9x512xi32, #tpu.memory_space<vmem>>, vector<1x9x512xi32>
    %swap3A_118 = vector.shape_cast %swap3A_117 : vector<1x9x512xi32> to vector<9x512xi32>
    %swap3A_119 = vector.shape_cast %convert_element_type3A_113 : vector<9x512xi32> to vector<1x9x512xi32>
    tpu.vector_store %arg6[%swap3A_114, %swap3A_115, %swap3A_116], %swap3A_119 {strides = array<i32>} : memref<4x9x512xi32, #tpu.memory_space<vmem>>, vector<1x9x512xi32>,
    %mul3A_120 = arith.mulf %sub3A_50, %sub3A_88 : vector<9x512xf32>
    %swap3A_121 = arith.constant 1 : index
    %swap3A_122 = arith.constant 0 : index
    %swap3A_123 = arith.constant 0 : index
    %swap3A_124 = vector.load %arg7[%swap3A_121, %swap3A_122, %swap3A_123] : memref<4x9x512xf32, #tpu.memory_space<vmem>>, vector<1x9x512xf32>
    %swap3A_125 = vector.shape_cast %swap3A_124 : vector<1x9x512xf32> to vector<9x512xf32>
    %swap3A_126 = vector.shape_cast %mul3A_120 : vector<9x512xf32> to vector<1x9x512xf32>
    tpu.vector_store %arg7[%swap3A_121, %swap3A_122, %swap3A_123], %swap3A_126 {strides = array<i32>} : memref<4x9x512xf32, #tpu.memory_space<vmem>>, vector<1x9x512xf32>,
    %mul3A_127 = arith.constant 2.260000e+02 : f32
    %mul3A_128 = vector.broadcast %mul3A_127 : f32 to vector<9x512xf32>
    %mul3A_129 = arith.mulf %min3A_24, %mul3A_128 : vector<9x512xf32>
    %add3A_130 = vector.broadcast %slice3A_89 : vector<9x1xf32> to vector<9x512xf32>
    %add3A_131 = arith.addf %add3A_130, %mul3A_129 : vector<9x512xf32>
    %add3A_132 = arith.addf %add3A_131, %min3A_66 : vector<9x512xf32>
    %convert_element_type3A_133 = arith.fptosi %add3A_132 : vector<9x512xf32> to vector<9x512xi32>
    %swap3A_134 = arith.constant 2 : index
    %swap3A_135 = arith.constant 0 : index
    %swap3A_136 = arith.constant 0 : index
    %swap3A_137 = vector.load %arg6[%swap3A_134, %swap3A_135, %swap3A_136] : memref<4x9x512xi32, #tpu.memory_space<vmem>>, vector<1x9x512xi32>
    %swap3A_138 = vector.shape_cast %swap3A_137 : vector<1x9x512xi32> to vector<9x512xi32>
    %swap3A_139 = vector.shape_cast %convert_element_type3A_133 : vector<9x512xi32> to vector<1x9x512xi32>
    tpu.vector_store %arg6[%swap3A_134, %swap3A_135, %swap3A_136], %swap3A_139 {strides = array<i32>} : memref<4x9x512xi32, #tpu.memory_space<vmem>>, vector<1x9x512xi32>,
    %mul3A_140 = arith.mulf %sub3A, %sub3A_88 : vector<9x512xf32>
    %swap3A_141 = arith.constant 2 : index
    %swap3A_142 = arith.constant 0 : index
    %swap3A_143 = arith.constant 0 : index
    %swap3A_144 = vector.load %arg7[%swap3A_141, %swap3A_142, %swap3A_143] : memref<4x9x512xf32, #tpu.memory_space<vmem>>, vector<1x9x512xf32>
    %swap3A_145 = vector.shape_cast %swap3A_144 : vector<1x9x512xf32> to vector<9x512xf32>
    %swap3A_146 = vector.shape_cast %mul3A_140 : vector<9x512xf32> to vector<1x9x512xf32>
    tpu.vector_store %arg7[%swap3A_141, %swap3A_142, %swap3A_143], %swap3A_146 {strides = array<i32>} : memref<4x9x512xf32, #tpu.memory_space<vmem>>, vector<1x9x512xf32>,
    %mul3A_147 = arith.constant 2.260000e+02 : f32
    %mul3A_148 = vector.broadcast %mul3A_147 : f32 to vector<9x512xf32>
    %mul3A_149 = arith.mulf %min3A_33, %mul3A_148 : vector<9x512xf32>
    %add3A_150 = vector.broadcast %slice3A_89 : vector<9x1xf32> to vector<9x512xf32>
    %add3A_151 = arith.addf %add3A_150, %mul3A_149 : vector<9x512xf32>
    %add3A_152 = arith.addf %add3A_151, %min3A_57 : vector<9x512xf32>
    %convert_element_type3A_153 = arith.fptosi %add3A_152 : vector<9x512xf32> to vector<9x512xi32>
    %swap3A_154 = arith.constant 3 : index
    %swap3A_155 = arith.constant 0 : index
    %swap3A_156 = arith.constant 0 : index
    %swap3A_157 = vector.load %arg6[%swap3A_154, %swap3A_155, %swap3A_156] : memref<4x9x512xi32, #tpu.memory_space<vmem>>, vector<1x9x512xi32>
    %swap3A_158 = vector.shape_cast %swap3A_157 : vector<1x9x512xi32> to vector<9x512xi32>
    %swap3A_159 = vector.shape_cast %convert_element_type3A_153 : vector<9x512xi32> to vector<1x9x512xi32>
    tpu.vector_store %arg6[%swap3A_154, %swap3A_155, %swap3A_156], %swap3A_159 {strides = array<i32>} : memref<4x9x512xi32, #tpu.memory_space<vmem>>, vector<1x9x512xi32>,
    %mul3A_160 = arith.mulf %sub3A_50, %sub3A_84 : vector<9x512xf32>
    %swap3A_161 = arith.constant 3 : index
    %swap3A_162 = arith.constant 0 : index
    %swap3A_163 = arith.constant 0 : index
    %swap3A_164 = vector.load %arg7[%swap3A_161, %swap3A_162, %swap3A_163] : memref<4x9x512xf32, #tpu.memory_space<vmem>>, vector<1x9x512xf32>
    %swap3A_165 = vector.shape_cast %swap3A_164 : vector<1x9x512xf32> to vector<9x512xf32>
    %swap3A_166 = vector.shape_cast %mul3A_160 : vector<9x512xf32> to vector<1x9x512xf32>
    tpu.vector_store %arg7[%swap3A_161, %swap3A_162, %swap3A_163], %swap3A_166 {strides = array<i32>} : memref<4x9x512xf32, #tpu.memory_space<vmem>>, vector<1x9x512xf32>,
    return
  }
  func.func @transform_0(%arg0: i32) -> (i32, i32) {
    %c0_i32 = arith.constant 0 : i32
    %c0_i32_0 = arith.constant 0 : i32
    return %c0_i32, %arg0 : i32, i32
  }
  func.func @transform_1(%arg0: i32) -> (i32, i32) {
    %c0_i32 = arith.constant 0 : i32
    %c0_i32_0 = arith.constant 0 : i32
    return %c0_i32, %arg0 : i32, i32
  }
  func.func @transform_2(%arg0: i32) -> (i32, i32) {
    %c0_i32 = arith.constant 0 : i32
    %c0_i32_0 = arith.constant 0 : i32
    %c0_i32_1 = arith.constant 0 : i32
    return %c0_i32, %c0_i32_0 : i32, i32
  }
  func.func @transform_3(%arg0: i32) -> (i32, i32) {
    %c0_i32 = arith.constant 0 : i32
    %c0_i32_0 = arith.constant 0 : i32
    return %c0_i32, %arg0 : i32, i32
  }
  func.func @transform_4(%arg0: i32) -> (i32, i32) {
    %c0_i32 = arith.constant 0 : i32
    %c0_i32_0 = arith.constant 0 : i32
    return %c0_i32, %arg0 : i32, i32
  }
  func.func @transform_5(%arg0: i32) -> (i32, i32, i32) {
    %c0_i32 = arith.constant 0 : i32
    %c0_i32_0 = arith.constant 0 : i32
    %c0_i32_1 = arith.constant 0 : i32
    return %c0_i32, %c0_i32_0, %arg0 : i32, i32, i32
  }
  func.func @transform_6(%arg0: i32) -> (i32, i32, i32) {
    %c0_i32 = arith.constant 0 : i32
    %c0_i32_0 = arith.constant 0 : i32
    %c0_i32_1 = arith.constant 0 : i32
    return %c0_i32, %c0_i32_0, %arg0 : i32, i32, i32
  }
}

module attributes {stable_mosaic.version = 14 : i64} {
  func.func @_table_body(%arg0: i32, %arg1: i32, %arg2: memref<512x96xf32, #tpu.memory_space<vmem>>, %arg3: memref<1x96x128xf32, #tpu.memory_space<vmem>>, %arg4: memref<1x512x128xf32, #tpu.memory_space<vmem>>) attributes {dimension_semantics = [#tpu.dimension_semantics<arbitrary>, #tpu.dimension_semantics<arbitrary>], iteration_bounds = array<i64: 100, 9>, scalar_prefetch = 0 : i64, scratch_operands = 0 : i64, tpu.core_type = #tpu.core_type<tc>, window_params = [{transform_indices = @transform_0, window_bounds = array<i64: 512, 96>}, {transform_indices = @transform_1, window_bounds = array<i64: 1, 96, 128>}, {transform_indices = @transform_2, window_bounds = array<i64: 1, 512, 128>}]} {
    %get3A = arith.constant 0 : index
    %get3A_0 = arith.constant 0 : index
    %get3A_1 = vector.load %arg2[%get3A, %get3A_0] : memref<512x96xf32, #tpu.memory_space<vmem>>, vector<512x96xf32>
    %get3A_2 = arith.constant 0 : index
    %get3A_3 = arith.constant 0 : index
    %get3A_4 = arith.constant 0 : index
    %get3A_5 = vector.load %arg3[%get3A_2, %get3A_3, %get3A_4] : memref<1x96x128xf32, #tpu.memory_space<vmem>>, vector<1x96x128xf32>
    %get3A_6 = vector.shape_cast %get3A_5 : vector<1x96x128xf32> to vector<96x128xf32>
    %dot_general3A = arith.constant dense<0.000000e+00> : vector<512x128xf32>
    %dot_general3A_7 = tpu.matmul %get3A_1, %get3A_6, %dot_general3A {dimension_numbers = #tpu.dot_dimension_numbers<[1], [0], [0], [1], [0, 0, 1, 1], [], []>, transpose_lhs_hint = false} : vector<512x96xf32>, vector<96x128xf32>, vector<512x128xf32> -> vector<512x128xf32>
    %swap3A = arith.constant 0 : index
    %swap3A_8 = arith.constant 0 : index
    %swap3A_9 = arith.constant 0 : index
    %swap3A_10 = vector.load %arg4[%swap3A, %swap3A_8, %swap3A_9] : memref<1x512x128xf32, #tpu.memory_space<vmem>>, vector<1x512x128xf32>
    %swap3A_11 = vector.shape_cast %swap3A_10 : vector<1x512x128xf32> to vector<512x128xf32>
    %swap3A_12 = vector.shape_cast %dot_general3A_7 : vector<512x128xf32> to vector<1x512x128xf32>
    tpu.vector_store %arg4[%swap3A, %swap3A_8, %swap3A_9], %swap3A_12 {strides = array<i32>} : memref<1x512x128xf32, #tpu.memory_space<vmem>>, vector<1x512x128xf32>,
    return
  }
  func.func @transform_0(%arg0: i32, %arg1: i32) -> (i32, i32) {
    %c0_i32 = arith.constant 0 : i32
    %c0_i32_0 = arith.constant 0 : i32
    return %arg0, %c0_i32 : i32, i32
  }
  func.func @transform_1(%arg0: i32, %arg1: i32) -> (i32, i32, i32) {
    %c0_i32 = arith.constant 0 : i32
    %c0_i32_0 = arith.constant 0 : i32
    %c0_i32_1 = arith.constant 0 : i32
    return %arg1, %c0_i32, %c0_i32_0 : i32, i32, i32
  }
  func.func @transform_2(%arg0: i32, %arg1: i32) -> (i32, i32, i32) {
    %c0_i32 = arith.constant 0 : i32
    %c0_i32_0 = arith.constant 0 : i32
    return %arg1, %arg0, %c0_i32 : i32, i32, i32
  }
}

</mosaic_0001>

<sc_bundles>
// kernel: kernel.6.cloned.1.call-start
scs
__scs_entry_jumppad:
0x0: {  	(pc) =	sbr.rel $0x88, $3  }
0x1: {  	(tag) =	ssettag $0x0;
	lr =	simm.s32 $0x1  }
0x2: {  	[smem:$0x3F9C] =	sst lr;
	_ =	strace $0xD0000000  }
0x3: {  	_ = 	snop  }
0x4: {  	_ = 	snop  }
0x5: {  	_ = 	snop  }
0x6: {  	_ = 	snop  }
0x7: {  	_ = 	snop  }
__scs_overlays_trampoline_lowered:
0x8: {  	[smem:$0x3FAB] =	sst s0  }
0x9: {  	[smem:$0x3FAC] =	sst s1  }
0xa: {  	[smem:$0x3FAD] =	sst s2  }
0xb: {  	[smem:$0x3FAE] =	sst s3  }
0xc: {  	[smem:$0x3FAF] =	sst s4  }
0xd: {  	[smem:$0x3FB0] =	sst s5  }
0xe: {  	[smem:$0x3FB1] =	sst s6  }
0xf: {  	[smem:$0x3FB2] =	sst s7  }
0x10: {  	[smem:$0x3FB3] =	sst s8  }
0x11: {  	[smem:$0x3FB4] =	sst s9;
	s0 =	simm.s32 @!p0 $0x0  }
0x12: {  	s1 =	sld [smem:$0x3F9A];
	s0 =	simm.s32 @p0 $0x1  }
0x13: {  	[smem:$0x3FB5] =	sst s0;
	s0 =	simm.s32 @!p1 $0x0  }
0x14: {  	s2 =	sld [smem:$0x3F99];
	s0 =	simm.s32 @p1 $0x1  }
0x15: {  	[smem:$0x3FB6] =	sst s0;
	s0 =	simm.s32 @!p2 $0x0  }
0x16: {  	s3 =	sld [smem:$0x3FDB];
	s0 =	simm.s32 @p2 $0x1  }
0x17: {  	s4 =	simm.s32 $0x1BF5;
	[smem:$0x3FB8] =	sst s0  }
0x18: {  	s0 =	sld [smem:$0x3F9B];
	_ =	swait.ge [sflag:s4], $0x0  }
0x19: {  	s7 =	sld [smem:$0x3F9C]  }
0x1a: {  	s8 =	sadd.s32 $0xFFFFE003, lr  }
0x1b: {  	s9 =	sadd.s32 $0xFFFFFEF7, lr;
	s5 =	simm.s32 $0xFFFFFFFF;
	p2 =	slt.u32 s8, $0xFFFFF086  }
0x1c: {  	p1 =	slt.u32 s9, $0xF7A;
	s5 =	simm.s32 @!p2 $0x0  }
0x1d: {  	s5 =	simm.s32 @p1 $0x1;
	p0 =	seq.s32 s7, s2  }
0x1e: {  	s7 =	smul.u32 @!p0 $0xF7A, s2;
	p2 =	seq.s32 @!p0 s5, $0x0  }
0x1f: {  	s9 =	smul.u32 $0xF7A, s1;
	s8 =	simm.s32 @!p0 $0x1BF5;
	p2 =	por !p2, p0  }
0x20: {  	[sflag:s8] =	ssyncset.s32 @!p0 $0xFFFFF086;
	s6 =	sadd.s32 @!p0 s3, s7;
	s7 =	simm.s32 @!p0 $0x108  }
0x21: {  	s3 =	sadd.s32 s3, s9;
	s6 =	sadd.s32 @!p0 $0x88, s6;
	s7 =	simm.s32 @p2 $0x1082  }
0x22: {  	[simem:s7], [sflag:s8] =	dma.local @!p0 [hbm:s6], $0xF7A  }
0x23: {  	s9 =	sor.u32 $0xD0000000, s2;
	s6 =	simm.s32 $0x108;
	_ =	swait.ge @!p0 [sflag:s8], $0x0  }
0x24: {  	s3 =	sadd.s32 $0x88, s3;
	s6 =	simm.s32 @!p1 $0x1082;
	[sflag:s4] =	ssyncset.s32 $0xFFFFF086  }
0x25: {  	[simem:s6], [sflag:s4] =	dma.local [hbm:s3], $0xF7A  }
0x26: {  	[smem:$0x3F9C] =	sst s1;
	(tag) =	ssettag s2;
	_ =	strace s9  }
0x27: {  	s1 =	sld [smem:$0x3FAC]  }
0x28: {  	s2 =	sld [smem:$0x3FAD]  }
0x29: {  	s4 =	sld [smem:$0x3FAF]  }
0x2a: {  	p0 =	seq.s32 s5, $0x0;
	s5 =	sld [smem:$0x3FB0]  }
0x2b: {  	s6 =	sld [smem:$0x3FB1]  }
0x2c: {  	s7 =	sld [smem:$0x3FB2]  }
0x2d: {  	s3 =	simm.s32 $0x108;
	s8 =	sld [smem:$0x3FB3]  }
0x2e: {  	s3 =	simm.s32 @!p0 $0x1082;
	s9 =	sld [smem:$0x3FB4]  }
0x2f: {  	lr =	sadd.s32 s0, s3;
	s0 =	sld [smem:$0x3FAB]  }
0x30: {  	s3 =	sld [smem:$0x3FAE]  }
0x31: {  	[smem:$0x3FB7] =	sst s10  }
0x32: {  	s10 =	sld [smem:$0x3FB5];
	_ =	sdelay $0x3  }
0x33: {  	p0 =	seq.s32 s10, $0x1;
	s10 =	sld [smem:$0x3FB7];
	_ =	sdelay $0x3  }
0x34: {  	[smem:$0x3FB7] =	sst s10  }
0x35: {  	s10 =	sld [smem:$0x3FB6];
	_ =	sdelay $0x3  }
0x36: {  	p1 =	seq.s32 s10, $0x1;
	s10 =	sld [smem:$0x3FB7];
	_ =	sdelay $0x3  }
0x37: {  	[smem:$0x3FB7] =	sst s10  }
0x38: {  	s10 =	sld [smem:$0x3FB8]  }
0x39: {  	_ = 	snop;
	(pc) =	sbr.ind lr, $3  }
0x3a: {  	_ = 	snop  }
0x3b: {  	_ = 	snop  }
0x3c: {  	p2 =	seq.s32 s10, $0x1;
	s10 =	sld [smem:$0x3FB7]  }
0x3d: {  	_ =	shalt  }
0x3e: {  	_ =	shalt  }
0x3f: {  	_ =	shalt  }
0x40: {  	_ =	shalt  }
0x41: {  	_ =	shalt  }
0x42: {  	_ =	shalt  }
0x43: {  	_ =	shalt  }
0x44: {  	_ =	shalt  }
0x45: {  	_ =	shalt  }
0x46: {  	_ =	shalt  }
0x47: {  	_ =	shalt  }
0x48: {  	_ =	shalt  }
0x49: {  	_ =	shalt  }
0x4a: {  	_ =	shalt  }
0x4b: {  	_ =	shalt  }
0x4c: {  	_ =	shalt  }
0x4d: {  	_ =	shalt  }
0x4e: {  	_ =	shalt  }
0x4f: {  	_ =	shalt  }
0x50: {  	_ =	shalt  }
0x51: {  	_ =	shalt  }
0x52: {  	_ =	shalt  }
0x53: {  	_ =	shalt  }
0x54: {  	_ =	shalt  }
0x55: {  	_ =	shalt  }
0x56: {  	_ =	shalt  }
0x57: {  	_ =	shalt  }
0x58: {  	_ =	shalt  }
0x59: {  	_ =	shalt  }
0x5a: {  	_ =	shalt  }
0x5b: {  	_ =	shalt  }
0x5c: {  	_ =	shalt  }
0x5d: {  	_ =	shalt  }
0x5e: {  	_ =	shalt  }
0x5f: {  	_ =	shalt  }
0x60: {  	_ =	shalt  }
0x61: {  	_ =	shalt  }
0x62: {  	_ =	shalt  }
0x63: {  	_ =	shalt  }
0x64: {  	_ =	shalt  }
0x65: {  	_ =	shalt  }
0x66: {  	_ =	shalt  }
0x67: {  	_ =	shalt  }
0x68: {  	_ =	shalt  }
0x69: {  	_ =	shalt  }
0x6a: {  	_ =	shalt  }
0x6b: {  	_ =	shalt  }
0x6c: {  	_ =	shalt  }
0x6d: {  	_ =	shalt  }
0x6e: {  	_ =	shalt  }
0x6f: {  	_ =	shalt  }
0x70: {  	_ =	shalt  }
0x71: {  	_ =	shalt  }
0x72: {  	_ =	shalt  }
0x73: {  	_ =	shalt  }
0x74: {  	_ =	shalt  }
0x75: {  	_ =	shalt  }
0x76: {  	_ =	shalt  }
0x77: {  	_ =	shalt  }
0x78: {  	_ =	shalt  }
0x79: {  	_ =	shalt  }
0x7a: {  	_ =	shalt  }
0x7b: {  	_ =	shalt  }
0x7c: {  	_ =	shalt  }
0x7d: {  	_ =	shalt  }
0x7e: {  	_ =	shalt  }
0x7f: {  	_ =	shalt  }
0x80: {  	_ =	shalt  }
0x81: {  	_ =	shalt  }
0x82: {  	_ =	shalt  }
0x83: {  	_ =	shalt  }
0x84: {  	_ =	shalt  }
0x85: {  	_ =	shalt  }
0x86: {  	_ =	shalt  }
0x87: {  	_ =	shalt  }
.Lfunc_end0:
.L_simem_size_0:
called_computation_lowered:
.L_overlay_start_0:
0x88: {  	s2 =	sld [smem:$0x3FD9]  }
0x89: {  	s3 =	sld [smem:$0x3FFE];
	_ =	sdelay $0x1  }
0x8a: {  	s1 =	srdreg.scid  }
0x8b: {  	s0 =	sand.u32 $0x1, s1  }
0x8c: {  	s16 =	sshll.u32 s0, $0xA;
	s2 =	sadd.s32 s3, s2  }
0x8d: {  	s2 =	sadd.s32 s2, s16  }
0x8e: {  	[smem:$0x3FC3] =	sst s2  }
0x8f: {  	_ = 	snop  }
0x90: {  	(tm) =	ssettm $0x1  }
0x91: {  	s17 =	sld [smem:$0x3FFB];
	_ =	sdelay $0x3  }
0x92: {  	_ =	strace s17  }
0x93: {  	s2 =	sld [smem:$0x3FFC];
	_ =	sdelay $0x3  }
0x94: {  	_ =	strace s2  }
0x95: {  	s2 =	sld [smem:$0x3FFD];
	_ =	sdelay $0x3  }
0x96: {  	_ =	strace s2  }
0x97: {  	_ =	strace $0x8FFFFFFF  }
0x98: {  	s18 =	sld [smem:$0x3FDB];
	_ =	sdelay $0x1  }
0x99: {  	s19 =	simm.s32 $_scs_section_size  }
0x9a: {  	s4 =	simm.s32 $_size__tile_overlayer_lowered;
	s5 =	simm.s32 $_tile_overlayer_lowered  }
0x9b: {  	s22 =	simm.s32 $0x1BFF;
	s21 =	sshll.u32 s5, $0x1;
	s2 =	sadd.s32 s19, s18  }
0x9c: {  	s6 =	simm.s32 $0x0;
	s20 =	sshll.u32 s4, $0x1;
	s4 =	sadd.s32 s21, s2  }
0x9d: {  	[timem:s6], [sflag:s22] =	dma.local [hbm:s4], s20  }
0x9e: {  	_ =	swait.ge [sflag:s22], s20  }
0x9f: {  	s3 =	ssub.s32 $0x0, s20;
	[sflag:s22] =	ssyncset.done $0x0  }
0xa0: {  	[sflag:s22] =	ssyncadd.s32 s3;
	_ =	sdelay $0x1  }
0xa1: {  	s23 =	simm.s32 $0x1B8B  }
0xa2: {  	_ =	swait.ge [sflag:s23], $0x1  }
0xa3: {  	[sflag:s23] =	ssyncset.done $0x0  }
0xa4: {  	s25 =	simm.s32 $0x1B8E;
	s24 =	sld [smem:$0x3FFE];
	[sflag:s23] =	ssyncadd.s32 $0xFFFFFFFF  }
0xa5: {  	s26 =	simm.s32 $execute0_lowered;
	[smem:$0x3FD2] =	sst s25  }
0xa6: {  	s4 =	sshll.u32 s26, $0x1;
	_ =	strace $0x80000046;
	[dreg:$0x1] =	wrdreg $0xFFFFFFFF  }
0xa7: {  	s28 =	simm.s32 $_size_execute0_lowered;
	s2 =	sadd.s32 s2, s4;
	[dreg:$0x0] =	wrdreg $0x0  }
0xa8: {  	s4 =	sshll.u32 s28, $0x1;
	[dreg:$0x2] =	wrdreg s2  }
0xa9: {  	[dreg:$0x3] =	wrdreg s4  }
0xaa: {  	[dreg:$0x4] =	wrdreg $0xC0  }
0xab: {  	_ =	task [dreg:s6], $0x5FFFF  }
0xac: {  	[dreg:$0x1] =	wrdreg $0xFFFFFFFF  }
0xad: {  	[dreg:$0x0] =	wrdreg $0x60  }
0xae: {  	[dreg:$0x2] =	wrdreg s24  }
0xaf: {  	[dreg:$0x3] =	wrdreg $0x9  }
0xb0: {  	_ =	task.clear_ibuf [dreg:s6], $0x4FFFF;
	_ =	strace $0x90000046  }
0xb1: {  	s29 =	simm.s32 $0x9;
	_ =	strace $0x80000048  }
0xb2: {  	_ =	swait.ge [sflag:s29], $0x1  }
0xb3: {  	[sflag:s29] =	ssyncadd.s32 $0xFFFFFFFF  }
0xb4: {  	_ =	strace $0x90000048  }
0xb5: {  	_ =	sfence  }
0xb6: {  	s30 =	sld [smem:$0x0];
	_ =	sdelay $0x2  }
0xb7: {  	s31 =	sshll.u32 s1, $0xD;
	s1 =	sshrl.u32 s1, $0x2  }
0xb8: {  	s3 =	sand.u32 $0x4000, s31;
	s1 =	sadd.s32 s1, s30  }
0xb9: {  	s0 =	sor.u32 s3, s0;
	s1 =	sshll.u32 s1, $0x11  }
0xba: {  	s0 =	sor.u32 s1, s0  }
0xbb: {  	s0 =	sadd.s32 $0x8F2B, s0  }
0xbc: {  	[sflag:s0] =	ssyncadd.remote.s32 $0x1  }
0xbd: {  	_ =	sfence.sel $0xFFFF  }
0xbe: {  	[dreg:$0x0] =	wrdreg $0xFFFFFFFF;
	(pc) =	sbr.abs _section_cstart, $3  }
0xbf: {  	[dreg:$0x1] =	wrdreg $0xFFFFFFFF  }
0xc0: {  	_ =	task.clear_ibuf [dreg:s6], $0x2FFFF;
	_ =	strace $0x9FFFFFFF  }
0xc1: {  	(tm) =	ssettm $0x7FFFFFFF  }
tec
execute0_lowered:
.L_overlay_start_1:
0x0: {  	(tag) =	ssettag $0x1  }
0x1: {  	s0 =	rddreg [dreg:$0x0]  }
0x2: {  	s2 =	simm.s32 $0x0;
	s1 =	srdreg.scid;
	s3 =	stileid.u32  }
0x3: {  	s16 =	simm.s32 $0x300;
	s17 =	simm.s32 $0x180;
	s18 =	simm.s32 $0x480  }
0x4: {  	s19 =	simm.s32 $0x1;
	s20 =	simm.s32 $0x80;
	s21 =	simm.s32 $0x600  }
0x5: {  	s22 =	simm.s32 $0x4600;
	s23 =	simm.s32 $0x20;
	s24 =	simm.s32 $0x100  }
0x6: {  	s25 =	simm.s32 $0x8600;
	s1 =	sand.u32 $0x1, s1;
	s3 =	sshll.u32 s3, $0x1  }
0x7: {  	s26 =	simm.s32 $0x2;
	s28 =	simm.s32 $0x3;
	s7 =	sor.u32 s1, s3  }
0x8: {  	[smem:$0x7FF] =	sst s2;
	s4 =	sadd.s32 $0x1600, s0;
	s8 =	smul.u32 $0xDC80, s7  }
0x9: {  	s5 =	sadd.s32 $0x38A00, s0;
	s6 =	sadd.s32 $0x6FE00, s0;
	s9 =	smul.u32 $0x1B90, s7  }
0xa: {  	_ =	strace $0x80000047;
	s29 =	ssub.s32 $0x2, s1;
	s30 =	smul.u32 $0x620, s7  }
0xb: {  	s3 =	sadd.s32 $0x137E00, s0;
	s1 =	sshrl.u32 s29, $0x1;
	s12 =	smul.u32 $0x31000, s7  }
0xc: {  	s7 =	simm.s32 $0x12600;
	s0 =	ssub.s32 s29, s1;
	s1 =	simm.s32 $0x11600  }
0xd: {  	s8 =	sshrl.u32 s8, $0x3;
	s10 =	sadd.s32 s4, s9;
	s9 =	sadd.s32 s5, s9  }
0xe: {  	s11 =	sor.u32 $0x8, s30;
	s13 =	sor.u32 $0x10, s30;
	[dreg:$0x2] =	wrdreg s10  }
0xf: {  	s0 =	smax.u32 s0, $0x1;
	s8 =	sadd.s32 $0x24, s8;
	[dreg:$0x3] =	wrdreg s9  }
0x10: {  	s14 =	sor.u32 $0x18, s30;
	[dreg:$0x6] =	wrdreg s0;
	s31 =	sadd.s32 s4, s8  }
0x11: {  	s9 =	simm.s32 $0x4;
	s8 =	sadd.s32 s5, s8;
	[dreg:$0x4] =	wrdreg s31  }
0x12: {  	s10 =	simm.s32 $0x0;
	[dreg:$0x5] =	wrdreg s8;
	s8 =	simm.s32 $0x5  }
.LBB2_1:
0x13: {  	[dreg:$0x7] =	wrdreg s10  }
0x14: {  	s0 =	rddreg [dreg:$0x2]  }
0x15: {  	[tilespmem:s2], [sflag:$0x1] =	stream.linear.gather [hbm4b:s0+s2], $0x120, $0x38;
	[tilespmem:$0x12A00] =	vst v63  }
0x16: {  	s29 =	rddreg [dreg:$0x3]  }
0x17: {  	[tilespmem:s16], [sflag:$0x1] =	stream.linear.gather [hbm4b:s29+s2], $0x120, $0x38;
	[tilespmem:$0x12A00] =	vst v63  }
0x18: {  	s30 =	rddreg [dreg:$0x4]  }
0x19: {  	[tilespmem:s17], [sflag:$0x2] =	stream.linear.gather [hbm4b:s30+s2], $0x120, $0x38;
	[tilespmem:$0x12A00] =	vst v63  }
0x1a: {  	s31 =	rddreg [dreg:$0x5]  }
0x1b: {  	[tilespmem:s18], [sflag:$0x2] =	stream.linear.gather [hbm4b:s31+s2], $0x120, $0x38;
	[tilespmem:$0x12A00] =	vst v63  }
0x1c: {  	_ =	swait.ge [sflag:s19], $0x120  }
0x1d: {  	[sflag:s19] =	ssyncset.done $0x0  }
0x1e: {  	[sflag:s19] =	ssyncadd.s32 $0xFFFFFEE0  }
0x1f: {  	_ =	swait.ge [sflag:s19], $0x120  }
0x20: {  	[sflag:s19] =	ssyncset.done $0x0  }
0x21: {  	[sflag:s19] =	ssyncadd.s32 $0xFFFFFEE0  }
0x22: {  	[tilespmem:s21], [sflag:$0x3] =	stream.indirect.gather [hbm4b:s3+s20], $0x80, s2, s20, $0xb8;
	[tilespmem:$0x12A00] =	vst v63  }
0x23: {  	_ = 	snop  }
0x24: {  	[tilespmem:s22], [sflag:$0x3] =	stream.indirect.gather [hbm4b:s3+s20], $0x80, s20, s20, $0xb8;
	[tilespmem:$0x12A00] =	vst v63  }
0x25: {  	s15 =	simm.s32 $0x0  }
0x26: {  	[tilespmem:s25], [sflag:$0x3] =	stream.indirect.gather [hbm4b:s3+s23], $0x80, s24, s23, $0xb8;
	[tilespmem:$0x12A00] =	vst v63  }
.LBB2_2:
0x27: {  	_ =	swait.ge [sflag:s26], $0x120  }
0x28: {  	[sflag:s26] =	ssyncset.done $0x0  }
0x29: {  	[sflag:s26] =	ssyncadd.s32 $0xFFFFFEE0  }
0x2a: {  	_ =	swait.ge [sflag:s26], $0x120  }
0x2b: {  	[sflag:s26] =	ssyncset.done $0x0  }
0x2c: {  	[sflag:s26] =	ssyncadd.s32 $0xFFFFFEE0  }
0x2d: {  	_ =	swait.ge [sflag:s28], $0x4000  }
0x2e: {  	[sflag:s28] =	ssyncset.done $0x0  }
0x2f: {  	[sflag:s28] =	ssyncadd.s32 $0xFFFFC000  }
0x30: {  	_ =	swait.ge [sflag:s28], $0x4000  }
0x31: {  	[sflag:s28] =	ssyncset.done $0x0  }
0x32: {  	[sflag:s28] =	ssyncadd.s32 $0xFFFFC000  }
0x33: {  	_ =	swait.ge [sflag:s28], $0x1000  }
0x34: {  	[sflag:s28] =	ssyncset.done $0x0  }
0x35: {  	s0 =	simm.s32 $0x9600;
	[sflag:s28] =	ssyncadd.s32 $0xFFFFF000  }
0x36: {  	[tilespmem:s0], [sflag:$0x4] =	stream.indirect.gather [hbm4b:s3+s20], $0x80, s17, s20, $0xb8;
	[tilespmem:$0x12A00] =	vst v63  }
0x37: {  	s30 =	simm.s32 $0x200;
	s10 =	simm.s32 $0xD600  }
0x38: {  	[tilespmem:s10], [sflag:$0x4] =	stream.indirect.gather [hbm4b:s3+s20], $0x80, s30, s20, $0xb8;
	[tilespmem:$0x12A00] =	vst v63  }
0x39: {  	s31 =	simm.s32 $0x280;
	s10 =	simm.s32 $0x0  }
0x3a: {  	[tilespmem:s1], [sflag:$0x4] =	stream.indirect.gather [hbm4b:s3+s23], $0x80, s31, s23, $0xb8;
	[tilespmem:$0x12A00] =	vst v63  }
.LBB2_3:
0x3b: {  	s30 =	smul.u32 $0x24, s10;
	_ =	sdelay $0x1  }
0x3c: {  	s29 =	smul.u32 $0x4800, s10;
	v8 =	vld [tilespmem:s30+$0x300]  }
0x3d: {  	v9 =	vld [tilespmem:s30+$0x310]  }
0x3e: {  	v0 =	vld [tilespmem:s30+$0x320];
	s29 =	sshra.s32 s29, $0x2  }
0x3f: {  	v1 =	vld [tilespmem:s29+$0x600]  }
0x40: {  	v5 =	vld [tilespmem:s29+$0x610]  }
0x41: {  	v7 =	vld [tilespmem:s29+$0x620]  }
0x42: {  	v3 =	vld [tilespmem:s29+$0x630]  }
0x43: {  	v11 =	vld [tilespmem:s29+$0x640]  }
0x44: {  	v12 =	vld [tilespmem:s29+$0x650]  }
0x45: {  	v13 =	vld [tilespmem:s29+$0x680]  }
0x46: {  	v14 =	vld [tilespmem:s29+$0x690]  }
0x47: {  	v15 =	vld [tilespmem:s29+$0x6A0]  }
0x48: {  	v17 =	vld [tilespmem:s29+$0x6B0]  }
0x49: {  	v20 =	vld [tilespmem:s29+$0x6C0]  }
0x4a: {  	v21 =	vld [tilespmem:s29+$0x6D0]  }
0x4b: {  	v23 =	vld [tilespmem:s29+$0x700]  }
0x4c: {  	v24 =	vld [tilespmem:s29+$0x710]  }
0x4d: {  	v25 =	vld [tilespmem:s29+$0x720]  }
0x4e: {  	v26 =	vld [tilespmem:s29+$0x730]  }
0x4f: {  	v30 =	vld [tilespmem:s29+$0x740]  }
0x50: {  	v31 =	vld [tilespmem:s29+$0x750]  }
0x51: {  	v32 =	vld [tilespmem:s29+$0x780]  }
0x52: {  	v33 =	vld [tilespmem:s29+$0x790]  }
0x53: {  	v35 =	vld [tilespmem:s29+$0x7A0]  }
0x54: {  	v36 =	vld [tilespmem:s29+$0x7B0]  }
0x55: {  	v38 =	vld [tilespmem:s29+$0x7C0]  }
0x56: {  	v39 =	vld [tilespmem:s29+$0x7D0]  }
0x57: {  	v43 =	vld [tilespmem:s29+$0x800]  }
0x58: {  	v58 =	vld [tilespmem:s29+$0x810]  }
0x59: {  	v59 =	vld [tilespmem:s29+$0x820]  }
0x5a: {  	v60 =	vld [tilespmem:s29+$0x830]  }
0x5b: {  	v61 =	vld [tilespmem:s29+$0x840]  }
0x5c: {  	v62 =	vld [tilespmem:s29+$0x850]  }
0x5d: {  	v63 =	vld [tilespmem:s29+$0x880]  }
0x5e: {  	v10 =	vld [tilespmem:s29+$0x890]  }
0x5f: {  	v16 =	vld [tilespmem:s29+$0x8A0]  }
0x60: {  	v18 =	vld [tilespmem:s29+$0x8B0]  }
0x61: {  	v19 =	vld [tilespmem:s29+$0x8C0]  }
0x62: {  	v40 =	vld [tilespmem:s29+$0x8D0]  }
0x63: {  	v44 =	vld [tilespmem:s29+$0x900]  }
0x64: {  	v47 =	vld [tilespmem:s29+$0x910]  }
0x65: {  	v57 =	vld [tilespmem:s29+$0x920]  }
0x66: {  	v49 =	vld [tilespmem:s29+$0x930]  }
0x67: {  	v50 =	vld [tilespmem:s29+$0x940]  }
0x68: {  	v56 =	vld [tilespmem:s29+$0x950]  }
0x69: {  	v54 =	vld [tilespmem:s29+$0x980]  }
0x6a: {  	v55 =	vld [tilespmem:s29+$0x990]  }
0x6b: {  	v4 =	vld [tilespmem:s29+$0xAC0]  }
0x6c: {  	v52 =	vld [tilespmem:s29+$0x9A0]  }
0x6d: {  	v6 =	vld [tilespmem:s29+$0xAD0]  }
0x6e: {  	v53 =	vld [tilespmem:s29+$0x9B0]  }
0x6f: {  	v51 =	vld [tilespmem:s29+$0x9C0]  }
0x70: {  	[tilespmem:$0x1FF40] =	vst v4;
	v4 =	vld [tilespmem:s29+$0xB00]  }
0x71: {  	v48 =	vld [tilespmem:s29+$0x9D0]  }
0x72: {  	[tilespmem:$0x1FF50] =	vst v6;
	v6 =	vld [tilespmem:s29+$0xB10]  }
0x73: {  	v45 =	vld [tilespmem:s29+$0xA00]  }
0x74: {  	v46 =	vld [tilespmem:s29+$0xA10]  }
0x75: {  	[tilespmem:$0x1FF60] =	vst v4;
	v4 =	vld [tilespmem:s29+$0xB20]  }
0x76: {  	v41 =	vld [tilespmem:s29+$0xA20]  }
0x77: {  	[tilespmem:$0x1FF70] =	vst v6;
	v6 =	vld [tilespmem:s29+$0xB40]  }
0x78: {  	v42 =	vld [tilespmem:s29+$0xA30]  }
0x79: {  	v2 =	vld [tilespmem:s29+$0xB30]  }
0x7a: {  	[tilespmem:$0x1FF80] =	vst v4;
	v4 =	vld [tilespmem:s29+$0xB50]  }
0x7b: {  	v37 =	vld [tilespmem:s29+$0xA40]  }
0x7c: {  	[tilespmem:$0x1FFA0] =	vst v6;
	v6 =	vld [tilespmem:s29+$0xB90]  }
0x7d: {  	v34 =	vld [tilespmem:s29+$0xA50];
	[tilespmem:$0x1FFF0] =	vst v0;
	v0 =	vbroadcast v8, $0x0  }
0x7e: {  	v29 =	vld [tilespmem:s29+$0xA80];
	[tilespmem:$0x1FF90] =	vst v2  }
0x7f: {  	v2 =	vmul.f32 v1, v0;
	[tilespmem:$0x1FFB0] =	vst v4;
	v4 =	vld [tilespmem:s29+$0xB80]  }
0x80: {  	v27 =	vld [tilespmem:s29+$0xA90];
	v5 =	vmul.f32 v5, v0;
	v1 =	vbroadcast v8, $0x1  }
0x81: {  	[tilespmem:$0x1FFD0] =	vst v6;
	v6 =	vld [tilespmem:s29+$0xBA0]  }
0x82: {  	v28 =	vld [tilespmem:s29+$0xAA0];
	v5 =	vadd.f32 $0.0e+00, v5;
	v14 =	vmul.f32 v14, v1  }
0x83: {  	v22 =	vld [tilespmem:s29+$0xAB0];
	v13 =	vmul.f32 v13, v1;
	v15 =	vmul.f32 v15, v1  }
0x84: {  	v5 =	vadd.f32 v14, v5;
	v14 =	vld [tilespmem:s29+$0xBC0];
	[tilespmem:$0x1FFC0] =	vst v4;
	v4 =	vadd.f32 $0.0e+00, v2;
	v2 =	vmul.f32 v7, v0  }
0x85: {  	v7 =	vmul.f32 v3, v0;
	v3 =	vmul.f32 v11, v0;
	v11 =	vld [tilespmem:s29+$0xBB0]  }
0x86: {  	v20 =	vmul.f32 v20, v1;
	[tilespmem:$0x1FFE0] =	vst v6;
	v6 =	vmul.f32 v12, v0;
	v12 =	vld [tilespmem:s29+$0xBD0];
	v2 =	vadd.f32 $0.0e+00, v2  }
0x87: {  	v0 =	vbroadcast v8, $0x2;
	v4 =	vadd.f32 v13, v4;
	v3 =	vadd.f32 $0.0e+00, v3;
	v13 =	vld [tilespmem:s29+$0xC00]  }
0x88: {  	v7 =	vadd.f32 $0.0e+00, v7;
	v2 =	vadd.f32 v15, v2;
	v15 =	vmul.f32 v17, v1;
	v17 =	vld [tilespmem:s29+$0xC20]  }
0x89: {  	v1 =	vmul.f32 v21, v1;
	v3 =	vadd.f32 v20, v3;
	v21 =	vmul.f32 v23, v0;
	v20 =	vld [tilespmem:s29+$0xC30]  }
0x8a: {  	v6 =	vadd.f32 $0.0e+00, v6;
	v23 =	vmul.f32 v24, v0;
	v24 =	vmul.f32 v26, v0;
	v26 =	vld [tilespmem:s29+$0xCA0]  }
0x8b: {  	v7 =	vadd.f32 v15, v7;
	v15 =	vld [tilespmem:s29+$0xC10]  }
0x8c: {  	v1 =	vadd.f32 v1, v6;
	v6 =	vmul.f32 v25, v0;
	v4 =	vadd.f32 v21, v4;
	v21 =	vld [tilespmem:s29+$0xC40]  }
0x8d: {  	v25 =	vmul.f32 v30, v0;
	v30 =	vbroadcast v8, $0x3;
	v5 =	vadd.f32 v23, v5;
	v23 =	vld [tilespmem:s29+$0xC50]  }
0x8e: {  	v0 =	vmul.f32 v31, v0;
	v2 =	vadd.f32 v6, v2;
	v6 =	vadd.f32 v24, v7;
	v24 =	vld [tilespmem:s29+$0xC80]  }
0x8f: {  	v3 =	vadd.f32 v25, v3;
	v7 =	vmul.f32 v32, v30;
	v33 =	vmul.f32 v33, v30;
	v25 =	vld [tilespmem:s29+$0xC90]  }
0x90: {  	v31 =	vmul.f32 v35, v30;
	v38 =	vmul.f32 v38, v30;
	v32 =	vld [tilespmem:s29+$0xCC0]  }
0x91: {  	v35 =	vld [tilespmem:s29+$0xD10];
	v4 =	vadd.f32 v7, v4;
	v7 =	vmul.f32 v36, v30;
	v36 =	vbroadcast v8, $0x4  }
0x92: {  	v0 =	vadd.f32 v0, v1;
	v39 =	vmul.f32 v39, v30;
	v1 =	vadd.f32 v33, v5;
	v30 =	vld [tilespmem:s29+$0xCB0]  }
0x93: {  	v2 =	vadd.f32 v31, v2;
	v3 =	vadd.f32 v38, v3;
	v31 =	vld [tilespmem:s29+$0xCD0];
	v58 =	vmul.f32 v58, v36  }
0x94: {  	v0 =	vadd.f32 v39, v0;
	v33 =	vld [tilespmem:s29+$0xD00];
	v6 =	vadd.f32 v7, v6;
	v43 =	vmul.f32 v43, v36  }
0x95: {  	v38 =	vld [tilespmem:s29+$0xD30];
	v60 =	vmul.f32 v60, v36;
	v1 =	vadd.f32 v58, v1;
	v58 =	vbroadcast v8, $0x5  }
0x96: {  	v39 =	vld [tilespmem:s29+$0xD50];
	v7 =	vmul.f32 v59, v36;
	v59 =	vmul.f32 v62, v36;
	v4 =	vadd.f32 v43, v4  }
0x97: {  	v43 =	vmul.f32 v61, v36;
	v6 =	vadd.f32 v60, v6;
	v36 =	vld [tilespmem:s29+$0xD20];
	v60 =	vmul.f32 v63, v58  }
0x98: {  	v2 =	vadd.f32 v7, v2;
	v7 =	vld [tilespmem:s29+$0xF20];
	v10 =	vmul.f32 v10, v58;
	v61 =	vmul.f32 v16, v58  }
0x99: {  	v3 =	vadd.f32 v43, v3;
	v62 =	vmul.f32 v18, v58;
	v43 =	vld [tilespmem:s29+$0xD40];
	v18 =	vbroadcast v8, $0x6  }
0x9a: {  	v0 =	vadd.f32 v59, v0;
	v63 =	vmul.f32 v19, v58;
	v59 =	vmul.f32 v40, v58;
	v40 =	vld [tilespmem:s29+$0xD80]  }
0x9b: {  	v4 =	vadd.f32 v60, v4;
	v2 =	vadd.f32 v61, v2;
	v60 =	vmul.f32 v44, v18;
	v44 =	vld [tilespmem:s29+$0xD90]  }
0x9c: {  	v6 =	vadd.f32 v62, v6;
	v61 =	vmul.f32 v47, v18;
	v62 =	vmul.f32 v57, v18;
	v47 =	vld [tilespmem:s29+$0xDA0]  }
0x9d: {  	s30 =	sshll.u32 s30, $0x7;
	v3 =	vadd.f32 v63, v3;
	v63 =	vmul.f32 v49, v18;
	v57 =	vbroadcast v8, $0x7;
	v49 =	vld [tilespmem:s29+$0xDB0]  }
0x9e: {  	s31 =	sadd.s32 $0x800, s30;
	v58 =	vmul.f32 v50, v18;
	v50 =	vld [tilespmem:s29+$0xDC0]  }
0x9f: {  	s31 =	sand.u32 $0x3FFFFE00, s31;
	v1 =	vadd.f32 v10, v1;
	v0 =	vadd.f32 v59, v0;
	v59 =	vmul.f32 v54, v57;
	v54 =	vld [tilespmem:s29+$0xDD0]  }
0xa0: {  	v4 =	vadd.f32 v60, v4;
	v60 =	vmul.f32 v55, v57;
	v55 =	vld [tilespmem:s31+$0x600]  }
0xa1: {  	v18 =	vmul.f32 v56, v18;
	v1 =	vadd.f32 v61, v1;
	v61 =	vmul.f32 v52, v57;
	v52 =	vld [tilespmem:s31+$0x610]  }
0xa2: {  	v56 =	vbroadcast v8, $0x8;
	v5 =	vadd.f32 v63, v6;
	v63 =	vmul.f32 v51, v57;
	v51 =	vld [tilespmem:s31+$0x620]  }
0xa3: {  	v2 =	vadd.f32 v62, v2;
	v62 =	vmul.f32 v53, v57;
	v57 =	vmul.f32 v48, v57;
	v48 =	vld [tilespmem:s31+$0x630]  }
0xa4: {  	v3 =	vadd.f32 v58, v3;
	v58 =	vmul.f32 v45, v56;
	v45 =	vld [tilespmem:s31+$0x640]  }
0xa5: {  	v10 =	vmul.f32 v34, v56;
	v34 =	vld [tilespmem:s29+$0xE90]  }
0xa6: {  	v0 =	vadd.f32 v18, v0;
	v53 =	vld [tilespmem:$0x1FF40];
	v4 =	vadd.f32 v59, v4  }
0xa7: {  	v1 =	vadd.f32 v60, v1;
	v2 =	vadd.f32 v61, v2;
	v60 =	vmul.f32 v41, v56;
	v41 =	vld [tilespmem:s31+$0x650]  }
0xa8: {  	v5 =	vadd.f32 v62, v5;
	v59 =	vmul.f32 v46, v56;
	v62 =	vmul.f32 v37, v56;
	v37 =	vld [tilespmem:s29+$0xE80]  }
0xa9: {  	v3 =	vadd.f32 v63, v3;
	v61 =	vmul.f32 v42, v56;
	v63 =	vbroadcast v8, $0x9;
	v56 =	vld [tilespmem:$0x1FF50]  }
0xaa: {  	v0 =	vadd.f32 v57, v0;
	v57 =	vld [tilespmem:$0x1FF60]  }
0xab: {  	v16 =	vmul.f32 v29, v63;
	v29 =	vld [tilespmem:s29+$0xEA0]  }
0xac: {  	v18 =	vmul.f32 v27, v63;
	v27 =	vld [tilespmem:s29+$0xEB0]  }
0xad: {  	v2 =	vadd.f32 v60, v2;
	v60 =	vld [tilespmem:$0x1FF90]  }
0xae: {  	v46 =	vmul.f32 v22, v63;
	v22 =	vld [tilespmem:s29+$0xEC0]  }
0xaf: {  	v4 =	vadd.f32 v58, v4;
	v58 =	vld [tilespmem:$0x1FF70]  }
0xb0: {  	v0 =	vadd.f32 v10, v0;
	v42 =	vmul.f32 v28, v63;
	v28 =	vbroadcast v8, $0xA;
	v10 =	vld [tilespmem:s29+$0xF10]  }
0xb1: {  	v1 =	vadd.f32 v59, v1;
	v3 =	vadd.f32 v62, v3;
	v62 =	vld [tilespmem:$0x1FFA0]  }
0xb2: {  	v5 =	vadd.f32 v61, v5;
	v4 =	vadd.f32 v16, v4;
	v61 =	vmul.f32 v60, v28;
	v60 =	vld [tilespmem:$0x1FFB0]  }
0xb3: {  	v59 =	vld [tilespmem:$0x1FF80];
	v6 =	vmul.f32 v53, v63;
	v1 =	vadd.f32 v18, v1;
	v2 =	vadd.f32 v42, v2  }
0xb4: {  	v18 =	vld [tilespmem:s29+$0xED0];
	v42 =	vadd.f32 v46, v5;
	v19 =	vmul.f32 v56, v63;
	v5 =	vmul.f32 v57, v28  }
0xb5: {  	v16 =	vld [tilespmem:s29+$0xF00];
	v3 =	vadd.f32 v6, v3  }
0xb6: {  	v6 =	vadd.f32 v19, v0;
	v4 =	vadd.f32 v5, v4;
	v5 =	vld [tilespmem:s29+$0xF30]  }
0xb7: {  	v63 =	vmul.f32 v62, v28;
	v62 =	vld [tilespmem:$0x1FFC0];
	v42 =	vadd.f32 v61, v42;
	v61 =	vmul.f32 v60, v28  }
0xb8: {  	v56 =	vbroadcast v8, $0xB;
	v0 =	vmul.f32 v58, v28;
	v60 =	vld [tilespmem:$0x1FFD0]  }
0xb9: {  	v6 =	vadd.f32 v61, v6;
	v61 =	vld [tilespmem:$0x1FFE0]  }
0xba: {  	v19 =	vmul.f32 v59, v28;
	v11 =	vmul.f32 v11, v56;
	v53 =	vadd.f32 v0, v1;
	v0 =	vld [tilespmem:s29+$0xF40]  }
0xbb: {  	v14 =	vmul.f32 v14, v56;
	v12 =	vmul.f32 v12, v56;
	v1 =	vld [tilespmem:s29+$0xF50]  }
0xbc: {  	v19 =	vadd.f32 v19, v2;
	v2 =	vld [tilespmem:s29+$0xF80];
	v28 =	vadd.f32 v63, v3;
	v63 =	vmul.f32 v62, v56  }
0xbd: {  	v11 =	vadd.f32 v11, v42;
	v3 =	vld [tilespmem:s29+$0xF90];
	v46 =	vmul.f32 v60, v56;
	v60 =	vbroadcast v8, $0xC  }
0xbe: {  	v63 =	vadd.f32 v63, v4;
	v4 =	vld [tilespmem:s29+$0xFA0];
	v14 =	vadd.f32 v14, v28;
	v62 =	vmul.f32 v61, v56  }
0xbf: {  	v28 =	vld [tilespmem:s29+$0xFB0];
	v6 =	vadd.f32 v12, v6;
	v13 =	vmul.f32 v13, v60;
	v61 =	vmul.f32 v15, v60  }
0xc0: {  	v46 =	vadd.f32 v46, v53;
	v20 =	vmul.f32 v20, v60;
	v53 =	vld [tilespmem:s29+$0xFD0];
	v21 =	vmul.f32 v21, v60  }
0xc1: {  	v23 =	vmul.f32 v23, v60;
	v19 =	vadd.f32 v62, v19;
	v62 =	vmul.f32 v17, v60;
	v17 =	vld [tilespmem:s29+$0xFC0]  }
0xc2: {  	v13 =	vadd.f32 v13, v63;
	v63 =	vbroadcast v8, $0xD;
	v12 =	vadd.f32 v61, v46;
	v46 =	vld [tilespmem:s29+$0x1000]  }
0xc3: {  	v11 =	vadd.f32 v20, v11;
	v20 =	vld [tilespmem:s29+$0x1010];
	v60 =	vbroadcast v8, $0xE;
	v8 =	vbroadcast v8, $0xF  }
0xc4: {  	v6 =	vadd.f32 v23, v6;
	v23 =	vld [tilespmem:s29+$0x1020];
	v24 =	vmul.f32 v24, v63;
	v56 =	vmul.f32 v25, v63  }
0xc5: {  	v14 =	vadd.f32 v21, v14;
	v21 =	vld [tilespmem:s29+$0x11C0];
	v57 =	vmul.f32 v26, v63;
	v58 =	vmul.f32 v30, v63  }
0xc6: {  	v25 =	vld [tilespmem:s29+$0x1030];
	v59 =	vmul.f32 v32, v63;
	v61 =	vmul.f32 v31, v63  }
0xc7: {  	v15 =	vadd.f32 v62, v19;
	v30 =	vld [tilespmem:s29+$0x1040];
	v62 =	vmul.f32 v33, v60;
	v63 =	vmul.f32 v35, v60  }
0xc8: {  	v32 =	vld [tilespmem:s29+$0x1080];
	v42 =	vmul.f32 v36, v60;
	v13 =	vadd.f32 v24, v13;
	v12 =	vadd.f32 v56, v12  }
0xc9: {  	v35 =	vld [tilespmem:s29+$0x1090];
	v15 =	vadd.f32 v57, v15;
	v11 =	vadd.f32 v58, v11;
	v56 =	vmul.f32 v38, v60  }
0xca: {  	v36 =	vld [tilespmem:s29+$0x10A0];
	v14 =	vadd.f32 v59, v14;
	v57 =	vmul.f32 v43, v60;
	v58 =	vmul.f32 v39, v60  }
0xcb: {  	v26 =	vld [tilespmem:s29+$0x10B0];
	v6 =	vadd.f32 v61, v6;
	v59 =	vmul.f32 v40, v8;
	v60 =	vmul.f32 v44, v8  }
0xcc: {  	v31 =	vld [tilespmem:s29+$0x10C0];
	v61 =	vmul.f32 v47, v8;
	v13 =	vadd.f32 v62, v13;
	v12 =	vadd.f32 v63, v12  }
0xcd: {  	v33 =	vld [tilespmem:s29+$0x1120];
	v15 =	vadd.f32 v42, v15;
	v62 =	vmul.f32 v49, v8;
	v63 =	vbroadcast v9, $0x0  }
0xce: {  	v19 =	vld [tilespmem:s29+$0x1130];
	v11 =	vadd.f32 v56, v11;
	v49 =	vmul.f32 v50, v8;
	v8 =	vmul.f32 v54, v8  }
0xcf: {  	v24 =	vld [tilespmem:s29+$0x1050];
	v6 =	vadd.f32 v58, v6;
	v58 =	vbroadcast v9, $0x1;
	v50 =	vmul.f32 v55, v63  }
0xd0: {  	v38 =	vld [tilespmem:s29+$0x10D0];
	v14 =	vadd.f32 v57, v14;
	v54 =	vmul.f32 v52, v63;
	v55 =	vmul.f32 v51, v63  }
0xd1: {  	v40 =	vld [tilespmem:s29+$0x1100];
	v13 =	vadd.f32 v59, v13;
	v56 =	vmul.f32 v48, v63;
	v57 =	vmul.f32 v45, v63  }
0xd2: {  	v44 =	vld [tilespmem:s29+$0x1140];
	v12 =	vadd.f32 v60, v12;
	v59 =	vmul.f32 v41, v63;
	v60 =	vmul.f32 v37, v58  }
0xd3: {  	v47 =	vld [tilespmem:s29+$0x1150];
	v15 =	vadd.f32 v61, v15;
	v34 =	vmul.f32 v34, v58;
	v61 =	vmul.f32 v29, v58  }
0xd4: {  	v39 =	vld [tilespmem:s29+$0x1180];
	v27 =	vmul.f32 v27, v58;
	v63 =	vbroadcast v9, $0x2  }
0xd5: {  	v42 =	vld [tilespmem:s29+$0x1110];
	v11 =	vadd.f32 v62, v11;
	v62 =	vmul.f32 v22, v58;
	v18 =	vmul.f32 v18, v58  }
0xd6: {  	v14 =	vadd.f32 v49, v14;
	v37 =	vld [tilespmem:s29+$0x1190];
	v45 =	vbroadcast v9, $0x3;
	v43 =	vmul.f32 v16, v63  }
0xd7: {  	v6 =	vadd.f32 v8, v6;
	v29 =	vld [tilespmem:s29+$0x11A0];
	v10 =	vmul.f32 v10, v63;
	v7 =	vmul.f32 v7, v63  }
0xd8: {  	v41 =	vld [tilespmem:s29+$0x11B0];
	v13 =	vadd.f32 v50, v13;
	v5 =	vmul.f32 v5, v63;
	v0 =	vmul.f32 v0, v63  }
0xd9: {  	v22 =	vld [tilespmem:s29+$0x1340];
	v8 =	vadd.f32 v54, v12;
	v1 =	vmul.f32 v1, v63;
	v2 =	vmul.f32 v2, v45  }
0xda: {  	v15 =	vadd.f32 v55, v15;
	v16 =	vld [tilespmem:s29+$0x11D0];
	v3 =	vmul.f32 v3, v45;
	v4 =	vmul.f32 v4, v45  }
0xdb: {  	v11 =	vadd.f32 v56, v11;
	v48 =	vmul.f32 v28, v45;
	v49 =	vmul.f32 v17, v45;
	v17 =	vld [tilespmem:s29+$0x1280]  }
0xdc: {  	v6 =	vadd.f32 v59, v6;
	v50 =	vbroadcast v9, $0x4;
	v51 =	vmul.f32 v53, v45;
	v28 =	vld [tilespmem:s29+$0x12C0]  }
0xdd: {  	v12 =	vadd.f32 v57, v14;
	v57 =	vbroadcast v9, $0x5;
	v14 =	vld [tilespmem:s29+$0x12D0];
	v63 =	vbroadcast v9, $0x6  }
0xde: {  	v6 =	vadd.f32 v18, v6;
	v18 =	vld [tilespmem:s29+$0x1200];
	v52 =	vmul.f32 v46, v50;
	v53 =	vmul.f32 v20, v50  }
0xdf: {  	v11 =	vadd.f32 v27, v11;
	v27 =	vld [tilespmem:s29+$0x1210];
	v54 =	vmul.f32 v23, v50;
	v55 =	vmul.f32 v25, v50  }
0xe0: {  	v13 =	vadd.f32 v60, v13;
	v20 =	vld [tilespmem:s29+$0x12A0];
	v56 =	vmul.f32 v30, v50;
	v58 =	vmul.f32 v24, v50  }
0xe1: {  	v15 =	vadd.f32 v61, v15;
	v23 =	vld [tilespmem:s29+$0x12B0];
	v59 =	vmul.f32 v32, v57;
	v60 =	vmul.f32 v35, v57  }
0xe2: {  	v12 =	vadd.f32 v62, v12;
	v61 =	vmul.f32 v36, v57;
	v24 =	vld [tilespmem:s29+$0x1310];
	v62 =	vmul.f32 v26, v57  }
0xe3: {  	v8 =	vadd.f32 v34, v8;
	v30 =	vld [tilespmem:s29+$0x1320];
	v36 =	vmul.f32 v31, v57;
	v25 =	vmul.f32 v38, v57  }
0xe4: {  	v31 =	vld [tilespmem:s29+$0x1330];
	v38 =	vmul.f32 v40, v63;
	v40 =	vmul.f32 v42, v63  }
0xe5: {  	v42 =	vmul.f32 v33, v63;
	v32 =	vld [tilespmem:s29+$0x1380];
	v13 =	vadd.f32 v43, v13;
	v8 =	vadd.f32 v10, v8  }
0xe6: {  	v19 =	vmul.f32 v19, v63;
	v34 =	vld [tilespmem:s29+$0x1390];
	v7 =	vadd.f32 v7, v15;
	v5 =	vadd.f32 v5, v11  }
0xe7: {  	v45 =	vmul.f32 v47, v63;
	v35 =	vld [tilespmem:s29+$0x13B0];
	v0 =	vadd.f32 v0, v12;
	v1 =	vadd.f32 v1, v6  }
0xe8: {  	v26 =	vld [tilespmem:s29+$0x1420];
	v43 =	vmul.f32 v44, v63;
	v44 =	vbroadcast v9, $0x7;
	v2 =	vadd.f32 v2, v13  }
0xe9: {  	v10 =	vld [tilespmem:s29+$0x1220];
	v63 =	vbroadcast v9, $0xA;
	v3 =	vadd.f32 v3, v8;
	v4 =	vadd.f32 v4, v7  }
0xea: {  	v11 =	vld [tilespmem:s29+$0x1230];
	v5 =	vadd.f32 v48, v5;
	v46 =	vmul.f32 v39, v44;
	v47 =	vmul.f32 v37, v44  }
0xeb: {  	v6 =	vld [tilespmem:s29+$0x1240];
	v0 =	vadd.f32 v49, v0;
	v48 =	vmul.f32 v29, v44;
	v49 =	vmul.f32 v41, v44  }
0xec: {  	v12 =	vld [tilespmem:s29+$0x1290];
	v1 =	vadd.f32 v51, v1;
	v50 =	vmul.f32 v21, v44;
	v51 =	vbroadcast v9, $0x8  }
0xed: {  	v15 =	vld [tilespmem:s29+$0x1300];
	v41 =	vmul.f32 v22, v63;
	v33 =	vmul.f32 v24, v63;
	v2 =	vadd.f32 v52, v2  }
0xee: {  	v13 =	vld [tilespmem:s29+$0x1250];
	v39 =	vmul.f32 v30, v63;
	v3 =	vadd.f32 v53, v3;
	v4 =	vadd.f32 v54, v4  }
0xef: {  	v37 =	vld [tilespmem:s29+$0x13D0];
	v5 =	vadd.f32 v55, v5;
	v52 =	vmul.f32 v16, v44;
	v53 =	vmul.f32 v18, v51  }
0xf0: {  	v8 =	vld [tilespmem:s29+$0x1480];
	v0 =	vadd.f32 v56, v0;
	v54 =	vmul.f32 v27, v51;
	v56 =	vbroadcast v9, $0x9  }
0xf1: {  	v21 =	vld [tilespmem:s29+$0x14A0];
	v1 =	vadd.f32 v58, v1;
	v10 =	vmul.f32 v10, v51;
	v55 =	vmul.f32 v11, v51  }
0xf2: {  	v30 =	vld [tilespmem:s29+$0x15B0];
	v6 =	vmul.f32 v6, v51;
	v2 =	vadd.f32 v59, v2;
	v3 =	vadd.f32 v60, v3  }
0xf3: {  	v24 =	vld [tilespmem:s29+$0x16D0];
	v29 =	vmul.f32 v15, v63;
	v4 =	vadd.f32 v61, v4;
	v5 =	vadd.f32 v62, v5  }
0xf4: {  	v16 =	vld [tilespmem:s29+$0x1400];
	v0 =	vadd.f32 v36, v0;
	v58 =	vmul.f32 v17, v56;
	v59 =	vmul.f32 v12, v56  }
0xf5: {  	v18 =	vld [tilespmem:s29+$0x1410];
	v1 =	vadd.f32 v25, v1;
	v60 =	vmul.f32 v20, v56;
	v61 =	vmul.f32 v23, v56  }
0xf6: {  	v27 =	vld [tilespmem:s29+$0x1430];
	v62 =	vmul.f32 v28, v56;
	v28 =	vmul.f32 v14, v56;
	v2 =	vadd.f32 v38, v2  }
0xf7: {  	v11 =	vld [tilespmem:s29+$0x14B0];
	v57 =	vmul.f32 v13, v51;
	v3 =	vadd.f32 v40, v3;
	v4 =	vadd.f32 v42, v4  }
0xf8: {  	v25 =	vld [tilespmem:s29+$0x1350];
	v51 =	vbroadcast v9, $0xC;
	v5 =	vadd.f32 v19, v5;
	v0 =	vadd.f32 v43, v0  }
0xf9: {  	v36 =	vld [tilespmem:s29+$0x13C0];
	v1 =	vadd.f32 v45, v1;
	v42 =	vbroadcast v9, $0xB;
	v2 =	vadd.f32 v46, v2  }
0xfa: {  	v17 =	vld [tilespmem:s29+$0x1490];
	v40 =	vmul.f32 v31, v63;
	v3 =	vadd.f32 v47, v3;
	v4 =	vadd.f32 v48, v4  }
0xfb: {  	v19 =	vld [tilespmem:s29+$0x13A0];
	v5 =	vadd.f32 v49, v5;
	v0 =	vadd.f32 v50, v0;
	v46 =	vmul.f32 v32, v42  }
0xfc: {  	v23 =	vld [tilespmem:s29+$0x14D0];
	v1 =	vadd.f32 v52, v1;
	v48 =	vmul.f32 v34, v42;
	v50 =	vmul.f32 v35, v42  }
0xfd: {  	v56 =	vld [tilespmem:s29+$0x1580];
	v22 =	vmul.f32 v37, v42;
	v44 =	vmul.f32 v25, v63;
	v2 =	vadd.f32 v53, v2  }
0xfe: {  	v38 =	vld [tilespmem:s29+$0x14C0];
	v63 =	vbroadcast v9, $0xD;
	v3 =	vadd.f32 v54, v3;
	v4 =	vadd.f32 v10, v4  }
0xff: {  	v13 =	vld [tilespmem:s29+$0x1440];
	v5 =	vadd.f32 v55, v5;
	v53 =	vmul.f32 v36, v42;
	v55 =	vmul.f32 v16, v51  }
0x100: {  	v43 =	vld [tilespmem:s29+$0x1500];
	v1 =	vadd.f32 v57, v1;
	v57 =	vmul.f32 v18, v51;
	v19 =	vmul.f32 v19, v42  }
0x101: {  	v45 =	vld [tilespmem:s29+$0x1510];
	v0 =	vadd.f32 v6, v0;
	v34 =	vmul.f32 v17, v63;
	v36 =	vmul.f32 v21, v63  }
0x102: {  	v47 =	vld [tilespmem:s29+$0x1520];
	v11 =	vmul.f32 v11, v63;
	v2 =	vadd.f32 v58, v2;
	v3 =	vadd.f32 v59, v3  }
0x103: {  	v49 =	vld [tilespmem:s29+$0x1530];
	v38 =	vmul.f32 v38, v63;
	v4 =	vadd.f32 v60, v4;
	v5 =	vadd.f32 v61, v5  }
0x104: {  	v10 =	vld [tilespmem:s29+$0x1450];
	v0 =	vadd.f32 v62, v0;
	v1 =	vadd.f32 v28, v1;
	v59 =	vmul.f32 v26, v51  }
0x105: {  	v52 =	vld [tilespmem:s29+$0x1540];
	v60 =	vmul.f32 v27, v51;
	v2 =	vadd.f32 v29, v2;
	v3 =	vadd.f32 v33, v3  }
0x106: {  	v32 =	vld [tilespmem:s29+$0x15C0];
	v62 =	vmul.f32 v13, v51;
	v4 =	vadd.f32 v39, v4;
	v5 =	vadd.f32 v40, v5  }
0x107: {  	s30 =	sadd.s32 $0x1000, s30;
	v35 =	vld [tilespmem:s29+$0x15D0];
	v0 =	vadd.f32 v41, v0;
	v33 =	vmul.f32 v8, v63;
	v39 =	vbroadcast v9, $0xE  }
0x108: {  	s30 =	sand.u32 $0x3FFFFE00, s30;
	v54 =	vld [tilespmem:s29+$0x1550];
	v1 =	vadd.f32 v44, v1;
	v41 =	vmul.f32 v23, v63;
	v9 =	vbroadcast v9, $0xF  }
0x109: {  	v37 =	vld [tilespmem:s30+$0x600];
	v31 =	vmul.f32 v10, v51;
	v2 =	vadd.f32 v46, v2;
	v3 =	vadd.f32 v48, v3  }
0x10a: {  	v42 =	vld [tilespmem:s30+$0x620];
	v4 =	vadd.f32 v19, v4;
	v5 =	vadd.f32 v50, v5;
	v43 =	vmul.f32 v43, v39  }
0x10b: {  	v58 =	vld [tilespmem:s29+$0x1590];
	v0 =	vadd.f32 v53, v0;
	v45 =	vmul.f32 v45, v39;
	v46 =	vmul.f32 v47, v39  }
0x10c: {  	v61 =	vld [tilespmem:s29+$0x15A0];
	v1 =	vadd.f32 v22, v1;
	v48 =	vmul.f32 v49, v39;
	v50 =	vmul.f32 v52, v39  }
0x10d: {  	v27 =	vld [tilespmem:s29+$0x1700];
	v14 =	vmul.f32 v54, v39;
	v2 =	vadd.f32 v55, v2;
	v3 =	vadd.f32 v57, v3  }
0x10e: {  	v40 =	vld [tilespmem:s30+$0x610];
	v52 =	vmul.f32 v56, v9;
	v4 =	vadd.f32 v59, v4;
	v5 =	vadd.f32 v60, v5  }
0x10f: {  	v63 =	vmul.f32 v35, v9;
	v0 =	vadd.f32 v62, v0;
	v1 =	vadd.f32 v31, v1;
	v60 =	vld [tilespmem:$0x1FFF0]  }
0x110: {  	v44 =	vld [tilespmem:s30+$0x630];
	v54 =	vmul.f32 v58, v9;
	v2 =	vadd.f32 v33, v2;
	v3 =	vadd.f32 v34, v3  }
0x111: {  	v51 =	vld [tilespmem:s29+$0x1680];
	v56 =	vmul.f32 v61, v9;
	v4 =	vadd.f32 v36, v4;
	v5 =	vadd.f32 v11, v5  }
0x112: {  	v47 =	vld [tilespmem:s30+$0x640];
	v57 =	vmul.f32 v30, v9;
	v0 =	vadd.f32 v38, v0;
	v1 =	vadd.f32 v41, v1  }
0x113: {  	v49 =	vld [tilespmem:s30+$0x650];
	v59 =	vmul.f32 v32, v9;
	v2 =	vadd.f32 v43, v2;
	v3 =	vadd.f32 v45, v3  }
0x114: {  	v53 =	vld [tilespmem:s29+$0x1690];
	v4 =	vadd.f32 v46, v4;
	v5 =	vadd.f32 v48, v5;
	v61 =	vbroadcast v60, $0x0  }
0x115: {  	v55 =	vld [tilespmem:s29+$0x16A0];
	v0 =	vadd.f32 v50, v0;
	v1 =	vadd.f32 v14, v1;
	v32 =	vbroadcast v60, $0x1  }
0x116: {  	v58 =	vld [tilespmem:s29+$0x16B0];
	v50 =	vbroadcast v60, $0x3;
	v2 =	vadd.f32 v52, v2;
	v25 =	vmul.f32 v37, v61  }
0x117: {  	v62 =	vld [tilespmem:s29+$0x16C0];
	v3 =	vadd.f32 v54, v3;
	v26 =	vmul.f32 v40, v61;
	v28 =	vmul.f32 v42, v61  }
0x118: {  	v35 =	vld [tilespmem:s29+$0x1730];
	v4 =	vadd.f32 v56, v4;
	v29 =	vmul.f32 v44, v61;
	v31 =	vmul.f32 v47, v61  }
0x119: {  	v30 =	vld [tilespmem:s29+$0x1710];
	v5 =	vadd.f32 v57, v5;
	v34 =	vmul.f32 v49, v61;
	v36 =	vmul.f32 v51, v32  }
0x11a: {  	v33 =	vld [tilespmem:s29+$0x1720];
	v0 =	vadd.f32 v59, v0;
	v38 =	vmul.f32 v53, v32;
	v39 =	vmul.f32 v55, v32  }
0x11b: {  	v43 =	vld [tilespmem:s29+$0x1780];
	v1 =	vadd.f32 v63, v1;
	v41 =	vmul.f32 v58, v32;
	v42 =	vbroadcast v60, $0x2  }
0x11c: {  	v45 =	vld [tilespmem:s29+$0x1790];
	v44 =	vmul.f32 v62, v32;
	v2 =	vadd.f32 v25, v2;
	v3 =	vadd.f32 v26, v3  }
0x11d: {  	v48 =	vld [tilespmem:s29+$0x17A0];
	v46 =	vmul.f32 v24, v32;
	v4 =	vadd.f32 v28, v4;
	v5 =	vadd.f32 v29, v5  }
0x11e: {  	v37 =	vld [tilespmem:s29+$0x1740];
	v0 =	vadd.f32 v31, v0;
	v47 =	vmul.f32 v27, v42;
	v49 =	vmul.f32 v30, v42  }
0x11f: {  	v40 =	vld [tilespmem:s29+$0x1750];
	v1 =	vadd.f32 v34, v1;
	v52 =	vmul.f32 v33, v42;
	v10 =	vmul.f32 v35, v42  }
0x120: {  	v51 =	vld [tilespmem:s29+$0x17B0];
	v54 =	vmul.f32 v43, v50;
	v2 =	vadd.f32 v36, v2;
	v3 =	vadd.f32 v38, v3  }
0x121: {  	v53 =	vld [tilespmem:s29+$0x17C0];
	v56 =	vmul.f32 v45, v50;
	v4 =	vadd.f32 v39, v4;
	v5 =	vadd.f32 v41, v5  }
0x122: {  	v55 =	vld [tilespmem:s29+$0x17D0];
	v58 =	vmul.f32 v48, v50;
	v0 =	vadd.f32 v44, v0;
	v2 =	vadd.f32 v47, v2  }
0x123: {  	v1 =	vadd.f32 v46, v1;
	v57 =	vmul.f32 v37, v42;
	v3 =	vadd.f32 v49, v3  }
0x124: {  	s31 =	sshll.u32 s10, $0x7;
	v59 =	vmul.f32 v40, v42;
	v4 =	vadd.f32 v52, v4;
	v2 =	vadd.f32 v54, v2  }
0x125: {  	s29 =	sand.u32 $0x3FFFFF80, s31;
	v60 =	vmul.f32 v51, v50;
	v5 =	vadd.f32 v10, v5;
	v3 =	vadd.f32 v56, v3  }
0x126: {  	p0 =	sne.s32 s10, $0x7;
	v61 =	vmul.f32 v53, v50;
	v0 =	vadd.f32 v57, v0;
	v4 =	vadd.f32 v58, v4;
	[tilespmem:s29+$0x12600] =	vst v2  }
.Ltmp0:
0x127: {  	v63 =	vmul.f32 v55, v50;
	v1 =	vadd.f32 v59, v1;
	v62 =	vadd.f32 v60, v5;
	[tilespmem:s29+$0x12610] =	vst v3;
	(pc) =	sbr.rel @p0 .LBB2_3-.Ltmp0, $4  }
0x128: {  	v0 =	vadd.f32 v61, v0;
	[tilespmem:s29+$0x12620] =	vst v4  }
0x129: {  	v1 =	vadd.f32 v63, v1;
	[tilespmem:s29+$0x12630] =	vst v62  }
0x12a: {  	[tilespmem:s29+$0x12640] =	vst v0  }
0x12b: {  	s10 =	sadd.s32 $0x1, s10;
	[tilespmem:s29+$0x12650] =	vst v1  }
0x12c: {  	s10 =	sshll.u32 s15, $0xB  }
0x12d: {  	s10 =	sadd.s32 s12, s10  }
0x12e: {  	s29 =	sshrl.u32 s10, $0x3;
	s10 =	sshll.u32 s15, $0x4  }
0x12f: {  	s30 =	sadd.s32 s6, s29;
	s29 =	simm.s32 $0x0;
	s31 =	sadd.s32 s10, s13  }
0x130: {  	[hbm4b:s30+s29] =	stream.linear.scatter [tilespmem:s7], [sflag:$0x5], $0x400, $0x38;
	[tilespmem:$0x12A00] =	vst v63  }
0x131: {  	s30 =	smul.u32 $0x24, s31  }
0x132: {  	_ =	swait.ge [sflag:s8], $0x400  }
0x133: {  	[sflag:s8] =	ssyncset.done $0x0;
	s30 =	sshrl.u32 s30, $0x3  }
0x134: {  	[sflag:s8] =	ssyncadd.s32 $0xFFFFFC00;
	s31 =	sadd.s32 s4, s30  }
0x135: {  	[tilespmem:s29], [sflag:$0x1] =	stream.linear.gather [hbm4b:s31+s29], $0x120, $0x38;
	[tilespmem:$0x12A00] =	vst v63  }
0x136: {  	s30 =	sadd.s32 s5, s30  }
0x137: {  	[tilespmem:s16], [sflag:$0x1] =	stream.linear.gather [hbm4b:s30+s29], $0x120, $0x38;
	[tilespmem:$0x12A00] =	vst v63  }
0x138: {  	_ =	swait.ge [sflag:s19], $0x120  }
0x139: {  	[sflag:s19] =	ssyncset.done $0x0  }
0x13a: {  	[sflag:s19] =	ssyncadd.s32 $0xFFFFFEE0  }
0x13b: {  	_ =	swait.ge [sflag:s19], $0x120  }
0x13c: {  	[sflag:s19] =	ssyncset.done $0x0  }
0x13d: {  	[sflag:s19] =	ssyncadd.s32 $0xFFFFFEE0  }
0x13e: {  	_ =	swait.ge [sflag:s9], $0x4000  }
0x13f: {  	[sflag:s9] =	ssyncset.done $0x0  }
0x140: {  	[sflag:s9] =	ssyncadd.s32 $0xFFFFC000  }
0x141: {  	_ =	swait.ge [sflag:s9], $0x4000  }
0x142: {  	[sflag:s9] =	ssyncset.done $0x0  }
0x143: {  	[sflag:s9] =	ssyncadd.s32 $0xFFFFC000  }
0x144: {  	_ =	swait.ge [sflag:s9], $0x1000  }
0x145: {  	[sflag:s9] =	ssyncset.done $0x0  }
0x146: {  	[sflag:s9] =	ssyncadd.s32 $0xFFFFF000  }
0x147: {  	[tilespmem:s21], [sflag:$0x3] =	stream.indirect.gather [hbm4b:s3+s20], $0x80, s29, s20, $0xb8;
	[tilespmem:$0x12A00] =	vst v63  }
0x148: {  	_ = 	snop  }
0x149: {  	[tilespmem:s22], [sflag:$0x3] =	stream.indirect.gather [hbm4b:s3+s20], $0x80, s20, s20, $0xb8;
	[tilespmem:$0x12A00] =	vst v63  }
0x14a: {  	_ = 	snop  }
0x14b: {  	[tilespmem:s25], [sflag:$0x3] =	stream.indirect.gather [hbm4b:s3+s23], $0x80, s24, s23, $0xb8;
	[tilespmem:$0x12A00] =	vst v63  }
.LBB2_5:
0x14c: {  	s31 =	smul.u32 $0x24, s29;
	_ =	sdelay $0x1  }
0x14d: {  	s30 =	smul.u32 $0x4800, s29;
	v8 =	vld [tilespmem:s31+$0x480]  }
0x14e: {  	v9 =	vld [tilespmem:s31+$0x490]  }
0x14f: {  	v0 =	vld [tilespmem:s31+$0x4A0];
	s30 =	sshra.s32 s30, $0x2  }
0x150: {  	v1 =	vld [tilespmem:s30+$0x9600]  }
0x151: {  	v5 =	vld [tilespmem:s30+$0x9610]  }
0x152: {  	v7 =	vld [tilespmem:s30+$0x9620]  }
0x153: {  	v3 =	vld [tilespmem:s30+$0x9630]  }
0x154: {  	v11 =	vld [tilespmem:s30+$0x9640]  }
0x155: {  	v12 =	vld [tilespmem:s30+$0x9650]  }
0x156: {  	v13 =	vld [tilespmem:s30+$0x9680]  }
0x157: {  	v14 =	vld [tilespmem:s30+$0x9690]  }
0x158: {  	v15 =	vld [tilespmem:s30+$0x96A0]  }
0x159: {  	v17 =	vld [tilespmem:s30+$0x96B0]  }
0x15a: {  	v20 =	vld [tilespmem:s30+$0x96C0]  }
0x15b: {  	v21 =	vld [tilespmem:s30+$0x96D0]  }
0x15c: {  	v23 =	vld [tilespmem:s30+$0x9700]  }
0x15d: {  	v24 =	vld [tilespmem:s30+$0x9710]  }
0x15e: {  	v25 =	vld [tilespmem:s30+$0x9720]  }
0x15f: {  	v26 =	vld [tilespmem:s30+$0x9730]  }
0x160: {  	v30 =	vld [tilespmem:s30+$0x9740]  }
0x161: {  	v31 =	vld [tilespmem:s30+$0x9750]  }
0x162: {  	v32 =	vld [tilespmem:s30+$0x9780]  }
0x163: {  	v33 =	vld [tilespmem:s30+$0x9790]  }
0x164: {  	v35 =	vld [tilespmem:s30+$0x97A0]  }
0x165: {  	v36 =	vld [tilespmem:s30+$0x97B0]  }
0x166: {  	v38 =	vld [tilespmem:s30+$0x97C0]  }
0x167: {  	v39 =	vld [tilespmem:s30+$0x97D0]  }
0x168: {  	v43 =	vld [tilespmem:s30+$0x9800]  }
0x169: {  	v58 =	vld [tilespmem:s30+$0x9810]  }
0x16a: {  	v59 =	vld [tilespmem:s30+$0x9820]  }
0x16b: {  	v60 =	vld [tilespmem:s30+$0x9830]  }
0x16c: {  	v61 =	vld [tilespmem:s30+$0x9840]  }
0x16d: {  	v62 =	vld [tilespmem:s30+$0x9850]  }
0x16e: {  	v63 =	vld [tilespmem:s30+$0x9880]  }
0x16f: {  	v10 =	vld [tilespmem:s30+$0x9890]  }
0x170: {  	v16 =	vld [tilespmem:s30+$0x98A0]  }
0x171: {  	v18 =	vld [tilespmem:s30+$0x98B0]  }
0x172: {  	v19 =	vld [tilespmem:s30+$0x98C0]  }
0x173: {  	v40 =	vld [tilespmem:s30+$0x98D0]  }
0x174: {  	v44 =	vld [tilespmem:s30+$0x9900]  }
0x175: {  	v47 =	vld [tilespmem:s30+$0x9910]  }
0x176: {  	v57 =	vld [tilespmem:s30+$0x9920]  }
0x177: {  	v49 =	vld [tilespmem:s30+$0x9930]  }
0x178: {  	v50 =	vld [tilespmem:s30+$0x9940]  }
0x179: {  	v56 =	vld [tilespmem:s30+$0x9950]  }
0x17a: {  	v54 =	vld [tilespmem:s30+$0x9980]  }
0x17b: {  	v55 =	vld [tilespmem:s30+$0x9990]  }
0x17c: {  	v4 =	vld [tilespmem:s30+$0x9AC0]  }
0x17d: {  	v52 =	vld [tilespmem:s30+$0x99A0]  }
0x17e: {  	v6 =	vld [tilespmem:s30+$0x9AD0]  }
0x17f: {  	v53 =	vld [tilespmem:s30+$0x99B0]  }
0x180: {  	v51 =	vld [tilespmem:s30+$0x99C0]  }
0x181: {  	[tilespmem:$0x1FE80] =	vst v4;
	v4 =	vld [tilespmem:s30+$0x9B00]  }
0x182: {  	v48 =	vld [tilespmem:s30+$0x99D0]  }
0x183: {  	[tilespmem:$0x1FE90] =	vst v6;
	v6 =	vld [tilespmem:s30+$0x9B10]  }
0x184: {  	v45 =	vld [tilespmem:s30+$0x9A00]  }
0x185: {  	v46 =	vld [tilespmem:s30+$0x9A10]  }
0x186: {  	[tilespmem:$0x1FEA0] =	vst v4;
	v4 =	vld [tilespmem:s30+$0x9B20]  }
0x187: {  	v41 =	vld [tilespmem:s30+$0x9A20]  }
0x188: {  	[tilespmem:$0x1FEB0] =	vst v6;
	v6 =	vld [tilespmem:s30+$0x9B40]  }
0x189: {  	v42 =	vld [tilespmem:s30+$0x9A30]  }
0x18a: {  	v2 =	vld [tilespmem:s30+$0x9B30]  }
0x18b: {  	[tilespmem:$0x1FEC0] =	vst v4;
	v4 =	vld [tilespmem:s30+$0x9B50]  }
0x18c: {  	v37 =	vld [tilespmem:s30+$0x9A40]  }
0x18d: {  	[tilespmem:$0x1FEE0] =	vst v6;
	v6 =	vld [tilespmem:s30+$0x9B90]  }
0x18e: {  	v34 =	vld [tilespmem:s30+$0x9A50];
	[tilespmem:$0x1FF30] =	vst v0;
	v0 =	vbroadcast v8, $0x0  }
0x18f: {  	v29 =	vld [tilespmem:s30+$0x9A80];
	[tilespmem:$0x1FED0] =	vst v2  }
0x190: {  	v2 =	vmul.f32 v1, v0;
	[tilespmem:$0x1FEF0] =	vst v4;
	v4 =	vld [tilespmem:s30+$0x9B80]  }
0x191: {  	v27 =	vld [tilespmem:s30+$0x9A90];
	v5 =	vmul.f32 v5, v0;
	v1 =	vbroadcast v8, $0x1  }
0x192: {  	[tilespmem:$0x1FF10] =	vst v6;
	v6 =	vld [tilespmem:s30+$0x9BA0]  }
0x193: {  	v28 =	vld [tilespmem:s30+$0x9AA0];
	v5 =	vadd.f32 $0.0e+00, v5;
	v14 =	vmul.f32 v14, v1  }
0x194: {  	v22 =	vld [tilespmem:s30+$0x9AB0];
	v13 =	vmul.f32 v13, v1;
	v15 =	vmul.f32 v15, v1  }
0x195: {  	v5 =	vadd.f32 v14, v5;
	v14 =	vld [tilespmem:s30+$0x9BC0];
	[tilespmem:$0x1FF00] =	vst v4;
	v4 =	vadd.f32 $0.0e+00, v2;
	v2 =	vmul.f32 v7, v0  }
0x196: {  	v7 =	vmul.f32 v3, v0;
	v3 =	vmul.f32 v11, v0;
	v11 =	vld [tilespmem:s30+$0x9BB0]  }
0x197: {  	v20 =	vmul.f32 v20, v1;
	[tilespmem:$0x1FF20] =	vst v6;
	v6 =	vmul.f32 v12, v0;
	v12 =	vld [tilespmem:s30+$0x9BD0];
	v2 =	vadd.f32 $0.0e+00, v2  }
0x198: {  	v0 =	vbroadcast v8, $0x2;
	v4 =	vadd.f32 v13, v4;
	v3 =	vadd.f32 $0.0e+00, v3;
	v13 =	vld [tilespmem:s30+$0x9C00]  }
0x199: {  	v7 =	vadd.f32 $0.0e+00, v7;
	v2 =	vadd.f32 v15, v2;
	v15 =	vmul.f32 v17, v1;
	v17 =	vld [tilespmem:s30+$0x9C20]  }
0x19a: {  	v1 =	vmul.f32 v21, v1;
	v3 =	vadd.f32 v20, v3;
	v21 =	vmul.f32 v23, v0;
	v20 =	vld [tilespmem:s30+$0x9C30]  }
0x19b: {  	v6 =	vadd.f32 $0.0e+00, v6;
	v23 =	vmul.f32 v24, v0;
	v24 =	vmul.f32 v26, v0;
	v26 =	vld [tilespmem:s30+$0x9CA0]  }
0x19c: {  	v7 =	vadd.f32 v15, v7;
	v15 =	vld [tilespmem:s30+$0x9C10]  }
0x19d: {  	v1 =	vadd.f32 v1, v6;
	v6 =	vmul.f32 v25, v0;
	v4 =	vadd.f32 v21, v4;
	v21 =	vld [tilespmem:s30+$0x9C40]  }
0x19e: {  	v25 =	vmul.f32 v30, v0;
	v30 =	vbroadcast v8, $0x3;
	v5 =	vadd.f32 v23, v5;
	v23 =	vld [tilespmem:s30+$0x9C50]  }
0x19f: {  	v0 =	vmul.f32 v31, v0;
	v2 =	vadd.f32 v6, v2;
	v6 =	vadd.f32 v24, v7;
	v24 =	vld [tilespmem:s30+$0x9C80]  }
0x1a0: {  	v3 =	vadd.f32 v25, v3;
	v7 =	vmul.f32 v32, v30;
	v33 =	vmul.f32 v33, v30;
	v25 =	vld [tilespmem:s30+$0x9C90]  }
0x1a1: {  	v31 =	vmul.f32 v35, v30;
	v38 =	vmul.f32 v38, v30;
	v32 =	vld [tilespmem:s30+$0x9CC0]  }
0x1a2: {  	v35 =	vld [tilespmem:s30+$0x9D10];
	v4 =	vadd.f32 v7, v4;
	v7 =	vmul.f32 v36, v30;
	v36 =	vbroadcast v8, $0x4  }
0x1a3: {  	v0 =	vadd.f32 v0, v1;
	v39 =	vmul.f32 v39, v30;
	v1 =	vadd.f32 v33, v5;
	v30 =	vld [tilespmem:s30+$0x9CB0]  }
0x1a4: {  	v2 =	vadd.f32 v31, v2;
	v3 =	vadd.f32 v38, v3;
	v31 =	vld [tilespmem:s30+$0x9CD0];
	v58 =	vmul.f32 v58, v36  }
0x1a5: {  	v0 =	vadd.f32 v39, v0;
	v33 =	vld [tilespmem:s30+$0x9D00];
	v6 =	vadd.f32 v7, v6;
	v43 =	vmul.f32 v43, v36  }
0x1a6: {  	v38 =	vld [tilespmem:s30+$0x9D30];
	v60 =	vmul.f32 v60, v36;
	v1 =	vadd.f32 v58, v1;
	v58 =	vbroadcast v8, $0x5  }
0x1a7: {  	v39 =	vld [tilespmem:s30+$0x9D50];
	v7 =	vmul.f32 v59, v36;
	v59 =	vmul.f32 v62, v36;
	v4 =	vadd.f32 v43, v4  }
0x1a8: {  	v43 =	vmul.f32 v61, v36;
	v6 =	vadd.f32 v60, v6;
	v36 =	vld [tilespmem:s30+$0x9D20];
	v60 =	vmul.f32 v63, v58  }
0x1a9: {  	v2 =	vadd.f32 v7, v2;
	v7 =	vld [tilespmem:s30+$0x9F20];
	v10 =	vmul.f32 v10, v58;
	v61 =	vmul.f32 v16, v58  }
0x1aa: {  	v3 =	vadd.f32 v43, v3;
	v62 =	vmul.f32 v18, v58;
	v43 =	vld [tilespmem:s30+$0x9D40];
	v18 =	vbroadcast v8, $0x6  }
0x1ab: {  	v0 =	vadd.f32 v59, v0;
	v63 =	vmul.f32 v19, v58;
	v59 =	vmul.f32 v40, v58;
	v40 =	vld [tilespmem:s30+$0x9D80]  }
0x1ac: {  	v4 =	vadd.f32 v60, v4;
	v2 =	vadd.f32 v61, v2;
	v60 =	vmul.f32 v44, v18;
	v44 =	vld [tilespmem:s30+$0x9D90]  }
0x1ad: {  	v6 =	vadd.f32 v62, v6;
	v61 =	vmul.f32 v47, v18;
	v62 =	vmul.f32 v57, v18;
	v47 =	vld [tilespmem:s30+$0x9DA0]  }
0x1ae: {  	s31 =	sshll.u32 s31, $0x7;
	v3 =	vadd.f32 v63, v3;
	v63 =	vmul.f32 v49, v18;
	v57 =	vbroadcast v8, $0x7;
	v49 =	vld [tilespmem:s30+$0x9DB0]  }
0x1af: {  	s0 =	sadd.s32 $0x800, s31;
	v58 =	vmul.f32 v50, v18;
	v50 =	vld [tilespmem:s30+$0x9DC0]  }
0x1b0: {  	s0 =	sand.u32 $0x3FFFFE00, s0;
	v1 =	vadd.f32 v10, v1;
	v0 =	vadd.f32 v59, v0;
	v59 =	vmul.f32 v54, v57;
	v54 =	vld [tilespmem:s30+$0x9DD0]  }
0x1b1: {  	v4 =	vadd.f32 v60, v4;
	v60 =	vmul.f32 v55, v57;
	v55 =	vld [tilespmem:s0+$0x9600]  }
0x1b2: {  	v18 =	vmul.f32 v56, v18;
	v1 =	vadd.f32 v61, v1;
	v61 =	vmul.f32 v52, v57;
	v52 =	vld [tilespmem:s0+$0x9610]  }
0x1b3: {  	v56 =	vbroadcast v8, $0x8;
	v5 =	vadd.f32 v63, v6;
	v63 =	vmul.f32 v51, v57;
	v51 =	vld [tilespmem:s0+$0x9620]  }
0x1b4: {  	v2 =	vadd.f32 v62, v2;
	v62 =	vmul.f32 v53, v57;
	v57 =	vmul.f32 v48, v57;
	v48 =	vld [tilespmem:s0+$0x9630]  }
0x1b5: {  	v3 =	vadd.f32 v58, v3;
	v58 =	vmul.f32 v45, v56;
	v45 =	vld [tilespmem:s0+$0x9640]  }
0x1b6: {  	v10 =	vmul.f32 v34, v56;
	v34 =	vld [tilespmem:s30+$0x9E90]  }
0x1b7: {  	v0 =	vadd.f32 v18, v0;
	v53 =	vld [tilespmem:$0x1FE80];
	v4 =	vadd.f32 v59, v4  }
0x1b8: {  	v1 =	vadd.f32 v60, v1;
	v2 =	vadd.f32 v61, v2;
	v60 =	vmul.f32 v41, v56;
	v41 =	vld [tilespmem:s0+$0x9650]  }
0x1b9: {  	v5 =	vadd.f32 v62, v5;
	v59 =	vmul.f32 v46, v56;
	v62 =	vmul.f32 v37, v56;
	v37 =	vld [tilespmem:s30+$0x9E80]  }
0x1ba: {  	v3 =	vadd.f32 v63, v3;
	v61 =	vmul.f32 v42, v56;
	v63 =	vbroadcast v8, $0x9;
	v56 =	vld [tilespmem:$0x1FE90]  }
0x1bb: {  	v0 =	vadd.f32 v57, v0;
	v57 =	vld [tilespmem:$0x1FEA0]  }
0x1bc: {  	v16 =	vmul.f32 v29, v63;
	v29 =	vld [tilespmem:s30+$0x9EA0]  }
0x1bd: {  	v18 =	vmul.f32 v27, v63;
	v27 =	vld [tilespmem:s30+$0x9EB0]  }
0x1be: {  	v2 =	vadd.f32 v60, v2;
	v60 =	vld [tilespmem:$0x1FED0]  }
0x1bf: {  	v46 =	vmul.f32 v22, v63;
	v22 =	vld [tilespmem:s30+$0x9EC0]  }
0x1c0: {  	v4 =	vadd.f32 v58, v4;
	v58 =	vld [tilespmem:$0x1FEB0]  }
0x1c1: {  	v0 =	vadd.f32 v10, v0;
	v42 =	vmul.f32 v28, v63;
	v28 =	vbroadcast v8, $0xA;
	v10 =	vld [tilespmem:s30+$0x9F10]  }
0x1c2: {  	v1 =	vadd.f32 v59, v1;
	v3 =	vadd.f32 v62, v3;
	v62 =	vld [tilespmem:$0x1FEE0]  }
0x1c3: {  	v5 =	vadd.f32 v61, v5;
	v4 =	vadd.f32 v16, v4;
	v61 =	vmul.f32 v60, v28;
	v60 =	vld [tilespmem:$0x1FEF0]  }
0x1c4: {  	v59 =	vld [tilespmem:$0x1FEC0];
	v6 =	vmul.f32 v53, v63;
	v1 =	vadd.f32 v18, v1;
	v2 =	vadd.f32 v42, v2  }
0x1c5: {  	v18 =	vld [tilespmem:s30+$0x9ED0];
	v42 =	vadd.f32 v46, v5;
	v19 =	vmul.f32 v56, v63;
	v5 =	vmul.f32 v57, v28  }
0x1c6: {  	v16 =	vld [tilespmem:s30+$0x9F00];
	v3 =	vadd.f32 v6, v3  }
0x1c7: {  	v6 =	vadd.f32 v19, v0;
	v4 =	vadd.f32 v5, v4;
	v5 =	vld [tilespmem:s30+$0x9F30]  }
0x1c8: {  	v63 =	vmul.f32 v62, v28;
	v62 =	vld [tilespmem:$0x1FF00];
	v42 =	vadd.f32 v61, v42;
	v61 =	vmul.f32 v60, v28  }
0x1c9: {  	v56 =	vbroadcast v8, $0xB;
	v0 =	vmul.f32 v58, v28;
	v60 =	vld [tilespmem:$0x1FF10]  }
0x1ca: {  	v6 =	vadd.f32 v61, v6;
	v61 =	vld [tilespmem:$0x1FF20]  }
0x1cb: {  	v19 =	vmul.f32 v59, v28;
	v11 =	vmul.f32 v11, v56;
	v53 =	vadd.f32 v0, v1;
	v0 =	vld [tilespmem:s30+$0x9F40]  }
0x1cc: {  	v14 =	vmul.f32 v14, v56;
	v12 =	vmul.f32 v12, v56;
	v1 =	vld [tilespmem:s30+$0x9F50]  }
0x1cd: {  	v19 =	vadd.f32 v19, v2;
	v2 =	vld [tilespmem:s30+$0x9F80];
	v28 =	vadd.f32 v63, v3;
	v63 =	vmul.f32 v62, v56  }
0x1ce: {  	v11 =	vadd.f32 v11, v42;
	v3 =	vld [tilespmem:s30+$0x9F90];
	v46 =	vmul.f32 v60, v56;
	v60 =	vbroadcast v8, $0xC  }
0x1cf: {  	v63 =	vadd.f32 v63, v4;
	v4 =	vld [tilespmem:s30+$0x9FA0];
	v14 =	vadd.f32 v14, v28;
	v62 =	vmul.f32 v61, v56  }
0x1d0: {  	v28 =	vld [tilespmem:s30+$0x9FB0];
	v6 =	vadd.f32 v12, v6;
	v13 =	vmul.f32 v13, v60;
	v61 =	vmul.f32 v15, v60  }
0x1d1: {  	v46 =	vadd.f32 v46, v53;
	v20 =	vmul.f32 v20, v60;
	v53 =	vld [tilespmem:s30+$0x9FD0];
	v21 =	vmul.f32 v21, v60  }
0x1d2: {  	v23 =	vmul.f32 v23, v60;
	v19 =	vadd.f32 v62, v19;
	v62 =	vmul.f32 v17, v60;
	v17 =	vld [tilespmem:s30+$0x9FC0]  }
0x1d3: {  	v13 =	vadd.f32 v13, v63;
	v63 =	vbroadcast v8, $0xD;
	v12 =	vadd.f32 v61, v46;
	v46 =	vld [tilespmem:s30+$0xA000]  }
0x1d4: {  	v11 =	vadd.f32 v20, v11;
	v20 =	vld [tilespmem:s30+$0xA010];
	v60 =	vbroadcast v8, $0xE;
	v8 =	vbroadcast v8, $0xF  }
0x1d5: {  	v6 =	vadd.f32 v23, v6;
	v23 =	vld [tilespmem:s30+$0xA020];
	v24 =	vmul.f32 v24, v63;
	v56 =	vmul.f32 v25, v63  }
0x1d6: {  	v14 =	vadd.f32 v21, v14;
	v21 =	vld [tilespmem:s30+$0xA1C0];
	v57 =	vmul.f32 v26, v63;
	v58 =	vmul.f32 v30, v63  }
0x1d7: {  	v25 =	vld [tilespmem:s30+$0xA030];
	v59 =	vmul.f32 v32, v63;
	v61 =	vmul.f32 v31, v63  }
0x1d8: {  	v15 =	vadd.f32 v62, v19;
	v30 =	vld [tilespmem:s30+$0xA040];
	v62 =	vmul.f32 v33, v60;
	v63 =	vmul.f32 v35, v60  }
0x1d9: {  	v32 =	vld [tilespmem:s30+$0xA080];
	v42 =	vmul.f32 v36, v60;
	v13 =	vadd.f32 v24, v13;
	v12 =	vadd.f32 v56, v12  }
0x1da: {  	v35 =	vld [tilespmem:s30+$0xA090];
	v15 =	vadd.f32 v57, v15;
	v11 =	vadd.f32 v58, v11;
	v56 =	vmul.f32 v38, v60  }
0x1db: {  	v36 =	vld [tilespmem:s30+$0xA0A0];
	v14 =	vadd.f32 v59, v14;
	v57 =	vmul.f32 v43, v60;
	v58 =	vmul.f32 v39, v60  }
0x1dc: {  	v26 =	vld [tilespmem:s30+$0xA0B0];
	v6 =	vadd.f32 v61, v6;
	v59 =	vmul.f32 v40, v8;
	v60 =	vmul.f32 v44, v8  }
0x1dd: {  	v31 =	vld [tilespmem:s30+$0xA0C0];
	v61 =	vmul.f32 v47, v8;
	v13 =	vadd.f32 v62, v13;
	v12 =	vadd.f32 v63, v12  }
0x1de: {  	v33 =	vld [tilespmem:s30+$0xA120];
	v15 =	vadd.f32 v42, v15;
	v62 =	vmul.f32 v49, v8;
	v63 =	vbroadcast v9, $0x0  }
0x1df: {  	v19 =	vld [tilespmem:s30+$0xA130];
	v11 =	vadd.f32 v56, v11;
	v49 =	vmul.f32 v50, v8;
	v8 =	vmul.f32 v54, v8  }
0x1e0: {  	v24 =	vld [tilespmem:s30+$0xA050];
	v6 =	vadd.f32 v58, v6;
	v58 =	vbroadcast v9, $0x1;
	v50 =	vmul.f32 v55, v63  }
0x1e1: {  	v38 =	vld [tilespmem:s30+$0xA0D0];
	v14 =	vadd.f32 v57, v14;
	v54 =	vmul.f32 v52, v63;
	v55 =	vmul.f32 v51, v63  }
0x1e2: {  	v40 =	vld [tilespmem:s30+$0xA100];
	v13 =	vadd.f32 v59, v13;
	v56 =	vmul.f32 v48, v63;
	v57 =	vmul.f32 v45, v63  }
0x1e3: {  	v44 =	vld [tilespmem:s30+$0xA140];
	v12 =	vadd.f32 v60, v12;
	v59 =	vmul.f32 v41, v63;
	v60 =	vmul.f32 v37, v58  }
0x1e4: {  	v47 =	vld [tilespmem:s30+$0xA150];
	v15 =	vadd.f32 v61, v15;
	v34 =	vmul.f32 v34, v58;
	v61 =	vmul.f32 v29, v58  }
0x1e5: {  	v39 =	vld [tilespmem:s30+$0xA180];
	v27 =	vmul.f32 v27, v58;
	v63 =	vbroadcast v9, $0x2  }
0x1e6: {  	v42 =	vld [tilespmem:s30+$0xA110];
	v11 =	vadd.f32 v62, v11;
	v62 =	vmul.f32 v22, v58;
	v18 =	vmul.f32 v18, v58  }
0x1e7: {  	v14 =	vadd.f32 v49, v14;
	v37 =	vld [tilespmem:s30+$0xA190];
	v45 =	vbroadcast v9, $0x3;
	v43 =	vmul.f32 v16, v63  }
0x1e8: {  	v6 =	vadd.f32 v8, v6;
	v29 =	vld [tilespmem:s30+$0xA1A0];
	v10 =	vmul.f32 v10, v63;
	v7 =	vmul.f32 v7, v63  }
0x1e9: {  	v41 =	vld [tilespmem:s30+$0xA1B0];
	v13 =	vadd.f32 v50, v13;
	v5 =	vmul.f32 v5, v63;
	v0 =	vmul.f32 v0, v63  }
0x1ea: {  	v22 =	vld [tilespmem:s30+$0xA340];
	v8 =	vadd.f32 v54, v12;
	v1 =	vmul.f32 v1, v63;
	v2 =	vmul.f32 v2, v45  }
0x1eb: {  	v15 =	vadd.f32 v55, v15;
	v16 =	vld [tilespmem:s30+$0xA1D0];
	v3 =	vmul.f32 v3, v45;
	v4 =	vmul.f32 v4, v45  }
0x1ec: {  	v11 =	vadd.f32 v56, v11;
	v48 =	vmul.f32 v28, v45;
	v49 =	vmul.f32 v17, v45;
	v17 =	vld [tilespmem:s30+$0xA280]  }
0x1ed: {  	v6 =	vadd.f32 v59, v6;
	v50 =	vbroadcast v9, $0x4;
	v51 =	vmul.f32 v53, v45;
	v28 =	vld [tilespmem:s30+$0xA2C0]  }
0x1ee: {  	v12 =	vadd.f32 v57, v14;
	v57 =	vbroadcast v9, $0x5;
	v14 =	vld [tilespmem:s30+$0xA2D0];
	v63 =	vbroadcast v9, $0x6  }
0x1ef: {  	v6 =	vadd.f32 v18, v6;
	v18 =	vld [tilespmem:s30+$0xA200];
	v52 =	vmul.f32 v46, v50;
	v53 =	vmul.f32 v20, v50  }
0x1f0: {  	v11 =	vadd.f32 v27, v11;
	v27 =	vld [tilespmem:s30+$0xA210];
	v54 =	vmul.f32 v23, v50;
	v55 =	vmul.f32 v25, v50  }
0x1f1: {  	v13 =	vadd.f32 v60, v13;
	v20 =	vld [tilespmem:s30+$0xA2A0];
	v56 =	vmul.f32 v30, v50;
	v58 =	vmul.f32 v24, v50  }
0x1f2: {  	v15 =	vadd.f32 v61, v15;
	v23 =	vld [tilespmem:s30+$0xA2B0];
	v59 =	vmul.f32 v32, v57;
	v60 =	vmul.f32 v35, v57  }
0x1f3: {  	v12 =	vadd.f32 v62, v12;
	v61 =	vmul.f32 v36, v57;
	v24 =	vld [tilespmem:s30+$0xA310];
	v62 =	vmul.f32 v26, v57  }
0x1f4: {  	v8 =	vadd.f32 v34, v8;
	v30 =	vld [tilespmem:s30+$0xA320];
	v36 =	vmul.f32 v31, v57;
	v25 =	vmul.f32 v38, v57  }
0x1f5: {  	v31 =	vld [tilespmem:s30+$0xA330];
	v38 =	vmul.f32 v40, v63;
	v40 =	vmul.f32 v42, v63  }
0x1f6: {  	v42 =	vmul.f32 v33, v63;
	v32 =	vld [tilespmem:s30+$0xA380];
	v13 =	vadd.f32 v43, v13;
	v8 =	vadd.f32 v10, v8  }
0x1f7: {  	v19 =	vmul.f32 v19, v63;
	v34 =	vld [tilespmem:s30+$0xA390];
	v7 =	vadd.f32 v7, v15;
	v5 =	vadd.f32 v5, v11  }
0x1f8: {  	v45 =	vmul.f32 v47, v63;
	v35 =	vld [tilespmem:s30+$0xA3B0];
	v0 =	vadd.f32 v0, v12;
	v1 =	vadd.f32 v1, v6  }
0x1f9: {  	v26 =	vld [tilespmem:s30+$0xA420];
	v43 =	vmul.f32 v44, v63;
	v44 =	vbroadcast v9, $0x7;
	v2 =	vadd.f32 v2, v13  }
0x1fa: {  	v10 =	vld [tilespmem:s30+$0xA220];
	v63 =	vbroadcast v9, $0xA;
	v3 =	vadd.f32 v3, v8;
	v4 =	vadd.f32 v4, v7  }
0x1fb: {  	v11 =	vld [tilespmem:s30+$0xA230];
	v5 =	vadd.f32 v48, v5;
	v46 =	vmul.f32 v39, v44;
	v47 =	vmul.f32 v37, v44  }
0x1fc: {  	v6 =	vld [tilespmem:s30+$0xA240];
	v0 =	vadd.f32 v49, v0;
	v48 =	vmul.f32 v29, v44;
	v49 =	vmul.f32 v41, v44  }
0x1fd: {  	v12 =	vld [tilespmem:s30+$0xA290];
	v1 =	vadd.f32 v51, v1;
	v50 =	vmul.f32 v21, v44;
	v51 =	vbroadcast v9, $0x8  }
0x1fe: {  	v15 =	vld [tilespmem:s30+$0xA300];
	v41 =	vmul.f32 v22, v63;
	v33 =	vmul.f32 v24, v63;
	v2 =	vadd.f32 v52, v2  }
0x1ff: {  	v13 =	vld [tilespmem:s30+$0xA250];
	v39 =	vmul.f32 v30, v63;
	v3 =	vadd.f32 v53, v3;
	v4 =	vadd.f32 v54, v4  }
0x200: {  	v37 =	vld [tilespmem:s30+$0xA3D0];
	v5 =	vadd.f32 v55, v5;
	v52 =	vmul.f32 v16, v44;
	v53 =	vmul.f32 v18, v51  }
0x201: {  	v8 =	vld [tilespmem:s30+$0xA480];
	v0 =	vadd.f32 v56, v0;
	v54 =	vmul.f32 v27, v51;
	v56 =	vbroadcast v9, $0x9  }
0x202: {  	v21 =	vld [tilespmem:s30+$0xA4A0];
	v1 =	vadd.f32 v58, v1;
	v10 =	vmul.f32 v10, v51;
	v55 =	vmul.f32 v11, v51  }
0x203: {  	v30 =	vld [tilespmem:s30+$0xA5B0];
	v6 =	vmul.f32 v6, v51;
	v2 =	vadd.f32 v59, v2;
	v3 =	vadd.f32 v60, v3  }
0x204: {  	v24 =	vld [tilespmem:s30+$0xA6D0];
	v29 =	vmul.f32 v15, v63;
	v4 =	vadd.f32 v61, v4;
	v5 =	vadd.f32 v62, v5  }
0x205: {  	v16 =	vld [tilespmem:s30+$0xA400];
	v0 =	vadd.f32 v36, v0;
	v58 =	vmul.f32 v17, v56;
	v59 =	vmul.f32 v12, v56  }
0x206: {  	v18 =	vld [tilespmem:s30+$0xA410];
	v1 =	vadd.f32 v25, v1;
	v60 =	vmul.f32 v20, v56;
	v61 =	vmul.f32 v23, v56  }
0x207: {  	v27 =	vld [tilespmem:s30+$0xA430];
	v62 =	vmul.f32 v28, v56;
	v28 =	vmul.f32 v14, v56;
	v2 =	vadd.f32 v38, v2  }
0x208: {  	v11 =	vld [tilespmem:s30+$0xA4B0];
	v57 =	vmul.f32 v13, v51;
	v3 =	vadd.f32 v40, v3;
	v4 =	vadd.f32 v42, v4  }
0x209: {  	v25 =	vld [tilespmem:s30+$0xA350];
	v51 =	vbroadcast v9, $0xC;
	v5 =	vadd.f32 v19, v5;
	v0 =	vadd.f32 v43, v0  }
0x20a: {  	v36 =	vld [tilespmem:s30+$0xA3C0];
	v1 =	vadd.f32 v45, v1;
	v42 =	vbroadcast v9, $0xB;
	v2 =	vadd.f32 v46, v2  }
0x20b: {  	v17 =	vld [tilespmem:s30+$0xA490];
	v40 =	vmul.f32 v31, v63;
	v3 =	vadd.f32 v47, v3;
	v4 =	vadd.f32 v48, v4  }
0x20c: {  	v19 =	vld [tilespmem:s30+$0xA3A0];
	v5 =	vadd.f32 v49, v5;
	v0 =	vadd.f32 v50, v0;
	v46 =	vmul.f32 v32, v42  }
0x20d: {  	v23 =	vld [tilespmem:s30+$0xA4D0];
	v1 =	vadd.f32 v52, v1;
	v48 =	vmul.f32 v34, v42;
	v50 =	vmul.f32 v35, v42  }
0x20e: {  	v56 =	vld [tilespmem:s30+$0xA580];
	v22 =	vmul.f32 v37, v42;
	v44 =	vmul.f32 v25, v63;
	v2 =	vadd.f32 v53, v2  }
0x20f: {  	v38 =	vld [tilespmem:s30+$0xA4C0];
	v63 =	vbroadcast v9, $0xD;
	v3 =	vadd.f32 v54, v3;
	v4 =	vadd.f32 v10, v4  }
0x210: {  	v13 =	vld [tilespmem:s30+$0xA440];
	v5 =	vadd.f32 v55, v5;
	v53 =	vmul.f32 v36, v42;
	v55 =	vmul.f32 v16, v51  }
0x211: {  	v43 =	vld [tilespmem:s30+$0xA500];
	v1 =	vadd.f32 v57, v1;
	v57 =	vmul.f32 v18, v51;
	v19 =	vmul.f32 v19, v42  }
0x212: {  	v45 =	vld [tilespmem:s30+$0xA510];
	v0 =	vadd.f32 v6, v0;
	v34 =	vmul.f32 v17, v63;
	v36 =	vmul.f32 v21, v63  }
0x213: {  	v47 =	vld [tilespmem:s30+$0xA520];
	v11 =	vmul.f32 v11, v63;
	v2 =	vadd.f32 v58, v2;
	v3 =	vadd.f32 v59, v3  }
0x214: {  	v49 =	vld [tilespmem:s30+$0xA530];
	v38 =	vmul.f32 v38, v63;
	v4 =	vadd.f32 v60, v4;
	v5 =	vadd.f32 v61, v5  }
0x215: {  	v10 =	vld [tilespmem:s30+$0xA450];
	v0 =	vadd.f32 v62, v0;
	v1 =	vadd.f32 v28, v1;
	v59 =	vmul.f32 v26, v51  }
0x216: {  	v52 =	vld [tilespmem:s30+$0xA540];
	v60 =	vmul.f32 v27, v51;
	v2 =	vadd.f32 v29, v2;
	v3 =	vadd.f32 v33, v3  }
0x217: {  	v32 =	vld [tilespmem:s30+$0xA5C0];
	v62 =	vmul.f32 v13, v51;
	v4 =	vadd.f32 v39, v4;
	v5 =	vadd.f32 v40, v5  }
0x218: {  	s31 =	sadd.s32 $0x1000, s31;
	v35 =	vld [tilespmem:s30+$0xA5D0];
	v0 =	vadd.f32 v41, v0;
	v33 =	vmul.f32 v8, v63;
	v39 =	vbroadcast v9, $0xE  }
0x219: {  	s0 =	sand.u32 $0x3FFFFE00, s31;
	v54 =	vld [tilespmem:s30+$0xA550];
	v1 =	vadd.f32 v44, v1;
	v41 =	vmul.f32 v23, v63;
	v9 =	vbroadcast v9, $0xF  }
0x21a: {  	v37 =	vld [tilespmem:s0+$0x9600];
	v31 =	vmul.f32 v10, v51;
	v2 =	vadd.f32 v46, v2;
	v3 =	vadd.f32 v48, v3  }
0x21b: {  	v42 =	vld [tilespmem:s0+$0x9620];
	v4 =	vadd.f32 v19, v4;
	v5 =	vadd.f32 v50, v5;
	v43 =	vmul.f32 v43, v39  }
0x21c: {  	v58 =	vld [tilespmem:s30+$0xA590];
	v0 =	vadd.f32 v53, v0;
	v45 =	vmul.f32 v45, v39;
	v46 =	vmul.f32 v47, v39  }
0x21d: {  	v61 =	vld [tilespmem:s30+$0xA5A0];
	v1 =	vadd.f32 v22, v1;
	v48 =	vmul.f32 v49, v39;
	v50 =	vmul.f32 v52, v39  }
0x21e: {  	v27 =	vld [tilespmem:s30+$0xA700];
	v14 =	vmul.f32 v54, v39;
	v2 =	vadd.f32 v55, v2;
	v3 =	vadd.f32 v57, v3  }
0x21f: {  	v40 =	vld [tilespmem:s0+$0x9610];
	v52 =	vmul.f32 v56, v9;
	v4 =	vadd.f32 v59, v4;
	v5 =	vadd.f32 v60, v5  }
0x220: {  	v63 =	vmul.f32 v35, v9;
	v0 =	vadd.f32 v62, v0;
	v1 =	vadd.f32 v31, v1;
	v60 =	vld [tilespmem:$0x1FF30]  }
0x221: {  	v44 =	vld [tilespmem:s0+$0x9630];
	v54 =	vmul.f32 v58, v9;
	v2 =	vadd.f32 v33, v2;
	v3 =	vadd.f32 v34, v3  }
0x222: {  	v51 =	vld [tilespmem:s30+$0xA680];
	v56 =	vmul.f32 v61, v9;
	v4 =	vadd.f32 v36, v4;
	v5 =	vadd.f32 v11, v5  }
0x223: {  	v47 =	vld [tilespmem:s0+$0x9640];
	v57 =	vmul.f32 v30, v9;
	v0 =	vadd.f32 v38, v0;
	v1 =	vadd.f32 v41, v1  }
0x224: {  	v49 =	vld [tilespmem:s0+$0x9650];
	v59 =	vmul.f32 v32, v9;
	v2 =	vadd.f32 v43, v2;
	v3 =	vadd.f32 v45, v3  }
0x225: {  	v53 =	vld [tilespmem:s30+$0xA690];
	v4 =	vadd.f32 v46, v4;
	v5 =	vadd.f32 v48, v5;
	v61 =	vbroadcast v60, $0x0  }
0x226: {  	v55 =	vld [tilespmem:s30+$0xA6A0];
	v0 =	vadd.f32 v50, v0;
	v1 =	vadd.f32 v14, v1;
	v32 =	vbroadcast v60, $0x1  }
0x227: {  	v58 =	vld [tilespmem:s30+$0xA6B0];
	v50 =	vbroadcast v60, $0x3;
	v2 =	vadd.f32 v52, v2;
	v25 =	vmul.f32 v37, v61  }
0x228: {  	v62 =	vld [tilespmem:s30+$0xA6C0];
	v3 =	vadd.f32 v54, v3;
	v26 =	vmul.f32 v40, v61;
	v28 =	vmul.f32 v42, v61  }
0x229: {  	v35 =	vld [tilespmem:s30+$0xA730];
	v4 =	vadd.f32 v56, v4;
	v29 =	vmul.f32 v44, v61;
	v31 =	vmul.f32 v47, v61  }
0x22a: {  	v30 =	vld [tilespmem:s30+$0xA710];
	v5 =	vadd.f32 v57, v5;
	v34 =	vmul.f32 v49, v61;
	v36 =	vmul.f32 v51, v32  }
0x22b: {  	v33 =	vld [tilespmem:s30+$0xA720];
	v0 =	vadd.f32 v59, v0;
	v38 =	vmul.f32 v53, v32;
	v39 =	vmul.f32 v55, v32  }
0x22c: {  	v43 =	vld [tilespmem:s30+$0xA780];
	v1 =	vadd.f32 v63, v1;
	v41 =	vmul.f32 v58, v32;
	v42 =	vbroadcast v60, $0x2  }
0x22d: {  	v45 =	vld [tilespmem:s30+$0xA790];
	v44 =	vmul.f32 v62, v32;
	v2 =	vadd.f32 v25, v2;
	v3 =	vadd.f32 v26, v3  }
0x22e: {  	v48 =	vld [tilespmem:s30+$0xA7A0];
	v46 =	vmul.f32 v24, v32;
	v4 =	vadd.f32 v28, v4;
	v5 =	vadd.f32 v29, v5  }
0x22f: {  	v37 =	vld [tilespmem:s30+$0xA740];
	v0 =	vadd.f32 v31, v0;
	v47 =	vmul.f32 v27, v42;
	v49 =	vmul.f32 v30, v42  }
0x230: {  	v40 =	vld [tilespmem:s30+$0xA750];
	v1 =	vadd.f32 v34, v1;
	v52 =	vmul.f32 v33, v42;
	v10 =	vmul.f32 v35, v42  }
0x231: {  	v51 =	vld [tilespmem:s30+$0xA7B0];
	v54 =	vmul.f32 v43, v50;
	v2 =	vadd.f32 v36, v2;
	v3 =	vadd.f32 v38, v3  }
0x232: {  	v53 =	vld [tilespmem:s30+$0xA7C0];
	v56 =	vmul.f32 v45, v50;
	v4 =	vadd.f32 v39, v4;
	v5 =	vadd.f32 v41, v5  }
0x233: {  	v55 =	vld [tilespmem:s30+$0xA7D0];
	v58 =	vmul.f32 v48, v50;
	v0 =	vadd.f32 v44, v0;
	v2 =	vadd.f32 v47, v2  }
0x234: {  	v1 =	vadd.f32 v46, v1;
	v57 =	vmul.f32 v37, v42;
	v3 =	vadd.f32 v49, v3  }
0x235: {  	s31 =	sshll.u32 s29, $0x7;
	v59 =	vmul.f32 v40, v42;
	v4 =	vadd.f32 v52, v4;
	v2 =	vadd.f32 v54, v2  }
0x236: {  	s0 =	sand.u32 $0x3FFFFF80, s31;
	v60 =	vmul.f32 v51, v50;
	v5 =	vadd.f32 v10, v5;
	v3 =	vadd.f32 v56, v3  }
0x237: {  	p0 =	sne.s32 s29, $0x7;
	v61 =	vmul.f32 v53, v50;
	v0 =	vadd.f32 v57, v0;
	v4 =	vadd.f32 v58, v4;
	[tilespmem:s0+$0x12600] =	vst v2  }
.Ltmp1:
0x238: {  	v63 =	vmul.f32 v55, v50;
	v1 =	vadd.f32 v59, v1;
	v62 =	vadd.f32 v60, v5;
	[tilespmem:s0+$0x12610] =	vst v3;
	(pc) =	sbr.rel @p0 .LBB2_5-.Ltmp1, $4  }
0x239: {  	v0 =	vadd.f32 v61, v0;
	[tilespmem:s0+$0x12620] =	vst v4  }
0x23a: {  	v1 =	vadd.f32 v63, v1;
	[tilespmem:s0+$0x12630] =	vst v62  }
0x23b: {  	[tilespmem:s0+$0x12640] =	vst v0  }
0x23c: {  	s29 =	sadd.s32 $0x1, s29;
	[tilespmem:s0+$0x12650] =	vst v1  }
0x23d: {  	s0 =	sadd.s32 s10, s11  }
0x23e: {  	s0 =	sshll.u32 s0, $0x4  }
0x23f: {  	s30 =	sadd.s32 s10, s14;
	s0 =	sadd.s32 s6, s0  }
0x240: {  	[hbm4b:s0+s2] =	stream.linear.scatter [tilespmem:s7], [sflag:$0x5], $0x400, $0x38;
	[tilespmem:$0x12A00] =	vst v63  }
0x241: {  	s15 =	sadd.s32 $0x1, s15;
	s0 =	smul.u32 $0x24, s30  }
0x242: {  	p0 =	sne.s32 s15, $0x62;
	_ =	swait.ge [sflag:s8], $0x400  }
.Ltmp2:
0x243: {  	[sflag:s8] =	ssyncset.done $0x0;
	s0 =	sshrl.u32 s0, $0x3;
	(pc) =	sbr.rel @p0 .LBB2_2-.Ltmp2, $4  }
0x244: {  	[sflag:s8] =	ssyncadd.s32 $0xFFFFFC00;
	s31 =	sadd.s32 s4, s0  }
0x245: {  	[tilespmem:s17], [sflag:$0x2] =	stream.linear.gather [hbm4b:s31+s2], $0x120, $0x38;
	[tilespmem:$0x12A00] =	vst v63  }
0x246: {  	s0 =	sadd.s32 s5, s0  }
0x247: {  	[tilespmem:s18], [sflag:$0x2] =	stream.linear.gather [hbm4b:s0+s2], $0x120, $0x38;
	[tilespmem:$0x12A00] =	vst v63  }
0x248: {  	_ =	swait.ge [sflag:s28], $0x4000  }
0x249: {  	[sflag:s28] =	ssyncset.done $0x0  }
0x24a: {  	[sflag:s28] =	ssyncadd.s32 $0xFFFFC000  }
0x24b: {  	_ =	swait.ge [sflag:s28], $0x4000  }
0x24c: {  	[sflag:s28] =	ssyncset.done $0x0  }
0x24d: {  	[sflag:s28] =	ssyncadd.s32 $0xFFFFC000  }
0x24e: {  	_ =	swait.ge [sflag:s28], $0x1000  }
0x24f: {  	[sflag:s28] =	ssyncset.done $0x0  }
0x250: {  	[sflag:s28] =	ssyncadd.s32 $0xFFFFF000  }
0x251: {  	_ =	swait.ge [sflag:s26], $0x120  }
0x252: {  	[sflag:s26] =	ssyncset.done $0x0  }
0x253: {  	[sflag:s26] =	ssyncadd.s32 $0xFFFFFEE0  }
0x254: {  	_ =	swait.ge [sflag:s26], $0x120  }
0x255: {  	s10 =	rddreg [dreg:$0x7]  }
0x256: {  	s0 =	rddreg [dreg:$0x6];
	s10 =	sadd.s32 $0x1, s10  }
0x257: {  	p0 =	sne.s32 s10, s0  }
.Ltmp3:
0x258: {  	_ = 	snop;
	(pc) =	sbr.rel @p0 .LBB2_1-.Ltmp3, $3  }
0x259: {  	_ =	sdelay $0x1  }
0x25a: {  	[sflag:s26] =	ssyncset.done $0x0  }
0x25b: {  	[sflag:s26] =	ssyncadd.s32 $0xFFFFFEE0  }
0x25c: {  	_ =	sfence.sel $0x180000  }
0x25d: {  	[bflag:$0x0] =	sbarrier.arrive $0xFFFF  }
0x25e: {  	_ =	strace $0x90000047  }
0x25f: {  	s0 =	stileid.u32;
	[bflag:$0x2] =	sbarrier.arrive $0xFFFF  }
0x260: {  	p0 =	sne.s32 s0, $0x0;
	s0 =	rddreg [dreg:$0x1]  }
0x261: {  	s0 =	sadd.s32 @!p0 $0x100000, s0  }
0x262: {  	[sflag:s0] =	ssyncadd.tile.s32 @!p0 $0x1;
	_ =	shalt  }
.Lfunc_end2:
_tile_overlayer_lowered:
.L_overlay_start_2:
0x263: {  	(tag) =	ssettag $0x2  }
0x264: {  	s0 =	rddreg [dreg:$0x0];
	s2 =	stileid.u32  }
0x265: {  	s1 =	rddreg [dreg:$0x1];
	p0 =	sne.s32 s2, $0x0  }
0x266: {  	s3 =	rddreg [dreg:$0x2];
	[bflag:$0x3] =	sbarrier.arrive $0xFFFF;
	s2 =	simm.s32 @!p0 $0x1C05  }
0x267: {  	[timem:s3], [sflag:s2] =	dma.local @!p0 [hbm:s0], s1  }
0x268: {  	s0 =	simm.s32 @!p0 $0x5  }
0x269: {  	_ =	swait.ge @!p0 [sflag:s0], s1  }
0x26a: {  	s1 =	ssub.s32 @!p0 $0x0, s1;
	[sflag:s0] =	ssyncset.done @!p0 $0x0  }
0x26b: {  	[sflag:s0] =	ssyncadd.s32 @!p0 s1  }
0x26c: {  	[bflag:$0x3] =	sbarrier.arrive $0xFFFF  }
0x26d: {  	_ =	shalt  }

</sc_bundles>
